<compile_context>
chip_gen: v7x
topology: tpu7x:2x2x1
jax: 0.10.2.dev20260603
libtpu: 0.0.44.dev20260713+nightly
codegen_flags: <defaults>
</compile_context>

<pallas_src>
import functools

import jax
import jax.numpy as jnp
from jax import lax
from jax.experimental import pallas as pl
from jax.experimental.pallas import tpu as pltpu
from jax.experimental.pallas import tpu_sc as plsc

HIDDEN = 1024
N_EXP = 128
TOP_K = 8
BT = 2048
N_TOK = 32768
NW = 32
SLICES = (8192, 8192, 8192, 8192)


def _scores_block(x_ref, w_ref, s_ref):
    logits = jax.lax.dot_general(
        x_ref[...], w_ref[...], (((1,), (1,)), ((), ())),
        preferred_element_type=jnp.float32,
    )
    m = jnp.max(logits, axis=-1, keepdims=True)
    e = jnp.exp(logits - m)
    s = jnp.sum(e, axis=-1, keepdims=True)
    s_ref[...] = e / s


def _tc_scores(hidden_states, classifier_weight, tok_off, size):
    off = tok_off // BT
    return pl.pallas_call(
        _scores_block,
        grid=(size // BT,),
        in_specs=[
            pl.BlockSpec((BT, HIDDEN), lambda i: (i + off, 0)),
            pl.BlockSpec((N_EXP, HIDDEN), lambda i: (0, 0)),
        ],
        out_specs=pl.BlockSpec((BT, N_EXP), lambda i: (i, 0)),
        out_shape=jax.ShapeDtypeStruct((size, N_EXP), jnp.float32),
    )(hidden_states, classifier_weight)


def _merge(a, b):
    (ka, va), (kb, vb) = a, b
    lane = lax.iota(jnp.int32, 16)
    first8 = lane < 8
    ck = jnp.where(first8, ka, lax.rev(kb, (0,)))
    cv = jnp.where(first8, va, lax.rev(vb, (0,)))
    return plsc.sort_key_val(ck, cv, descending=True)


def _sc_topk_body(chunk, scores_hbm, out_hbm, buf_v, out_v):
    wid = lax.axis_index("s") * 2 + lax.axis_index("c")
    lane = lax.iota(jnp.int32, 16)
    first8 = lane < 8

    base = wid * chunk
    pltpu.sync_copy(scores_hbm.at[pl.ds(base, chunk)], buf_v)

    @plsc.parallel_loop(0, chunk, unroll=2)
    def token_body(r):
        groups = []
        for g in range(8):
            k = buf_v[r, pl.ds(g * 16, 16)]
            v = lane + g * 16
            groups.append(plsc.sort_key_val(k, v, descending=True))
        m01 = _merge(groups[0], groups[1])
        m23 = _merge(groups[2], groups[3])
        m45 = _merge(groups[4], groups[5])
        m67 = _merge(groups[6], groups[7])
        fk, fv = _merge(_merge(m01, m23), _merge(m45, m67))
        rolled = fk[(lane + 8) & 15]
        packed = jnp.where(first8, fv, plsc.bitcast(rolled, jnp.int32))
        out_v[r, :] = packed
    pltpu.sync_copy(out_v, out_hbm.at[pl.ds(base, chunk)])


def _sc_topk(scores, size):
    chunk = size // NW
    mesh = plsc.VectorSubcoreMesh(core_axis_name="c", subcore_axis_name="s")
    return pl.kernel(
        functools.partial(_sc_topk_body, chunk),
        out_type=jax.ShapeDtypeStruct((size, 2 * TOP_K), jnp.int32),
        mesh=mesh,
        compiler_params=pltpu.CompilerParams(needs_layout_passes=False),
        scratch_types=[
            pltpu.VMEM((chunk, N_EXP), jnp.float32),
            pltpu.VMEM((chunk, 2 * TOP_K), jnp.int32),
        ],
    )(scores)


@jax.jit
def kernel(hidden_states, classifier_weight, e_score_correction_bias):
    parts = []
    tok_off = 0
    for size in SLICES:
        scores = _tc_scores(hidden_states, classifier_weight, tok_off, size)
        parts.append(_sc_topk(scores, size))
        tok_off += size
    packed = jnp.concatenate(parts, axis=0)
    idx = packed[:, :TOP_K]
    wgt = lax.bitcast_convert_type(packed[:, TOP_K:], jnp.float32)
    return idx, wgt.astype(hidden_states.dtype)

# --- scband reference (transcript-rebuilt; emitter-appended) ---
"""Pipeline reference for scband-longcat-flash-topk-router-43963285242581 (READ-ONLY COPY).

The authoritative reference and input builder live on the scoring server;
editing this copy changes nothing except your own understanding.
"""

import jax, jax.numpy as jnp
import numpy as np

HIDDEN = 1024
N_EXPERTS = 64 + 64  # n_routed_experts + zero_expert_num
TOP_K = 8
ROUTED_SCALING_FACTOR = 1.0
NORM_TOPK_PROB = False


def setup_inputs(seed: int = 0) -> dict:
    key = jax.random.key(seed)
    k1, k2 = jax.random.split(key, 2)
    hidden_states = jax.random.normal(k1, (32768, HIDDEN), dtype=jnp.float32)
    # classifier: nn.Linear(hidden_size, n_routed_experts_total, bias=False)
    # torch Linear weight shape: (out_features, in_features)
    bound = 1.0 / np.sqrt(HIDDEN)
    classifier_weight = jax.random.uniform(
        k2, (N_EXPERTS, HIDDEN), dtype=jnp.float32, minval=-bound, maxval=bound
    )
    e_score_correction_bias = jnp.zeros((N_EXPERTS,), dtype=jnp.float32)
    return {
        "hidden_states": hidden_states,
        "classifier_weight": classifier_weight,
        "e_score_correction_bias": e_score_correction_bias,
    }


def reference(hidden_states, classifier_weight, e_score_correction_bias):
    dtype = hidden_states.dtype
    # router_logits = classifier(hidden_states)
    router_logits = hidden_states @ classifier_weight.T
    scores = jax.nn.softmax(router_logits, axis=-1)
    corrected_scores = scores + e_score_correction_bias
    # topk indices on corrected scores
    _, topk_indices = jax.lax.top_k(corrected_scores, TOP_K)
    # gather original (uncorrected) softmax scores at topk indices
    topk_weights = jnp.take_along_axis(scores, topk_indices, axis=-1)
    if NORM_TOPK_PROB:
        denominator = jnp.sum(topk_weights, axis=-1, keepdims=True) + 1e-20
        topk_weights = topk_weights / denominator
    topk_weights = topk_weights * ROUTED_SCALING_FACTOR
    return (topk_indices, topk_weights.astype(dtype))

if __name__ == "__main__":
    import jax
    _d = setup_inputs()
    print(jax.jit(kernel)(*tuple(_d.values())))

</pallas_src>

<mosaic_0001>
#map = affine_map<(d0, d1) -> (0, 0)>
module attributes {stable_mosaic.version = 14 : i64} {
  func.func @_sc_topk_body(%arg0: i32, %arg1: i32, %arg2: memref<8192x128xf32, #tpu.memory_space<hbm>>, %arg3: memref<8192x16xi32, #tpu.memory_space<hbm>>, %arg4: memref<256x128xf32, #tpu.memory_space<vmem>>, %arg5: memref<256x16xi32, #tpu.memory_space<vmem>>) attributes {dimension_semantics = [#tpu.dimension_semantics<core_parallel>, #tpu.dimension_semantics<subcore_parallel>], iteration_bounds = array<i64: 2, 16>, scalar_prefetch = 0 : i64, scratch_operands = 2 : i64, tpu.core_type = #tpu.core_type<sc_vector_subcore>, window_params = [{transform_indices = #map}, {transform_indices = #map}]} {
    %mul3A = arith.constant 2 : i32
    %mul3A_0 = arith.muli %arg1, %mul3A : i32
    %add3A = arith.addi %mul3A_0, %arg0 : i32
    %iota3A = tpu.iota {dimensions = array<i32: 0>} : vector<16xi32>
    %lt3A = arith.constant 8 : i32
    %lt3A_1 = vector.broadcast %lt3A : i32 to vector<16xi32>
    %lt3A_2 = arith.cmpi slt, %iota3A, %lt3A_1 : vector<16xi32>
    %mul3A_3 = arith.constant 256 : i32
    %mul3A_4 = arith.muli %add3A, %mul3A_3 : i32
    "tpu.region"() ({
      %run_scoped3A = tpu.sem_alloc : memref<!tpu.dma_semaphore, #tpu.memory_space<semaphore_mem>>
      %dma_start3A = arith.constant 0 : i32
      %dma_start3A_7 = tpu.memref_slice %arg2[%mul3A_4, %dma_start3A] : memref<8192x128xf32, #tpu.memory_space<hbm>> -> memref<256x128xf32, #tpu.memory_space<hbm>>
      %dma_start3A_8 = arith.constant 0 : i32
      %dma_start3A_9 = tpu.memref_slice %arg2[%mul3A_4, %dma_start3A_8] : memref<8192x128xf32, #tpu.memory_space<hbm>> -> memref<256x128xf32, #tpu.memory_space<hbm>>
      tpu.enqueue_dma source(%dma_start3A_9 : memref<256x128xf32, #tpu.memory_space<hbm>>) target(%arg4 : memref<256x128xf32, #tpu.memory_space<vmem>>) target_semaphore(%run_scoped3A : memref<!tpu.dma_semaphore, #tpu.memory_space<semaphore_mem>>)
      %dma_wait3A = arith.constant 0 : i32
      %dma_wait3A_10 = tpu.memref_slice %arg2[%mul3A_4, %dma_wait3A] : memref<8192x128xf32, #tpu.memory_space<hbm>> -> memref<256x128xf32, #tpu.memory_space<hbm>>
      %dma_wait3A_11 = arith.constant 0 : i32
      %dma_wait3A_12 = tpu.memref_slice %arg2[%mul3A_4, %dma_wait3A_11] : memref<8192x128xf32, #tpu.memory_space<hbm>> -> memref<256x128xf32, #tpu.memory_space<hbm>>
      tpu.wait_dma2 semaphore(%run_scoped3A : memref<!tpu.dma_semaphore, #tpu.memory_space<semaphore_mem>>) src(%dma_wait3A_12 : memref<256x128xf32, #tpu.memory_space<hbm>>) dst(%arg4 : memref<256x128xf32, #tpu.memory_space<vmem>>)
      tpu.yield
    }) : () -> ()
    %parallel_loop3A = arith.constant 0 : i32
    %parallel_loop3A_5 = arith.constant 256 : i32
    %parallel_loop3A_6 = arith.constant 1 : i32
    scf.for %parallel_loop3A_7 = %parallel_loop3A to %parallel_loop3A_5 step %parallel_loop3A_6  : i32 {
      %parallel_loop3A_8 = arith.index_cast %parallel_loop3A_7 : i32 to index
      %parallel_loop3A_9 = arith.constant 0 : index
      %parallel_loop3A_10 = tpu.vector_load %arg4[%parallel_loop3A_8, %parallel_loop3A_9] {strides = array<i32>} : memref<256x128xf32, #tpu.memory_space<vmem>>, vector<16xf32>,
      %parallel_loop3A_11 = arith.constant 0 : i32
      %parallel_loop3A_12 = vector.broadcast %parallel_loop3A_11 : i32 to vector<16xi32>
      %parallel_loop3A_13 = arith.addi %iota3A, %parallel_loop3A_12 : vector<16xi32>
      %parallel_loop3A_14 = arith.constant dense<true> : vector<16xi1>
      %parallel_loop3A_15, %parallel_loop3A_16, %parallel_loop3A_17 = tpu.sort %parallel_loop3A_10, %parallel_loop3A_13 masked %parallel_loop3A_14 {descending = true} : (vector<16xf32>, vector<16xi32>, vector<16xi1>) -> (vector<16xi1>, vector<16xf32>, vector<16xi32>)
      %parallel_loop3A_18 = arith.index_cast %parallel_loop3A_7 : i32 to index
      %parallel_loop3A_19 = arith.constant 16 : index
      %parallel_loop3A_20 = tpu.vector_load %arg4[%parallel_loop3A_18, %parallel_loop3A_19] {strides = array<i32>} : memref<256x128xf32, #tpu.memory_space<vmem>>, vector<16xf32>,
      %parallel_loop3A_21 = arith.constant 16 : i32
      %parallel_loop3A_22 = vector.broadcast %parallel_loop3A_21 : i32 to vector<16xi32>
      %parallel_loop3A_23 = arith.addi %iota3A, %parallel_loop3A_22 : vector<16xi32>
      %parallel_loop3A_24 = arith.constant dense<true> : vector<16xi1>
      %parallel_loop3A_25, %parallel_loop3A_26, %parallel_loop3A_27 = tpu.sort %parallel_loop3A_20, %parallel_loop3A_23 masked %parallel_loop3A_24 {descending = true} : (vector<16xf32>, vector<16xi32>, vector<16xi1>) -> (vector<16xi1>, vector<16xf32>, vector<16xi32>)
      %parallel_loop3A_28 = arith.index_cast %parallel_loop3A_7 : i32 to index
      %parallel_loop3A_29 = arith.constant 32 : index
      %parallel_loop3A_30 = tpu.vector_load %arg4[%parallel_loop3A_28, %parallel_loop3A_29] {strides = array<i32>} : memref<256x128xf32, #tpu.memory_space<vmem>>, vector<16xf32>,
      %parallel_loop3A_31 = arith.constant 32 : i32
      %parallel_loop3A_32 = vector.broadcast %parallel_loop3A_31 : i32 to vector<16xi32>
      %parallel_loop3A_33 = arith.addi %iota3A, %parallel_loop3A_32 : vector<16xi32>
      %parallel_loop3A_34 = arith.constant dense<true> : vector<16xi1>
      %parallel_loop3A_35, %parallel_loop3A_36, %parallel_loop3A_37 = tpu.sort %parallel_loop3A_30, %parallel_loop3A_33 masked %parallel_loop3A_34 {descending = true} : (vector<16xf32>, vector<16xi32>, vector<16xi1>) -> (vector<16xi1>, vector<16xf32>, vector<16xi32>)
      %parallel_loop3A_38 = arith.index_cast %parallel_loop3A_7 : i32 to index
      %parallel_loop3A_39 = arith.constant 48 : index
      %parallel_loop3A_40 = tpu.vector_load %arg4[%parallel_loop3A_38, %parallel_loop3A_39] {strides = array<i32>} : memref<256x128xf32, #tpu.memory_space<vmem>>, vector<16xf32>,
      %parallel_loop3A_41 = arith.constant 48 : i32
      %parallel_loop3A_42 = vector.broadcast %parallel_loop3A_41 : i32 to vector<16xi32>
      %parallel_loop3A_43 = arith.addi %iota3A, %parallel_loop3A_42 : vector<16xi32>
      %parallel_loop3A_44 = arith.constant dense<true> : vector<16xi1>
      %parallel_loop3A_45, %parallel_loop3A_46, %parallel_loop3A_47 = tpu.sort %parallel_loop3A_40, %parallel_loop3A_43 masked %parallel_loop3A_44 {descending = true} : (vector<16xf32>, vector<16xi32>, vector<16xi1>) -> (vector<16xi1>, vector<16xf32>, vector<16xi32>)
      %parallel_loop3A_48 = arith.index_cast %parallel_loop3A_7 : i32 to index
      %parallel_loop3A_49 = arith.constant 64 : index
      %parallel_loop3A_50 = tpu.vector_load %arg4[%parallel_loop3A_48, %parallel_loop3A_49] {strides = array<i32>} : memref<256x128xf32, #tpu.memory_space<vmem>>, vector<16xf32>,
      %parallel_loop3A_51 = arith.constant 64 : i32
      %parallel_loop3A_52 = vector.broadcast %parallel_loop3A_51 : i32 to vector<16xi32>
      %parallel_loop3A_53 = arith.addi %iota3A, %parallel_loop3A_52 : vector<16xi32>
      %parallel_loop3A_54 = arith.constant dense<true> : vector<16xi1>
      %parallel_loop3A_55, %parallel_loop3A_56, %parallel_loop3A_57 = tpu.sort %parallel_loop3A_50, %parallel_loop3A_53 masked %parallel_loop3A_54 {descending = true} : (vector<16xf32>, vector<16xi32>, vector<16xi1>) -> (vector<16xi1>, vector<16xf32>, vector<16xi32>)
      %parallel_loop3A_58 = arith.index_cast %parallel_loop3A_7 : i32 to index
      %parallel_loop3A_59 = arith.constant 80 : index
      %parallel_loop3A_60 = tpu.vector_load %arg4[%parallel_loop3A_58, %parallel_loop3A_59] {strides = array<i32>} : memref<256x128xf32, #tpu.memory_space<vmem>>, vector<16xf32>,
      %parallel_loop3A_61 = arith.constant 80 : i32
      %parallel_loop3A_62 = vector.broadcast %parallel_loop3A_61 : i32 to vector<16xi32>
      %parallel_loop3A_63 = arith.addi %iota3A, %parallel_loop3A_62 : vector<16xi32>
      %parallel_loop3A_64 = arith.constant dense<true> : vector<16xi1>
      %parallel_loop3A_65, %parallel_loop3A_66, %parallel_loop3A_67 = tpu.sort %parallel_loop3A_60, %parallel_loop3A_63 masked %parallel_loop3A_64 {descending = true} : (vector<16xf32>, vector<16xi32>, vector<16xi1>) -> (vector<16xi1>, vector<16xf32>, vector<16xi32>)
      %parallel_loop3A_68 = arith.index_cast %parallel_loop3A_7 : i32 to index
      %parallel_loop3A_69 = arith.constant 96 : index
      %parallel_loop3A_70 = tpu.vector_load %arg4[%parallel_loop3A_68, %parallel_loop3A_69] {strides = array<i32>} : memref<256x128xf32, #tpu.memory_space<vmem>>, vector<16xf32>,
      %parallel_loop3A_71 = arith.constant 96 : i32
      %parallel_loop3A_72 = vector.broadcast %parallel_loop3A_71 : i32 to vector<16xi32>
      %parallel_loop3A_73 = arith.addi %iota3A, %parallel_loop3A_72 : vector<16xi32>
      %parallel_loop3A_74 = arith.constant dense<true> : vector<16xi1>
      %parallel_loop3A_75, %parallel_loop3A_76, %parallel_loop3A_77 = tpu.sort %parallel_loop3A_70, %parallel_loop3A_73 masked %parallel_loop3A_74 {descending = true} : (vector<16xf32>, vector<16xi32>, vector<16xi1>) -> (vector<16xi1>, vector<16xf32>, vector<16xi32>)
      %parallel_loop3A_78 = arith.index_cast %parallel_loop3A_7 : i32 to index
      %parallel_loop3A_79 = arith.constant 112 : index
      %parallel_loop3A_80 = tpu.vector_load %arg4[%parallel_loop3A_78, %parallel_loop3A_79] {strides = array<i32>} : memref<256x128xf32, #tpu.memory_space<vmem>>, vector<16xf32>,
      %parallel_loop3A_81 = arith.constant 112 : i32
      %parallel_loop3A_82 = vector.broadcast %parallel_loop3A_81 : i32 to vector<16xi32>
      %parallel_loop3A_83 = arith.addi %iota3A, %parallel_loop3A_82 : vector<16xi32>
      %parallel_loop3A_84 = arith.constant dense<true> : vector<16xi1>
      %parallel_loop3A_85, %parallel_loop3A_86, %parallel_loop3A_87 = tpu.sort %parallel_loop3A_80, %parallel_loop3A_83 masked %parallel_loop3A_84 {descending = true} : (vector<16xf32>, vector<16xi32>, vector<16xi1>) -> (vector<16xi1>, vector<16xf32>, vector<16xi32>)
      %parallel_loop3A_88 = tpu.iota {dimensions = array<i32: 0>} : vector<16xi32>
      %parallel_loop3A_89 = arith.constant 8 : i32
      %parallel_loop3A_90 = vector.broadcast %parallel_loop3A_89 : i32 to vector<16xi32>
      %parallel_loop3A_91 = arith.cmpi slt, %parallel_loop3A_88, %parallel_loop3A_90 : vector<16xi32>
      %parallel_loop3A_92 = arith.constant 15 : i32
      %parallel_loop3A_93 = vector.broadcast %parallel_loop3A_92 : i32 to vector<16xi32>
      %parallel_loop3A_94 = tpu.iota {dimensions = array<i32: 0>} : vector<16xi32>
      %parallel_loop3A_95 = arith.subi %parallel_loop3A_93, %parallel_loop3A_94 : vector<16xi32>
      %parallel_loop3A_96 = tpu.dynamic_gather %parallel_loop3A_26[%parallel_loop3A_95] in [0] : vector<16xf32>, vector<16xi32> -> vector<16xf32>
      %parallel_loop3A_97 = arith.select %parallel_loop3A_91, %parallel_loop3A_16, %parallel_loop3A_96 : vector<16xi1>, vector<16xf32>
      %parallel_loop3A_98 = arith.constant 15 : i32
      %parallel_loop3A_99 = vector.broadcast %parallel_loop3A_98 : i32 to vector<16xi32>
      %parallel_loop3A_100 = tpu.iota {dimensions = array<i32: 0>} : vector<16xi32>
      %parallel_loop3A_101 = arith.subi %parallel_loop3A_99, %parallel_loop3A_100 : vector<16xi32>
      %parallel_loop3A_102 = tpu.dynamic_gather %parallel_loop3A_27[%parallel_loop3A_101] in [0] : vector<16xi32>, vector<16xi32> -> vector<16xi32>
      %parallel_loop3A_103 = arith.select %parallel_loop3A_91, %parallel_loop3A_17, %parallel_loop3A_102 : vector<16xi1>, vector<16xi32>
      %parallel_loop3A_104 = arith.constant dense<true> : vector<16xi1>
      %parallel_loop3A_105, %parallel_loop3A_106, %parallel_loop3A_107 = tpu.sort %parallel_loop3A_97, %parallel_loop3A_103 masked %parallel_loop3A_104 {descending = true} : (vector<16xf32>, vector<16xi32>, vector<16xi1>) -> (vector<16xi1>, vector<16xf32>, vector<16xi32>)
      %parallel_loop3A_108 = tpu.iota {dimensions = array<i32: 0>} : vector<16xi32>
      %parallel_loop3A_109 = arith.constant 8 : i32
      %parallel_loop3A_110 = vector.broadcast %parallel_loop3A_109 : i32 to vector<16xi32>
      %parallel_loop3A_111 = arith.cmpi slt, %parallel_loop3A_108, %parallel_loop3A_110 : vector<16xi32>
      %parallel_loop3A_112 = arith.constant 15 : i32
      %parallel_loop3A_113 = vector.broadcast %parallel_loop3A_112 : i32 to vector<16xi32>
      %parallel_loop3A_114 = tpu.iota {dimensions = array<i32: 0>} : vector<16xi32>
      %parallel_loop3A_115 = arith.subi %parallel_loop3A_113, %parallel_loop3A_114 : vector<16xi32>
      %parallel_loop3A_116 = tpu.dynamic_gather %parallel_loop3A_46[%parallel_loop3A_115] in [0] : vector<16xf32>, vector<16xi32> -> vector<16xf32>
      %parallel_loop3A_117 = arith.select %parallel_loop3A_111, %parallel_loop3A_36, %parallel_loop3A_116 : vector<16xi1>, vector<16xf32>
      %parallel_loop3A_118 = arith.constant 15 : i32
      %parallel_loop3A_119 = vector.broadcast %parallel_loop3A_118 : i32 to vector<16xi32>
      %parallel_loop3A_120 = tpu.iota {dimensions = array<i32: 0>} : vector<16xi32>
      %parallel_loop3A_121 = arith.subi %parallel_loop3A_119, %parallel_loop3A_120 : vector<16xi32>
      %parallel_loop3A_122 = tpu.dynamic_gather %parallel_loop3A_47[%parallel_loop3A_121] in [0] : vector<16xi32>, vector<16xi32> -> vector<16xi32>
      %parallel_loop3A_123 = arith.select %parallel_loop3A_111, %parallel_loop3A_37, %parallel_loop3A_122 : vector<16xi1>, vector<16xi32>
      %parallel_loop3A_124 = arith.constant dense<true> : vector<16xi1>
      %parallel_loop3A_125, %parallel_loop3A_126, %parallel_loop3A_127 = tpu.sort %parallel_loop3A_117, %parallel_loop3A_123 masked %parallel_loop3A_124 {descending = true} : (vector<16xf32>, vector<16xi32>, vector<16xi1>) -> (vector<16xi1>, vector<16xf32>, vector<16xi32>)
      %parallel_loop3A_128 = tpu.iota {dimensions = array<i32: 0>} : vector<16xi32>
      %parallel_loop3A_129 = arith.constant 8 : i32
      %parallel_loop3A_130 = vector.broadcast %parallel_loop3A_129 : i32 to vector<16xi32>
      %parallel_loop3A_131 = arith.cmpi slt, %parallel_loop3A_128, %parallel_loop3A_130 : vector<16xi32>
      %parallel_loop3A_132 = arith.constant 15 : i32
      %parallel_loop3A_133 = vector.broadcast %parallel_loop3A_132 : i32 to vector<16xi32>
      %parallel_loop3A_134 = tpu.iota {dimensions = array<i32: 0>} : vector<16xi32>
      %parallel_loop3A_135 = arith.subi %parallel_loop3A_133, %parallel_loop3A_134 : vector<16xi32>
      %parallel_loop3A_136 = tpu.dynamic_gather %parallel_loop3A_66[%parallel_loop3A_135] in [0] : vector<16xf32>, vector<16xi32> -> vector<16xf32>
      %parallel_loop3A_137 = arith.select %parallel_loop3A_131, %parallel_loop3A_56, %parallel_loop3A_136 : vector<16xi1>, vector<16xf32>
      %parallel_loop3A_138 = arith.constant 15 : i32
      %parallel_loop3A_139 = vector.broadcast %parallel_loop3A_138 : i32 to vector<16xi32>
      %parallel_loop3A_140 = tpu.iota {dimensions = array<i32: 0>} : vector<16xi32>
      %parallel_loop3A_141 = arith.subi %parallel_loop3A_139, %parallel_loop3A_140 : vector<16xi32>
      %parallel_loop3A_142 = tpu.dynamic_gather %parallel_loop3A_67[%parallel_loop3A_141] in [0] : vector<16xi32>, vector<16xi32> -> vector<16xi32>
      %parallel_loop3A_143 = arith.select %parallel_loop3A_131, %parallel_loop3A_57, %parallel_loop3A_142 : vector<16xi1>, vector<16xi32>
      %parallel_loop3A_144 = arith.constant dense<true> : vector<16xi1>
      %parallel_loop3A_145, %parallel_loop3A_146, %parallel_loop3A_147 = tpu.sort %parallel_loop3A_137, %parallel_loop3A_143 masked %parallel_loop3A_144 {descending = true} : (vector<16xf32>, vector<16xi32>, vector<16xi1>) -> (vector<16xi1>, vector<16xf32>, vector<16xi32>)
      %parallel_loop3A_148 = tpu.iota {dimensions = array<i32: 0>} : vector<16xi32>
      %parallel_loop3A_149 = arith.constant 8 : i32
      %parallel_loop3A_150 = vector.broadcast %parallel_loop3A_149 : i32 to vector<16xi32>
      %parallel_loop3A_151 = arith.cmpi slt, %parallel_loop3A_148, %parallel_loop3A_150 : vector<16xi32>
      %parallel_loop3A_152 = arith.constant 15 : i32
      %parallel_loop3A_153 = vector.broadcast %parallel_loop3A_152 : i32 to vector<16xi32>
      %parallel_loop3A_154 = tpu.iota {dimensions = array<i32: 0>} : vector<16xi32>
      %parallel_loop3A_155 = arith.subi %parallel_loop3A_153, %parallel_loop3A_154 : vector<16xi32>
      %parallel_loop3A_156 = tpu.dynamic_gather %parallel_loop3A_86[%parallel_loop3A_155] in [0] : vector<16xf32>, vector<16xi32> -> vector<16xf32>
      %parallel_loop3A_157 = arith.select %parallel_loop3A_151, %parallel_loop3A_76, %parallel_loop3A_156 : vector<16xi1>, vector<16xf32>
      %parallel_loop3A_158 = arith.constant 15 : i32
      %parallel_loop3A_159 = vector.broadcast %parallel_loop3A_158 : i32 to vector<16xi32>
      %parallel_loop3A_160 = tpu.iota {dimensions = array<i32: 0>} : vector<16xi32>
      %parallel_loop3A_161 = arith.subi %parallel_loop3A_159, %parallel_loop3A_160 : vector<16xi32>
      %parallel_loop3A_162 = tpu.dynamic_gather %parallel_loop3A_87[%parallel_loop3A_161] in [0] : vector<16xi32>, vector<16xi32> -> vector<16xi32>
      %parallel_loop3A_163 = arith.select %parallel_loop3A_151, %parallel_loop3A_77, %parallel_loop3A_162 : vector<16xi1>, vector<16xi32>
      %parallel_loop3A_164 = arith.constant dense<true> : vector<16xi1>
      %parallel_loop3A_165, %parallel_loop3A_166, %parallel_loop3A_167 = tpu.sort %parallel_loop3A_157, %parallel_loop3A_163 masked %parallel_loop3A_164 {descending = true} : (vector<16xf32>, vector<16xi32>, vector<16xi1>) -> (vector<16xi1>, vector<16xf32>, vector<16xi32>)
      %parallel_loop3A_168 = tpu.iota {dimensions = array<i32: 0>} : vector<16xi32>
      %parallel_loop3A_169 = arith.constant 8 : i32
      %parallel_loop3A_170 = vector.broadcast %parallel_loop3A_169 : i32 to vector<16xi32>
      %parallel_loop3A_171 = arith.cmpi slt, %parallel_loop3A_168, %parallel_loop3A_170 : vector<16xi32>
      %parallel_loop3A_172 = arith.constant 15 : i32
      %parallel_loop3A_173 = vector.broadcast %parallel_loop3A_172 : i32 to vector<16xi32>
      %parallel_loop3A_174 = tpu.iota {dimensions = array<i32: 0>} : vector<16xi32>
      %parallel_loop3A_175 = arith.subi %parallel_loop3A_173, %parallel_loop3A_174 : vector<16xi32>
      %parallel_loop3A_176 = tpu.dynamic_gather %parallel_loop3A_126[%parallel_loop3A_175] in [0] : vector<16xf32>, vector<16xi32> -> vector<16xf32>
      %parallel_loop3A_177 = arith.select %parallel_loop3A_171, %parallel_loop3A_106, %parallel_loop3A_176 : vector<16xi1>, vector<16xf32>
      %parallel_loop3A_178 = arith.constant 15 : i32
      %parallel_loop3A_179 = vector.broadcast %parallel_loop3A_178 : i32 to vector<16xi32>
      %parallel_loop3A_180 = tpu.iota {dimensions = array<i32: 0>} : vector<16xi32>
      %parallel_loop3A_181 = arith.subi %parallel_loop3A_179, %parallel_loop3A_180 : vector<16xi32>
      %parallel_loop3A_182 = tpu.dynamic_gather %parallel_loop3A_127[%parallel_loop3A_181] in [0] : vector<16xi32>, vector<16xi32> -> vector<16xi32>
      %parallel_loop3A_183 = arith.select %parallel_loop3A_171, %parallel_loop3A_107, %parallel_loop3A_182 : vector<16xi1>, vector<16xi32>
      %parallel_loop3A_184 = arith.constant dense<true> : vector<16xi1>
      %parallel_loop3A_185, %parallel_loop3A_186, %parallel_loop3A_187 = tpu.sort %parallel_loop3A_177, %parallel_loop3A_183 masked %parallel_loop3A_184 {descending = true} : (vector<16xf32>, vector<16xi32>, vector<16xi1>) -> (vector<16xi1>, vector<16xf32>, vector<16xi32>)
      %parallel_loop3A_188 = tpu.iota {dimensions = array<i32: 0>} : vector<16xi32>
      %parallel_loop3A_189 = arith.constant 8 : i32
      %parallel_loop3A_190 = vector.broadcast %parallel_loop3A_189 : i32 to vector<16xi32>
      %parallel_loop3A_191 = arith.cmpi slt, %parallel_loop3A_188, %parallel_loop3A_190 : vector<16xi32>
      %parallel_loop3A_192 = arith.constant 15 : i32
      %parallel_loop3A_193 = vector.broadcast %parallel_loop3A_192 : i32 to vector<16xi32>
      %parallel_loop3A_194 = tpu.iota {dimensions = array<i32: 0>} : vector<16xi32>
      %parallel_loop3A_195 = arith.subi %parallel_loop3A_193, %parallel_loop3A_194 : vector<16xi32>
      %parallel_loop3A_196 = tpu.dynamic_gather %parallel_loop3A_166[%parallel_loop3A_195] in [0] : vector<16xf32>, vector<16xi32> -> vector<16xf32>
      %parallel_loop3A_197 = arith.select %parallel_loop3A_191, %parallel_loop3A_146, %parallel_loop3A_196 : vector<16xi1>, vector<16xf32>
      %parallel_loop3A_198 = arith.constant 15 : i32
      %parallel_loop3A_199 = vector.broadcast %parallel_loop3A_198 : i32 to vector<16xi32>
      %parallel_loop3A_200 = tpu.iota {dimensions = array<i32: 0>} : vector<16xi32>
      %parallel_loop3A_201 = arith.subi %parallel_loop3A_199, %parallel_loop3A_200 : vector<16xi32>
      %parallel_loop3A_202 = tpu.dynamic_gather %parallel_loop3A_167[%parallel_loop3A_201] in [0] : vector<16xi32>, vector<16xi32> -> vector<16xi32>
      %parallel_loop3A_203 = arith.select %parallel_loop3A_191, %parallel_loop3A_147, %parallel_loop3A_202 : vector<16xi1>, vector<16xi32>
      %parallel_loop3A_204 = arith.constant dense<true> : vector<16xi1>
      %parallel_loop3A_205, %parallel_loop3A_206, %parallel_loop3A_207 = tpu.sort %parallel_loop3A_197, %parallel_loop3A_203 masked %parallel_loop3A_204 {descending = true} : (vector<16xf32>, vector<16xi32>, vector<16xi1>) -> (vector<16xi1>, vector<16xf32>, vector<16xi32>)
      %parallel_loop3A_208 = tpu.iota {dimensions = array<i32: 0>} : vector<16xi32>
      %parallel_loop3A_209 = arith.constant 8 : i32
      %parallel_loop3A_210 = vector.broadcast %parallel_loop3A_209 : i32 to vector<16xi32>
      %parallel_loop3A_211 = arith.cmpi slt, %parallel_loop3A_208, %parallel_loop3A_210 : vector<16xi32>
      %parallel_loop3A_212 = arith.constant 15 : i32
      %parallel_loop3A_213 = vector.broadcast %parallel_loop3A_212 : i32 to vector<16xi32>
      %parallel_loop3A_214 = tpu.iota {dimensions = array<i32: 0>} : vector<16xi32>
      %parallel_loop3A_215 = arith.subi %parallel_loop3A_213, %parallel_loop3A_214 : vector<16xi32>
      %parallel_loop3A_216 = tpu.dynamic_gather %parallel_loop3A_206[%parallel_loop3A_215] in [0] : vector<16xf32>, vector<16xi32> -> vector<16xf32>
      %parallel_loop3A_217 = arith.select %parallel_loop3A_211, %parallel_loop3A_186, %parallel_loop3A_216 : vector<16xi1>, vector<16xf32>
      %parallel_loop3A_218 = arith.constant 15 : i32
      %parallel_loop3A_219 = vector.broadcast %parallel_loop3A_218 : i32 to vector<16xi32>
      %parallel_loop3A_220 = tpu.iota {dimensions = array<i32: 0>} : vector<16xi32>
      %parallel_loop3A_221 = arith.subi %parallel_loop3A_219, %parallel_loop3A_220 : vector<16xi32>
      %parallel_loop3A_222 = tpu.dynamic_gather %parallel_loop3A_207[%parallel_loop3A_221] in [0] : vector<16xi32>, vector<16xi32> -> vector<16xi32>
      %parallel_loop3A_223 = arith.select %parallel_loop3A_211, %parallel_loop3A_187, %parallel_loop3A_222 : vector<16xi1>, vector<16xi32>
      %parallel_loop3A_224 = arith.constant dense<true> : vector<16xi1>
      %parallel_loop3A_225, %parallel_loop3A_226, %parallel_loop3A_227 = tpu.sort %parallel_loop3A_217, %parallel_loop3A_223 masked %parallel_loop3A_224 {descending = true} : (vector<16xf32>, vector<16xi32>, vector<16xi1>) -> (vector<16xi1>, vector<16xf32>, vector<16xi32>)
      %parallel_loop3A_228 = arith.constant 8 : i32
      %parallel_loop3A_229 = vector.broadcast %parallel_loop3A_228 : i32 to vector<16xi32>
      %parallel_loop3A_230 = arith.addi %iota3A, %parallel_loop3A_229 : vector<16xi32>
      %parallel_loop3A_231 = arith.constant 15 : i32
      %parallel_loop3A_232 = vector.broadcast %parallel_loop3A_231 : i32 to vector<16xi32>
      %parallel_loop3A_233 = arith.andi %parallel_loop3A_230, %parallel_loop3A_232 : vector<16xi32>
      %parallel_loop3A_234 = arith.constant 0 : i32
      %parallel_loop3A_235 = vector.broadcast %parallel_loop3A_234 : i32 to vector<16xi32>
      %parallel_loop3A_236 = arith.cmpi slt, %parallel_loop3A_233, %parallel_loop3A_235 : vector<16xi32>
      %parallel_loop3A_237 = arith.constant 16 : i32
      %parallel_loop3A_238 = vector.broadcast %parallel_loop3A_237 : i32 to vector<16xi32>
      %parallel_loop3A_239 = arith.addi %parallel_loop3A_233, %parallel_loop3A_238 : vector<16xi32>
      %parallel_loop3A_240 = arith.select %parallel_loop3A_236, %parallel_loop3A_239, %parallel_loop3A_233 : vector<16xi1>, vector<16xi32>
      %parallel_loop3A_241 = vector.shape_cast %parallel_loop3A_240 : vector<16xi32> to vector<16x1xi32>
      %parallel_loop3A_242 = vector.shape_cast %parallel_loop3A_241 : vector<16x1xi32> to vector<16xi32>
      %parallel_loop3A_243 = tpu.dynamic_gather %parallel_loop3A_226[%parallel_loop3A_242] in [0] : vector<16xf32>, vector<16xi32> -> vector<16xf32>
      %parallel_loop3A_244 = vector.bitcast %parallel_loop3A_243 : vector<16xf32> to vector<16xi32>
      %parallel_loop3A_245 = arith.select %lt3A_2, %parallel_loop3A_227, %parallel_loop3A_244 : vector<16xi1>, vector<16xi32>
      %parallel_loop3A_246 = arith.index_cast %parallel_loop3A_7 : i32 to index
      %parallel_loop3A_247 = arith.constant 0 : index
      %parallel_loop3A_248 = tpu.vector_load %arg5[%parallel_loop3A_246, %parallel_loop3A_247] {strides = array<i32>} : memref<256x16xi32, #tpu.memory_space<vmem>>, vector<16xi32>,
      tpu.vector_store %arg5[%parallel_loop3A_246, %parallel_loop3A_247], %parallel_loop3A_245 {strides = array<i32>} : memref<256x16xi32, #tpu.memory_space<vmem>>, vector<16xi32>,
    } {sc.loop_unroll_factor = 2 : i64, sc.parallel_access}
    "tpu.region"() ({
      %run_scoped3A = tpu.sem_alloc : memref<!tpu.dma_semaphore, #tpu.memory_space<semaphore_mem>>
      %dma_start3A = arith.constant 0 : i32
      %dma_start3A_7 = tpu.memref_slice %arg3[%mul3A_4, %dma_start3A] : memref<8192x16xi32, #tpu.memory_space<hbm>> -> memref<256x16xi32, #tpu.memory_space<hbm>>
      %dma_start3A_8 = arith.constant 0 : i32
      %dma_start3A_9 = tpu.memref_slice %arg3[%mul3A_4, %dma_start3A_8] : memref<8192x16xi32, #tpu.memory_space<hbm>> -> memref<256x16xi32, #tpu.memory_space<hbm>>
      tpu.enqueue_dma source(%arg5 : memref<256x16xi32, #tpu.memory_space<vmem>>) target(%dma_start3A_9 : memref<256x16xi32, #tpu.memory_space<hbm>>) target_semaphore(%run_scoped3A : memref<!tpu.dma_semaphore, #tpu.memory_space<semaphore_mem>>)
      %dma_wait3A = arith.constant 0 : i32
      %dma_wait3A_10 = tpu.memref_slice %arg3[%mul3A_4, %dma_wait3A] : memref<8192x16xi32, #tpu.memory_space<hbm>> -> memref<256x16xi32, #tpu.memory_space<hbm>>
      %dma_wait3A_11 = arith.constant 0 : i32
      %dma_wait3A_12 = tpu.memref_slice %arg3[%mul3A_4, %dma_wait3A_11] : memref<8192x16xi32, #tpu.memory_space<hbm>> -> memref<256x16xi32, #tpu.memory_space<hbm>>
      tpu.wait_dma2 semaphore(%run_scoped3A : memref<!tpu.dma_semaphore, #tpu.memory_space<semaphore_mem>>) src(%arg5 : memref<256x16xi32, #tpu.memory_space<vmem>>) dst(%dma_wait3A_12 : memref<256x16xi32, #tpu.memory_space<hbm>>)
      tpu.yield
    }) : () -> ()
    return
  }
}

#map = affine_map<(d0, d1) -> (0, 0)>
module attributes {stable_mosaic.version = 14 : i64} {
  func.func @_sc_topk_body(%arg0: i32, %arg1: i32, %arg2: memref<8192x128xf32, #tpu.memory_space<hbm>>, %arg3: memref<8192x16xi32, #tpu.memory_space<hbm>>, %arg4: memref<256x128xf32, #tpu.memory_space<vmem>>, %arg5: memref<256x16xi32, #tpu.memory_space<vmem>>) attributes {dimension_semantics = [#tpu.dimension_semantics<core_parallel>, #tpu.dimension_semantics<subcore_parallel>], iteration_bounds = array<i64: 2, 16>, scalar_prefetch = 0 : i64, scratch_operands = 2 : i64, tpu.core_type = #tpu.core_type<sc_vector_subcore>, window_params = [{transform_indices = #map}, {transform_indices = #map}]} {
    %mul3A = arith.constant 2 : i32
    %mul3A_0 = arith.muli %arg1, %mul3A : i32
    %add3A = arith.addi %mul3A_0, %arg0 : i32
    %iota3A = tpu.iota {dimensions = array<i32: 0>} : vector<16xi32>
    %lt3A = arith.constant 8 : i32
    %lt3A_1 = vector.broadcast %lt3A : i32 to vector<16xi32>
    %lt3A_2 = arith.cmpi slt, %iota3A, %lt3A_1 : vector<16xi32>
    %mul3A_3 = arith.constant 256 : i32
    %mul3A_4 = arith.muli %add3A, %mul3A_3 : i32
    "tpu.region"() ({
      %run_scoped3A = tpu.sem_alloc : memref<!tpu.dma_semaphore, #tpu.memory_space<semaphore_mem>>
      %dma_start3A = arith.constant 0 : i32
      %dma_start3A_7 = tpu.memref_slice %arg2[%mul3A_4, %dma_start3A] : memref<8192x128xf32, #tpu.memory_space<hbm>> -> memref<256x128xf32, #tpu.memory_space<hbm>>
      %dma_start3A_8 = arith.constant 0 : i32
      %dma_start3A_9 = tpu.memref_slice %arg2[%mul3A_4, %dma_start3A_8] : memref<8192x128xf32, #tpu.memory_space<hbm>> -> memref<256x128xf32, #tpu.memory_space<hbm>>
      tpu.enqueue_dma source(%dma_start3A_9 : memref<256x128xf32, #tpu.memory_space<hbm>>) target(%arg4 : memref<256x128xf32, #tpu.memory_space<vmem>>) target_semaphore(%run_scoped3A : memref<!tpu.dma_semaphore, #tpu.memory_space<semaphore_mem>>)
      %dma_wait3A = arith.constant 0 : i32
      %dma_wait3A_10 = tpu.memref_slice %arg2[%mul3A_4, %dma_wait3A] : memref<8192x128xf32, #tpu.memory_space<hbm>> -> memref<256x128xf32, #tpu.memory_space<hbm>>
      %dma_wait3A_11 = arith.constant 0 : i32
      %dma_wait3A_12 = tpu.memref_slice %arg2[%mul3A_4, %dma_wait3A_11] : memref<8192x128xf32, #tpu.memory_space<hbm>> -> memref<256x128xf32, #tpu.memory_space<hbm>>
      tpu.wait_dma2 semaphore(%run_scoped3A : memref<!tpu.dma_semaphore, #tpu.memory_space<semaphore_mem>>) src(%dma_wait3A_12 : memref<256x128xf32, #tpu.memory_space<hbm>>) dst(%arg4 : memref<256x128xf32, #tpu.memory_space<vmem>>)
      tpu.yield
    }) : () -> ()
    %parallel_loop3A = arith.constant 0 : i32
    %parallel_loop3A_5 = arith.constant 256 : i32
    %parallel_loop3A_6 = arith.constant 1 : i32
    scf.for %parallel_loop3A_7 = %parallel_loop3A to %parallel_loop3A_5 step %parallel_loop3A_6  : i32 {
      %parallel_loop3A_8 = arith.index_cast %parallel_loop3A_7 : i32 to index
      %parallel_loop3A_9 = arith.constant 0 : index
      %parallel_loop3A_10 = tpu.vector_load %arg4[%parallel_loop3A_8, %parallel_loop3A_9] {strides = array<i32>} : memref<256x128xf32, #tpu.memory_space<vmem>>, vector<16xf32>,
      %parallel_loop3A_11 = arith.constant 0 : i32
      %parallel_loop3A_12 = vector.broadcast %parallel_loop3A_11 : i32 to vector<16xi32>
      %parallel_loop3A_13 = arith.addi %iota3A, %parallel_loop3A_12 : vector<16xi32>
      %parallel_loop3A_14 = arith.constant dense<true> : vector<16xi1>
      %parallel_loop3A_15, %parallel_loop3A_16, %parallel_loop3A_17 = tpu.sort %parallel_loop3A_10, %parallel_loop3A_13 masked %parallel_loop3A_14 {descending = true} : (vector<16xf32>, vector<16xi32>, vector<16xi1>) -> (vector<16xi1>, vector<16xf32>, vector<16xi32>)
      %parallel_loop3A_18 = arith.index_cast %parallel_loop3A_7 : i32 to index
      %parallel_loop3A_19 = arith.constant 16 : index
      %parallel_loop3A_20 = tpu.vector_load %arg4[%parallel_loop3A_18, %parallel_loop3A_19] {strides = array<i32>} : memref<256x128xf32, #tpu.memory_space<vmem>>, vector<16xf32>,
      %parallel_loop3A_21 = arith.constant 16 : i32
      %parallel_loop3A_22 = vector.broadcast %parallel_loop3A_21 : i32 to vector<16xi32>
      %parallel_loop3A_23 = arith.addi %iota3A, %parallel_loop3A_22 : vector<16xi32>
      %parallel_loop3A_24 = arith.constant dense<true> : vector<16xi1>
      %parallel_loop3A_25, %parallel_loop3A_26, %parallel_loop3A_27 = tpu.sort %parallel_loop3A_20, %parallel_loop3A_23 masked %parallel_loop3A_24 {descending = true} : (vector<16xf32>, vector<16xi32>, vector<16xi1>) -> (vector<16xi1>, vector<16xf32>, vector<16xi32>)
      %parallel_loop3A_28 = arith.index_cast %parallel_loop3A_7 : i32 to index
      %parallel_loop3A_29 = arith.constant 32 : index
      %parallel_loop3A_30 = tpu.vector_load %arg4[%parallel_loop3A_28, %parallel_loop3A_29] {strides = array<i32>} : memref<256x128xf32, #tpu.memory_space<vmem>>, vector<16xf32>,
      %parallel_loop3A_31 = arith.constant 32 : i32
      %parallel_loop3A_32 = vector.broadcast %parallel_loop3A_31 : i32 to vector<16xi32>
      %parallel_loop3A_33 = arith.addi %iota3A, %parallel_loop3A_32 : vector<16xi32>
      %parallel_loop3A_34 = arith.constant dense<true> : vector<16xi1>
      %parallel_loop3A_35, %parallel_loop3A_36, %parallel_loop3A_37 = tpu.sort %parallel_loop3A_30, %parallel_loop3A_33 masked %parallel_loop3A_34 {descending = true} : (vector<16xf32>, vector<16xi32>, vector<16xi1>) -> (vector<16xi1>, vector<16xf32>, vector<16xi32>)
      %parallel_loop3A_38 = arith.index_cast %parallel_loop3A_7 : i32 to index
      %parallel_loop3A_39 = arith.constant 48 : index
      %parallel_loop3A_40 = tpu.vector_load %arg4[%parallel_loop3A_38, %parallel_loop3A_39] {strides = array<i32>} : memref<256x128xf32, #tpu.memory_space<vmem>>, vector<16xf32>,
      %parallel_loop3A_41 = arith.constant 48 : i32
      %parallel_loop3A_42 = vector.broadcast %parallel_loop3A_41 : i32 to vector<16xi32>
      %parallel_loop3A_43 = arith.addi %iota3A, %parallel_loop3A_42 : vector<16xi32>
      %parallel_loop3A_44 = arith.constant dense<true> : vector<16xi1>
      %parallel_loop3A_45, %parallel_loop3A_46, %parallel_loop3A_47 = tpu.sort %parallel_loop3A_40, %parallel_loop3A_43 masked %parallel_loop3A_44 {descending = true} : (vector<16xf32>, vector<16xi32>, vector<16xi1>) -> (vector<16xi1>, vector<16xf32>, vector<16xi32>)
      %parallel_loop3A_48 = arith.index_cast %parallel_loop3A_7 : i32 to index
      %parallel_loop3A_49 = arith.constant 64 : index
      %parallel_loop3A_50 = tpu.vector_load %arg4[%parallel_loop3A_48, %parallel_loop3A_49] {strides = array<i32>} : memref<256x128xf32, #tpu.memory_space<vmem>>, vector<16xf32>,
      %parallel_loop3A_51 = arith.constant 64 : i32
      %parallel_loop3A_52 = vector.broadcast %parallel_loop3A_51 : i32 to vector<16xi32>
      %parallel_loop3A_53 = arith.addi %iota3A, %parallel_loop3A_52 : vector<16xi32>
      %parallel_loop3A_54 = arith.constant dense<true> : vector<16xi1>
      %parallel_loop3A_55, %parallel_loop3A_56, %parallel_loop3A_57 = tpu.sort %parallel_loop3A_50, %parallel_loop3A_53 masked %parallel_loop3A_54 {descending = true} : (vector<16xf32>, vector<16xi32>, vector<16xi1>) -> (vector<16xi1>, vector<16xf32>, vector<16xi32>)
      %parallel_loop3A_58 = arith.index_cast %parallel_loop3A_7 : i32 to index
      %parallel_loop3A_59 = arith.constant 80 : index
      %parallel_loop3A_60 = tpu.vector_load %arg4[%parallel_loop3A_58, %parallel_loop3A_59] {strides = array<i32>} : memref<256x128xf32, #tpu.memory_space<vmem>>, vector<16xf32>,
      %parallel_loop3A_61 = arith.constant 80 : i32
      %parallel_loop3A_62 = vector.broadcast %parallel_loop3A_61 : i32 to vector<16xi32>
      %parallel_loop3A_63 = arith.addi %iota3A, %parallel_loop3A_62 : vector<16xi32>
      %parallel_loop3A_64 = arith.constant dense<true> : vector<16xi1>
      %parallel_loop3A_65, %parallel_loop3A_66, %parallel_loop3A_67 = tpu.sort %parallel_loop3A_60, %parallel_loop3A_63 masked %parallel_loop3A_64 {descending = true} : (vector<16xf32>, vector<16xi32>, vector<16xi1>) -> (vector<16xi1>, vector<16xf32>, vector<16xi32>)
      %parallel_loop3A_68 = arith.index_cast %parallel_loop3A_7 : i32 to index
      %parallel_loop3A_69 = arith.constant 96 : index
      %parallel_loop3A_70 = tpu.vector_load %arg4[%parallel_loop3A_68, %parallel_loop3A_69] {strides = array<i32>} : memref<256x128xf32, #tpu.memory_space<vmem>>, vector<16xf32>,
      %parallel_loop3A_71 = arith.constant 96 : i32
      %parallel_loop3A_72 = vector.broadcast %parallel_loop3A_71 : i32 to vector<16xi32>
      %parallel_loop3A_73 = arith.addi %iota3A, %parallel_loop3A_72 : vector<16xi32>
      %parallel_loop3A_74 = arith.constant dense<true> : vector<16xi1>
      %parallel_loop3A_75, %parallel_loop3A_76, %parallel_loop3A_77 = tpu.sort %parallel_loop3A_70, %parallel_loop3A_73 masked %parallel_loop3A_74 {descending = true} : (vector<16xf32>, vector<16xi32>, vector<16xi1>) -> (vector<16xi1>, vector<16xf32>, vector<16xi32>)
      %parallel_loop3A_78 = arith.index_cast %parallel_loop3A_7 : i32 to index
      %parallel_loop3A_79 = arith.constant 112 : index
      %parallel_loop3A_80 = tpu.vector_load %arg4[%parallel_loop3A_78, %parallel_loop3A_79] {strides = array<i32>} : memref<256x128xf32, #tpu.memory_space<vmem>>, vector<16xf32>,
      %parallel_loop3A_81 = arith.constant 112 : i32
      %parallel_loop3A_82 = vector.broadcast %parallel_loop3A_81 : i32 to vector<16xi32>
      %parallel_loop3A_83 = arith.addi %iota3A, %parallel_loop3A_82 : vector<16xi32>
      %parallel_loop3A_84 = arith.constant dense<true> : vector<16xi1>
      %parallel_loop3A_85, %parallel_loop3A_86, %parallel_loop3A_87 = tpu.sort %parallel_loop3A_80, %parallel_loop3A_83 masked %parallel_loop3A_84 {descending = true} : (vector<16xf32>, vector<16xi32>, vector<16xi1>) -> (vector<16xi1>, vector<16xf32>, vector<16xi32>)
      %parallel_loop3A_88 = tpu.iota {dimensions = array<i32: 0>} : vector<16xi32>
      %parallel_loop3A_89 = arith.constant 8 : i32
      %parallel_loop3A_90 = vector.broadcast %parallel_loop3A_89 : i32 to vector<16xi32>
      %parallel_loop3A_91 = arith.cmpi slt, %parallel_loop3A_88, %parallel_loop3A_90 : vector<16xi32>
      %parallel_loop3A_92 = arith.constant 15 : i32
      %parallel_loop3A_93 = vector.broadcast %parallel_loop3A_92 : i32 to vector<16xi32>
      %parallel_loop3A_94 = tpu.iota {dimensions = array<i32: 0>} : vector<16xi32>
      %parallel_loop3A_95 = arith.subi %parallel_loop3A_93, %parallel_loop3A_94 : vector<16xi32>
      %parallel_loop3A_96 = tpu.dynamic_gather %parallel_loop3A_26[%parallel_loop3A_95] in [0] : vector<16xf32>, vector<16xi32> -> vector<16xf32>
      %parallel_loop3A_97 = arith.select %parallel_loop3A_91, %parallel_loop3A_16, %parallel_loop3A_96 : vector<16xi1>, vector<16xf32>
      %parallel_loop3A_98 = arith.constant 15 : i32
      %parallel_loop3A_99 = vector.broadcast %parallel_loop3A_98 : i32 to vector<16xi32>
      %parallel_loop3A_100 = tpu.iota {dimensions = array<i32: 0>} : vector<16xi32>
      %parallel_loop3A_101 = arith.subi %parallel_loop3A_99, %parallel_loop3A_100 : vector<16xi32>
      %parallel_loop3A_102 = tpu.dynamic_gather %parallel_loop3A_27[%parallel_loop3A_101] in [0] : vector<16xi32>, vector<16xi32> -> vector<16xi32>
      %parallel_loop3A_103 = arith.select %parallel_loop3A_91, %parallel_loop3A_17, %parallel_loop3A_102 : vector<16xi1>, vector<16xi32>
      %parallel_loop3A_104 = arith.constant dense<true> : vector<16xi1>
      %parallel_loop3A_105, %parallel_loop3A_106, %parallel_loop3A_107 = tpu.sort %parallel_loop3A_97, %parallel_loop3A_103 masked %parallel_loop3A_104 {descending = true} : (vector<16xf32>, vector<16xi32>, vector<16xi1>) -> (vector<16xi1>, vector<16xf32>, vector<16xi32>)
      %parallel_loop3A_108 = tpu.iota {dimensions = array<i32: 0>} : vector<16xi32>
      %parallel_loop3A_109 = arith.constant 8 : i32
      %parallel_loop3A_110 = vector.broadcast %parallel_loop3A_109 : i32 to vector<16xi32>
      %parallel_loop3A_111 = arith.cmpi slt, %parallel_loop3A_108, %parallel_loop3A_110 : vector<16xi32>
      %parallel_loop3A_112 = arith.constant 15 : i32
      %parallel_loop3A_113 = vector.broadcast %parallel_loop3A_112 : i32 to vector<16xi32>
      %parallel_loop3A_114 = tpu.iota {dimensions = array<i32: 0>} : vector<16xi32>
      %parallel_loop3A_115 = arith.subi %parallel_loop3A_113, %parallel_loop3A_114 : vector<16xi32>
      %parallel_loop3A_116 = tpu.dynamic_gather %parallel_loop3A_46[%parallel_loop3A_115] in [0] : vector<16xf32>, vector<16xi32> -> vector<16xf32>
      %parallel_loop3A_117 = arith.select %parallel_loop3A_111, %parallel_loop3A_36, %parallel_loop3A_116 : vector<16xi1>, vector<16xf32>
      %parallel_loop3A_118 = arith.constant 15 : i32
      %parallel_loop3A_119 = vector.broadcast %parallel_loop3A_118 : i32 to vector<16xi32>
      %parallel_loop3A_120 = tpu.iota {dimensions = array<i32: 0>} : vector<16xi32>
      %parallel_loop3A_121 = arith.subi %parallel_loop3A_119, %parallel_loop3A_120 : vector<16xi32>
      %parallel_loop3A_122 = tpu.dynamic_gather %parallel_loop3A_47[%parallel_loop3A_121] in [0] : vector<16xi32>, vector<16xi32> -> vector<16xi32>
      %parallel_loop3A_123 = arith.select %parallel_loop3A_111, %parallel_loop3A_37, %parallel_loop3A_122 : vector<16xi1>, vector<16xi32>
      %parallel_loop3A_124 = arith.constant dense<true> : vector<16xi1>
      %parallel_loop3A_125, %parallel_loop3A_126, %parallel_loop3A_127 = tpu.sort %parallel_loop3A_117, %parallel_loop3A_123 masked %parallel_loop3A_124 {descending = true} : (vector<16xf32>, vector<16xi32>, vector<16xi1>) -> (vector<16xi1>, vector<16xf32>, vector<16xi32>)
      %parallel_loop3A_128 = tpu.iota {dimensions = array<i32: 0>} : vector<16xi32>
      %parallel_loop3A_129 = arith.constant 8 : i32
      %parallel_loop3A_130 = vector.broadcast %parallel_loop3A_129 : i32 to vector<16xi32>
      %parallel_loop3A_131 = arith.cmpi slt, %parallel_loop3A_128, %parallel_loop3A_130 : vector<16xi32>
      %parallel_loop3A_132 = arith.constant 15 : i32
      %parallel_loop3A_133 = vector.broadcast %parallel_loop3A_132 : i32 to vector<16xi32>
      %parallel_loop3A_134 = tpu.iota {dimensions = array<i32: 0>} : vector<16xi32>
      %parallel_loop3A_135 = arith.subi %parallel_loop3A_133, %parallel_loop3A_134 : vector<16xi32>
      %parallel_loop3A_136 = tpu.dynamic_gather %parallel_loop3A_66[%parallel_loop3A_135] in [0] : vector<16xf32>, vector<16xi32> -> vector<16xf32>
      %parallel_loop3A_137 = arith.select %parallel_loop3A_131, %parallel_loop3A_56, %parallel_loop3A_136 : vector<16xi1>, vector<16xf32>
      %parallel_loop3A_138 = arith.constant 15 : i32
      %parallel_loop3A_139 = vector.broadcast %parallel_loop3A_138 : i32 to vector<16xi32>
      %parallel_loop3A_140 = tpu.iota {dimensions = array<i32: 0>} : vector<16xi32>
      %parallel_loop3A_141 = arith.subi %parallel_loop3A_139, %parallel_loop3A_140 : vector<16xi32>
      %parallel_loop3A_142 = tpu.dynamic_gather %parallel_loop3A_67[%parallel_loop3A_141] in [0] : vector<16xi32>, vector<16xi32> -> vector<16xi32>
      %parallel_loop3A_143 = arith.select %parallel_loop3A_131, %parallel_loop3A_57, %parallel_loop3A_142 : vector<16xi1>, vector<16xi32>
      %parallel_loop3A_144 = arith.constant dense<true> : vector<16xi1>
      %parallel_loop3A_145, %parallel_loop3A_146, %parallel_loop3A_147 = tpu.sort %parallel_loop3A_137, %parallel_loop3A_143 masked %parallel_loop3A_144 {descending = true} : (vector<16xf32>, vector<16xi32>, vector<16xi1>) -> (vector<16xi1>, vector<16xf32>, vector<16xi32>)
      %parallel_loop3A_148 = tpu.iota {dimensions = array<i32: 0>} : vector<16xi32>
      %parallel_loop3A_149 = arith.constant 8 : i32
      %parallel_loop3A_150 = vector.broadcast %parallel_loop3A_149 : i32 to vector<16xi32>
      %parallel_loop3A_151 = arith.cmpi slt, %parallel_loop3A_148, %parallel_loop3A_150 : vector<16xi32>
      %parallel_loop3A_152 = arith.constant 15 : i32
      %parallel_loop3A_153 = vector.broadcast %parallel_loop3A_152 : i32 to vector<16xi32>
      %parallel_loop3A_154 = tpu.iota {dimensions = array<i32: 0>} : vector<16xi32>
      %parallel_loop3A_155 = arith.subi %parallel_loop3A_153, %parallel_loop3A_154 : vector<16xi32>
      %parallel_loop3A_156 = tpu.dynamic_gather %parallel_loop3A_86[%parallel_loop3A_155] in [0] : vector<16xf32>, vector<16xi32> -> vector<16xf32>
      %parallel_loop3A_157 = arith.select %parallel_loop3A_151, %parallel_loop3A_76, %parallel_loop3A_156 : vector<16xi1>, vector<16xf32>
      %parallel_loop3A_158 = arith.constant 15 : i32
      %parallel_loop3A_159 = vector.broadcast %parallel_loop3A_158 : i32 to vector<16xi32>
      %parallel_loop3A_160 = tpu.iota {dimensions = array<i32: 0>} : vector<16xi32>
      %parallel_loop3A_161 = arith.subi %parallel_loop3A_159, %parallel_loop3A_160 : vector<16xi32>
      %parallel_loop3A_162 = tpu.dynamic_gather %parallel_loop3A_87[%parallel_loop3A_161] in [0] : vector<16xi32>, vector<16xi32> -> vector<16xi32>
      %parallel_loop3A_163 = arith.select %parallel_loop3A_151, %parallel_loop3A_77, %parallel_loop3A_162 : vector<16xi1>, vector<16xi32>
      %parallel_loop3A_164 = arith.constant dense<true> : vector<16xi1>
      %parallel_loop3A_165, %parallel_loop3A_166, %parallel_loop3A_167 = tpu.sort %parallel_loop3A_157, %parallel_loop3A_163 masked %parallel_loop3A_164 {descending = true} : (vector<16xf32>, vector<16xi32>, vector<16xi1>) -> (vector<16xi1>, vector<16xf32>, vector<16xi32>)
      %parallel_loop3A_168 = tpu.iota {dimensions = array<i32: 0>} : vector<16xi32>
      %parallel_loop3A_169 = arith.constant 8 : i32
      %parallel_loop3A_170 = vector.broadcast %parallel_loop3A_169 : i32 to vector<16xi32>
      %parallel_loop3A_171 = arith.cmpi slt, %parallel_loop3A_168, %parallel_loop3A_170 : vector<16xi32>
      %parallel_loop3A_172 = arith.constant 15 : i32
      %parallel_loop3A_173 = vector.broadcast %parallel_loop3A_172 : i32 to vector<16xi32>
      %parallel_loop3A_174 = tpu.iota {dimensions = array<i32: 0>} : vector<16xi32>
      %parallel_loop3A_175 = arith.subi %parallel_loop3A_173, %parallel_loop3A_174 : vector<16xi32>
      %parallel_loop3A_176 = tpu.dynamic_gather %parallel_loop3A_126[%parallel_loop3A_175] in [0] : vector<16xf32>, vector<16xi32> -> vector<16xf32>
      %parallel_loop3A_177 = arith.select %parallel_loop3A_171, %parallel_loop3A_106, %parallel_loop3A_176 : vector<16xi1>, vector<16xf32>
      %parallel_loop3A_178 = arith.constant 15 : i32
      %parallel_loop3A_179 = vector.broadcast %parallel_loop3A_178 : i32 to vector<16xi32>
      %parallel_loop3A_180 = tpu.iota {dimensions = array<i32: 0>} : vector<16xi32>
      %parallel_loop3A_181 = arith.subi %parallel_loop3A_179, %parallel_loop3A_180 : vector<16xi32>
      %parallel_loop3A_182 = tpu.dynamic_gather %parallel_loop3A_127[%parallel_loop3A_181] in [0] : vector<16xi32>, vector<16xi32> -> vector<16xi32>
      %parallel_loop3A_183 = arith.select %parallel_loop3A_171, %parallel_loop3A_107, %parallel_loop3A_182 : vector<16xi1>, vector<16xi32>
      %parallel_loop3A_184 = arith.constant dense<true> : vector<16xi1>
      %parallel_loop3A_185, %parallel_loop3A_186, %parallel_loop3A_187 = tpu.sort %parallel_loop3A_177, %parallel_loop3A_183 masked %parallel_loop3A_184 {descending = true} : (vector<16xf32>, vector<16xi32>, vector<16xi1>) -> (vector<16xi1>, vector<16xf32>, vector<16xi32>)
      %parallel_loop3A_188 = tpu.iota {dimensions = array<i32: 0>} : vector<16xi32>
      %parallel_loop3A_189 = arith.constant 8 : i32
      %parallel_loop3A_190 = vector.broadcast %parallel_loop3A_189 : i32 to vector<16xi32>
      %parallel_loop3A_191 = arith.cmpi slt, %parallel_loop3A_188, %parallel_loop3A_190 : vector<16xi32>
      %parallel_loop3A_192 = arith.constant 15 : i32
      %parallel_loop3A_193 = vector.broadcast %parallel_loop3A_192 : i32 to vector<16xi32>
      %parallel_loop3A_194 = tpu.iota {dimensions = array<i32: 0>} : vector<16xi32>
      %parallel_loop3A_195 = arith.subi %parallel_loop3A_193, %parallel_loop3A_194 : vector<16xi32>
      %parallel_loop3A_196 = tpu.dynamic_gather %parallel_loop3A_166[%parallel_loop3A_195] in [0] : vector<16xf32>, vector<16xi32> -> vector<16xf32>
      %parallel_loop3A_197 = arith.select %parallel_loop3A_191, %parallel_loop3A_146, %parallel_loop3A_196 : vector<16xi1>, vector<16xf32>
      %parallel_loop3A_198 = arith.constant 15 : i32
      %parallel_loop3A_199 = vector.broadcast %parallel_loop3A_198 : i32 to vector<16xi32>
      %parallel_loop3A_200 = tpu.iota {dimensions = array<i32: 0>} : vector<16xi32>
      %parallel_loop3A_201 = arith.subi %parallel_loop3A_199, %parallel_loop3A_200 : vector<16xi32>
      %parallel_loop3A_202 = tpu.dynamic_gather %parallel_loop3A_167[%parallel_loop3A_201] in [0] : vector<16xi32>, vector<16xi32> -> vector<16xi32>
      %parallel_loop3A_203 = arith.select %parallel_loop3A_191, %parallel_loop3A_147, %parallel_loop3A_202 : vector<16xi1>, vector<16xi32>
      %parallel_loop3A_204 = arith.constant dense<true> : vector<16xi1>
      %parallel_loop3A_205, %parallel_loop3A_206, %parallel_loop3A_207 = tpu.sort %parallel_loop3A_197, %parallel_loop3A_203 masked %parallel_loop3A_204 {descending = true} : (vector<16xf32>, vector<16xi32>, vector<16xi1>) -> (vector<16xi1>, vector<16xf32>, vector<16xi32>)
      %parallel_loop3A_208 = tpu.iota {dimensions = array<i32: 0>} : vector<16xi32>
      %parallel_loop3A_209 = arith.constant 8 : i32
      %parallel_loop3A_210 = vector.broadcast %parallel_loop3A_209 : i32 to vector<16xi32>
      %parallel_loop3A_211 = arith.cmpi slt, %parallel_loop3A_208, %parallel_loop3A_210 : vector<16xi32>
      %parallel_loop3A_212 = arith.constant 15 : i32
      %parallel_loop3A_213 = vector.broadcast %parallel_loop3A_212 : i32 to vector<16xi32>
      %parallel_loop3A_214 = tpu.iota {dimensions = array<i32: 0>} : vector<16xi32>
      %parallel_loop3A_215 = arith.subi %parallel_loop3A_213, %parallel_loop3A_214 : vector<16xi32>
      %parallel_loop3A_216 = tpu.dynamic_gather %parallel_loop3A_206[%parallel_loop3A_215] in [0] : vector<16xf32>, vector<16xi32> -> vector<16xf32>
      %parallel_loop3A_217 = arith.select %parallel_loop3A_211, %parallel_loop3A_186, %parallel_loop3A_216 : vector<16xi1>, vector<16xf32>
      %parallel_loop3A_218 = arith.constant 15 : i32
      %parallel_loop3A_219 = vector.broadcast %parallel_loop3A_218 : i32 to vector<16xi32>
      %parallel_loop3A_220 = tpu.iota {dimensions = array<i32: 0>} : vector<16xi32>
      %parallel_loop3A_221 = arith.subi %parallel_loop3A_219, %parallel_loop3A_220 : vector<16xi32>
      %parallel_loop3A_222 = tpu.dynamic_gather %parallel_loop3A_207[%parallel_loop3A_221] in [0] : vector<16xi32>, vector<16xi32> -> vector<16xi32>
      %parallel_loop3A_223 = arith.select %parallel_loop3A_211, %parallel_loop3A_187, %parallel_loop3A_222 : vector<16xi1>, vector<16xi32>
      %parallel_loop3A_224 = arith.constant dense<true> : vector<16xi1>
      %parallel_loop3A_225, %parallel_loop3A_226, %parallel_loop3A_227 = tpu.sort %parallel_loop3A_217, %parallel_loop3A_223 masked %parallel_loop3A_224 {descending = true} : (vector<16xf32>, vector<16xi32>, vector<16xi1>) -> (vector<16xi1>, vector<16xf32>, vector<16xi32>)
      %parallel_loop3A_228 = arith.constant 8 : i32
      %parallel_loop3A_229 = vector.broadcast %parallel_loop3A_228 : i32 to vector<16xi32>
      %parallel_loop3A_230 = arith.addi %iota3A, %parallel_loop3A_229 : vector<16xi32>
      %parallel_loop3A_231 = arith.constant 15 : i32
      %parallel_loop3A_232 = vector.broadcast %parallel_loop3A_231 : i32 to vector<16xi32>
      %parallel_loop3A_233 = arith.andi %parallel_loop3A_230, %parallel_loop3A_232 : vector<16xi32>
      %parallel_loop3A_234 = arith.constant 0 : i32
      %parallel_loop3A_235 = vector.broadcast %parallel_loop3A_234 : i32 to vector<16xi32>
      %parallel_loop3A_236 = arith.cmpi slt, %parallel_loop3A_233, %parallel_loop3A_235 : vector<16xi32>
      %parallel_loop3A_237 = arith.constant 16 : i32
      %parallel_loop3A_238 = vector.broadcast %parallel_loop3A_237 : i32 to vector<16xi32>
      %parallel_loop3A_239 = arith.addi %parallel_loop3A_233, %parallel_loop3A_238 : vector<16xi32>
      %parallel_loop3A_240 = arith.select %parallel_loop3A_236, %parallel_loop3A_239, %parallel_loop3A_233 : vector<16xi1>, vector<16xi32>
      %parallel_loop3A_241 = vector.shape_cast %parallel_loop3A_240 : vector<16xi32> to vector<16x1xi32>
      %parallel_loop3A_242 = vector.shape_cast %parallel_loop3A_241 : vector<16x1xi32> to vector<16xi32>
      %parallel_loop3A_243 = tpu.dynamic_gather %parallel_loop3A_226[%parallel_loop3A_242] in [0] : vector<16xf32>, vector<16xi32> -> vector<16xf32>
      %parallel_loop3A_244 = vector.bitcast %parallel_loop3A_243 : vector<16xf32> to vector<16xi32>
      %parallel_loop3A_245 = arith.select %lt3A_2, %parallel_loop3A_227, %parallel_loop3A_244 : vector<16xi1>, vector<16xi32>
      %parallel_loop3A_246 = arith.index_cast %parallel_loop3A_7 : i32 to index
      %parallel_loop3A_247 = arith.constant 0 : index
      %parallel_loop3A_248 = tpu.vector_load %arg5[%parallel_loop3A_246, %parallel_loop3A_247] {strides = array<i32>} : memref<256x16xi32, #tpu.memory_space<vmem>>, vector<16xi32>,
      tpu.vector_store %arg5[%parallel_loop3A_246, %parallel_loop3A_247], %parallel_loop3A_245 {strides = array<i32>} : memref<256x16xi32, #tpu.memory_space<vmem>>, vector<16xi32>,
    } {sc.loop_unroll_factor = 2 : i64, sc.parallel_access}
    "tpu.region"() ({
      %run_scoped3A = tpu.sem_alloc : memref<!tpu.dma_semaphore, #tpu.memory_space<semaphore_mem>>
      %dma_start3A = arith.constant 0 : i32
      %dma_start3A_7 = tpu.memref_slice %arg3[%mul3A_4, %dma_start3A] : memref<8192x16xi32, #tpu.memory_space<hbm>> -> memref<256x16xi32, #tpu.memory_space<hbm>>
      %dma_start3A_8 = arith.constant 0 : i32
      %dma_start3A_9 = tpu.memref_slice %arg3[%mul3A_4, %dma_start3A_8] : memref<8192x16xi32, #tpu.memory_space<hbm>> -> memref<256x16xi32, #tpu.memory_space<hbm>>
      tpu.enqueue_dma source(%arg5 : memref<256x16xi32, #tpu.memory_space<vmem>>) target(%dma_start3A_9 : memref<256x16xi32, #tpu.memory_space<hbm>>) target_semaphore(%run_scoped3A : memref<!tpu.dma_semaphore, #tpu.memory_space<semaphore_mem>>)
      %dma_wait3A = arith.constant 0 : i32
      %dma_wait3A_10 = tpu.memref_slice %arg3[%mul3A_4, %dma_wait3A] : memref<8192x16xi32, #tpu.memory_space<hbm>> -> memref<256x16xi32, #tpu.memory_space<hbm>>
      %dma_wait3A_11 = arith.constant 0 : i32
      %dma_wait3A_12 = tpu.memref_slice %arg3[%mul3A_4, %dma_wait3A_11] : memref<8192x16xi32, #tpu.memory_space<hbm>> -> memref<256x16xi32, #tpu.memory_space<hbm>>
      tpu.wait_dma2 semaphore(%run_scoped3A : memref<!tpu.dma_semaphore, #tpu.memory_space<semaphore_mem>>) src(%arg5 : memref<256x16xi32, #tpu.memory_space<vmem>>) dst(%dma_wait3A_12 : memref<256x16xi32, #tpu.memory_space<hbm>>)
      tpu.yield
    }) : () -> ()
    return
  }
}

#map = affine_map<(d0, d1) -> (0, 0)>
module attributes {stable_mosaic.version = 14 : i64} {
  func.func @_sc_topk_body(%arg0: i32, %arg1: i32, %arg2: memref<8192x128xf32, #tpu.memory_space<hbm>>, %arg3: memref<8192x16xi32, #tpu.memory_space<hbm>>, %arg4: memref<256x128xf32, #tpu.memory_space<vmem>>, %arg5: memref<256x16xi32, #tpu.memory_space<vmem>>) attributes {dimension_semantics = [#tpu.dimension_semantics<core_parallel>, #tpu.dimension_semantics<subcore_parallel>], iteration_bounds = array<i64: 2, 16>, scalar_prefetch = 0 : i64, scratch_operands = 2 : i64, tpu.core_type = #tpu.core_type<sc_vector_subcore>, window_params = [{transform_indices = #map}, {transform_indices = #map}]} {
    %mul3A = arith.constant 2 : i32
    %mul3A_0 = arith.muli %arg1, %mul3A : i32
    %add3A = arith.addi %mul3A_0, %arg0 : i32
    %iota3A = tpu.iota {dimensions = array<i32: 0>} : vector<16xi32>
    %lt3A = arith.constant 8 : i32
    %lt3A_1 = vector.broadcast %lt3A : i32 to vector<16xi32>
    %lt3A_2 = arith.cmpi slt, %iota3A, %lt3A_1 : vector<16xi32>
    %mul3A_3 = arith.constant 256 : i32
    %mul3A_4 = arith.muli %add3A, %mul3A_3 : i32
    "tpu.region"() ({
      %run_scoped3A = tpu.sem_alloc : memref<!tpu.dma_semaphore, #tpu.memory_space<semaphore_mem>>
      %dma_start3A = arith.constant 0 : i32
      %dma_start3A_7 = tpu.memref_slice %arg2[%mul3A_4, %dma_start3A] : memref<8192x128xf32, #tpu.memory_space<hbm>> -> memref<256x128xf32, #tpu.memory_space<hbm>>
      %dma_start3A_8 = arith.constant 0 : i32
      %dma_start3A_9 = tpu.memref_slice %arg2[%mul3A_4, %dma_start3A_8] : memref<8192x128xf32, #tpu.memory_space<hbm>> -> memref<256x128xf32, #tpu.memory_space<hbm>>
      tpu.enqueue_dma source(%dma_start3A_9 : memref<256x128xf32, #tpu.memory_space<hbm>>) target(%arg4 : memref<256x128xf32, #tpu.memory_space<vmem>>) target_semaphore(%run_scoped3A : memref<!tpu.dma_semaphore, #tpu.memory_space<semaphore_mem>>)
      %dma_wait3A = arith.constant 0 : i32
      %dma_wait3A_10 = tpu.memref_slice %arg2[%mul3A_4, %dma_wait3A] : memref<8192x128xf32, #tpu.memory_space<hbm>> -> memref<256x128xf32, #tpu.memory_space<hbm>>
      %dma_wait3A_11 = arith.constant 0 : i32
      %dma_wait3A_12 = tpu.memref_slice %arg2[%mul3A_4, %dma_wait3A_11] : memref<8192x128xf32, #tpu.memory_space<hbm>> -> memref<256x128xf32, #tpu.memory_space<hbm>>
      tpu.wait_dma2 semaphore(%run_scoped3A : memref<!tpu.dma_semaphore, #tpu.memory_space<semaphore_mem>>) src(%dma_wait3A_12 : memref<256x128xf32, #tpu.memory_space<hbm>>) dst(%arg4 : memref<256x128xf32, #tpu.memory_space<vmem>>)
      tpu.yield
    }) : () -> ()
    %parallel_loop3A = arith.constant 0 : i32
    %parallel_loop3A_5 = arith.constant 256 : i32
    %parallel_loop3A_6 = arith.constant 1 : i32
    scf.for %parallel_loop3A_7 = %parallel_loop3A to %parallel_loop3A_5 step %parallel_loop3A_6  : i32 {
      %parallel_loop3A_8 = arith.index_cast %parallel_loop3A_7 : i32 to index
      %parallel_loop3A_9 = arith.constant 0 : index
      %parallel_loop3A_10 = tpu.vector_load %arg4[%parallel_loop3A_8, %parallel_loop3A_9] {strides = array<i32>} : memref<256x128xf32, #tpu.memory_space<vmem>>, vector<16xf32>,
      %parallel_loop3A_11 = arith.constant 0 : i32
      %parallel_loop3A_12 = vector.broadcast %parallel_loop3A_11 : i32 to vector<16xi32>
      %parallel_loop3A_13 = arith.addi %iota3A, %parallel_loop3A_12 : vector<16xi32>
      %parallel_loop3A_14 = arith.constant dense<true> : vector<16xi1>
      %parallel_loop3A_15, %parallel_loop3A_16, %parallel_loop3A_17 = tpu.sort %parallel_loop3A_10, %parallel_loop3A_13 masked %parallel_loop3A_14 {descending = true} : (vector<16xf32>, vector<16xi32>, vector<16xi1>) -> (vector<16xi1>, vector<16xf32>, vector<16xi32>)
      %parallel_loop3A_18 = arith.index_cast %parallel_loop3A_7 : i32 to index
      %parallel_loop3A_19 = arith.constant 16 : index
      %parallel_loop3A_20 = tpu.vector_load %arg4[%parallel_loop3A_18, %parallel_loop3A_19] {strides = array<i32>} : memref<256x128xf32, #tpu.memory_space<vmem>>, vector<16xf32>,
      %parallel_loop3A_21 = arith.constant 16 : i32
      %parallel_loop3A_22 = vector.broadcast %parallel_loop3A_21 : i32 to vector<16xi32>
      %parallel_loop3A_23 = arith.addi %iota3A, %parallel_loop3A_22 : vector<16xi32>
      %parallel_loop3A_24 = arith.constant dense<true> : vector<16xi1>
      %parallel_loop3A_25, %parallel_loop3A_26, %parallel_loop3A_27 = tpu.sort %parallel_loop3A_20, %parallel_loop3A_23 masked %parallel_loop3A_24 {descending = true} : (vector<16xf32>, vector<16xi32>, vector<16xi1>) -> (vector<16xi1>, vector<16xf32>, vector<16xi32>)
      %parallel_loop3A_28 = arith.index_cast %parallel_loop3A_7 : i32 to index
      %parallel_loop3A_29 = arith.constant 32 : index
      %parallel_loop3A_30 = tpu.vector_load %arg4[%parallel_loop3A_28, %parallel_loop3A_29] {strides = array<i32>} : memref<256x128xf32, #tpu.memory_space<vmem>>, vector<16xf32>,
      %parallel_loop3A_31 = arith.constant 32 : i32
      %parallel_loop3A_32 = vector.broadcast %parallel_loop3A_31 : i32 to vector<16xi32>
      %parallel_loop3A_33 = arith.addi %iota3A, %parallel_loop3A_32 : vector<16xi32>
      %parallel_loop3A_34 = arith.constant dense<true> : vector<16xi1>
      %parallel_loop3A_35, %parallel_loop3A_36, %parallel_loop3A_37 = tpu.sort %parallel_loop3A_30, %parallel_loop3A_33 masked %parallel_loop3A_34 {descending = true} : (vector<16xf32>, vector<16xi32>, vector<16xi1>) -> (vector<16xi1>, vector<16xf32>, vector<16xi32>)
      %parallel_loop3A_38 = arith.index_cast %parallel_loop3A_7 : i32 to index
      %parallel_loop3A_39 = arith.constant 48 : index
      %parallel_loop3A_40 = tpu.vector_load %arg4[%parallel_loop3A_38, %parallel_loop3A_39] {strides = array<i32>} : memref<256x128xf32, #tpu.memory_space<vmem>>, vector<16xf32>,
      %parallel_loop3A_41 = arith.constant 48 : i32
      %parallel_loop3A_42 = vector.broadcast %parallel_loop3A_41 : i32 to vector<16xi32>
      %parallel_loop3A_43 = arith.addi %iota3A, %parallel_loop3A_42 : vector<16xi32>
      %parallel_loop3A_44 = arith.constant dense<true> : vector<16xi1>
      %parallel_loop3A_45, %parallel_loop3A_46, %parallel_loop3A_47 = tpu.sort %parallel_loop3A_40, %parallel_loop3A_43 masked %parallel_loop3A_44 {descending = true} : (vector<16xf32>, vector<16xi32>, vector<16xi1>) -> (vector<16xi1>, vector<16xf32>, vector<16xi32>)
      %parallel_loop3A_48 = arith.index_cast %parallel_loop3A_7 : i32 to index
      %parallel_loop3A_49 = arith.constant 64 : index
      %parallel_loop3A_50 = tpu.vector_load %arg4[%parallel_loop3A_48, %parallel_loop3A_49] {strides = array<i32>} : memref<256x128xf32, #tpu.memory_space<vmem>>, vector<16xf32>,
      %parallel_loop3A_51 = arith.constant 64 : i32
      %parallel_loop3A_52 = vector.broadcast %parallel_loop3A_51 : i32 to vector<16xi32>
      %parallel_loop3A_53 = arith.addi %iota3A, %parallel_loop3A_52 : vector<16xi32>
      %parallel_loop3A_54 = arith.constant dense<true> : vector<16xi1>
      %parallel_loop3A_55, %parallel_loop3A_56, %parallel_loop3A_57 = tpu.sort %parallel_loop3A_50, %parallel_loop3A_53 masked %parallel_loop3A_54 {descending = true} : (vector<16xf32>, vector<16xi32>, vector<16xi1>) -> (vector<16xi1>, vector<16xf32>, vector<16xi32>)
      %parallel_loop3A_58 = arith.index_cast %parallel_loop3A_7 : i32 to index
      %parallel_loop3A_59 = arith.constant 80 : index
      %parallel_loop3A_60 = tpu.vector_load %arg4[%parallel_loop3A_58, %parallel_loop3A_59] {strides = array<i32>} : memref<256x128xf32, #tpu.memory_space<vmem>>, vector<16xf32>,
      %parallel_loop3A_61 = arith.constant 80 : i32
      %parallel_loop3A_62 = vector.broadcast %parallel_loop3A_61 : i32 to vector<16xi32>
      %parallel_loop3A_63 = arith.addi %iota3A, %parallel_loop3A_62 : vector<16xi32>
      %parallel_loop3A_64 = arith.constant dense<true> : vector<16xi1>
      %parallel_loop3A_65, %parallel_loop3A_66, %parallel_loop3A_67 = tpu.sort %parallel_loop3A_60, %parallel_loop3A_63 masked %parallel_loop3A_64 {descending = true} : (vector<16xf32>, vector<16xi32>, vector<16xi1>) -> (vector<16xi1>, vector<16xf32>, vector<16xi32>)
      %parallel_loop3A_68 = arith.index_cast %parallel_loop3A_7 : i32 to index
      %parallel_loop3A_69 = arith.constant 96 : index
      %parallel_loop3A_70 = tpu.vector_load %arg4[%parallel_loop3A_68, %parallel_loop3A_69] {strides = array<i32>} : memref<256x128xf32, #tpu.memory_space<vmem>>, vector<16xf32>,
      %parallel_loop3A_71 = arith.constant 96 : i32
      %parallel_loop3A_72 = vector.broadcast %parallel_loop3A_71 : i32 to vector<16xi32>
      %parallel_loop3A_73 = arith.addi %iota3A, %parallel_loop3A_72 : vector<16xi32>
      %parallel_loop3A_74 = arith.constant dense<true> : vector<16xi1>
      %parallel_loop3A_75, %parallel_loop3A_76, %parallel_loop3A_77 = tpu.sort %parallel_loop3A_70, %parallel_loop3A_73 masked %parallel_loop3A_74 {descending = true} : (vector<16xf32>, vector<16xi32>, vector<16xi1>) -> (vector<16xi1>, vector<16xf32>, vector<16xi32>)
      %parallel_loop3A_78 = arith.index_cast %parallel_loop3A_7 : i32 to index
      %parallel_loop3A_79 = arith.constant 112 : index
      %parallel_loop3A_80 = tpu.vector_load %arg4[%parallel_loop3A_78, %parallel_loop3A_79] {strides = array<i32>} : memref<256x128xf32, #tpu.memory_space<vmem>>, vector<16xf32>,
      %parallel_loop3A_81 = arith.constant 112 : i32
      %parallel_loop3A_82 = vector.broadcast %parallel_loop3A_81 : i32 to vector<16xi32>
      %parallel_loop3A_83 = arith.addi %iota3A, %parallel_loop3A_82 : vector<16xi32>
      %parallel_loop3A_84 = arith.constant dense<true> : vector<16xi1>
      %parallel_loop3A_85, %parallel_loop3A_86, %parallel_loop3A_87 = tpu.sort %parallel_loop3A_80, %parallel_loop3A_83 masked %parallel_loop3A_84 {descending = true} : (vector<16xf32>, vector<16xi32>, vector<16xi1>) -> (vector<16xi1>, vector<16xf32>, vector<16xi32>)
      %parallel_loop3A_88 = tpu.iota {dimensions = array<i32: 0>} : vector<16xi32>
      %parallel_loop3A_89 = arith.constant 8 : i32
      %parallel_loop3A_90 = vector.broadcast %parallel_loop3A_89 : i32 to vector<16xi32>
      %parallel_loop3A_91 = arith.cmpi slt, %parallel_loop3A_88, %parallel_loop3A_90 : vector<16xi32>
      %parallel_loop3A_92 = arith.constant 15 : i32
      %parallel_loop3A_93 = vector.broadcast %parallel_loop3A_92 : i32 to vector<16xi32>
      %parallel_loop3A_94 = tpu.iota {dimensions = array<i32: 0>} : vector<16xi32>
      %parallel_loop3A_95 = arith.subi %parallel_loop3A_93, %parallel_loop3A_94 : vector<16xi32>
      %parallel_loop3A_96 = tpu.dynamic_gather %parallel_loop3A_26[%parallel_loop3A_95] in [0] : vector<16xf32>, vector<16xi32> -> vector<16xf32>
      %parallel_loop3A_97 = arith.select %parallel_loop3A_91, %parallel_loop3A_16, %parallel_loop3A_96 : vector<16xi1>, vector<16xf32>
      %parallel_loop3A_98 = arith.constant 15 : i32
      %parallel_loop3A_99 = vector.broadcast %parallel_loop3A_98 : i32 to vector<16xi32>
      %parallel_loop3A_100 = tpu.iota {dimensions = array<i32: 0>} : vector<16xi32>
      %parallel_loop3A_101 = arith.subi %parallel_loop3A_99, %parallel_loop3A_100 : vector<16xi32>
      %parallel_loop3A_102 = tpu.dynamic_gather %parallel_loop3A_27[%parallel_loop3A_101] in [0] : vector<16xi32>, vector<16xi32> -> vector<16xi32>
      %parallel_loop3A_103 = arith.select %parallel_loop3A_91, %parallel_loop3A_17, %parallel_loop3A_102 : vector<16xi1>, vector<16xi32>
      %parallel_loop3A_104 = arith.constant dense<true> : vector<16xi1>
      %parallel_loop3A_105, %parallel_loop3A_106, %parallel_loop3A_107 = tpu.sort %parallel_loop3A_97, %parallel_loop3A_103 masked %parallel_loop3A_104 {descending = true} : (vector<16xf32>, vector<16xi32>, vector<16xi1>) -> (vector<16xi1>, vector<16xf32>, vector<16xi32>)
      %parallel_loop3A_108 = tpu.iota {dimensions = array<i32: 0>} : vector<16xi32>
      %parallel_loop3A_109 = arith.constant 8 : i32
      %parallel_loop3A_110 = vector.broadcast %parallel_loop3A_109 : i32 to vector<16xi32>
      %parallel_loop3A_111 = arith.cmpi slt, %parallel_loop3A_108, %parallel_loop3A_110 : vector<16xi32>
      %parallel_loop3A_112 = arith.constant 15 : i32
      %parallel_loop3A_113 = vector.broadcast %parallel_loop3A_112 : i32 to vector<16xi32>
      %parallel_loop3A_114 = tpu.iota {dimensions = array<i32: 0>} : vector<16xi32>
      %parallel_loop3A_115 = arith.subi %parallel_loop3A_113, %parallel_loop3A_114 : vector<16xi32>
      %parallel_loop3A_116 = tpu.dynamic_gather %parallel_loop3A_46[%parallel_loop3A_115] in [0] : vector<16xf32>, vector<16xi32> -> vector<16xf32>
      %parallel_loop3A_117 = arith.select %parallel_loop3A_111, %parallel_loop3A_36, %parallel_loop3A_116 : vector<16xi1>, vector<16xf32>
      %parallel_loop3A_118 = arith.constant 15 : i32
      %parallel_loop3A_119 = vector.broadcast %parallel_loop3A_118 : i32 to vector<16xi32>
      %parallel_loop3A_120 = tpu.iota {dimensions = array<i32: 0>} : vector<16xi32>
      %parallel_loop3A_121 = arith.subi %parallel_loop3A_119, %parallel_loop3A_120 : vector<16xi32>
      %parallel_loop3A_122 = tpu.dynamic_gather %parallel_loop3A_47[%parallel_loop3A_121] in [0] : vector<16xi32>, vector<16xi32> -> vector<16xi32>
      %parallel_loop3A_123 = arith.select %parallel_loop3A_111, %parallel_loop3A_37, %parallel_loop3A_122 : vector<16xi1>, vector<16xi32>
      %parallel_loop3A_124 = arith.constant dense<true> : vector<16xi1>
      %parallel_loop3A_125, %parallel_loop3A_126, %parallel_loop3A_127 = tpu.sort %parallel_loop3A_117, %parallel_loop3A_123 masked %parallel_loop3A_124 {descending = true} : (vector<16xf32>, vector<16xi32>, vector<16xi1>) -> (vector<16xi1>, vector<16xf32>, vector<16xi32>)
      %parallel_loop3A_128 = tpu.iota {dimensions = array<i32: 0>} : vector<16xi32>
      %parallel_loop3A_129 = arith.constant 8 : i32
      %parallel_loop3A_130 = vector.broadcast %parallel_loop3A_129 : i32 to vector<16xi32>
      %parallel_loop3A_131 = arith.cmpi slt, %parallel_loop3A_128, %parallel_loop3A_130 : vector<16xi32>
      %parallel_loop3A_132 = arith.constant 15 : i32
      %parallel_loop3A_133 = vector.broadcast %parallel_loop3A_132 : i32 to vector<16xi32>
      %parallel_loop3A_134 = tpu.iota {dimensions = array<i32: 0>} : vector<16xi32>
      %parallel_loop3A_135 = arith.subi %parallel_loop3A_133, %parallel_loop3A_134 : vector<16xi32>
      %parallel_loop3A_136 = tpu.dynamic_gather %parallel_loop3A_66[%parallel_loop3A_135] in [0] : vector<16xf32>, vector<16xi32> -> vector<16xf32>
      %parallel_loop3A_137 = arith.select %parallel_loop3A_131, %parallel_loop3A_56, %parallel_loop3A_136 : vector<16xi1>, vector<16xf32>
      %parallel_loop3A_138 = arith.constant 15 : i32
      %parallel_loop3A_139 = vector.broadcast %parallel_loop3A_138 : i32 to vector<16xi32>
      %parallel_loop3A_140 = tpu.iota {dimensions = array<i32: 0>} : vector<16xi32>
      %parallel_loop3A_141 = arith.subi %parallel_loop3A_139, %parallel_loop3A_140 : vector<16xi32>
      %parallel_loop3A_142 = tpu.dynamic_gather %parallel_loop3A_67[%parallel_loop3A_141] in [0] : vector<16xi32>, vector<16xi32> -> vector<16xi32>
      %parallel_loop3A_143 = arith.select %parallel_loop3A_131, %parallel_loop3A_57, %parallel_loop3A_142 : vector<16xi1>, vector<16xi32>
      %parallel_loop3A_144 = arith.constant dense<true> : vector<16xi1>
      %parallel_loop3A_145, %parallel_loop3A_146, %parallel_loop3A_147 = tpu.sort %parallel_loop3A_137, %parallel_loop3A_143 masked %parallel_loop3A_144 {descending = true} : (vector<16xf32>, vector<16xi32>, vector<16xi1>) -> (vector<16xi1>, vector<16xf32>, vector<16xi32>)
      %parallel_loop3A_148 = tpu.iota {dimensions = array<i32: 0>} : vector<16xi32>
      %parallel_loop3A_149 = arith.constant 8 : i32
      %parallel_loop3A_150 = vector.broadcast %parallel_loop3A_149 : i32 to vector<16xi32>
      %parallel_loop3A_151 = arith.cmpi slt, %parallel_loop3A_148, %parallel_loop3A_150 : vector<16xi32>
      %parallel_loop3A_152 = arith.constant 15 : i32
      %parallel_loop3A_153 = vector.broadcast %parallel_loop3A_152 : i32 to vector<16xi32>
      %parallel_loop3A_154 = tpu.iota {dimensions = array<i32: 0>} : vector<16xi32>
      %parallel_loop3A_155 = arith.subi %parallel_loop3A_153, %parallel_loop3A_154 : vector<16xi32>
      %parallel_loop3A_156 = tpu.dynamic_gather %parallel_loop3A_86[%parallel_loop3A_155] in [0] : vector<16xf32>, vector<16xi32> -> vector<16xf32>
      %parallel_loop3A_157 = arith.select %parallel_loop3A_151, %parallel_loop3A_76, %parallel_loop3A_156 : vector<16xi1>, vector<16xf32>
      %parallel_loop3A_158 = arith.constant 15 : i32
      %parallel_loop3A_159 = vector.broadcast %parallel_loop3A_158 : i32 to vector<16xi32>
      %parallel_loop3A_160 = tpu.iota {dimensions = array<i32: 0>} : vector<16xi32>
      %parallel_loop3A_161 = arith.subi %parallel_loop3A_159, %parallel_loop3A_160 : vector<16xi32>
      %parallel_loop3A_162 = tpu.dynamic_gather %parallel_loop3A_87[%parallel_loop3A_161] in [0] : vector<16xi32>, vector<16xi32> -> vector<16xi32>
      %parallel_loop3A_163 = arith.select %parallel_loop3A_151, %parallel_loop3A_77, %parallel_loop3A_162 : vector<16xi1>, vector<16xi32>
      %parallel_loop3A_164 = arith.constant dense<true> : vector<16xi1>
      %parallel_loop3A_165, %parallel_loop3A_166, %parallel_loop3A_167 = tpu.sort %parallel_loop3A_157, %parallel_loop3A_163 masked %parallel_loop3A_164 {descending = true} : (vector<16xf32>, vector<16xi32>, vector<16xi1>) -> (vector<16xi1>, vector<16xf32>, vector<16xi32>)
      %parallel_loop3A_168 = tpu.iota {dimensions = array<i32: 0>} : vector<16xi32>
      %parallel_loop3A_169 = arith.constant 8 : i32
      %parallel_loop3A_170 = vector.broadcast %parallel_loop3A_169 : i32 to vector<16xi32>
      %parallel_loop3A_171 = arith.cmpi slt, %parallel_loop3A_168, %parallel_loop3A_170 : vector<16xi32>
      %parallel_loop3A_172 = arith.constant 15 : i32
      %parallel_loop3A_173 = vector.broadcast %parallel_loop3A_172 : i32 to vector<16xi32>
      %parallel_loop3A_174 = tpu.iota {dimensions = array<i32: 0>} : vector<16xi32>
      %parallel_loop3A_175 = arith.subi %parallel_loop3A_173, %parallel_loop3A_174 : vector<16xi32>
      %parallel_loop3A_176 = tpu.dynamic_gather %parallel_loop3A_126[%parallel_loop3A_175] in [0] : vector<16xf32>, vector<16xi32> -> vector<16xf32>
      %parallel_loop3A_177 = arith.select %parallel_loop3A_171, %parallel_loop3A_106, %parallel_loop3A_176 : vector<16xi1>, vector<16xf32>
      %parallel_loop3A_178 = arith.constant 15 : i32
      %parallel_loop3A_179 = vector.broadcast %parallel_loop3A_178 : i32 to vector<16xi32>
      %parallel_loop3A_180 = tpu.iota {dimensions = array<i32: 0>} : vector<16xi32>
      %parallel_loop3A_181 = arith.subi %parallel_loop3A_179, %parallel_loop3A_180 : vector<16xi32>
      %parallel_loop3A_182 = tpu.dynamic_gather %parallel_loop3A_127[%parallel_loop3A_181] in [0] : vector<16xi32>, vector<16xi32> -> vector<16xi32>
      %parallel_loop3A_183 = arith.select %parallel_loop3A_171, %parallel_loop3A_107, %parallel_loop3A_182 : vector<16xi1>, vector<16xi32>
      %parallel_loop3A_184 = arith.constant dense<true> : vector<16xi1>
      %parallel_loop3A_185, %parallel_loop3A_186, %parallel_loop3A_187 = tpu.sort %parallel_loop3A_177, %parallel_loop3A_183 masked %parallel_loop3A_184 {descending = true} : (vector<16xf32>, vector<16xi32>, vector<16xi1>) -> (vector<16xi1>, vector<16xf32>, vector<16xi32>)
      %parallel_loop3A_188 = tpu.iota {dimensions = array<i32: 0>} : vector<16xi32>
      %parallel_loop3A_189 = arith.constant 8 : i32
      %parallel_loop3A_190 = vector.broadcast %parallel_loop3A_189 : i32 to vector<16xi32>
      %parallel_loop3A_191 = arith.cmpi slt, %parallel_loop3A_188, %parallel_loop3A_190 : vector<16xi32>
      %parallel_loop3A_192 = arith.constant 15 : i32
      %parallel_loop3A_193 = vector.broadcast %parallel_loop3A_192 : i32 to vector<16xi32>
      %parallel_loop3A_194 = tpu.iota {dimensions = array<i32: 0>} : vector<16xi32>
      %parallel_loop3A_195 = arith.subi %parallel_loop3A_193, %parallel_loop3A_194 : vector<16xi32>
      %parallel_loop3A_196 = tpu.dynamic_gather %parallel_loop3A_166[%parallel_loop3A_195] in [0] : vector<16xf32>, vector<16xi32> -> vector<16xf32>
      %parallel_loop3A_197 = arith.select %parallel_loop3A_191, %parallel_loop3A_146, %parallel_loop3A_196 : vector<16xi1>, vector<16xf32>
      %parallel_loop3A_198 = arith.constant 15 : i32
      %parallel_loop3A_199 = vector.broadcast %parallel_loop3A_198 : i32 to vector<16xi32>
      %parallel_loop3A_200 = tpu.iota {dimensions = array<i32: 0>} : vector<16xi32>
      %parallel_loop3A_201 = arith.subi %parallel_loop3A_199, %parallel_loop3A_200 : vector<16xi32>
      %parallel_loop3A_202 = tpu.dynamic_gather %parallel_loop3A_167[%parallel_loop3A_201] in [0] : vector<16xi32>, vector<16xi32> -> vector<16xi32>
      %parallel_loop3A_203 = arith.select %parallel_loop3A_191, %parallel_loop3A_147, %parallel_loop3A_202 : vector<16xi1>, vector<16xi32>
      %parallel_loop3A_204 = arith.constant dense<true> : vector<16xi1>
      %parallel_loop3A_205, %parallel_loop3A_206, %parallel_loop3A_207 = tpu.sort %parallel_loop3A_197, %parallel_loop3A_203 masked %parallel_loop3A_204 {descending = true} : (vector<16xf32>, vector<16xi32>, vector<16xi1>) -> (vector<16xi1>, vector<16xf32>, vector<16xi32>)
      %parallel_loop3A_208 = tpu.iota {dimensions = array<i32: 0>} : vector<16xi32>
      %parallel_loop3A_209 = arith.constant 8 : i32
      %parallel_loop3A_210 = vector.broadcast %parallel_loop3A_209 : i32 to vector<16xi32>
      %parallel_loop3A_211 = arith.cmpi slt, %parallel_loop3A_208, %parallel_loop3A_210 : vector<16xi32>
      %parallel_loop3A_212 = arith.constant 15 : i32
      %parallel_loop3A_213 = vector.broadcast %parallel_loop3A_212 : i32 to vector<16xi32>
      %parallel_loop3A_214 = tpu.iota {dimensions = array<i32: 0>} : vector<16xi32>
      %parallel_loop3A_215 = arith.subi %parallel_loop3A_213, %parallel_loop3A_214 : vector<16xi32>
      %parallel_loop3A_216 = tpu.dynamic_gather %parallel_loop3A_206[%parallel_loop3A_215] in [0] : vector<16xf32>, vector<16xi32> -> vector<16xf32>
      %parallel_loop3A_217 = arith.select %parallel_loop3A_211, %parallel_loop3A_186, %parallel_loop3A_216 : vector<16xi1>, vector<16xf32>
      %parallel_loop3A_218 = arith.constant 15 : i32
      %parallel_loop3A_219 = vector.broadcast %parallel_loop3A_218 : i32 to vector<16xi32>
      %parallel_loop3A_220 = tpu.iota {dimensions = array<i32: 0>} : vector<16xi32>
      %parallel_loop3A_221 = arith.subi %parallel_loop3A_219, %parallel_loop3A_220 : vector<16xi32>
      %parallel_loop3A_222 = tpu.dynamic_gather %parallel_loop3A_207[%parallel_loop3A_221] in [0] : vector<16xi32>, vector<16xi32> -> vector<16xi32>
      %parallel_loop3A_223 = arith.select %parallel_loop3A_211, %parallel_loop3A_187, %parallel_loop3A_222 : vector<16xi1>, vector<16xi32>
      %parallel_loop3A_224 = arith.constant dense<true> : vector<16xi1>
      %parallel_loop3A_225, %parallel_loop3A_226, %parallel_loop3A_227 = tpu.sort %parallel_loop3A_217, %parallel_loop3A_223 masked %parallel_loop3A_224 {descending = true} : (vector<16xf32>, vector<16xi32>, vector<16xi1>) -> (vector<16xi1>, vector<16xf32>, vector<16xi32>)
      %parallel_loop3A_228 = arith.constant 8 : i32
      %parallel_loop3A_229 = vector.broadcast %parallel_loop3A_228 : i32 to vector<16xi32>
      %parallel_loop3A_230 = arith.addi %iota3A, %parallel_loop3A_229 : vector<16xi32>
      %parallel_loop3A_231 = arith.constant 15 : i32
      %parallel_loop3A_232 = vector.broadcast %parallel_loop3A_231 : i32 to vector<16xi32>
      %parallel_loop3A_233 = arith.andi %parallel_loop3A_230, %parallel_loop3A_232 : vector<16xi32>
      %parallel_loop3A_234 = arith.constant 0 : i32
      %parallel_loop3A_235 = vector.broadcast %parallel_loop3A_234 : i32 to vector<16xi32>
      %parallel_loop3A_236 = arith.cmpi slt, %parallel_loop3A_233, %parallel_loop3A_235 : vector<16xi32>
      %parallel_loop3A_237 = arith.constant 16 : i32
      %parallel_loop3A_238 = vector.broadcast %parallel_loop3A_237 : i32 to vector<16xi32>
      %parallel_loop3A_239 = arith.addi %parallel_loop3A_233, %parallel_loop3A_238 : vector<16xi32>
      %parallel_loop3A_240 = arith.select %parallel_loop3A_236, %parallel_loop3A_239, %parallel_loop3A_233 : vector<16xi1>, vector<16xi32>
      %parallel_loop3A_241 = vector.shape_cast %parallel_loop3A_240 : vector<16xi32> to vector<16x1xi32>
      %parallel_loop3A_242 = vector.shape_cast %parallel_loop3A_241 : vector<16x1xi32> to vector<16xi32>
      %parallel_loop3A_243 = tpu.dynamic_gather %parallel_loop3A_226[%parallel_loop3A_242] in [0] : vector<16xf32>, vector<16xi32> -> vector<16xf32>
      %parallel_loop3A_244 = vector.bitcast %parallel_loop3A_243 : vector<16xf32> to vector<16xi32>
      %parallel_loop3A_245 = arith.select %lt3A_2, %parallel_loop3A_227, %parallel_loop3A_244 : vector<16xi1>, vector<16xi32>
      %parallel_loop3A_246 = arith.index_cast %parallel_loop3A_7 : i32 to index
      %parallel_loop3A_247 = arith.constant 0 : index
      %parallel_loop3A_248 = tpu.vector_load %arg5[%parallel_loop3A_246, %parallel_loop3A_247] {strides = array<i32>} : memref<256x16xi32, #tpu.memory_space<vmem>>, vector<16xi32>,
      tpu.vector_store %arg5[%parallel_loop3A_246, %parallel_loop3A_247], %parallel_loop3A_245 {strides = array<i32>} : memref<256x16xi32, #tpu.memory_space<vmem>>, vector<16xi32>,
    } {sc.loop_unroll_factor = 2 : i64, sc.parallel_access}
    "tpu.region"() ({
      %run_scoped3A = tpu.sem_alloc : memref<!tpu.dma_semaphore, #tpu.memory_space<semaphore_mem>>
      %dma_start3A = arith.constant 0 : i32
      %dma_start3A_7 = tpu.memref_slice %arg3[%mul3A_4, %dma_start3A] : memref<8192x16xi32, #tpu.memory_space<hbm>> -> memref<256x16xi32, #tpu.memory_space<hbm>>
      %dma_start3A_8 = arith.constant 0 : i32
      %dma_start3A_9 = tpu.memref_slice %arg3[%mul3A_4, %dma_start3A_8] : memref<8192x16xi32, #tpu.memory_space<hbm>> -> memref<256x16xi32, #tpu.memory_space<hbm>>
      tpu.enqueue_dma source(%arg5 : memref<256x16xi32, #tpu.memory_space<vmem>>) target(%dma_start3A_9 : memref<256x16xi32, #tpu.memory_space<hbm>>) target_semaphore(%run_scoped3A : memref<!tpu.dma_semaphore, #tpu.memory_space<semaphore_mem>>)
      %dma_wait3A = arith.constant 0 : i32
      %dma_wait3A_10 = tpu.memref_slice %arg3[%mul3A_4, %dma_wait3A] : memref<8192x16xi32, #tpu.memory_space<hbm>> -> memref<256x16xi32, #tpu.memory_space<hbm>>
      %dma_wait3A_11 = arith.constant 0 : i32
      %dma_wait3A_12 = tpu.memref_slice %arg3[%mul3A_4, %dma_wait3A_11] : memref<8192x16xi32, #tpu.memory_space<hbm>> -> memref<256x16xi32, #tpu.memory_space<hbm>>
      tpu.wait_dma2 semaphore(%run_scoped3A : memref<!tpu.dma_semaphore, #tpu.memory_space<semaphore_mem>>) src(%arg5 : memref<256x16xi32, #tpu.memory_space<vmem>>) dst(%dma_wait3A_12 : memref<256x16xi32, #tpu.memory_space<hbm>>)
      tpu.yield
    }) : () -> ()
    return
  }
}

#map = affine_map<(d0, d1) -> (0, 0)>
module attributes {stable_mosaic.version = 14 : i64} {
  func.func @_sc_topk_body(%arg0: i32, %arg1: i32, %arg2: memref<8192x128xf32, #tpu.memory_space<hbm>>, %arg3: memref<8192x16xi32, #tpu.memory_space<hbm>>, %arg4: memref<256x128xf32, #tpu.memory_space<vmem>>, %arg5: memref<256x16xi32, #tpu.memory_space<vmem>>) attributes {dimension_semantics = [#tpu.dimension_semantics<core_parallel>, #tpu.dimension_semantics<subcore_parallel>], iteration_bounds = array<i64: 2, 16>, scalar_prefetch = 0 : i64, scratch_operands = 2 : i64, tpu.core_type = #tpu.core_type<sc_vector_subcore>, window_params = [{transform_indices = #map}, {transform_indices = #map}]} {
    %mul3A = arith.constant 2 : i32
    %mul3A_0 = arith.muli %arg1, %mul3A : i32
    %add3A = arith.addi %mul3A_0, %arg0 : i32
    %iota3A = tpu.iota {dimensions = array<i32: 0>} : vector<16xi32>
    %lt3A = arith.constant 8 : i32
    %lt3A_1 = vector.broadcast %lt3A : i32 to vector<16xi32>
    %lt3A_2 = arith.cmpi slt, %iota3A, %lt3A_1 : vector<16xi32>
    %mul3A_3 = arith.constant 256 : i32
    %mul3A_4 = arith.muli %add3A, %mul3A_3 : i32
    "tpu.region"() ({
      %run_scoped3A = tpu.sem_alloc : memref<!tpu.dma_semaphore, #tpu.memory_space<semaphore_mem>>
      %dma_start3A = arith.constant 0 : i32
      %dma_start3A_7 = tpu.memref_slice %arg2[%mul3A_4, %dma_start3A] : memref<8192x128xf32, #tpu.memory_space<hbm>> -> memref<256x128xf32, #tpu.memory_space<hbm>>
      %dma_start3A_8 = arith.constant 0 : i32
      %dma_start3A_9 = tpu.memref_slice %arg2[%mul3A_4, %dma_start3A_8] : memref<8192x128xf32, #tpu.memory_space<hbm>> -> memref<256x128xf32, #tpu.memory_space<hbm>>
      tpu.enqueue_dma source(%dma_start3A_9 : memref<256x128xf32, #tpu.memory_space<hbm>>) target(%arg4 : memref<256x128xf32, #tpu.memory_space<vmem>>) target_semaphore(%run_scoped3A : memref<!tpu.dma_semaphore, #tpu.memory_space<semaphore_mem>>)
      %dma_wait3A = arith.constant 0 : i32
      %dma_wait3A_10 = tpu.memref_slice %arg2[%mul3A_4, %dma_wait3A] : memref<8192x128xf32, #tpu.memory_space<hbm>> -> memref<256x128xf32, #tpu.memory_space<hbm>>
      %dma_wait3A_11 = arith.constant 0 : i32
      %dma_wait3A_12 = tpu.memref_slice %arg2[%mul3A_4, %dma_wait3A_11] : memref<8192x128xf32, #tpu.memory_space<hbm>> -> memref<256x128xf32, #tpu.memory_space<hbm>>
      tpu.wait_dma2 semaphore(%run_scoped3A : memref<!tpu.dma_semaphore, #tpu.memory_space<semaphore_mem>>) src(%dma_wait3A_12 : memref<256x128xf32, #tpu.memory_space<hbm>>) dst(%arg4 : memref<256x128xf32, #tpu.memory_space<vmem>>)
      tpu.yield
    }) : () -> ()
    %parallel_loop3A = arith.constant 0 : i32
    %parallel_loop3A_5 = arith.constant 256 : i32
    %parallel_loop3A_6 = arith.constant 1 : i32
    scf.for %parallel_loop3A_7 = %parallel_loop3A to %parallel_loop3A_5 step %parallel_loop3A_6  : i32 {
      %parallel_loop3A_8 = arith.index_cast %parallel_loop3A_7 : i32 to index
      %parallel_loop3A_9 = arith.constant 0 : index
      %parallel_loop3A_10 = tpu.vector_load %arg4[%parallel_loop3A_8, %parallel_loop3A_9] {strides = array<i32>} : memref<256x128xf32, #tpu.memory_space<vmem>>, vector<16xf32>,
      %parallel_loop3A_11 = arith.constant 0 : i32
      %parallel_loop3A_12 = vector.broadcast %parallel_loop3A_11 : i32 to vector<16xi32>
      %parallel_loop3A_13 = arith.addi %iota3A, %parallel_loop3A_12 : vector<16xi32>
      %parallel_loop3A_14 = arith.constant dense<true> : vector<16xi1>
      %parallel_loop3A_15, %parallel_loop3A_16, %parallel_loop3A_17 = tpu.sort %parallel_loop3A_10, %parallel_loop3A_13 masked %parallel_loop3A_14 {descending = true} : (vector<16xf32>, vector<16xi32>, vector<16xi1>) -> (vector<16xi1>, vector<16xf32>, vector<16xi32>)
      %parallel_loop3A_18 = arith.index_cast %parallel_loop3A_7 : i32 to index
      %parallel_loop3A_19 = arith.constant 16 : index
      %parallel_loop3A_20 = tpu.vector_load %arg4[%parallel_loop3A_18, %parallel_loop3A_19] {strides = array<i32>} : memref<256x128xf32, #tpu.memory_space<vmem>>, vector<16xf32>,
      %parallel_loop3A_21 = arith.constant 16 : i32
      %parallel_loop3A_22 = vector.broadcast %parallel_loop3A_21 : i32 to vector<16xi32>
      %parallel_loop3A_23 = arith.addi %iota3A, %parallel_loop3A_22 : vector<16xi32>
      %parallel_loop3A_24 = arith.constant dense<true> : vector<16xi1>
      %parallel_loop3A_25, %parallel_loop3A_26, %parallel_loop3A_27 = tpu.sort %parallel_loop3A_20, %parallel_loop3A_23 masked %parallel_loop3A_24 {descending = true} : (vector<16xf32>, vector<16xi32>, vector<16xi1>) -> (vector<16xi1>, vector<16xf32>, vector<16xi32>)
      %parallel_loop3A_28 = arith.index_cast %parallel_loop3A_7 : i32 to index
      %parallel_loop3A_29 = arith.constant 32 : index
      %parallel_loop3A_30 = tpu.vector_load %arg4[%parallel_loop3A_28, %parallel_loop3A_29] {strides = array<i32>} : memref<256x128xf32, #tpu.memory_space<vmem>>, vector<16xf32>,
      %parallel_loop3A_31 = arith.constant 32 : i32
      %parallel_loop3A_32 = vector.broadcast %parallel_loop3A_31 : i32 to vector<16xi32>
      %parallel_loop3A_33 = arith.addi %iota3A, %parallel_loop3A_32 : vector<16xi32>
      %parallel_loop3A_34 = arith.constant dense<true> : vector<16xi1>
      %parallel_loop3A_35, %parallel_loop3A_36, %parallel_loop3A_37 = tpu.sort %parallel_loop3A_30, %parallel_loop3A_33 masked %parallel_loop3A_34 {descending = true} : (vector<16xf32>, vector<16xi32>, vector<16xi1>) -> (vector<16xi1>, vector<16xf32>, vector<16xi32>)
      %parallel_loop3A_38 = arith.index_cast %parallel_loop3A_7 : i32 to index
      %parallel_loop3A_39 = arith.constant 48 : index
      %parallel_loop3A_40 = tpu.vector_load %arg4[%parallel_loop3A_38, %parallel_loop3A_39] {strides = array<i32>} : memref<256x128xf32, #tpu.memory_space<vmem>>, vector<16xf32>,
      %parallel_loop3A_41 = arith.constant 48 : i32
      %parallel_loop3A_42 = vector.broadcast %parallel_loop3A_41 : i32 to vector<16xi32>
      %parallel_loop3A_43 = arith.addi %iota3A, %parallel_loop3A_42 : vector<16xi32>
      %parallel_loop3A_44 = arith.constant dense<true> : vector<16xi1>
      %parallel_loop3A_45, %parallel_loop3A_46, %parallel_loop3A_47 = tpu.sort %parallel_loop3A_40, %parallel_loop3A_43 masked %parallel_loop3A_44 {descending = true} : (vector<16xf32>, vector<16xi32>, vector<16xi1>) -> (vector<16xi1>, vector<16xf32>, vector<16xi32>)
      %parallel_loop3A_48 = arith.index_cast %parallel_loop3A_7 : i32 to index
      %parallel_loop3A_49 = arith.constant 64 : index
      %parallel_loop3A_50 = tpu.vector_load %arg4[%parallel_loop3A_48, %parallel_loop3A_49] {strides = array<i32>} : memref<256x128xf32, #tpu.memory_space<vmem>>, vector<16xf32>,
      %parallel_loop3A_51 = arith.constant 64 : i32
      %parallel_loop3A_52 = vector.broadcast %parallel_loop3A_51 : i32 to vector<16xi32>
      %parallel_loop3A_53 = arith.addi %iota3A, %parallel_loop3A_52 : vector<16xi32>
      %parallel_loop3A_54 = arith.constant dense<true> : vector<16xi1>
      %parallel_loop3A_55, %parallel_loop3A_56, %parallel_loop3A_57 = tpu.sort %parallel_loop3A_50, %parallel_loop3A_53 masked %parallel_loop3A_54 {descending = true} : (vector<16xf32>, vector<16xi32>, vector<16xi1>) -> (vector<16xi1>, vector<16xf32>, vector<16xi32>)
      %parallel_loop3A_58 = arith.index_cast %parallel_loop3A_7 : i32 to index
      %parallel_loop3A_59 = arith.constant 80 : index
      %parallel_loop3A_60 = tpu.vector_load %arg4[%parallel_loop3A_58, %parallel_loop3A_59] {strides = array<i32>} : memref<256x128xf32, #tpu.memory_space<vmem>>, vector<16xf32>,
      %parallel_loop3A_61 = arith.constant 80 : i32
      %parallel_loop3A_62 = vector.broadcast %parallel_loop3A_61 : i32 to vector<16xi32>
      %parallel_loop3A_63 = arith.addi %iota3A, %parallel_loop3A_62 : vector<16xi32>
      %parallel_loop3A_64 = arith.constant dense<true> : vector<16xi1>
      %parallel_loop3A_65, %parallel_loop3A_66, %parallel_loop3A_67 = tpu.sort %parallel_loop3A_60, %parallel_loop3A_63 masked %parallel_loop3A_64 {descending = true} : (vector<16xf32>, vector<16xi32>, vector<16xi1>) -> (vector<16xi1>, vector<16xf32>, vector<16xi32>)
      %parallel_loop3A_68 = arith.index_cast %parallel_loop3A_7 : i32 to index
      %parallel_loop3A_69 = arith.constant 96 : index
      %parallel_loop3A_70 = tpu.vector_load %arg4[%parallel_loop3A_68, %parallel_loop3A_69] {strides = array<i32>} : memref<256x128xf32, #tpu.memory_space<vmem>>, vector<16xf32>,
      %parallel_loop3A_71 = arith.constant 96 : i32
      %parallel_loop3A_72 = vector.broadcast %parallel_loop3A_71 : i32 to vector<16xi32>
      %parallel_loop3A_73 = arith.addi %iota3A, %parallel_loop3A_72 : vector<16xi32>
      %parallel_loop3A_74 = arith.constant dense<true> : vector<16xi1>
      %parallel_loop3A_75, %parallel_loop3A_76, %parallel_loop3A_77 = tpu.sort %parallel_loop3A_70, %parallel_loop3A_73 masked %parallel_loop3A_74 {descending = true} : (vector<16xf32>, vector<16xi32>, vector<16xi1>) -> (vector<16xi1>, vector<16xf32>, vector<16xi32>)
      %parallel_loop3A_78 = arith.index_cast %parallel_loop3A_7 : i32 to index
      %parallel_loop3A_79 = arith.constant 112 : index
      %parallel_loop3A_80 = tpu.vector_load %arg4[%parallel_loop3A_78, %parallel_loop3A_79] {strides = array<i32>} : memref<256x128xf32, #tpu.memory_space<vmem>>, vector<16xf32>,
      %parallel_loop3A_81 = arith.constant 112 : i32
      %parallel_loop3A_82 = vector.broadcast %parallel_loop3A_81 : i32 to vector<16xi32>
      %parallel_loop3A_83 = arith.addi %iota3A, %parallel_loop3A_82 : vector<16xi32>
      %parallel_loop3A_84 = arith.constant dense<true> : vector<16xi1>
      %parallel_loop3A_85, %parallel_loop3A_86, %parallel_loop3A_87 = tpu.sort %parallel_loop3A_80, %parallel_loop3A_83 masked %parallel_loop3A_84 {descending = true} : (vector<16xf32>, vector<16xi32>, vector<16xi1>) -> (vector<16xi1>, vector<16xf32>, vector<16xi32>)
      %parallel_loop3A_88 = tpu.iota {dimensions = array<i32: 0>} : vector<16xi32>
      %parallel_loop3A_89 = arith.constant 8 : i32
      %parallel_loop3A_90 = vector.broadcast %parallel_loop3A_89 : i32 to vector<16xi32>
      %parallel_loop3A_91 = arith.cmpi slt, %parallel_loop3A_88, %parallel_loop3A_90 : vector<16xi32>
      %parallel_loop3A_92 = arith.constant 15 : i32
      %parallel_loop3A_93 = vector.broadcast %parallel_loop3A_92 : i32 to vector<16xi32>
      %parallel_loop3A_94 = tpu.iota {dimensions = array<i32: 0>} : vector<16xi32>
      %parallel_loop3A_95 = arith.subi %parallel_loop3A_93, %parallel_loop3A_94 : vector<16xi32>
      %parallel_loop3A_96 = tpu.dynamic_gather %parallel_loop3A_26[%parallel_loop3A_95] in [0] : vector<16xf32>, vector<16xi32> -> vector<16xf32>
      %parallel_loop3A_97 = arith.select %parallel_loop3A_91, %parallel_loop3A_16, %parallel_loop3A_96 : vector<16xi1>, vector<16xf32>
      %parallel_loop3A_98 = arith.constant 15 : i32
      %parallel_loop3A_99 = vector.broadcast %parallel_loop3A_98 : i32 to vector<16xi32>
      %parallel_loop3A_100 = tpu.iota {dimensions = array<i32: 0>} : vector<16xi32>
      %parallel_loop3A_101 = arith.subi %parallel_loop3A_99, %parallel_loop3A_100 : vector<16xi32>
      %parallel_loop3A_102 = tpu.dynamic_gather %parallel_loop3A_27[%parallel_loop3A_101] in [0] : vector<16xi32>, vector<16xi32> -> vector<16xi32>
      %parallel_loop3A_103 = arith.select %parallel_loop3A_91, %parallel_loop3A_17, %parallel_loop3A_102 : vector<16xi1>, vector<16xi32>
      %parallel_loop3A_104 = arith.constant dense<true> : vector<16xi1>
      %parallel_loop3A_105, %parallel_loop3A_106, %parallel_loop3A_107 = tpu.sort %parallel_loop3A_97, %parallel_loop3A_103 masked %parallel_loop3A_104 {descending = true} : (vector<16xf32>, vector<16xi32>, vector<16xi1>) -> (vector<16xi1>, vector<16xf32>, vector<16xi32>)
      %parallel_loop3A_108 = tpu.iota {dimensions = array<i32: 0>} : vector<16xi32>
      %parallel_loop3A_109 = arith.constant 8 : i32
      %parallel_loop3A_110 = vector.broadcast %parallel_loop3A_109 : i32 to vector<16xi32>
      %parallel_loop3A_111 = arith.cmpi slt, %parallel_loop3A_108, %parallel_loop3A_110 : vector<16xi32>
      %parallel_loop3A_112 = arith.constant 15 : i32
      %parallel_loop3A_113 = vector.broadcast %parallel_loop3A_112 : i32 to vector<16xi32>
      %parallel_loop3A_114 = tpu.iota {dimensions = array<i32: 0>} : vector<16xi32>
      %parallel_loop3A_115 = arith.subi %parallel_loop3A_113, %parallel_loop3A_114 : vector<16xi32>
      %parallel_loop3A_116 = tpu.dynamic_gather %parallel_loop3A_46[%parallel_loop3A_115] in [0] : vector<16xf32>, vector<16xi32> -> vector<16xf32>
      %parallel_loop3A_117 = arith.select %parallel_loop3A_111, %parallel_loop3A_36, %parallel_loop3A_116 : vector<16xi1>, vector<16xf32>
      %parallel_loop3A_118 = arith.constant 15 : i32
      %parallel_loop3A_119 = vector.broadcast %parallel_loop3A_118 : i32 to vector<16xi32>
      %parallel_loop3A_120 = tpu.iota {dimensions = array<i32: 0>} : vector<16xi32>
      %parallel_loop3A_121 = arith.subi %parallel_loop3A_119, %parallel_loop3A_120 : vector<16xi32>
      %parallel_loop3A_122 = tpu.dynamic_gather %parallel_loop3A_47[%parallel_loop3A_121] in [0] : vector<16xi32>, vector<16xi32> -> vector<16xi32>
      %parallel_loop3A_123 = arith.select %parallel_loop3A_111, %parallel_loop3A_37, %parallel_loop3A_122 : vector<16xi1>, vector<16xi32>
      %parallel_loop3A_124 = arith.constant dense<true> : vector<16xi1>
      %parallel_loop3A_125, %parallel_loop3A_126, %parallel_loop3A_127 = tpu.sort %parallel_loop3A_117, %parallel_loop3A_123 masked %parallel_loop3A_124 {descending = true} : (vector<16xf32>, vector<16xi32>, vector<16xi1>) -> (vector<16xi1>, vector<16xf32>, vector<16xi32>)
      %parallel_loop3A_128 = tpu.iota {dimensions = array<i32: 0>} : vector<16xi32>
      %parallel_loop3A_129 = arith.constant 8 : i32
      %parallel_loop3A_130 = vector.broadcast %parallel_loop3A_129 : i32 to vector<16xi32>
      %parallel_loop3A_131 = arith.cmpi slt, %parallel_loop3A_128, %parallel_loop3A_130 : vector<16xi32>
      %parallel_loop3A_132 = arith.constant 15 : i32
      %parallel_loop3A_133 = vector.broadcast %parallel_loop3A_132 : i32 to vector<16xi32>
      %parallel_loop3A_134 = tpu.iota {dimensions = array<i32: 0>} : vector<16xi32>
      %parallel_loop3A_135 = arith.subi %parallel_loop3A_133, %parallel_loop3A_134 : vector<16xi32>
      %parallel_loop3A_136 = tpu.dynamic_gather %parallel_loop3A_66[%parallel_loop3A_135] in [0] : vector<16xf32>, vector<16xi32> -> vector<16xf32>
      %parallel_loop3A_137 = arith.select %parallel_loop3A_131, %parallel_loop3A_56, %parallel_loop3A_136 : vector<16xi1>, vector<16xf32>
      %parallel_loop3A_138 = arith.constant 15 : i32
      %parallel_loop3A_139 = vector.broadcast %parallel_loop3A_138 : i32 to vector<16xi32>
      %parallel_loop3A_140 = tpu.iota {dimensions = array<i32: 0>} : vector<16xi32>
      %parallel_loop3A_141 = arith.subi %parallel_loop3A_139, %parallel_loop3A_140 : vector<16xi32>
      %parallel_loop3A_142 = tpu.dynamic_gather %parallel_loop3A_67[%parallel_loop3A_141] in [0] : vector<16xi32>, vector<16xi32> -> vector<16xi32>
      %parallel_loop3A_143 = arith.select %parallel_loop3A_131, %parallel_loop3A_57, %parallel_loop3A_142 : vector<16xi1>, vector<16xi32>
      %parallel_loop3A_144 = arith.constant dense<true> : vector<16xi1>
      %parallel_loop3A_145, %parallel_loop3A_146, %parallel_loop3A_147 = tpu.sort %parallel_loop3A_137, %parallel_loop3A_143 masked %parallel_loop3A_144 {descending = true} : (vector<16xf32>, vector<16xi32>, vector<16xi1>) -> (vector<16xi1>, vector<16xf32>, vector<16xi32>)
      %parallel_loop3A_148 = tpu.iota {dimensions = array<i32: 0>} : vector<16xi32>
      %parallel_loop3A_149 = arith.constant 8 : i32
      %parallel_loop3A_150 = vector.broadcast %parallel_loop3A_149 : i32 to vector<16xi32>
      %parallel_loop3A_151 = arith.cmpi slt, %parallel_loop3A_148, %parallel_loop3A_150 : vector<16xi32>
      %parallel_loop3A_152 = arith.constant 15 : i32
      %parallel_loop3A_153 = vector.broadcast %parallel_loop3A_152 : i32 to vector<16xi32>
      %parallel_loop3A_154 = tpu.iota {dimensions = array<i32: 0>} : vector<16xi32>
      %parallel_loop3A_155 = arith.subi %parallel_loop3A_153, %parallel_loop3A_154 : vector<16xi32>
      %parallel_loop3A_156 = tpu.dynamic_gather %parallel_loop3A_86[%parallel_loop3A_155] in [0] : vector<16xf32>, vector<16xi32> -> vector<16xf32>
      %parallel_loop3A_157 = arith.select %parallel_loop3A_151, %parallel_loop3A_76, %parallel_loop3A_156 : vector<16xi1>, vector<16xf32>
      %parallel_loop3A_158 = arith.constant 15 : i32
      %parallel_loop3A_159 = vector.broadcast %parallel_loop3A_158 : i32 to vector<16xi32>
      %parallel_loop3A_160 = tpu.iota {dimensions = array<i32: 0>} : vector<16xi32>
      %parallel_loop3A_161 = arith.subi %parallel_loop3A_159, %parallel_loop3A_160 : vector<16xi32>
      %parallel_loop3A_162 = tpu.dynamic_gather %parallel_loop3A_87[%parallel_loop3A_161] in [0] : vector<16xi32>, vector<16xi32> -> vector<16xi32>
      %parallel_loop3A_163 = arith.select %parallel_loop3A_151, %parallel_loop3A_77, %parallel_loop3A_162 : vector<16xi1>, vector<16xi32>
      %parallel_loop3A_164 = arith.constant dense<true> : vector<16xi1>
      %parallel_loop3A_165, %parallel_loop3A_166, %parallel_loop3A_167 = tpu.sort %parallel_loop3A_157, %parallel_loop3A_163 masked %parallel_loop3A_164 {descending = true} : (vector<16xf32>, vector<16xi32>, vector<16xi1>) -> (vector<16xi1>, vector<16xf32>, vector<16xi32>)
      %parallel_loop3A_168 = tpu.iota {dimensions = array<i32: 0>} : vector<16xi32>
      %parallel_loop3A_169 = arith.constant 8 : i32
      %parallel_loop3A_170 = vector.broadcast %parallel_loop3A_169 : i32 to vector<16xi32>
      %parallel_loop3A_171 = arith.cmpi slt, %parallel_loop3A_168, %parallel_loop3A_170 : vector<16xi32>
      %parallel_loop3A_172 = arith.constant 15 : i32
      %parallel_loop3A_173 = vector.broadcast %parallel_loop3A_172 : i32 to vector<16xi32>
      %parallel_loop3A_174 = tpu.iota {dimensions = array<i32: 0>} : vector<16xi32>
      %parallel_loop3A_175 = arith.subi %parallel_loop3A_173, %parallel_loop3A_174 : vector<16xi32>
      %parallel_loop3A_176 = tpu.dynamic_gather %parallel_loop3A_126[%parallel_loop3A_175] in [0] : vector<16xf32>, vector<16xi32> -> vector<16xf32>
      %parallel_loop3A_177 = arith.select %parallel_loop3A_171, %parallel_loop3A_106, %parallel_loop3A_176 : vector<16xi1>, vector<16xf32>
      %parallel_loop3A_178 = arith.constant 15 : i32
      %parallel_loop3A_179 = vector.broadcast %parallel_loop3A_178 : i32 to vector<16xi32>
      %parallel_loop3A_180 = tpu.iota {dimensions = array<i32: 0>} : vector<16xi32>
      %parallel_loop3A_181 = arith.subi %parallel_loop3A_179, %parallel_loop3A_180 : vector<16xi32>
      %parallel_loop3A_182 = tpu.dynamic_gather %parallel_loop3A_127[%parallel_loop3A_181] in [0] : vector<16xi32>, vector<16xi32> -> vector<16xi32>
      %parallel_loop3A_183 = arith.select %parallel_loop3A_171, %parallel_loop3A_107, %parallel_loop3A_182 : vector<16xi1>, vector<16xi32>
      %parallel_loop3A_184 = arith.constant dense<true> : vector<16xi1>
      %parallel_loop3A_185, %parallel_loop3A_186, %parallel_loop3A_187 = tpu.sort %parallel_loop3A_177, %parallel_loop3A_183 masked %parallel_loop3A_184 {descending = true} : (vector<16xf32>, vector<16xi32>, vector<16xi1>) -> (vector<16xi1>, vector<16xf32>, vector<16xi32>)
      %parallel_loop3A_188 = tpu.iota {dimensions = array<i32: 0>} : vector<16xi32>
      %parallel_loop3A_189 = arith.constant 8 : i32
      %parallel_loop3A_190 = vector.broadcast %parallel_loop3A_189 : i32 to vector<16xi32>
      %parallel_loop3A_191 = arith.cmpi slt, %parallel_loop3A_188, %parallel_loop3A_190 : vector<16xi32>
      %parallel_loop3A_192 = arith.constant 15 : i32
      %parallel_loop3A_193 = vector.broadcast %parallel_loop3A_192 : i32 to vector<16xi32>
      %parallel_loop3A_194 = tpu.iota {dimensions = array<i32: 0>} : vector<16xi32>
      %parallel_loop3A_195 = arith.subi %parallel_loop3A_193, %parallel_loop3A_194 : vector<16xi32>
      %parallel_loop3A_196 = tpu.dynamic_gather %parallel_loop3A_166[%parallel_loop3A_195] in [0] : vector<16xf32>, vector<16xi32> -> vector<16xf32>
      %parallel_loop3A_197 = arith.select %parallel_loop3A_191, %parallel_loop3A_146, %parallel_loop3A_196 : vector<16xi1>, vector<16xf32>
      %parallel_loop3A_198 = arith.constant 15 : i32
      %parallel_loop3A_199 = vector.broadcast %parallel_loop3A_198 : i32 to vector<16xi32>
      %parallel_loop3A_200 = tpu.iota {dimensions = array<i32: 0>} : vector<16xi32>
      %parallel_loop3A_201 = arith.subi %parallel_loop3A_199, %parallel_loop3A_200 : vector<16xi32>
      %parallel_loop3A_202 = tpu.dynamic_gather %parallel_loop3A_167[%parallel_loop3A_201] in [0] : vector<16xi32>, vector<16xi32> -> vector<16xi32>
      %parallel_loop3A_203 = arith.select %parallel_loop3A_191, %parallel_loop3A_147, %parallel_loop3A_202 : vector<16xi1>, vector<16xi32>
      %parallel_loop3A_204 = arith.constant dense<true> : vector<16xi1>
      %parallel_loop3A_205, %parallel_loop3A_206, %parallel_loop3A_207 = tpu.sort %parallel_loop3A_197, %parallel_loop3A_203 masked %parallel_loop3A_204 {descending = true} : (vector<16xf32>, vector<16xi32>, vector<16xi1>) -> (vector<16xi1>, vector<16xf32>, vector<16xi32>)
      %parallel_loop3A_208 = tpu.iota {dimensions = array<i32: 0>} : vector<16xi32>
      %parallel_loop3A_209 = arith.constant 8 : i32
      %parallel_loop3A_210 = vector.broadcast %parallel_loop3A_209 : i32 to vector<16xi32>
      %parallel_loop3A_211 = arith.cmpi slt, %parallel_loop3A_208, %parallel_loop3A_210 : vector<16xi32>
      %parallel_loop3A_212 = arith.constant 15 : i32
      %parallel_loop3A_213 = vector.broadcast %parallel_loop3A_212 : i32 to vector<16xi32>
      %parallel_loop3A_214 = tpu.iota {dimensions = array<i32: 0>} : vector<16xi32>
      %parallel_loop3A_215 = arith.subi %parallel_loop3A_213, %parallel_loop3A_214 : vector<16xi32>
      %parallel_loop3A_216 = tpu.dynamic_gather %parallel_loop3A_206[%parallel_loop3A_215] in [0] : vector<16xf32>, vector<16xi32> -> vector<16xf32>
      %parallel_loop3A_217 = arith.select %parallel_loop3A_211, %parallel_loop3A_186, %parallel_loop3A_216 : vector<16xi1>, vector<16xf32>
      %parallel_loop3A_218 = arith.constant 15 : i32
      %parallel_loop3A_219 = vector.broadcast %parallel_loop3A_218 : i32 to vector<16xi32>
      %parallel_loop3A_220 = tpu.iota {dimensions = array<i32: 0>} : vector<16xi32>
      %parallel_loop3A_221 = arith.subi %parallel_loop3A_219, %parallel_loop3A_220 : vector<16xi32>
      %parallel_loop3A_222 = tpu.dynamic_gather %parallel_loop3A_207[%parallel_loop3A_221] in [0] : vector<16xi32>, vector<16xi32> -> vector<16xi32>
      %parallel_loop3A_223 = arith.select %parallel_loop3A_211, %parallel_loop3A_187, %parallel_loop3A_222 : vector<16xi1>, vector<16xi32>
      %parallel_loop3A_224 = arith.constant dense<true> : vector<16xi1>
      %parallel_loop3A_225, %parallel_loop3A_226, %parallel_loop3A_227 = tpu.sort %parallel_loop3A_217, %parallel_loop3A_223 masked %parallel_loop3A_224 {descending = true} : (vector<16xf32>, vector<16xi32>, vector<16xi1>) -> (vector<16xi1>, vector<16xf32>, vector<16xi32>)
      %parallel_loop3A_228 = arith.constant 8 : i32
      %parallel_loop3A_229 = vector.broadcast %parallel_loop3A_228 : i32 to vector<16xi32>
      %parallel_loop3A_230 = arith.addi %iota3A, %parallel_loop3A_229 : vector<16xi32>
      %parallel_loop3A_231 = arith.constant 15 : i32
      %parallel_loop3A_232 = vector.broadcast %parallel_loop3A_231 : i32 to vector<16xi32>
      %parallel_loop3A_233 = arith.andi %parallel_loop3A_230, %parallel_loop3A_232 : vector<16xi32>
      %parallel_loop3A_234 = arith.constant 0 : i32
      %parallel_loop3A_235 = vector.broadcast %parallel_loop3A_234 : i32 to vector<16xi32>
      %parallel_loop3A_236 = arith.cmpi slt, %parallel_loop3A_233, %parallel_loop3A_235 : vector<16xi32>
      %parallel_loop3A_237 = arith.constant 16 : i32
      %parallel_loop3A_238 = vector.broadcast %parallel_loop3A_237 : i32 to vector<16xi32>
      %parallel_loop3A_239 = arith.addi %parallel_loop3A_233, %parallel_loop3A_238 : vector<16xi32>
      %parallel_loop3A_240 = arith.select %parallel_loop3A_236, %parallel_loop3A_239, %parallel_loop3A_233 : vector<16xi1>, vector<16xi32>
      %parallel_loop3A_241 = vector.shape_cast %parallel_loop3A_240 : vector<16xi32> to vector<16x1xi32>
      %parallel_loop3A_242 = vector.shape_cast %parallel_loop3A_241 : vector<16x1xi32> to vector<16xi32>
      %parallel_loop3A_243 = tpu.dynamic_gather %parallel_loop3A_226[%parallel_loop3A_242] in [0] : vector<16xf32>, vector<16xi32> -> vector<16xf32>
      %parallel_loop3A_244 = vector.bitcast %parallel_loop3A_243 : vector<16xf32> to vector<16xi32>
      %parallel_loop3A_245 = arith.select %lt3A_2, %parallel_loop3A_227, %parallel_loop3A_244 : vector<16xi1>, vector<16xi32>
      %parallel_loop3A_246 = arith.index_cast %parallel_loop3A_7 : i32 to index
      %parallel_loop3A_247 = arith.constant 0 : index
      %parallel_loop3A_248 = tpu.vector_load %arg5[%parallel_loop3A_246, %parallel_loop3A_247] {strides = array<i32>} : memref<256x16xi32, #tpu.memory_space<vmem>>, vector<16xi32>,
      tpu.vector_store %arg5[%parallel_loop3A_246, %parallel_loop3A_247], %parallel_loop3A_245 {strides = array<i32>} : memref<256x16xi32, #tpu.memory_space<vmem>>, vector<16xi32>,
    } {sc.loop_unroll_factor = 2 : i64, sc.parallel_access}
    "tpu.region"() ({
      %run_scoped3A = tpu.sem_alloc : memref<!tpu.dma_semaphore, #tpu.memory_space<semaphore_mem>>
      %dma_start3A = arith.constant 0 : i32
      %dma_start3A_7 = tpu.memref_slice %arg3[%mul3A_4, %dma_start3A] : memref<8192x16xi32, #tpu.memory_space<hbm>> -> memref<256x16xi32, #tpu.memory_space<hbm>>
      %dma_start3A_8 = arith.constant 0 : i32
      %dma_start3A_9 = tpu.memref_slice %arg3[%mul3A_4, %dma_start3A_8] : memref<8192x16xi32, #tpu.memory_space<hbm>> -> memref<256x16xi32, #tpu.memory_space<hbm>>
      tpu.enqueue_dma source(%arg5 : memref<256x16xi32, #tpu.memory_space<vmem>>) target(%dma_start3A_9 : memref<256x16xi32, #tpu.memory_space<hbm>>) target_semaphore(%run_scoped3A : memref<!tpu.dma_semaphore, #tpu.memory_space<semaphore_mem>>)
      %dma_wait3A = arith.constant 0 : i32
      %dma_wait3A_10 = tpu.memref_slice %arg3[%mul3A_4, %dma_wait3A] : memref<8192x16xi32, #tpu.memory_space<hbm>> -> memref<256x16xi32, #tpu.memory_space<hbm>>
      %dma_wait3A_11 = arith.constant 0 : i32
      %dma_wait3A_12 = tpu.memref_slice %arg3[%mul3A_4, %dma_wait3A_11] : memref<8192x16xi32, #tpu.memory_space<hbm>> -> memref<256x16xi32, #tpu.memory_space<hbm>>
      tpu.wait_dma2 semaphore(%run_scoped3A : memref<!tpu.dma_semaphore, #tpu.memory_space<semaphore_mem>>) src(%arg5 : memref<256x16xi32, #tpu.memory_space<vmem>>) dst(%dma_wait3A_12 : memref<256x16xi32, #tpu.memory_space<hbm>>)
      tpu.yield
    }) : () -> ()
    return
  }
}

module attributes {stable_mosaic.version = 14 : i64} {
  func.func @_scores_block(%arg0: i32, %arg1: memref<2048x1024xf32, #tpu.memory_space<vmem>>, %arg2: memref<128x1024xf32, #tpu.memory_space<vmem>>, %arg3: memref<2048x128xf32, #tpu.memory_space<vmem>>) attributes {dimension_semantics = [#tpu.dimension_semantics<arbitrary>], iteration_bounds = array<i64: 4>, scalar_prefetch = 0 : i64, scratch_operands = 0 : i64, tpu.core_type = #tpu.core_type<tc>, window_params = [{transform_indices = @transform_0, window_bounds = array<i64: 2048, 1024>}, {pipeline_mode = #tpu.pipeline_mode<synchronous>, transform_indices = @transform_1, window_bounds = array<i64: 128, 1024>}, {transform_indices = @transform_2, window_bounds = array<i64: 2048, 128>}]} {
    %get3A = arith.constant 0 : index
    %get3A_0 = arith.constant 0 : index
    %get3A_1 = vector.load %arg1[%get3A, %get3A_0] : memref<2048x1024xf32, #tpu.memory_space<vmem>>, vector<2048x1024xf32>
    %get3A_2 = arith.constant 0 : index
    %get3A_3 = arith.constant 0 : index
    %get3A_4 = vector.load %arg2[%get3A_2, %get3A_3] : memref<128x1024xf32, #tpu.memory_space<vmem>>, vector<128x1024xf32>
    %dot_general3A = arith.constant dense<0.000000e+00> : vector<2048x128xf32>
    %dot_general3A_5 = tpu.matmul %get3A_1, %get3A_4, %dot_general3A {dimension_numbers = #tpu.dot_dimension_numbers<[1], [1], [0], [0], [0, 0, 1, 0], [], []>, transpose_lhs_hint = false} : vector<2048x1024xf32>, vector<128x1024xf32>, vector<2048x128xf32> -> vector<2048x128xf32>
    %reduce_max3A = arith.constant dense<0xFF800000> : vector<2048xf32>
    %reduce_max3A_6 = vector.multi_reduction <maximumf>, %dot_general3A_5, %reduce_max3A [1] : vector<2048x128xf32> to vector<2048xf32>
    %broadcast_in_dim3A = vector.shape_cast %reduce_max3A_6 : vector<2048xf32> to vector<2048x1xf32>
    %sub3A = vector.broadcast %broadcast_in_dim3A : vector<2048x1xf32> to vector<2048x128xf32>
    %sub3A_7 = arith.subf %dot_general3A_5, %sub3A : vector<2048x128xf32>
    %exp3A = math.exp %sub3A_7 : vector<2048x128xf32>
    %reduce_sum3A = arith.constant dense<0.000000e+00> : vector<2048xf32>
    %reduce_sum3A_8 = vector.multi_reduction <add>, %exp3A, %reduce_sum3A [1] : vector<2048x128xf32> to vector<2048xf32>
    %broadcast_in_dim3A_9 = vector.shape_cast %reduce_sum3A_8 : vector<2048xf32> to vector<2048x1xf32>
    %div3A = vector.broadcast %broadcast_in_dim3A_9 : vector<2048x1xf32> to vector<2048x128xf32>
    %div3A_10 = arith.divf %exp3A, %div3A : vector<2048x128xf32>
    %swap3A = arith.constant 0 : index
    %swap3A_11 = arith.constant 0 : index
    %swap3A_12 = vector.load %arg3[%swap3A, %swap3A_11] : memref<2048x128xf32, #tpu.memory_space<vmem>>, vector<2048x128xf32>
    tpu.vector_store %arg3[%swap3A, %swap3A_11], %div3A_10 {strides = array<i32>} : memref<2048x128xf32, #tpu.memory_space<vmem>>, vector<2048x128xf32>,
    return
  }
  func.func @transform_0(%arg0: i32) -> (i32, i32) {
    %add3A = arith.constant 12 : i32
    %add3A_0 = arith.addi %arg0, %add3A : i32
    %c0_i32 = arith.constant 0 : i32
    %c0_i32_1 = arith.constant 0 : i32
    return %add3A_0, %c0_i32 : i32, i32
  }
  func.func @transform_1(%arg0: i32) -> (i32, i32) {
    %c0_i32 = arith.constant 0 : i32
    %c0_i32_0 = arith.constant 0 : i32
    %c0_i32_1 = arith.constant 0 : i32
    return %c0_i32, %c0_i32_0 : i32, i32
  }
  func.func @transform_2(%arg0: i32) -> (i32, i32) {
    %c0_i32 = arith.constant 0 : i32
    %c0_i32_0 = arith.constant 0 : i32
    return %arg0, %c0_i32 : i32, i32
  }
}

module attributes {stable_mosaic.version = 14 : i64} {
  func.func @_scores_block(%arg0: i32, %arg1: memref<2048x1024xf32, #tpu.memory_space<vmem>>, %arg2: memref<128x1024xf32, #tpu.memory_space<vmem>>, %arg3: memref<2048x128xf32, #tpu.memory_space<vmem>>) attributes {dimension_semantics = [#tpu.dimension_semantics<arbitrary>], iteration_bounds = array<i64: 4>, scalar_prefetch = 0 : i64, scratch_operands = 0 : i64, tpu.core_type = #tpu.core_type<tc>, window_params = [{transform_indices = @transform_0, window_bounds = array<i64: 2048, 1024>}, {pipeline_mode = #tpu.pipeline_mode<synchronous>, transform_indices = @transform_1, window_bounds = array<i64: 128, 1024>}, {transform_indices = @transform_2, window_bounds = array<i64: 2048, 128>}]} {
    %get3A = arith.constant 0 : index
    %get3A_0 = arith.constant 0 : index
    %get3A_1 = vector.load %arg1[%get3A, %get3A_0] : memref<2048x1024xf32, #tpu.memory_space<vmem>>, vector<2048x1024xf32>
    %get3A_2 = arith.constant 0 : index
    %get3A_3 = arith.constant 0 : index
    %get3A_4 = vector.load %arg2[%get3A_2, %get3A_3] : memref<128x1024xf32, #tpu.memory_space<vmem>>, vector<128x1024xf32>
    %dot_general3A = arith.constant dense<0.000000e+00> : vector<2048x128xf32>
    %dot_general3A_5 = tpu.matmul %get3A_1, %get3A_4, %dot_general3A {dimension_numbers = #tpu.dot_dimension_numbers<[1], [1], [0], [0], [0, 0, 1, 0], [], []>, transpose_lhs_hint = false} : vector<2048x1024xf32>, vector<128x1024xf32>, vector<2048x128xf32> -> vector<2048x128xf32>
    %reduce_max3A = arith.constant dense<0xFF800000> : vector<2048xf32>
    %reduce_max3A_6 = vector.multi_reduction <maximumf>, %dot_general3A_5, %reduce_max3A [1] : vector<2048x128xf32> to vector<2048xf32>
    %broadcast_in_dim3A = vector.shape_cast %reduce_max3A_6 : vector<2048xf32> to vector<2048x1xf32>
    %sub3A = vector.broadcast %broadcast_in_dim3A : vector<2048x1xf32> to vector<2048x128xf32>
    %sub3A_7 = arith.subf %dot_general3A_5, %sub3A : vector<2048x128xf32>
    %exp3A = math.exp %sub3A_7 : vector<2048x128xf32>
    %reduce_sum3A = arith.constant dense<0.000000e+00> : vector<2048xf32>
    %reduce_sum3A_8 = vector.multi_reduction <add>, %exp3A, %reduce_sum3A [1] : vector<2048x128xf32> to vector<2048xf32>
    %broadcast_in_dim3A_9 = vector.shape_cast %reduce_sum3A_8 : vector<2048xf32> to vector<2048x1xf32>
    %div3A = vector.broadcast %broadcast_in_dim3A_9 : vector<2048x1xf32> to vector<2048x128xf32>
    %div3A_10 = arith.divf %exp3A, %div3A : vector<2048x128xf32>
    %swap3A = arith.constant 0 : index
    %swap3A_11 = arith.constant 0 : index
    %swap3A_12 = vector.load %arg3[%swap3A, %swap3A_11] : memref<2048x128xf32, #tpu.memory_space<vmem>>, vector<2048x128xf32>
    tpu.vector_store %arg3[%swap3A, %swap3A_11], %div3A_10 {strides = array<i32>} : memref<2048x128xf32, #tpu.memory_space<vmem>>, vector<2048x128xf32>,
    return
  }
  func.func @transform_0(%arg0: i32) -> (i32, i32) {
    %add3A = arith.constant 4 : i32
    %add3A_0 = arith.addi %arg0, %add3A : i32
    %c0_i32 = arith.constant 0 : i32
    %c0_i32_1 = arith.constant 0 : i32
    return %add3A_0, %c0_i32 : i32, i32
  }
  func.func @transform_1(%arg0: i32) -> (i32, i32) {
    %c0_i32 = arith.constant 0 : i32
    %c0_i32_0 = arith.constant 0 : i32
    %c0_i32_1 = arith.constant 0 : i32
    return %c0_i32, %c0_i32_0 : i32, i32
  }
  func.func @transform_2(%arg0: i32) -> (i32, i32) {
    %c0_i32 = arith.constant 0 : i32
    %c0_i32_0 = arith.constant 0 : i32
    return %arg0, %c0_i32 : i32, i32
  }
}

module attributes {stable_mosaic.version = 14 : i64} {
  func.func @_scores_block(%arg0: i32, %arg1: memref<2048x1024xf32, #tpu.memory_space<vmem>>, %arg2: memref<128x1024xf32, #tpu.memory_space<vmem>>, %arg3: memref<2048x128xf32, #tpu.memory_space<vmem>>) attributes {dimension_semantics = [#tpu.dimension_semantics<arbitrary>], iteration_bounds = array<i64: 4>, scalar_prefetch = 0 : i64, scratch_operands = 0 : i64, tpu.core_type = #tpu.core_type<tc>, window_params = [{transform_indices = @transform_0, window_bounds = array<i64: 2048, 1024>}, {pipeline_mode = #tpu.pipeline_mode<synchronous>, transform_indices = @transform_1, window_bounds = array<i64: 128, 1024>}, {transform_indices = @transform_2, window_bounds = array<i64: 2048, 128>}]} {
    %get3A = arith.constant 0 : index
    %get3A_0 = arith.constant 0 : index
    %get3A_1 = vector.load %arg1[%get3A, %get3A_0] : memref<2048x1024xf32, #tpu.memory_space<vmem>>, vector<2048x1024xf32>
    %get3A_2 = arith.constant 0 : index
    %get3A_3 = arith.constant 0 : index
    %get3A_4 = vector.load %arg2[%get3A_2, %get3A_3] : memref<128x1024xf32, #tpu.memory_space<vmem>>, vector<128x1024xf32>
    %dot_general3A = arith.constant dense<0.000000e+00> : vector<2048x128xf32>
    %dot_general3A_5 = tpu.matmul %get3A_1, %get3A_4, %dot_general3A {dimension_numbers = #tpu.dot_dimension_numbers<[1], [1], [0], [0], [0, 0, 1, 0], [], []>, transpose_lhs_hint = false} : vector<2048x1024xf32>, vector<128x1024xf32>, vector<2048x128xf32> -> vector<2048x128xf32>
    %reduce_max3A = arith.constant dense<0xFF800000> : vector<2048xf32>
    %reduce_max3A_6 = vector.multi_reduction <maximumf>, %dot_general3A_5, %reduce_max3A [1] : vector<2048x128xf32> to vector<2048xf32>
    %broadcast_in_dim3A = vector.shape_cast %reduce_max3A_6 : vector<2048xf32> to vector<2048x1xf32>
    %sub3A = vector.broadcast %broadcast_in_dim3A : vector<2048x1xf32> to vector<2048x128xf32>
    %sub3A_7 = arith.subf %dot_general3A_5, %sub3A : vector<2048x128xf32>
    %exp3A = math.exp %sub3A_7 : vector<2048x128xf32>
    %reduce_sum3A = arith.constant dense<0.000000e+00> : vector<2048xf32>
    %reduce_sum3A_8 = vector.multi_reduction <add>, %exp3A, %reduce_sum3A [1] : vector<2048x128xf32> to vector<2048xf32>
    %broadcast_in_dim3A_9 = vector.shape_cast %reduce_sum3A_8 : vector<2048xf32> to vector<2048x1xf32>
    %div3A = vector.broadcast %broadcast_in_dim3A_9 : vector<2048x1xf32> to vector<2048x128xf32>
    %div3A_10 = arith.divf %exp3A, %div3A : vector<2048x128xf32>
    %swap3A = arith.constant 0 : index
    %swap3A_11 = arith.constant 0 : index
    %swap3A_12 = vector.load %arg3[%swap3A, %swap3A_11] : memref<2048x128xf32, #tpu.memory_space<vmem>>, vector<2048x128xf32>
    tpu.vector_store %arg3[%swap3A, %swap3A_11], %div3A_10 {strides = array<i32>} : memref<2048x128xf32, #tpu.memory_space<vmem>>, vector<2048x128xf32>,
    return
  }
  func.func @transform_0(%arg0: i32) -> (i32, i32) {
    %add3A = arith.constant 0 : i32
    %add3A_0 = arith.addi %arg0, %add3A : i32
    %c0_i32 = arith.constant 0 : i32
    %c0_i32_1 = arith.constant 0 : i32
    return %add3A_0, %c0_i32 : i32, i32
  }
  func.func @transform_1(%arg0: i32) -> (i32, i32) {
    %c0_i32 = arith.constant 0 : i32
    %c0_i32_0 = arith.constant 0 : i32
    %c0_i32_1 = arith.constant 0 : i32
    return %c0_i32, %c0_i32_0 : i32, i32
  }
  func.func @transform_2(%arg0: i32) -> (i32, i32) {
    %c0_i32 = arith.constant 0 : i32
    %c0_i32_0 = arith.constant 0 : i32
    return %arg0, %c0_i32 : i32, i32
  }
}

module attributes {stable_mosaic.version = 14 : i64} {
  func.func @_scores_block(%arg0: i32, %arg1: memref<2048x1024xf32, #tpu.memory_space<vmem>>, %arg2: memref<128x1024xf32, #tpu.memory_space<vmem>>, %arg3: memref<2048x128xf32, #tpu.memory_space<vmem>>) attributes {dimension_semantics = [#tpu.dimension_semantics<arbitrary>], iteration_bounds = array<i64: 4>, scalar_prefetch = 0 : i64, scratch_operands = 0 : i64, tpu.core_type = #tpu.core_type<tc>, window_params = [{transform_indices = @transform_0, window_bounds = array<i64: 2048, 1024>}, {pipeline_mode = #tpu.pipeline_mode<synchronous>, transform_indices = @transform_1, window_bounds = array<i64: 128, 1024>}, {transform_indices = @transform_2, window_bounds = array<i64: 2048, 128>}]} {
    %get3A = arith.constant 0 : index
    %get3A_0 = arith.constant 0 : index
    %get3A_1 = vector.load %arg1[%get3A, %get3A_0] : memref<2048x1024xf32, #tpu.memory_space<vmem>>, vector<2048x1024xf32>
    %get3A_2 = arith.constant 0 : index
    %get3A_3 = arith.constant 0 : index
    %get3A_4 = vector.load %arg2[%get3A_2, %get3A_3] : memref<128x1024xf32, #tpu.memory_space<vmem>>, vector<128x1024xf32>
    %dot_general3A = arith.constant dense<0.000000e+00> : vector<2048x128xf32>
    %dot_general3A_5 = tpu.matmul %get3A_1, %get3A_4, %dot_general3A {dimension_numbers = #tpu.dot_dimension_numbers<[1], [1], [0], [0], [0, 0, 1, 0], [], []>, transpose_lhs_hint = false} : vector<2048x1024xf32>, vector<128x1024xf32>, vector<2048x128xf32> -> vector<2048x128xf32>
    %reduce_max3A = arith.constant dense<0xFF800000> : vector<2048xf32>
    %reduce_max3A_6 = vector.multi_reduction <maximumf>, %dot_general3A_5, %reduce_max3A [1] : vector<2048x128xf32> to vector<2048xf32>
    %broadcast_in_dim3A = vector.shape_cast %reduce_max3A_6 : vector<2048xf32> to vector<2048x1xf32>
    %sub3A = vector.broadcast %broadcast_in_dim3A : vector<2048x1xf32> to vector<2048x128xf32>
    %sub3A_7 = arith.subf %dot_general3A_5, %sub3A : vector<2048x128xf32>
    %exp3A = math.exp %sub3A_7 : vector<2048x128xf32>
    %reduce_sum3A = arith.constant dense<0.000000e+00> : vector<2048xf32>
    %reduce_sum3A_8 = vector.multi_reduction <add>, %exp3A, %reduce_sum3A [1] : vector<2048x128xf32> to vector<2048xf32>
    %broadcast_in_dim3A_9 = vector.shape_cast %reduce_sum3A_8 : vector<2048xf32> to vector<2048x1xf32>
    %div3A = vector.broadcast %broadcast_in_dim3A_9 : vector<2048x1xf32> to vector<2048x128xf32>
    %div3A_10 = arith.divf %exp3A, %div3A : vector<2048x128xf32>
    %swap3A = arith.constant 0 : index
    %swap3A_11 = arith.constant 0 : index
    %swap3A_12 = vector.load %arg3[%swap3A, %swap3A_11] : memref<2048x128xf32, #tpu.memory_space<vmem>>, vector<2048x128xf32>
    tpu.vector_store %arg3[%swap3A, %swap3A_11], %div3A_10 {strides = array<i32>} : memref<2048x128xf32, #tpu.memory_space<vmem>>, vector<2048x128xf32>,
    return
  }
  func.func @transform_0(%arg0: i32) -> (i32, i32) {
    %add3A = arith.constant 8 : i32
    %add3A_0 = arith.addi %arg0, %add3A : i32
    %c0_i32 = arith.constant 0 : i32
    %c0_i32_1 = arith.constant 0 : i32
    return %add3A_0, %c0_i32 : i32, i32
  }
  func.func @transform_1(%arg0: i32) -> (i32, i32) {
    %c0_i32 = arith.constant 0 : i32
    %c0_i32_0 = arith.constant 0 : i32
    %c0_i32_1 = arith.constant 0 : i32
    return %c0_i32, %c0_i32_0 : i32, i32
  }
  func.func @transform_2(%arg0: i32) -> (i32, i32) {
    %c0_i32 = arith.constant 0 : i32
    %c0_i32_0 = arith.constant 0 : i32
    return %arg0, %c0_i32 : i32, i32
  }
}

</mosaic_0001>

<sc_bundles>
// kernel: kernel.10.cloned.1.call-start
scs
__scs_entry_jumppad:
0x0: {  	(pc) =	sbr.rel $0x88, $3  }
0x1: {  	(tag) =	ssettag $0x0;
	lr =	simm.s32 $0x1  }
0x2: {  	[smem:$0x3F9F] =	sst lr;
	_ =	strace $0xD0000000  }
0x3: {  	_ = 	snop  }
0x4: {  	_ = 	snop  }
0x5: {  	_ = 	snop  }
0x6: {  	_ = 	snop  }
0x7: {  	_ = 	snop  }
__scs_overlays_trampoline_lowered:
0x8: {  	[smem:$0x3FAE] =	sst s0  }
0x9: {  	[smem:$0x3FAF] =	sst s1  }
0xa: {  	[smem:$0x3FB0] =	sst s2  }
0xb: {  	[smem:$0x3FB1] =	sst s3  }
0xc: {  	[smem:$0x3FB2] =	sst s4  }
0xd: {  	[smem:$0x3FB3] =	sst s5  }
0xe: {  	[smem:$0x3FB4] =	sst s6  }
0xf: {  	[smem:$0x3FB5] =	sst s7  }
0x10: {  	[smem:$0x3FB6] =	sst s8  }
0x11: {  	[smem:$0x3FB7] =	sst s9;
	s0 =	simm.s32 @!p0 $0x0  }
0x12: {  	s1 =	sld [smem:$0x3F9D];
	s0 =	simm.s32 @p0 $0x1  }
0x13: {  	[smem:$0x3FB8] =	sst s0;
	s0 =	simm.s32 @!p1 $0x0  }
0x14: {  	s2 =	sld [smem:$0x3F9C];
	s0 =	simm.s32 @p1 $0x1  }
0x15: {  	[smem:$0x3FB9] =	sst s0;
	s0 =	simm.s32 @!p2 $0x0  }
0x16: {  	s3 =	sld [smem:$0x3FDB];
	s0 =	simm.s32 @p2 $0x1  }
0x17: {  	s4 =	simm.s32 $0x1BF5;
	[smem:$0x3FBB] =	sst s0  }
0x18: {  	s0 =	sld [smem:$0x3F9E];
	_ =	swait.ge [sflag:s4], $0x0  }
0x19: {  	s7 =	sld [smem:$0x3F9F]  }
0x1a: {  	s8 =	sadd.s32 $0xFFFFE003, lr  }
0x1b: {  	s9 =	sadd.s32 $0xFFFFFEF7, lr;
	s5 =	simm.s32 $0xFFFFFFFF;
	p2 =	slt.u32 s8, $0xFFFFF086  }
0x1c: {  	p1 =	slt.u32 s9, $0xF7A;
	s5 =	simm.s32 @!p2 $0x0  }
0x1d: {  	s5 =	simm.s32 @p1 $0x1;
	p0 =	seq.s32 s7, s2  }
0x1e: {  	s7 =	smul.u32 @!p0 $0xF7A, s2;
	p2 =	seq.s32 @!p0 s5, $0x0  }
0x1f: {  	s9 =	smul.u32 $0xF7A, s1;
	s8 =	simm.s32 @!p0 $0x1BF5;
	p2 =	por !p2, p0  }
0x20: {  	[sflag:s8] =	ssyncset.s32 @!p0 $0xFFFFF086;
	s6 =	sadd.s32 @!p0 s3, s7;
	s7 =	simm.s32 @!p0 $0x108  }
0x21: {  	s3 =	sadd.s32 s3, s9;
	s6 =	sadd.s32 @!p0 $0x88, s6;
	s7 =	simm.s32 @p2 $0x1082  }
0x22: {  	[simem:s7], [sflag:s8] =	dma.local @!p0 [hbm:s6], $0xF7A  }
0x23: {  	s9 =	sor.u32 $0xD0000000, s2;
	s6 =	simm.s32 $0x108;
	_ =	swait.ge @!p0 [sflag:s8], $0x0  }
0x24: {  	s3 =	sadd.s32 $0x88, s3;
	s6 =	simm.s32 @!p1 $0x1082;
	[sflag:s4] =	ssyncset.s32 $0xFFFFF086  }
0x25: {  	[simem:s6], [sflag:s4] =	dma.local [hbm:s3], $0xF7A  }
0x26: {  	[smem:$0x3F9F] =	sst s1;
	(tag) =	ssettag s2;
	_ =	strace s9  }
0x27: {  	s1 =	sld [smem:$0x3FAF]  }
0x28: {  	s2 =	sld [smem:$0x3FB0]  }
0x29: {  	s4 =	sld [smem:$0x3FB2]  }
0x2a: {  	p0 =	seq.s32 s5, $0x0;
	s5 =	sld [smem:$0x3FB3]  }
0x2b: {  	s6 =	sld [smem:$0x3FB4]  }
0x2c: {  	s7 =	sld [smem:$0x3FB5]  }
0x2d: {  	s3 =	simm.s32 $0x108;
	s8 =	sld [smem:$0x3FB6]  }
0x2e: {  	s3 =	simm.s32 @!p0 $0x1082;
	s9 =	sld [smem:$0x3FB7]  }
0x2f: {  	lr =	sadd.s32 s0, s3;
	s0 =	sld [smem:$0x3FAE]  }
0x30: {  	s3 =	sld [smem:$0x3FB1]  }
0x31: {  	[smem:$0x3FBA] =	sst s10  }
0x32: {  	s10 =	sld [smem:$0x3FB8];
	_ =	sdelay $0x3  }
0x33: {  	p0 =	seq.s32 s10, $0x1;
	s10 =	sld [smem:$0x3FBA];
	_ =	sdelay $0x3  }
0x34: {  	[smem:$0x3FBA] =	sst s10  }
0x35: {  	s10 =	sld [smem:$0x3FB9];
	_ =	sdelay $0x3  }
0x36: {  	p1 =	seq.s32 s10, $0x1;
	s10 =	sld [smem:$0x3FBA];
	_ =	sdelay $0x3  }
0x37: {  	[smem:$0x3FBA] =	sst s10  }
0x38: {  	s10 =	sld [smem:$0x3FBB]  }
0x39: {  	_ = 	snop;
	(pc) =	sbr.ind lr, $3  }
0x3a: {  	_ = 	snop  }
0x3b: {  	_ = 	snop  }
0x3c: {  	p2 =	seq.s32 s10, $0x1;
	s10 =	sld [smem:$0x3FBA]  }
0x3d: {  	_ =	shalt  }
0x3e: {  	_ =	shalt  }
0x3f: {  	_ =	shalt  }
0x40: {  	_ =	shalt  }
0x41: {  	_ =	shalt  }
0x42: {  	_ =	shalt  }
0x43: {  	_ =	shalt  }
0x44: {  	_ =	shalt  }
0x45: {  	_ =	shalt  }
0x46: {  	_ =	shalt  }
0x47: {  	_ =	shalt  }
0x48: {  	_ =	shalt  }
0x49: {  	_ =	shalt  }
0x4a: {  	_ =	shalt  }
0x4b: {  	_ =	shalt  }
0x4c: {  	_ =	shalt  }
0x4d: {  	_ =	shalt  }
0x4e: {  	_ =	shalt  }
0x4f: {  	_ =	shalt  }
0x50: {  	_ =	shalt  }
0x51: {  	_ =	shalt  }
0x52: {  	_ =	shalt  }
0x53: {  	_ =	shalt  }
0x54: {  	_ =	shalt  }
0x55: {  	_ =	shalt  }
0x56: {  	_ =	shalt  }
0x57: {  	_ =	shalt  }
0x58: {  	_ =	shalt  }
0x59: {  	_ =	shalt  }
0x5a: {  	_ =	shalt  }
0x5b: {  	_ =	shalt  }
0x5c: {  	_ =	shalt  }
0x5d: {  	_ =	shalt  }
0x5e: {  	_ =	shalt  }
0x5f: {  	_ =	shalt  }
0x60: {  	_ =	shalt  }
0x61: {  	_ =	shalt  }
0x62: {  	_ =	shalt  }
0x63: {  	_ =	shalt  }
0x64: {  	_ =	shalt  }
0x65: {  	_ =	shalt  }
0x66: {  	_ =	shalt  }
0x67: {  	_ =	shalt  }
0x68: {  	_ =	shalt  }
0x69: {  	_ =	shalt  }
0x6a: {  	_ =	shalt  }
0x6b: {  	_ =	shalt  }
0x6c: {  	_ =	shalt  }
0x6d: {  	_ =	shalt  }
0x6e: {  	_ =	shalt  }
0x6f: {  	_ =	shalt  }
0x70: {  	_ =	shalt  }
0x71: {  	_ =	shalt  }
0x72: {  	_ =	shalt  }
0x73: {  	_ =	shalt  }
0x74: {  	_ =	shalt  }
0x75: {  	_ =	shalt  }
0x76: {  	_ =	shalt  }
0x77: {  	_ =	shalt  }
0x78: {  	_ =	shalt  }
0x79: {  	_ =	shalt  }
0x7a: {  	_ =	shalt  }
0x7b: {  	_ =	shalt  }
0x7c: {  	_ =	shalt  }
0x7d: {  	_ =	shalt  }
0x7e: {  	_ =	shalt  }
0x7f: {  	_ =	shalt  }
0x80: {  	_ =	shalt  }
0x81: {  	_ =	shalt  }
0x82: {  	_ =	shalt  }
0x83: {  	_ =	shalt  }
0x84: {  	_ =	shalt  }
0x85: {  	_ =	shalt  }
0x86: {  	_ =	shalt  }
0x87: {  	_ =	shalt  }
.Lfunc_end0:
.L_simem_size_0:
called_computation_lowered:
.L_overlay_start_0:
0x88: {  	s2 =	sld [smem:$0x3FD9]  }
0x89: {  	s3 =	sld [smem:$0x3FFE];
	_ =	sdelay $0x1  }
0x8a: {  	s1 =	srdreg.scid  }
0x8b: {  	s0 =	sand.u32 $0x1, s1  }
0x8c: {  	s16 =	sshll.u32 s0, $0xA;
	s2 =	sadd.s32 s3, s2  }
0x8d: {  	s2 =	sadd.s32 s2, s16  }
0x8e: {  	[smem:$0x3FC6] =	sst s2  }
0x8f: {  	_ = 	snop  }
0x90: {  	(tm) =	ssettm $0x1  }
0x91: {  	s17 =	sld [smem:$0x3FFB];
	_ =	sdelay $0x3  }
0x92: {  	_ =	strace s17  }
0x93: {  	s2 =	sld [smem:$0x3FFC];
	_ =	sdelay $0x3  }
0x94: {  	_ =	strace s2  }
0x95: {  	s2 =	sld [smem:$0x3FFD];
	_ =	sdelay $0x3  }
0x96: {  	_ =	strace s2  }
0x97: {  	_ =	strace $0x8FFFFFFF  }
0x98: {  	s18 =	sld [smem:$0x3FDB];
	_ =	sdelay $0x1  }
0x99: {  	s19 =	simm.s32 $_scs_section_size  }
0x9a: {  	s4 =	simm.s32 $_size__tile_overlayer_lowered;
	s5 =	simm.s32 $_tile_overlayer_lowered  }
0x9b: {  	s22 =	simm.s32 $0x1BFF;
	s21 =	sshll.u32 s5, $0x1;
	s2 =	sadd.s32 s19, s18  }
0x9c: {  	s6 =	simm.s32 $0x0;
	s20 =	sshll.u32 s4, $0x1;
	s4 =	sadd.s32 s21, s2  }
0x9d: {  	[timem:s6], [sflag:s22] =	dma.local [hbm:s4], s20  }
0x9e: {  	_ =	swait.ge [sflag:s22], s20  }
0x9f: {  	s3 =	ssub.s32 $0x0, s20;
	[sflag:s22] =	ssyncset.done $0x0  }
0xa0: {  	[sflag:s22] =	ssyncadd.s32 s3;
	_ =	sdelay $0x1  }
0xa1: {  	s23 =	simm.s32 $0x1B8B  }
0xa2: {  	_ =	swait.ge [sflag:s23], $0x1  }
0xa3: {  	[sflag:s23] =	ssyncset.done $0x0  }
0xa4: {  	s25 =	simm.s32 $0x1B8E;
	s24 =	sld [smem:$0x3FFE];
	[sflag:s23] =	ssyncadd.s32 $0xFFFFFFFF  }
0xa5: {  	s26 =	simm.s32 $execute0_lowered;
	[smem:$0x3FD2] =	sst s25  }
0xa6: {  	s4 =	sshll.u32 s26, $0x1;
	_ =	strace $0x80000046;
	[dreg:$0x1] =	wrdreg $0xFFFFFFFF  }
0xa7: {  	s28 =	simm.s32 $_size_execute0_lowered;
	s2 =	sadd.s32 s2, s4;
	[dreg:$0x0] =	wrdreg $0x0  }
0xa8: {  	s4 =	sshll.u32 s28, $0x1;
	[dreg:$0x2] =	wrdreg s2  }
0xa9: {  	[dreg:$0x3] =	wrdreg s4  }
0xaa: {  	[dreg:$0x4] =	wrdreg $0xC0  }
0xab: {  	_ =	task [dreg:s6], $0x5FFFF  }
0xac: {  	[dreg:$0x1] =	wrdreg $0xFFFFFFFF  }
0xad: {  	[dreg:$0x0] =	wrdreg $0x60  }
0xae: {  	[dreg:$0x2] =	wrdreg s24  }
0xaf: {  	[dreg:$0x3] =	wrdreg $0x9  }
0xb0: {  	_ =	task.clear_ibuf [dreg:s6], $0x4FFFF;
	_ =	strace $0x90000046  }
0xb1: {  	s29 =	simm.s32 $0x9;
	_ =	strace $0x80000048  }
0xb2: {  	_ =	swait.ge [sflag:s29], $0x1  }
0xb3: {  	[sflag:s29] =	ssyncadd.s32 $0xFFFFFFFF  }
0xb4: {  	_ =	strace $0x90000048  }
0xb5: {  	_ =	sfence  }
0xb6: {  	s30 =	sld [smem:$0x0];
	_ =	sdelay $0x2  }
0xb7: {  	s31 =	sshll.u32 s1, $0xD;
	s1 =	sshrl.u32 s1, $0x2  }
0xb8: {  	s3 =	sand.u32 $0x4000, s31;
	s1 =	sadd.s32 s1, s30  }
0xb9: {  	s0 =	sor.u32 s3, s0;
	s1 =	sshll.u32 s1, $0x11  }
0xba: {  	s0 =	sor.u32 s1, s0  }
0xbb: {  	s0 =	sadd.s32 $0x8F2B, s0  }
0xbc: {  	[sflag:s0] =	ssyncadd.remote.s32 $0x1  }
0xbd: {  	_ =	sfence.sel $0xFFFF  }
0xbe: {  	[dreg:$0x0] =	wrdreg $0xFFFFFFFF;
	(pc) =	sbr.abs _section_cstart, $3  }
0xbf: {  	[dreg:$0x1] =	wrdreg $0xFFFFFFFF  }
0xc0: {  	_ =	task.clear_ibuf [dreg:s6], $0x2FFFF;
	_ =	strace $0x9FFFFFFF  }
0xc1: {  	(tm) =	ssettm $0x7FFFFFFF  }
tec
execute0_lowered:
.L_overlay_start_1:
0x0: {  	(tag) =	ssettag $0x1  }
0x1: {  	s3 =	rddreg [dreg:$0x0]  }
0x2: {  	s0 =	rddreg [dreg:$0x1];
	s4 =	srdreg.scid;
	v1 =	vimm.s32 $0xFEDCBA98  }
0x3: {  	s2 =	simm.s32 $0x0;
	s1 =	stileid.u32;
	v0 =	vlaneseq.u32;
	v3 =	vimm.s32 $0x76543210;
	s4 =	sand.u32 $0x1, s4;
	v5 =	vunpack.c.l.s4.s8 v1  }
0x4: {  	vm0 =	vmmov $0xff;
	s7 =	simm.s32 $0x8000;
	s5 =	sshll.u32 s1, $0xD;
	v1 =	vor.u32 $0x10, v0;
	v6 =	vunpack.c.l.s4.s8 v3;
	s6 =	sshll.u32 s4, $0xC  }
0x5: {  	s8 =	simm.s32 $0x0;
	v2 =	vor.u32 $0x20, v0;
	v3 =	vor.u32 $0x30, v0;
	s4 =	ssub.s32 $0x2, s4;
	s5 =	sor.u32 s6, s5;
	v8 =	vunpack.c.0.s8.s32 v5  }
0x6: {  	[smem:$0x7FF] =	sst s2;
	v4 =	vor.u32 $0x40, v0;
	v9 =	vmul.u32 $0xFFFFFFFF, v0;
	s31 =	sshrl.u32 s4, $0x1;
	v10 =	vunpack.c.0.s8.s32 v6;
	s5 =	sadd.s32 s5, s3  }
0x7: {  	v7 =	vor.u32 $0x70, v0;
	_ =	strace $0x80000047;
	v5 =	vor.u32 $0x50, v0;
	s6 =	ssub.s32 s4, s31;
	s3 =	sadd.s32 $0x1A00, s5;
	v11 =	vand.u32 $0xF, v8  }
0x8: {  	v6 =	vor.u32 $0x60, v0;
	s4 =	sadd.s32 $0x21A00, s5;
	s5 =	smax.u32 s6, $0x1;
	s6 =	simm.s32 $0x1;
	v8 =	vadd.s32 $0xF, v9;
	v9 =	vcombine.low v11, v10  }
.LBB2_1:
0x9: {  	[tilespmem:s2], [sflag:$0x1] =	stream.linear.gather [hbm4b:s3+s2], $0x8000, $0x38;
	[tilespmem:$0x10000] =	vst v63  }
0xa: {  	_ =	swait.ge [sflag:s6], $0x8000  }
0xb: {  	[sflag:s6] =	ssyncset.done $0x0  }
0xc: {  	s9 =	simm.s32 $0x80;
	[sflag:s6] =	ssyncadd.s32 $0xFFFF8000  }
0xd: {  	v10 =	vld [tilespmem:s9+$0x10]  }
0xe: {  	v11 =	vld [tilespmem:s9+$0x20]  }
0xf: {  	v12 =	vld [tilespmem:s9+$0x30]  }
0x10: {  	v13 =	vld [tilespmem:s9+$0x50]  }
0x11: {  	v14 =	vld [tilespmem:s9+$0x70]  }
0x12: {  	(xrf1) =	vsort.dscd.msk.f32 $0xffff, v10, v1  }
0x13: {  	(xrf1) =	vsort.dscd.msk.f32 $0xffff, v11, v2  }
0x14: {  	v10 =	vld [tilespmem:s9+$0x60];
	(xrf1) =	vsort.dscd.msk.f32 $0xffff, v12, v3  }
0x15: {  	(xrf1) =	vsort.dscd.msk.f32 $0xffff, v13, v5  }
0x16: {  	v11 =	vld [tilespmem:s9+$0x40];
	(xrf1) =	vsort.dscd.msk.f32 $0xffff, v14, v7  }
0x17: {  	v12 =	vld [tilespmem:s9+$0x0]  }
0x18: {  	v13 =	vld [tilespmem:s9+$0xFFFFFFF0]  }
0x19: {  	(xrf1) =	vsort.dscd.msk.f32 $0xffff, v10, v6;
	v10 =	vld [tilespmem:s9+$0xFFFFFFB0]  }
0x1a: {  	v14 =	vld [tilespmem:s9+$0xFFFFFFD0]  }
0x1b: {  	(xrf1) =	vsort.dscd.msk.f32 $0xffff, v11, v4;
	v11 =	vld [tilespmem:s9+$0xFFFFFFE0]  }
0x1c: {  	v15 =	vld [tilespmem:s9+$0xFFFFFF90];
	(xrf1) =	vsort.dscd.msk.f32 $0xffff, v12, v0  }
0x1d: {  	v12 =	vld [tilespmem:s9+$0xFFFFFFA0];
	(xrf1) =	vsort.dscd.msk.f32 $0xffff, v13, v7  }
0x1e: {  	(xrf1) =	vsort.dscd.msk.f32 $0xffff, v10, v3  }
0x1f: {  	(xrf1) =	vsort.dscd.msk.f32 $0xffff, v14, v5  }
0x20: {  	v10 =	vld [tilespmem:s9+$0xFFFFFFC0];
	(xrf1) =	vsort.dscd.msk.f32 $0xffff, v11, v6;
	v11, v13, _ =	vpop (xrf1)  }
0x21: {  	(xrf1) =	vsort.dscd.msk.f32 $0xffff, v15, v1;
	v15, v16, _ =	vpop (xrf1)  }
0x22: {  	v14 =	vld [tilespmem:s9+$0xFFFFFF80];
	(xrf1) =	vsort.dscd.msk.f32 $0xffff, v12, v2;
	v12, v17, _ =	vpop (xrf1)  }
0x23: {  	v18, v19, _ =	vpop (xrf1)  }
0x24: {  	v12 =	vperm.xlane v12, v8;
	v17 =	vperm.xlane v17, v8;
	v20, v21, _ =	vpop (xrf1)  }
0x25: {  	(xrf1) =	vsort.dscd.msk.f32 $0xffff, v10, v4;
	v10 =	vperm.xlane v20, v8  }
0x26: {  	v20 =	vperm.xlane v21, v8;
	v12 =	vsel vm0, v15, v12;
	v15 =	vsel vm0, v16, v17  }
0x27: {  	v13 =	vperm.xlane v13, v8;
	(xrf1) =	vsort.dscd.msk.f32 $0xffff, v14, v0;
	v18 =	vperm.xlane v18, v8;
	v14, v21, _ =	vpop (xrf1)  }
0x28: {  	v19 =	vperm.xlane v19, v8;
	v10 =	vsel vm0, v14, v10;
	v14 =	vsel vm0, v21, v20  }
0x29: {  	v11 =	vperm.xlane v11, v8;
	v16, v17, _ =	vpop (xrf1);
	(xrf1) =	vsort.dscd.msk.f32 $0xffff, v10, v14  }
0x2a: {  	v10 =	vsel vm0, v16, v18;
	v14 =	vsel vm0, v17, v19;
	(xrf1) =	vsort.dscd.msk.f32 $0xffff, v12, v15;
	v12, v15, _ =	vpop (xrf1)  }
0x2b: {  	(xrf1) =	vsort.dscd.msk.f32 $0xffff, v10, v14;
	v10 =	vsel vm0, v12, v11;
	v11 =	vsel vm0, v15, v13;
	_ =	sdelay $0x1  }
0x2c: {  	v12, v13, _ =	vpop (xrf1)  }
0x2d: {  	(xrf1) =	vsort.dscd.msk.f32 $0xffff, v10, v11;
	v14, v15, _ =	vpop (xrf1)  }
0x2e: {  	s28 =	simm.s32 $0x180;
	v10, v11, _ =	vpop (xrf1)  }
0x2f: {  	v16 =	vld [tilespmem:s28+$0x10];
	v12 =	vperm.xlane v12, v8;
	v13 =	vperm.xlane v13, v8;
	v17, v18, _ =	vpop (xrf1)  }
0x30: {  	v19 =	vld [tilespmem:s28+$0x20];
	v14 =	vperm.xlane v14, v8;
	v15 =	vperm.xlane v15, v8;
	v20, v21, _ =	vpop (xrf1)  }
0x31: {  	v12 =	vsel vm0, v17, v12;
	v13 =	vsel vm0, v18, v13;
	v17 =	vld [tilespmem:s28+$0x30];
	v18, v22, _ =	vpop (xrf1)  }
0x32: {  	(xrf1) =	vsort.dscd.msk.f32 $0xffff, v12, v13;
	v12 =	vld [tilespmem:s28+$0x50];
	v13 =	vsel vm0, v18, v14;
	v14 =	vsel vm0, v22, v15  }
0x33: {  	v15 =	vld [tilespmem:s28+$0x70];
	(xrf1) =	vsort.dscd.msk.f32 $0xffff, v13, v14  }
0x34: {  	v13 =	vld [tilespmem:s28+$0x60];
	(xrf1) =	vsort.dscd.msk.f32 $0xffff, v16, v1  }
0x35: {  	v14, v16, _ =	vpop (xrf1);
	(xrf1) =	vsort.dscd.msk.f32 $0xffff, v19, v2  }
0x36: {  	v18, v19, _ =	vpop (xrf1);
	(xrf1) =	vsort.dscd.msk.f32 $0xffff, v17, v3  }
0x37: {  	v17 =	vld [tilespmem:s28+$0x40];
	(xrf1) =	vsort.dscd.msk.f32 $0xffff, v12, v5;
	v12, v22, _ =	vpop (xrf1)  }
0x38: {  	(xrf1) =	vsort.dscd.msk.f32 $0xffff, v15, v7;
	v12 =	vperm.xlane v12, v8;
	v15 =	vperm.xlane v22, v8;
	v22, v23, _ =	vpop (xrf1)  }
0x39: {  	v24 =	vld [tilespmem:s28+$0x0];
	(xrf1) =	vsort.dscd.msk.f32 $0xffff, v13, v6;
	v13 =	vperm.xlane v22, v8;
	v22, v25, _ =	vpop (xrf1)  }
0x3a: {  	v26 =	vld [tilespmem:s28+$0xFFFFFFF0];
	v23 =	vperm.xlane v23, v8;
	v12 =	vsel vm0, v22, v12;
	v15 =	vsel vm0, v25, v15  }
0x3b: {  	v22 =	vld [tilespmem:s28+$0xFFFFFFB0];
	v25, v27, _ =	vpop (xrf1);
	(xrf1) =	vsort.dscd.msk.f32 $0xffff, v12, v15  }
0x3c: {  	v12 =	vld [tilespmem:s28+$0xFFFFFFD0];
	v13 =	vsel vm0, v25, v13;
	v15 =	vsel vm0, v27, v23;
	(xrf1) =	vsort.dscd.msk.f32 $0xffff, v17, v4  }
0x3d: {  	v17 =	vld [tilespmem:s28+$0xFFFFFFE0];
	(xrf1) =	vsort.dscd.msk.f32 $0xffff, v13, v15  }
0x3e: {  	v13 =	vld [tilespmem:s28+$0xFFFFFF90];
	(xrf1) =	vsort.dscd.msk.f32 $0xffff, v24, v0  }
0x3f: {  	v15 =	vld [tilespmem:s28+$0xFFFFFFA0];
	(xrf1) =	vsort.dscd.msk.f32 $0xffff, v26, v7  }
0x40: {  	v23 =	vld [tilespmem:s28+$0xFFFFFFC0];
	v24, v25, _ =	vpop (xrf1);
	(xrf1) =	vsort.dscd.msk.f32 $0xffff, v22, v3  }
0x41: {  	v22 =	vld [tilespmem:s28+$0xFFFFFF80];
	(xrf1) =	vsort.dscd.msk.f32 $0xffff, v12, v5;
	v12, v26, _ =	vpop (xrf1)  }
0x42: {  	v10 =	vperm.xlane v10, v8;
	v11 =	vperm.xlane v11, v8;
	(xrf1) =	vsort.dscd.msk.f32 $0xffff, v17, v6;
	v17, v27, _ =	vpop (xrf1)  }
0x43: {  	(xrf1) =	vsort.dscd.msk.f32 $0xffff, v13, v1;
	v13, v28, _ =	vpop (xrf1)  }
0x44: {  	v10 =	vsel vm0, v14, v10;
	v11 =	vsel vm0, v16, v11;
	(xrf1) =	vsort.dscd.msk.f32 $0xffff, v15, v2;
	v14, v15, _ =	vpop (xrf1)  }
0x45: {  	v16 =	vperm.xlane v17, v8;
	v17 =	vperm.xlane v27, v8;
	(xrf1) =	vsort.dscd.msk.f32 $0xffff, v23, v4;
	v23, v27, _ =	vpop (xrf1)  }
0x46: {  	v15 =	vperm.xlane v15, v8;
	(xrf1) =	vsort.dscd.msk.f32 $0xffff, v22, v0;
	v22, v29, _ =	vpop (xrf1)  }
0x47: {  	v22 =	vperm.xlane v22, v8;
	v29 =	vperm.xlane v29, v8  }
0x48: {  	v14 =	vperm.xlane v14, v8  }
0x49: {  	(xrf1) =	vsort.dscd.msk.f32 $0xffff, v10, v11;
	v15 =	vsel vm0, v28, v15  }
0x4a: {  	v10, v11, _ =	vpop (xrf1);
	v13 =	vsel vm0, v13, v14;
	v14 =	vperm.xlane v23, v8;
	v23 =	vperm.xlane v27, v8  }
0x4b: {  	v10 =	vsel vm0, v10, v22;
	v11 =	vsel vm0, v11, v29;
	v22, v27, _ =	vpop (xrf1)  }
0x4c: {  	(xrf1) =	vsort.dscd.msk.f32 $0xffff, v10, v11;
	v28, v29, _ =	vpop (xrf1);
	v11 =	vperm.xlane v27, v8  }
0x4d: {  	v10 =	vperm.xlane v22, v8;
	(xrf1) =	vsort.dscd.msk.f32 $0xffff, v13, v15;
	v13, v15, _ =	vpop (xrf1)  }
0x4e: {  	v14 =	vsel vm0, v28, v14;
	v22 =	vsel vm0, v29, v23;
	v23, v27, _ =	vpop (xrf1);
	v11 =	vsel vm0, v15, v11  }
0x4f: {  	(xrf1) =	vsort.dscd.msk.f32 $0xffff, v14, v22;
	v14 =	vsel vm0, v27, v17  }
0x50: {  	v10 =	vsel vm0, v13, v10;
	v13 =	vsel vm0, v23, v16;
	v15, v16, _ =	vpop (xrf1)  }
0x51: {  	(xrf1) =	vsort.dscd.msk.f32 $0xffff, v10, v11;
	v10 =	vperm.xlane v20, v8;
	v16 =	vperm.xlane v16, v8;
	v11, v17, _ =	vpop (xrf1)  }
0x52: {  	s29 =	simm.s32 $0x280;
	(xrf1) =	vsort.dscd.msk.f32 $0xffff, v13, v14;
	v13 =	vperm.xlane v21, v8;
	v14, v20, _ =	vpop (xrf1)  }
0x53: {  	v15 =	vperm.xlane v15, v8;
	v10 =	vsel vm0, v18, v10;
	v18 =	vld [tilespmem:s29+$0x10];
	v21, v22, _ =	vpop (xrf1)  }
0x54: {  	v11 =	vperm.xlane v11, v8;
	v17 =	vperm.xlane v17, v8;
	v13 =	vsel vm0, v19, v13;
	v19 =	vld [tilespmem:s29+$0x20];
	v23, v27, _ =	vpop (xrf1)  }
0x55: {  	(xrf1) =	vsort.dscd.msk.f32 $0xffff, v10, v13;
	v10 =	vsel vm0, v21, v15;
	v13 =	vsel vm0, v22, v16;
	v15 =	vld [tilespmem:s29+$0x30];
	v16, v21, _ =	vpop (xrf1)  }
0x56: {  	(xrf1) =	vsort.dscd.msk.f32 $0xffff, v10, v13;
	v10 =	vld [tilespmem:s29+$0x50];
	v11 =	vsel vm0, v16, v11;
	v13 =	vsel vm0, v21, v17  }
0x57: {  	(xrf1) =	vsort.dscd.msk.f32 $0xffff, v11, v13  }
0x58: {  	v17, v21, _ =	vpop (xrf1);
	(xrf1) =	vsort.dscd.msk.f32 $0xffff, v18, v1  }
0x59: {  	v18, v22, _ =	vpop (xrf1);
	(xrf1) =	vsort.dscd.msk.f32 $0xffff, v19, v2  }
0x5a: {  	v16 =	vld [tilespmem:s29+$0x70];
	v19, v28, _ =	vpop (xrf1);
	(xrf1) =	vsort.dscd.msk.f32 $0xffff, v15, v3  }
0x5b: {  	v11 =	vld [tilespmem:s29+$0x60];
	(xrf1) =	vsort.dscd.msk.f32 $0xffff, v10, v5;
	v10, v13, _ =	vpop (xrf1)  }
0x5c: {  	v10 =	vperm.xlane v10, v8  }
0x5d: {  	v13 =	vperm.xlane v13, v8  }
0x5e: {  	v15 =	vld [tilespmem:s29+$0x40]  }
0x5f: {  	(xrf1) =	vsort.dscd.msk.f32 $0xffff, v16, v7;
	v16, v29, _ =	vpop (xrf1)  }
0x60: {  	v30 =	vld [tilespmem:s29+$0x0];
	(xrf1) =	vsort.dscd.msk.f32 $0xffff, v11, v6;
	v11 =	vperm.xlane v16, v8;
	v16, v31, _ =	vpop (xrf1)  }
0x61: {  	v32 =	vld [tilespmem:s29+$0xFFFFFFF0];
	v29 =	vperm.xlane v29, v8;
	v16 =	vsel vm0, v16, v10;
	v31 =	vsel vm0, v31, v13;
	v13, v10, _ =	vpop (xrf1)  }
0x62: {  	v33 =	vld [tilespmem:s29+$0xFFFFFFB0];
	(xrf1) =	vsort.dscd.msk.f32 $0xffff, v16, v31;
	v34, v35, _ =	vpop (xrf1)  }
0x63: {  	v16 =	vld [tilespmem:s29+$0xFFFFFFD0];
	(xrf1) =	vsort.dscd.msk.f32 $0xffff, v15, v4;
	v11 =	vsel vm0, v34, v11;
	v15 =	vsel vm0, v35, v29  }
0x64: {  	(xrf1) =	vsort.dscd.msk.f32 $0xffff, v11, v15  }
0x65: {  	v29 =	vld [tilespmem:s29+$0xFFFFFFE0];
	(xrf1) =	vsort.dscd.msk.f32 $0xffff, v30, v0  }
0x66: {  	v31, v63, _ =	vpop (xrf1);
	v15 =	vld [tilespmem:s29+$0xFFFFFF90];
	(xrf1) =	vsort.dscd.msk.f32 $0xffff, v32, v7  }
0x67: {  	v40 =	vperm.xlane v12, v8;
	v36, v12, _ =	vpop (xrf1);
	v30 =	vld [tilespmem:s29+$0xFFFFFFA0];
	(xrf1) =	vsort.dscd.msk.f32 $0xffff, v33, v3  }
0x68: {  	v41 =	vld [tilespmem:s29+$0xFFFFFFC0];
	(xrf1) =	vsort.dscd.msk.f32 $0xffff, v16, v5;
	v16 =	vperm.xlane v20, v8;
	v20 =	vperm.xlane v23, v8  }
0x69: {  	v37 =	vld [tilespmem:s29+$0xFFFFFF80];
	v24 =	vperm.xlane v24, v8;
	v42 =	vperm.xlane v14, v8;
	v14, v11, _ =	vpop (xrf1)  }
0x6a: {  	v25 =	vperm.xlane v25, v8;
	v26 =	vperm.xlane v26, v8;
	(xrf1) =	vsort.dscd.msk.f32 $0xffff, v29, v6;
	v23, v29, _ =	vpop (xrf1)  }
0x6b: {  	v27 =	vperm.xlane v27, v8;
	v17 =	vsel vm0, v17, v42;
	(xrf1) =	vsort.dscd.msk.f32 $0xffff, v15, v1;
	v15, v43, _ =	vpop (xrf1)  }
0x6c: {  	v16 =	vsel vm0, v21, v16;
	v18 =	vsel vm0, v18, v20;
	(xrf1) =	vsort.dscd.msk.f32 $0xffff, v30, v2;
	v20, v21, _ =	vpop (xrf1)  }
0x6d: {  	v23 =	vperm.xlane v23, v8;
	(xrf1) =	vsort.dscd.msk.f32 $0xffff, v41, v4;
	v30, v44, _ =	vpop (xrf1);
	v21 =	vperm.xlane v21, v8  }
0x6e: {  	v29 =	vperm.xlane v29, v8;
	v20 =	vperm.xlane v20, v8;
	(xrf1) =	vsort.dscd.msk.f32 $0xffff, v37, v0;
	v45, v38, _ =	vpop (xrf1)  }
0x6f: {  	v37 =	vperm.xlane v45, v8;
	v38 =	vperm.xlane v38, v8;
	v21 =	vsel vm0, v43, v21  }
0x70: {  	(xrf1) =	vsort.dscd.msk.f32 $0xffff, v17, v16;
	v16, v17, _ =	vpop (xrf1);
	v15 =	vsel vm0, v15, v20;
	v20 =	vperm.xlane v30, v8  }
0x71: {  	v30 =	vperm.xlane v44, v8;
	v47, v46, _ =	vpop (xrf1);
	v16 =	vsel vm0, v16, v37;
	v17 =	vsel vm0, v17, v38  }
0x72: {  	v48, v49, _ =	vpop (xrf1);
	(xrf1) =	vsort.dscd.msk.f32 $0xffff, v16, v17;
	v16 =	vperm.xlane v47, v8;
	v17 =	vperm.xlane v46, v8  }
0x73: {  	v20 =	vsel vm0, v48, v20;
	v30 =	vsel vm0, v49, v30;
	(xrf1) =	vsort.dscd.msk.f32 $0xffff, v15, v21;
	v15, v21, _ =	vpop (xrf1)  }
0x74: {  	v50, v51, _ =	vpop (xrf1);
	(xrf1) =	vsort.dscd.msk.f32 $0xffff, v20, v30;
	v15 =	vsel vm0, v15, v16;
	v16 =	vsel vm0, v21, v17  }
0x75: {  	v17 =	vsel vm0, v50, v23;
	v20 =	vsel vm0, v51, v29;
	v21, v23, _ =	vpop (xrf1);
	(xrf1) =	vsort.dscd.msk.f32 $0xffff, v15, v16  }
0x76: {  	v15 =	vsel vm0, v22, v27;
	v16 =	vsel vm0, v19, v24;
	v24 =	vsel vm0, v63, v26  }
0x77: {  	v19, v22, _ =	vpop (xrf1);
	(xrf1) =	vsort.dscd.msk.f32 $0xffff, v17, v20;
	v17 =	vsel vm0, v28, v25;
	v23 =	vperm.xlane v23, v8  }
0x78: {  	v25, v26, _ =	vpop (xrf1)  }
0x79: {  	v20 =	vsel vm0, v31, v40;
	v21 =	vperm.xlane v21, v8;
	(xrf1) =	vsort.dscd.msk.f32 $0xffff, v18, v15;
	v18, v27, _ =	vpop (xrf1)  }
0x7a: {  	s30 =	simm.s32 $0x380;
	v19 =	vperm.xlane v19, v8;
	v22 =	vperm.xlane v22, v8;
	(xrf1) =	vsort.dscd.msk.f32 $0xffff, v16, v17;
	v17, v28, _ =	vpop (xrf1)  }
0x7b: {  	v15 =	vld [tilespmem:s30+$0x10];
	v18 =	vsel vm0, v18, v21;
	v21 =	vsel vm0, v27, v23;
	(xrf1) =	vsort.dscd.msk.f32 $0xffff, v20, v24;
	v23, v24, _ =	vpop (xrf1)  }
0x7c: {  	v16 =	vld [tilespmem:s30+$0x20];
	(xrf1) =	vsort.dscd.msk.f32 $0xffff, v18, v21;
	v21 =	vsel vm0, v24, v22  }
0x7d: {  	v20 =	vld [tilespmem:s30+$0x30];
	v19 =	vsel vm0, v23, v19  }
0x7e: {  	v18 =	vld [tilespmem:s30+$0x50]  }
0x7f: {  	v22 =	vld [tilespmem:s30+$0x70];
	(xrf1) =	vsort.dscd.msk.f32 $0xffff, v19, v21  }
0x80: {  	v23 =	vld [tilespmem:s30+$0x60];
	v19, v21, _ =	vpop (xrf1);
	(xrf1) =	vsort.dscd.msk.f32 $0xffff, v15, v1  }
0x81: {  	v15, v24, _ =	vpop (xrf1);
	(xrf1) =	vsort.dscd.msk.f32 $0xffff, v16, v2  }
0x82: {  	v16, v27, _ =	vpop (xrf1);
	(xrf1) =	vsort.dscd.msk.f32 $0xffff, v20, v3  }
0x83: {  	v20 =	vld [tilespmem:s30+$0x40];
	(xrf1) =	vsort.dscd.msk.f32 $0xffff, v18, v5;
	v18, v29, _ =	vpop (xrf1)  }
0x84: {  	(xrf1) =	vsort.dscd.msk.f32 $0xffff, v22, v7;
	v18 =	vperm.xlane v18, v8;
	v22 =	vperm.xlane v29, v8;
	v29, v30, _ =	vpop (xrf1)  }
0x85: {  	v31 =	vld [tilespmem:s30+$0x0];
	(xrf1) =	vsort.dscd.msk.f32 $0xffff, v23, v6;
	v23 =	vperm.xlane v29, v8;
	v29, v52, _ =	vpop (xrf1)  }
0x86: {  	v53 =	vld [tilespmem:s30+$0xFFFFFFF0];
	v30 =	vperm.xlane v30, v8;
	v18 =	vsel vm0, v29, v18;
	v22 =	vsel vm0, v52, v22;
	v29, v54, _ =	vpop (xrf1)  }
0x87: {  	v55 =	vld [tilespmem:s30+$0xFFFFFFB0];
	v26 =	vperm.xlane v26, v8;
	v57, v56, _ =	vpop (xrf1);
	(xrf1) =	vsort.dscd.msk.f32 $0xffff, v18, v22  }
0x88: {  	v18 =	vld [tilespmem:s30+$0xFFFFFFD0];
	(xrf1) =	vsort.dscd.msk.f32 $0xffff, v20, v4;
	v20 =	vsel vm0, v57, v23;
	v22 =	vsel vm0, v56, v30  }
0x89: {  	v23 =	vld [tilespmem:s30+$0xFFFFFFE0];
	(xrf1) =	vsort.dscd.msk.f32 $0xffff, v20, v22  }
0x8a: {  	v17 =	vperm.xlane v17, v8;
	v28 =	vperm.xlane v28, v8;
	v22 =	vld [tilespmem:s30+$0xFFFFFF90];
	v30, v58, _ =	vpop (xrf1);
	(xrf1) =	vsort.dscd.msk.f32 $0xffff, v31, v0  }
0x8b: {  	v31 =	vld [tilespmem:s30+$0xFFFFFFA0];
	v60, v59, _ =	vpop (xrf1);
	(xrf1) =	vsort.dscd.msk.f32 $0xffff, v53, v7  }
0x8c: {  	v25 =	vperm.xlane v25, v8;
	v20 =	vperm.xlane v36, v8;
	v63, v62, _ =	vpop (xrf1);
	(xrf1) =	vsort.dscd.msk.f32 $0xffff, v55, v3  }
0x8d: {  	v61 =	vld [tilespmem:s30+$0xFFFFFFC0];
	v12 =	vperm.xlane v12, v8;
	v21 =	vsel vm0, v21, v26;
	(xrf1) =	vsort.dscd.msk.f32 $0xffff, v18, v5;
	v18, v26, _ =	vpop (xrf1)  }
0x8e: {  	v19 =	vsel vm0, v19, v25;
	v25 =	vld [tilespmem:s30+$0xFFFFFF80];
	v15 =	vsel vm0, v15, v17;
	(xrf1) =	vsort.dscd.msk.f32 $0xffff, v23, v6;
	v17, v23, _ =	vpop (xrf1)  }
0x8f: {  	v14 =	vperm.xlane v14, v8;
	v24 =	vsel vm0, v24, v28;
	(xrf1) =	vsort.dscd.msk.f32 $0xffff, v22, v1;
	v22, v28, _ =	vpop (xrf1)  }
0x90: {  	v16 =	vsel vm0, v16, v20;
	(xrf1) =	vsort.dscd.msk.f32 $0xffff, v31, v2;
	v20, v31, _ =	vpop (xrf1)  }
0x91: {  	v12 =	vsel vm0, v27, v12;
	v14 =	vsel vm0, v30, v14;
	v27, v30, _ =	vpop (xrf1)  }
0x92: {  	(xrf1) =	vsort.dscd.msk.f32 $0xffff, v61, v4;
	v30 =	vperm.xlane v30, v8  }
0x93: {  	(xrf1) =	vsort.dscd.msk.f32 $0xffff, v25, v0;
	v25, v39, _ =	vpop (xrf1)  }
0x94: {  	v27 =	vperm.xlane v27, v8;
	(xrf1) =	vsort.dscd.msk.f32 $0xffff, v19, v21;
	v19, v21, _ =	vpop (xrf1)  }
0x95: {  	v21 =	vperm.xlane v21, v8  }
0x96: {  	v19 =	vperm.xlane v19, v8;
	v20 =	vsel vm0, v20, v27;
	v27 =	vsel vm0, v31, v30;
	v30, v31, _ =	vpop (xrf1)  }
0x97: {  	v25 =	vperm.xlane v25, v8;
	v21 =	vsel vm0, v31, v21  }
0x98: {  	v19 =	vsel vm0, v30, v19;
	_ =	sdelay $0x1  }
0x99: {  	v28 =	vperm.xlane v28, v8;
	v30, v31, _ =	vpop (xrf1)  }
0x9a: {  	v33 =	vperm.xlane v39, v8;
	(xrf1) =	vsort.dscd.msk.f32 $0xffff, v19, v21;
	v30 =	vperm.xlane v30, v8;
	v19, v21, _ =	vpop (xrf1)  }
0x9b: {  	v31 =	vperm.xlane v31, v8;
	(xrf1) =	vsort.dscd.msk.f32 $0xffff, v20, v27;
	v19 =	vsel vm0, v19, v25;
	v20, v25, _ =	vpop (xrf1)  }
0x9c: {  	v22 =	vperm.xlane v22, v8;
	v21 =	vsel vm0, v21, v33;
	v27, v40, _ =	vpop (xrf1)  }
0x9d: {  	(xrf1) =	vsort.dscd.msk.f32 $0xffff, v19, v21;
	v19 =	vsel vm0, v20, v30;
	v20 =	vsel vm0, v25, v31  }
0x9e: {  	v21 =	vsel vm0, v27, v22;
	v22 =	vsel vm0, v40, v28;
	(xrf1) =	vsort.dscd.msk.f32 $0xffff, v19, v20;
	v25, v27, _ =	vpop (xrf1)  }
0x9f: {  	v11 =	vperm.xlane v11, v8;
	(xrf1) =	vsort.dscd.msk.f32 $0xffff, v21, v22;
	v28, v30, _ =	vpop (xrf1);
	v22 =	vperm.xlane v27, v8  }
0xa0: {  	v20 =	vperm.xlane v59, v8;
	v21 =	vperm.xlane v25, v8;
	v25, v27, _ =	vpop (xrf1)  }
0xa1: {  	v13 =	vperm.xlane v13, v9;
	(xrf1) =	vsort.dscd.msk.f32 $0xffff, v15, v24;
	v24 =	vperm.xlane v30, v8;
	v30, v31, _ =	vpop (xrf1)  }
0xa2: {  	s31 =	simm.s32 $0x480;
	v11 =	vsel vm0, v58, v11;
	v19 =	vperm.xlane v60, v8;
	v15 =	vperm.xlane v28, v8  }
0xa3: {  	v28 =	vld [tilespmem:s31+$0x10];
	(xrf1) =	vsort.dscd.msk.f32 $0xffff, v16, v12;
	v16 =	vsel vm0, v30, v21;
	v21 =	vsel vm0, v31, v22;
	v22, v30, _ =	vpop (xrf1)  }
0xa4: {  	v12 =	vld [tilespmem:s31+$0x20];
	(xrf1) =	vsort.dscd.msk.f32 $0xffff, v14, v11;
	v11 =	vsel vm0, v63, v19;
	v14 =	vsel vm0, v62, v20;
	v20, v31, _ =	vpop (xrf1)  }
0xa5: {  	v19 =	vld [tilespmem:s31+$0x30];
	(xrf1) =	vsort.dscd.msk.f32 $0xffff, v16, v21;
	v15 =	vsel vm0, v20, v15;
	v20 =	vsel vm0, v31, v24  }
0xa6: {  	v16 =	vld [tilespmem:s31+$0x50];
	(xrf1) =	vsort.dscd.msk.f32 $0xffff, v11, v14  }
0xa7: {  	v11 =	vperm.xlane v29, v9;
	v14 =	vld [tilespmem:s31+$0x70];
	(xrf1) =	vsort.dscd.msk.f32 $0xffff, v15, v20  }
0xa8: {  	v24 =	vsel vm0, v10, v13;
	v10, v13, _ =	vpop (xrf1);
	v15 =	vld [tilespmem:s31+$0x60];
	(xrf1) =	vsort.dscd.msk.f32 $0xffff, v28, v1  }
0xa9: {  	v28 =	vsel vm0, v54, v11;
	v11 =	vperm.xlane v18, v8;
	v18, v20, _ =	vpop (xrf1);
	(xrf1) =	vsort.dscd.msk.f32 $0xffff, v12, v2  }
0xaa: {  	v21 =	vperm.xlane v17, v8;
	v12 =	vperm.xlane v26, v8;
	v17, v26, _ =	vpop (xrf1);
	(xrf1) =	vsort.dscd.msk.f32 $0xffff, v19, v3  }
0xab: {  	v19 =	vperm.xlane v23, v8;
	v23 =	vperm.xlane v25, v8;
	(xrf1) =	vsort.dscd.msk.f32 $0xffff, v16, v5;
	v16, v29, _ =	vpop (xrf1)  }
0xac: {  	v25 =	vld [tilespmem:s31+$0x40];
	(xrf1) =	vsort.dscd.msk.f32 $0xffff, v14, v7;
	v14 =	vperm.xlane v16, v8;
	v16 =	vperm.xlane v29, v8;
	v29, v31, _ =	vpop (xrf1)  }
0xad: {  	v27 =	vperm.xlane v27, v8;
	(xrf1) =	vsort.dscd.msk.f32 $0xffff, v15, v6;
	v15 =	vperm.xlane v29, v8;
	v29, v42, _ =	vpop (xrf1)  }
0xae: {  	v41 =	vld [tilespmem:s31+$0x0];
	v31 =	vperm.xlane v31, v8;
	v14 =	vsel vm0, v29, v14;
	v29, v44, _ =	vpop (xrf1)  }
0xaf: {  	v43 =	vld [tilespmem:s31+$0xFFFFFFF0];
	v16 =	vsel vm0, v42, v16;
	v46, v47, _ =	vpop (xrf1)  }
0xb0: {  	v45 =	vld [tilespmem:s31+$0xFFFFFFB0];
	v22 =	vperm.xlane v22, v8;
	(xrf1) =	vsort.dscd.msk.f32 $0xffff, v14, v16;
	v15 =	vsel vm0, v46, v15  }
0xb1: {  	v30 =	vperm.xlane v30, v8;
	v14 =	vld [tilespmem:s31+$0xFFFFFFD0];
	(xrf1) =	vsort.dscd.msk.f32 $0xffff, v25, v4;
	v16 =	vsel vm0, v47, v31  }
0xb2: {  	v23 =	vsel vm0, v10, v23;
	v25 =	vsel vm0, v13, v27;
	v13 =	vld [tilespmem:s31+$0xFFFFFFE0];
	v10, v27, _ =	vpop (xrf1);
	(xrf1) =	vsort.dscd.msk.f32 $0xffff, v15, v16  }
0xb3: {  	v22 =	vsel vm0, v18, v22;
	v30 =	vsel vm0, v20, v30;
	v20 =	vld [tilespmem:s31+$0xFFFFFF90];
	(xrf1) =	vsort.dscd.msk.f32 $0xffff, v41, v0;
	v15, v31, _ =	vpop (xrf1)  }
0xb4: {  	v16 =	vsel vm0, v17, v11;
	v11 =	vperm.xlane v29, v9;
	v29 =	vld [tilespmem:s31+$0xFFFFFFA0];
	v49, v48, _ =	vpop (xrf1);
	(xrf1) =	vsort.dscd.msk.f32 $0xffff, v43, v7  }
0xb5: {  	v17 =	vsel vm0, v26, v12;
	v26 =	vld [tilespmem:s31+$0xFFFFFFC0];
	v18 =	vsel vm0, v10, v21;
	v12, v21, _ =	vpop (xrf1);
	(xrf1) =	vsort.dscd.msk.f32 $0xffff, v45, v3  }
0xb6: {  	v50 =	vld [tilespmem:s31+$0xFFFFFF80];
	v19 =	vsel vm0, v27, v19;
	v27, v10, _ =	vpop (xrf1);
	(xrf1) =	vsort.dscd.msk.f32 $0xffff, v14, v5  }
0xb7: {  	v33 =	vsel vm0, v44, v11;
	v52, v51, _ =	vpop (xrf1);
	(xrf1) =	vsort.dscd.msk.f32 $0xffff, v13, v6  }
0xb8: {  	v11 =	vperm.xlane v15, v8;
	v15 =	vperm.xlane v21, v8;
	v21, v53, _ =	vpop (xrf1);
	(xrf1) =	vsort.dscd.msk.f32 $0xffff, v20, v1  }
0xb9: {  	v54, v55, _ =	vpop (xrf1);
	(xrf1) =	vsort.dscd.msk.f32 $0xffff, v29, v2  }
0xba: {  	v31 =	vperm.xlane v31, v8;
	v13 =	vperm.xlane v27, v9;
	v27, v29, _ =	vpop (xrf1);
	(xrf1) =	vsort.dscd.msk.f32 $0xffff, v26, v4  }
0xbb: {  	(xrf1) =	vsort.dscd.msk.f32 $0xffff, v50, v0;
	v58, v57, _ =	vpop (xrf1)  }
0xbc: {  	(xrf1) =	vsort.dscd.msk.f32 $0xffff, v23, v25;
	v23, v25, _ =	vpop (xrf1)  }
0xbd: {  	v26 =	vperm.xlane v21, v8;
	v25 =	vperm.xlane v25, v8  }
0xbe: {  	v21 =	vsel vm0, v48, v31;
	v29 =	vperm.xlane v29, v8;
	v23 =	vperm.xlane v23, v8;
	v31, v59, _ =	vpop (xrf1)  }
0xbf: {  	v27 =	vperm.xlane v27, v8;
	v25 =	vsel vm0, v59, v25  }
0xc0: {  	v29 =	vsel vm0, v55, v29;
	v23 =	vsel vm0, v31, v23  }
0xc1: {  	v27 =	vsel vm0, v54, v27  }
0xc2: {  	v34 =	vperm.xlane v58, v8;
	v60 =	vperm.xlane v57, v8;
	v31, v61, _ =	vpop (xrf1)  }
0xc3: {  	(xrf1) =	vsort.dscd.msk.f32 $0xffff, v23, v25;
	v31 =	vperm.xlane v31, v8;
	v32 =	vperm.xlane v61, v8;
	v23, v25, _ =	vpop (xrf1)  }
0xc4: {  	(xrf1) =	vsort.dscd.msk.f32 $0xffff, v27, v29;
	v23 =	vsel vm0, v23, v34;
	v25 =	vsel vm0, v25, v60;
	v27, v29, _ =	vpop (xrf1)  }
0xc5: {  	s11 =	simm.s32 $0x8080;
	v63, v62, _ =	vpop (xrf1);
	(xrf1) =	vsort.dscd.msk.f32 $0xffff, v23, v25;
	v25 =	vsel vm0, v29, v32  }
0xc6: {  	[tilespmem:s11+$0x0] =	vst v24;
	v56 =	vperm.xlane v53, v8;
	v23 =	vsel vm0, v27, v31;
	v24 =	vsel vm0, v63, v26  }
0xc7: {  	v14 =	vperm.xlane v12, v8;
	v20 =	vsel vm0, v49, v11;
	v12 =	vperm.xlane v52, v8  }
0xc8: {  	s10 =	simm.s32 $0x8180;
	v11 =	vperm.xlane v51, v8;
	v26 =	vsel vm0, v62, v56;
	v27, v29, _ =	vpop (xrf1);
	(xrf1) =	vsort.dscd.msk.f32 $0xffff, v23, v25  }
0xc9: {  	s9 =	simm.s32 $0x8280;
	[tilespmem:s10+$0x0] =	vst v28;
	v28 =	vperm.xlane v27, v8;
	v29 =	vperm.xlane v29, v8;
	(xrf1) =	vsort.dscd.msk.f32 $0xffff, v24, v26;
	v23, v25, _ =	vpop (xrf1)  }
0xca: {  	s12 =	simm.s32 $0x8;
	s13 =	simm.s32 $0x580;
	[tilespmem:s9+$0x0] =	vst v33;
	(xrf1) =	vsort.dscd.msk.f32 $0xffff, v22, v30;
	v26 =	vperm.xlane v23, v8;
	v27 =	vperm.xlane v25, v8;
	v25, v24, _ =	vpop (xrf1)  }
.LBB2_2:
0xcb: {  	v22 =	vld [tilespmem:s13+$0x10];
	v32 =	vperm.xlane v25, v8;
	v24 =	vperm.xlane v24, v8;
	v25, v30, _ =	vpop (xrf1);
	(xrf1) =	vsort.dscd.msk.f32 $0xffff, v16, v17  }
0xcc: {  	v16 =	vld [tilespmem:s13+$0x20];
	v17 =	vsel vm0, v25, v28;
	v25 =	vsel vm0, v30, v29;
	v28, v29, _ =	vpop (xrf1);
	(xrf1) =	vsort.dscd.msk.f32 $0xffff, v18, v19  }
0xcd: {  	v18 =	vld [tilespmem:s13+$0x30];
	v33 =	vperm.xlane v28, v8;
	v28 =	vperm.xlane v29, v8;
	v31, v30, _ =	vpop (xrf1);
	(xrf1) =	vsort.dscd.msk.f32 $0xffff, v17, v25  }
0xce: {  	v25 =	vld [tilespmem:s13+$0x50];
	v31 =	vsel vm0, v31, v26;
	v26 =	vsel vm0, v30, v27;
	v27, v29, _ =	vpop (xrf1);
	(xrf1) =	vsort.dscd.msk.f32 $0xffff, v20, v21  }
0xcf: {  	s12 =	sadd.s32 $0x2, s12;
	v20 =	vld [tilespmem:s13+$0x70];
	v27 =	vsel vm0, v27, v32;
	v24 =	vsel vm0, v29, v24;
	v21, v23, _ =	vpop (xrf1);
	(xrf1) =	vsort.dscd.msk.f32 $0xffff, v31, v26  }
0xd0: {  	p0 =	slt.u32 s12, $0xFE;
	v26 =	vld [tilespmem:s13+$0x60];
	(xrf1) =	vsort.dscd.msk.f32 $0xffff, v22, v1;
	v22 =	vsel vm0, v21, v33;
	v23 =	vsel vm0, v23, v28;
	v17, v19, _ =	vpop (xrf1)  }
0xd1: {  	v21 =	vld [tilespmem:s13+$0xFFFFFFF0];
	(xrf1) =	vsort.dscd.msk.f32 $0xffff, v16, v2;
	v16 =	vsel vm0, v17, v14;
	v17 =	vsel vm0, v19, v15  }
0xd2: {  	v10 =	vsel vm0, v10, v13;
	v14 =	vld [tilespmem:s13+$0xFFFFFFB0];
	(xrf1) =	vsort.dscd.msk.f32 $0xffff, v18, v3  }
0xd3: {  	v13 =	vld [tilespmem:s13+$0x40];
	(xrf1) =	vsort.dscd.msk.f32 $0xffff, v25, v5;
	v15, v18, _ =	vpop (xrf1);
	[tilespmem:s11+$0xFFFFFF80] =	vst v10;
	s11 =	smov.u32 s10;
	s10 =	smov.u32 s9  }
0xd4: {  	v25 =	vld [tilespmem:s13+$0xFFFFFFD0];
	(xrf1) =	vsort.dscd.msk.f32 $0xffff, v20, v7;
	v10 =	vperm.xlane v15, v8;
	v15 =	vperm.xlane v18, v8;
	v18, v19, _ =	vpop (xrf1)  }
0xd5: {  	v20 =	vld [tilespmem:s13+$0x0];
	(xrf1) =	vsort.dscd.msk.f32 $0xffff, v26, v6;
	v35 =	vperm.xlane v18, v8;
	v26, v28, _ =	vpop (xrf1)  }
0xd6: {  	v33 =	vperm.xlane v19, v8;
	v29 =	vld [tilespmem:s13+$0xFFFFFFE0];
	v10 =	vsel vm0, v26, v10;
	v15 =	vsel vm0, v28, v15;
	v26, v28, _ =	vpop (xrf1)  }
0xd7: {  	v31, v32, _ =	vpop (xrf1);
	(xrf1) =	vsort.dscd.msk.f32 $0xffff, v10, v15;
	v10 =	vperm.xlane v26, v9  }
0xd8: {  	v30 =	vld [tilespmem:s13+$0xFFFFFF90];
	v15 =	vsel vm0, v32, v33  }
0xd9: {  	v26 =	vld [tilespmem:s13+$0xFFFFFFA0];
	(xrf1) =	vsort.dscd.msk.f32 $0xffff, v13, v4;
	v34 =	vsel vm0, v31, v35;
	v18, v19, _ =	vpop (xrf1);
	v10 =	vsel vm0, v28, v10  }
0xda: {  	s9 =	sadd.s32 $0x100, s9;
	v31 =	vld [tilespmem:s13+$0xFFFFFFC0];
	(xrf1) =	vsort.dscd.msk.f32 $0xffff, v34, v15;
	v18 =	vsel vm0, v18, v12;
	v12, v13, _ =	vpop (xrf1)  }
0xdb: {  	v19 =	vsel vm0, v19, v11;
	v28 =	vld [tilespmem:s13+$0xFFFFFF80];
	(xrf1) =	vsort.dscd.msk.f32 $0xffff, v20, v0;
	[tilespmem:s9+$0x0] =	vst v10;
	v11 =	vperm.xlane v12, v8;
	v12, v32, _ =	vpop (xrf1)  }
0xdc: {  	v10, v15, _ =	vpop (xrf1)  }
0xdd: {  	v13 =	vperm.xlane v13, v8;
	(xrf1) =	vsort.dscd.msk.f32 $0xffff, v21, v7  }
0xde: {  	(xrf1) =	vsort.dscd.msk.f32 $0xffff, v14, v3;
	v14 =	vperm.xlane v10, v8;
	v15 =	vperm.xlane v15, v8;
	v33, v10, _ =	vpop (xrf1)  }
0xdf: {  	v20 =	vsel vm0, v12, v11;
	v21 =	vsel vm0, v32, v13;
	(xrf1) =	vsort.dscd.msk.f32 $0xffff, v25, v5;
	v25, v34, _ =	vpop (xrf1)  }
0xe0: {  	(xrf1) =	vsort.dscd.msk.f32 $0xffff, v29, v6;
	v29, v32, _ =	vpop (xrf1);
	v12 =	vperm.xlane v25, v8;
	v11 =	vperm.xlane v34, v8  }
0xe1: {  	v13 =	vperm.xlane v33, v9;
	(xrf1) =	vsort.dscd.msk.f32 $0xffff, v30, v1;
	v25, v30, _ =	vpop (xrf1)  }
0xe2: {  	(xrf1) =	vsort.dscd.msk.f32 $0xffff, v26, v2;
	v26, v33, _ =	vpop (xrf1)  }
0xe3: {  	v29 =	vperm.xlane v29, v8;
	v32 =	vperm.xlane v32, v8;
	(xrf1) =	vsort.dscd.msk.f32 $0xffff, v31, v4;
	v31, v34, _ =	vpop (xrf1)  }
0xe4: {  	v26 =	vperm.xlane v26, v8;
	v38 =	vperm.xlane v33, v8;
	(xrf1) =	vsort.dscd.msk.f32 $0xffff, v28, v0;
	v28, v35, _ =	vpop (xrf1)  }
0xe5: {  	v28 =	vperm.xlane v28, v8;
	v39 =	vperm.xlane v35, v8;
	v36, v37, _ =	vpop (xrf1);
	(xrf1) =	vsort.dscd.msk.f32 $0xffff, v27, v24  }
0xe6: {  	v24 =	vsel vm0, v25, v26;
	v25 =	vperm.xlane v31, v8;
	v26 =	vperm.xlane v34, v8  }
0xe7: {  	v38 =	vsel vm0, v30, v38;
	v28 =	vsel vm0, v36, v28;
	v30 =	vsel vm0, v37, v39;
	v31, v33, _ =	vpop (xrf1)  }
0xe8: {  	v34, v35, _ =	vpop (xrf1);
	(xrf1) =	vsort.dscd.msk.f32 $0xffff, v28, v30;
	v36 =	vperm.xlane v31, v8;
	v30 =	vperm.xlane v33, v8  }
.Ltmp0:
0xe9: {  	v37 =	vsel vm0, v34, v25;
	v26 =	vsel vm0, v35, v26;
	(xrf1) =	vsort.dscd.msk.f32 $0xffff, v24, v38;
	v24, v27, _ =	vpop (xrf1);
	(pc) =	sbr.rel @p0 .LBB2_2-.Ltmp0, $4  }
0xea: {  	v31, v33, _ =	vpop (xrf1);
	(xrf1) =	vsort.dscd.msk.f32 $0xffff, v37, v26;
	v35 =	vsel vm0, v24, v36;
	v34 =	vsel vm0, v27, v30  }
0xeb: {  	v26 =	vsel vm0, v31, v29;
	v27 =	vsel vm0, v33, v32;
	v28, v29, _ =	vpop (xrf1);
	(xrf1) =	vsort.dscd.msk.f32 $0xffff, v35, v34  }
0xec: {  	v28 =	vperm.xlane v28, v8;
	v29 =	vperm.xlane v29, v8;
	v30, v25, _ =	vpop (xrf1);
	(xrf1) =	vsort.dscd.msk.f32 $0xffff, v26, v27  }
0xed: {  	s13 =	sadd.s32 $0x100, s13;
	v26 =	vperm.xlane v30, v8;
	v27 =	vperm.xlane v25, v8;
	v25, v24, _ =	vpop (xrf1);
	(xrf1) =	vsort.dscd.msk.f32 $0xffff, v22, v23  }
0xee: {  	_ =	sdelay $0x1  }
0xef: {  	v22, v23, _ =	vpop (xrf1)  }
0xf0: {  	v30, v31, _ =	vpop (xrf1)  }
0xf1: {  	v32, v33, _ =	vpop (xrf1)  }
0xf2: {  	v34, v35, _ =	vpop (xrf1)  }
0xf3: {  	(xrf1) =	vsort.dscd.msk.f32 $0xffff, v16, v17;
	v16, v17, _ =	vpop (xrf1)  }
0xf4: {  	v22 =	vsel vm0, v22, v28;
	v23 =	vsel vm0, v23, v29;
	(xrf1) =	vsort.dscd.msk.f32 $0xffff, v18, v19;
	v18, v19, _ =	vpop (xrf1)  }
0xf5: {  	v40 =	vsel vm0, v32, v26;
	v41 =	vsel vm0, v33, v27;
	(xrf1) =	vsort.dscd.msk.f32 $0xffff, v22, v23;
	v42, v43, _ =	vpop (xrf1)  }
0xf6: {  	(xrf1) =	vsort.dscd.msk.f32 $0xffff, v20, v21;
	v44 =	vperm.xlane v42, v8;
	v45 =	vperm.xlane v43, v8;
	v46, v47, _ =	vpop (xrf1)  }
0xf7: {  	(xrf1) =	vsort.dscd.msk.f32 $0xffff, v40, v41;
	v48 =	vperm.xlane v46, v8;
	v49, v50, _ =	vpop (xrf1)  }
0xf8: {  	v27 =	vperm.xlane v47, v8;
	v20 =	vsel vm0, v49, v44;
	v21 =	vsel vm0, v50, v45;
	v23, v26, _ =	vpop (xrf1)  }
0xf9: {  	v51, v52, _ =	vpop (xrf1);
	(xrf1) =	vsort.dscd.msk.f32 $0xffff, v20, v21  }
0xfa: {  	v53 =	vsel vm0, v51, v48;
	v54 =	vsel vm0, v52, v27  }
0xfb: {  	(xrf1) =	vsort.dscd.msk.f32 $0xffff, v53, v54;
	_ =	sdelay $0x5  }
0xfc: {  	v20, v21, _ =	vpop (xrf1)  }
0xfd: {  	v55, v56, _ =	vpop (xrf1)  }
0xfe: {  	v57, v58, _ =	vpop (xrf1)  }
0xff: {  	v59, v60, _ =	vpop (xrf1)  }
0x100: {  	v36, v37, _ =	vpop (xrf1)  }
0x101: {  	v25 =	vperm.xlane v25, v8;
	v38, v39, _ =	vpop (xrf1)  }
0x102: {  	v24 =	vperm.xlane v24, v8;
	v30 =	vperm.xlane v30, v8;
	v40, v41, _ =	vpop (xrf1)  }
0x103: {  	v40 =	vperm.xlane v40, v8;
	v41 =	vperm.xlane v41, v8  }
0x104: {  	v31 =	vperm.xlane v31, v8;
	v25 =	vsel vm0, v34, v25;
	v24 =	vsel vm0, v35, v24;
	v61, v62, _ =	vpop (xrf1)  }
0x105: {  	(xrf1) =	vsort.dscd.msk.f32 $0xffff, v25, v24;
	v63 =	vsel vm0, v61, v40;
	v34 =	vsel vm0, v62, v41  }
0x106: {  	v16 =	vsel vm0, v16, v30;
	v17 =	vsel vm0, v17, v31;
	(xrf1) =	vsort.dscd.msk.f32 $0xffff, v63, v34  }
0x107: {  	(xrf1) =	vsort.dscd.msk.f32 $0xffff, v16, v17;
	_ =	sdelay $0x6  }
0x108: {  	v40 =	vperm.xlane v56, v8  }
0x109: {  	v12 =	vsel vm0, v20, v12;
	v35 =	vperm.xlane v55, v8  }
0x10a: {  	v11 =	vsel vm0, v21, v11;
	v17 =	vsel vm0, v58, v40  }
0x10b: {  	v14 =	vsel vm0, v18, v14;
	v15 =	vsel vm0, v19, v15;
	v16 =	vsel vm0, v57, v35  }
0x10c: {  	v42 =	vperm.xlane v60, v8;
	v41 =	vperm.xlane v59, v8;
	(xrf1) =	vsort.dscd.msk.f32 $0xffff, v14, v15  }
0x10d: {  	v43 =	vperm.xlane v38, v8;
	v44 =	vperm.xlane v39, v8;
	(xrf1) =	vsort.dscd.msk.f32 $0xffff, v12, v11;
	v11, v12, _ =	vpop (xrf1)  }
0x10e: {  	(xrf1) =	vsort.dscd.msk.f32 $0xffff, v16, v17;
	v11 =	vsel vm0, v11, v41;
	v12 =	vsel vm0, v12, v42;
	v16, v17, _ =	vpop (xrf1)  }
0x10f: {  	(xrf1) =	vsort.dscd.msk.f32 $0xffff, v11, v12;
	v45, v46, _ =	vpop (xrf1)  }
0x110: {  	v11 =	vsel vm0, v45, v43;
	v47 =	vsel vm0, v46, v44  }
0x111: {  	(xrf1) =	vsort.dscd.msk.f32 $0xffff, v11, v47;
	_ =	sdelay $0x8  }
0x112: {  	v11, v12, _ =	vpop (xrf1)  }
0x113: {  	v48, v49, _ =	vpop (xrf1)  }
0x114: {  	v50, v51, _ =	vpop (xrf1)  }
0x115: {  	v11 =	vperm.xlane v11, v8;
	v12 =	vperm.xlane v12, v8;
	v52, v53, _ =	vpop (xrf1)  }
0x116: {  	v20 =	vperm.xlane v52, v8;
	v21 =	vperm.xlane v53, v8  }
0x117: {  	v11 =	vsel vm0, v48, v11;
	v12 =	vsel vm0, v49, v12;
	v54, v55, _ =	vpop (xrf1)  }
0x118: {  	(xrf1) =	vsort.dscd.msk.f32 $0xffff, v11, v12;
	v11 =	vsel vm0, v54, v20;
	v56 =	vsel vm0, v55, v21  }
0x119: {  	(xrf1) =	vsort.dscd.msk.f32 $0xffff, v11, v56;
	_ =	sdelay $0x9  }
0x11a: {  	v11 =	vperm.xlane v23, v9  }
0x11b: {  	v10 =	vsel vm0, v10, v13;
	v57 =	vperm.xlane v36, v9  }
0x11c: {  	s30 =	sadd.s32 $0x100, s9;
	[tilespmem:s11+$0xFFFFFF80] =	vst v10;
	v10 =	vsel vm0, v26, v11;
	v11 =	vperm.xlane v16, v9  }
0x11d: {  	v58 =	vperm.xlane v50, v9;
	[tilespmem:s30+$0x0] =	vst v10;
	v10 =	vsel vm0, v37, v57;
	v60, v59, _ =	vpop (xrf1)  }
0x11e: {  	s31 =	sadd.s32 $0x100, s30;
	[tilespmem:s10+$0xFFFFFF80] =	vst v10;
	v10 =	vsel vm0, v17, v11;
	v11 =	vperm.xlane v60, v9;
	v62, v61, _ =	vpop (xrf1)  }
0x11f: {  	[tilespmem:s31+$0x0] =	vst v10;
	v10 =	vsel vm0, v51, v58;
	v63 =	vperm.xlane v62, v9  }
0x120: {  	s8 =	sadd.s32 $0x1, s8;
	[tilespmem:s9+$0xFFFFFF80] =	vst v10;
	v10 =	vsel vm0, v59, v11  }
0x121: {  	p0 =	sne.s32 s8, s5;
	[tilespmem:s30+$0xFFFFFF80] =	vst v10;
	v10 =	vsel vm0, v61, v63  }
.Ltmp1:
0x122: {  	[tilespmem:s31+$0xFFFFFF80] =	vst v10;
	(pc) =	sbr.rel @p0 .LBB2_1-.Ltmp1, $4  }
0x123: {  	[hbm4b:s4+s2] =	stream.linear.scatter [tilespmem:s7], [sflag:$0x1], $0x8000, $0x38;
	[tilespmem:$0x10000] =	vst v63  }
0x124: {  	_ =	swait.ge [sflag:s6], $0x8000  }
0x125: {  	[sflag:s6] =	ssyncset.done $0x0  }
0x126: {  	[sflag:s6] =	ssyncadd.s32 $0xFFFF8000  }
0x127: {  	_ =	sfence.sel $0x180000  }
0x128: {  	[bflag:$0x0] =	sbarrier.arrive $0xFFFF  }
0x129: {  	p0 =	sne.s32 s1, $0x0;
	_ =	strace $0x90000047  }
0x12a: {  	s0 =	sadd.s32 @!p0 $0x100000, s0;
	[bflag:$0x2] =	sbarrier.arrive $0xFFFF  }
0x12b: {  	[sflag:s0] =	ssyncadd.tile.s32 @!p0 $0x1;
	_ =	shalt  }
.Lfunc_end2:
_tile_overlayer_lowered:
.L_overlay_start_2:
0x12c: {  	(tag) =	ssettag $0x2  }
0x12d: {  	s0 =	rddreg [dreg:$0x0];
	s2 =	stileid.u32  }
0x12e: {  	s1 =	rddreg [dreg:$0x1];
	p0 =	sne.s32 s2, $0x0  }
0x12f: {  	s3 =	rddreg [dreg:$0x2];
	[bflag:$0x3] =	sbarrier.arrive $0xFFFF;
	s2 =	simm.s32 @!p0 $0x1C01  }
0x130: {  	[timem:s3], [sflag:s2] =	dma.local @!p0 [hbm:s0], s1  }
0x131: {  	s0 =	simm.s32 @!p0 $0x1  }
0x132: {  	_ =	swait.ge @!p0 [sflag:s0], s1  }
0x133: {  	s1 =	ssub.s32 @!p0 $0x0, s1;
	[sflag:s0] =	ssyncset.done @!p0 $0x0  }
0x134: {  	[sflag:s0] =	ssyncadd.s32 @!p0 s1  }
0x135: {  	[bflag:$0x3] =	sbarrier.arrive $0xFFFF  }
0x136: {  	_ =	shalt  }

// kernel: kernel.13.cloned.1.call-start
scs
__scs_entry_jumppad:
0x0: {  	(pc) =	sbr.rel $0x88, $3  }
0x1: {  	(tag) =	ssettag $0x0;
	lr =	simm.s32 $0x1  }
0x2: {  	[smem:$0x3F9F] =	sst lr;
	_ =	strace $0xD0000000  }
0x3: {  	_ = 	snop  }
0x4: {  	_ = 	snop  }
0x5: {  	_ = 	snop  }
0x6: {  	_ = 	snop  }
0x7: {  	_ = 	snop  }
__scs_overlays_trampoline_lowered:
0x8: {  	[smem:$0x3FAE] =	sst s0  }
0x9: {  	[smem:$0x3FAF] =	sst s1  }
0xa: {  	[smem:$0x3FB0] =	sst s2  }
0xb: {  	[smem:$0x3FB1] =	sst s3  }
0xc: {  	[smem:$0x3FB2] =	sst s4  }
0xd: {  	[smem:$0x3FB3] =	sst s5  }
0xe: {  	[smem:$0x3FB4] =	sst s6  }
0xf: {  	[smem:$0x3FB5] =	sst s7  }
0x10: {  	[smem:$0x3FB6] =	sst s8  }
0x11: {  	[smem:$0x3FB7] =	sst s9;
	s0 =	simm.s32 @!p0 $0x0  }
0x12: {  	s1 =	sld [smem:$0x3F9D];
	s0 =	simm.s32 @p0 $0x1  }
0x13: {  	[smem:$0x3FB8] =	sst s0;
	s0 =	simm.s32 @!p1 $0x0  }
0x14: {  	s2 =	sld [smem:$0x3F9C];
	s0 =	simm.s32 @p1 $0x1  }
0x15: {  	[smem:$0x3FB9] =	sst s0;
	s0 =	simm.s32 @!p2 $0x0  }
0x16: {  	s3 =	sld [smem:$0x3FDB];
	s0 =	simm.s32 @p2 $0x1  }
0x17: {  	s4 =	simm.s32 $0x1BF5;
	[smem:$0x3FBB] =	sst s0  }
0x18: {  	s0 =	sld [smem:$0x3F9E];
	_ =	swait.ge [sflag:s4], $0x0  }
0x19: {  	s7 =	sld [smem:$0x3F9F]  }
0x1a: {  	s8 =	sadd.s32 $0xFFFFE003, lr  }
0x1b: {  	s9 =	sadd.s32 $0xFFFFFEF7, lr;
	s5 =	simm.s32 $0xFFFFFFFF;
	p2 =	slt.u32 s8, $0xFFFFF086  }
0x1c: {  	p1 =	slt.u32 s9, $0xF7A;
	s5 =	simm.s32 @!p2 $0x0  }
0x1d: {  	s5 =	simm.s32 @p1 $0x1;
	p0 =	seq.s32 s7, s2  }
0x1e: {  	s7 =	smul.u32 @!p0 $0xF7A, s2;
	p2 =	seq.s32 @!p0 s5, $0x0  }
0x1f: {  	s9 =	smul.u32 $0xF7A, s1;
	s8 =	simm.s32 @!p0 $0x1BF5;
	p2 =	por !p2, p0  }
0x20: {  	[sflag:s8] =	ssyncset.s32 @!p0 $0xFFFFF086;
	s6 =	sadd.s32 @!p0 s3, s7;
	s7 =	simm.s32 @!p0 $0x108  }
0x21: {  	s3 =	sadd.s32 s3, s9;
	s6 =	sadd.s32 @!p0 $0x88, s6;
	s7 =	simm.s32 @p2 $0x1082  }
0x22: {  	[simem:s7], [sflag:s8] =	dma.local @!p0 [hbm:s6], $0xF7A  }
0x23: {  	s9 =	sor.u32 $0xD0000000, s2;
	s6 =	simm.s32 $0x108;
	_ =	swait.ge @!p0 [sflag:s8], $0x0  }
0x24: {  	s3 =	sadd.s32 $0x88, s3;
	s6 =	simm.s32 @!p1 $0x1082;
	[sflag:s4] =	ssyncset.s32 $0xFFFFF086  }
0x25: {  	[simem:s6], [sflag:s4] =	dma.local [hbm:s3], $0xF7A  }
0x26: {  	[smem:$0x3F9F] =	sst s1;
	(tag) =	ssettag s2;
	_ =	strace s9  }
0x27: {  	s1 =	sld [smem:$0x3FAF]  }
0x28: {  	s2 =	sld [smem:$0x3FB0]  }
0x29: {  	s4 =	sld [smem:$0x3FB2]  }
0x2a: {  	p0 =	seq.s32 s5, $0x0;
	s5 =	sld [smem:$0x3FB3]  }
0x2b: {  	s6 =	sld [smem:$0x3FB4]  }
0x2c: {  	s7 =	sld [smem:$0x3FB5]  }
0x2d: {  	s3 =	simm.s32 $0x108;
	s8 =	sld [smem:$0x3FB6]  }
0x2e: {  	s3 =	simm.s32 @!p0 $0x1082;
	s9 =	sld [smem:$0x3FB7]  }
0x2f: {  	lr =	sadd.s32 s0, s3;
	s0 =	sld [smem:$0x3FAE]  }
0x30: {  	s3 =	sld [smem:$0x3FB1]  }
0x31: {  	[smem:$0x3FBA] =	sst s10  }
0x32: {  	s10 =	sld [smem:$0x3FB8];
	_ =	sdelay $0x3  }
0x33: {  	p0 =	seq.s32 s10, $0x1;
	s10 =	sld [smem:$0x3FBA];
	_ =	sdelay $0x3  }
0x34: {  	[smem:$0x3FBA] =	sst s10  }
0x35: {  	s10 =	sld [smem:$0x3FB9];
	_ =	sdelay $0x3  }
0x36: {  	p1 =	seq.s32 s10, $0x1;
	s10 =	sld [smem:$0x3FBA];
	_ =	sdelay $0x3  }
0x37: {  	[smem:$0x3FBA] =	sst s10  }
0x38: {  	s10 =	sld [smem:$0x3FBB]  }
0x39: {  	_ = 	snop;
	(pc) =	sbr.ind lr, $3  }
0x3a: {  	_ = 	snop  }
0x3b: {  	_ = 	snop  }
0x3c: {  	p2 =	seq.s32 s10, $0x1;
	s10 =	sld [smem:$0x3FBA]  }
0x3d: {  	_ =	shalt  }
0x3e: {  	_ =	shalt  }
0x3f: {  	_ =	shalt  }
0x40: {  	_ =	shalt  }
0x41: {  	_ =	shalt  }
0x42: {  	_ =	shalt  }
0x43: {  	_ =	shalt  }
0x44: {  	_ =	shalt  }
0x45: {  	_ =	shalt  }
0x46: {  	_ =	shalt  }
0x47: {  	_ =	shalt  }
0x48: {  	_ =	shalt  }
0x49: {  	_ =	shalt  }
0x4a: {  	_ =	shalt  }
0x4b: {  	_ =	shalt  }
0x4c: {  	_ =	shalt  }
0x4d: {  	_ =	shalt  }
0x4e: {  	_ =	shalt  }
0x4f: {  	_ =	shalt  }
0x50: {  	_ =	shalt  }
0x51: {  	_ =	shalt  }
0x52: {  	_ =	shalt  }
0x53: {  	_ =	shalt  }
0x54: {  	_ =	shalt  }
0x55: {  	_ =	shalt  }
0x56: {  	_ =	shalt  }
0x57: {  	_ =	shalt  }
0x58: {  	_ =	shalt  }
0x59: {  	_ =	shalt  }
0x5a: {  	_ =	shalt  }
0x5b: {  	_ =	shalt  }
0x5c: {  	_ =	shalt  }
0x5d: {  	_ =	shalt  }
0x5e: {  	_ =	shalt  }
0x5f: {  	_ =	shalt  }
0x60: {  	_ =	shalt  }
0x61: {  	_ =	shalt  }
0x62: {  	_ =	shalt  }
0x63: {  	_ =	shalt  }
0x64: {  	_ =	shalt  }
0x65: {  	_ =	shalt  }
0x66: {  	_ =	shalt  }
0x67: {  	_ =	shalt  }
0x68: {  	_ =	shalt  }
0x69: {  	_ =	shalt  }
0x6a: {  	_ =	shalt  }
0x6b: {  	_ =	shalt  }
0x6c: {  	_ =	shalt  }
0x6d: {  	_ =	shalt  }
0x6e: {  	_ =	shalt  }
0x6f: {  	_ =	shalt  }
0x70: {  	_ =	shalt  }
0x71: {  	_ =	shalt  }
0x72: {  	_ =	shalt  }
0x73: {  	_ =	shalt  }
0x74: {  	_ =	shalt  }
0x75: {  	_ =	shalt  }
0x76: {  	_ =	shalt  }
0x77: {  	_ =	shalt  }
0x78: {  	_ =	shalt  }
0x79: {  	_ =	shalt  }
0x7a: {  	_ =	shalt  }
0x7b: {  	_ =	shalt  }
0x7c: {  	_ =	shalt  }
0x7d: {  	_ =	shalt  }
0x7e: {  	_ =	shalt  }
0x7f: {  	_ =	shalt  }
0x80: {  	_ =	shalt  }
0x81: {  	_ =	shalt  }
0x82: {  	_ =	shalt  }
0x83: {  	_ =	shalt  }
0x84: {  	_ =	shalt  }
0x85: {  	_ =	shalt  }
0x86: {  	_ =	shalt  }
0x87: {  	_ =	shalt  }
.Lfunc_end0:
.L_simem_size_0:
called_computation.1_lowered:
.L_overlay_start_0:
0x88: {  	s2 =	sld [smem:$0x3FD9]  }
0x89: {  	s3 =	sld [smem:$0x3FFE];
	_ =	sdelay $0x1  }
0x8a: {  	s1 =	srdreg.scid  }
0x8b: {  	s0 =	sand.u32 $0x1, s1  }
0x8c: {  	s17 =	sshll.u32 s0, $0xA;
	s2 =	sadd.s32 s3, s2  }
0x8d: {  	s2 =	sadd.s32 s2, s17  }
0x8e: {  	[smem:$0x3FC6] =	sst s2  }
0x8f: {  	_ = 	snop  }
0x90: {  	(tm) =	ssettm $0x1  }
0x91: {  	s18 =	sld [smem:$0x3FFB];
	_ =	sdelay $0x3  }
0x92: {  	_ =	strace s18  }
0x93: {  	s2 =	sld [smem:$0x3FFC];
	_ =	sdelay $0x3  }
0x94: {  	_ =	strace s2  }
0x95: {  	s2 =	sld [smem:$0x3FFD];
	_ =	sdelay $0x3  }
0x96: {  	_ =	strace s2  }
0x97: {  	_ =	strace $0x8FFFFFFF  }
0x98: {  	s19 =	sld [smem:$0x3FDB];
	_ =	sdelay $0x1  }
0x99: {  	s20 =	simm.s32 $_scs_section_size  }
0x9a: {  	s4 =	simm.s32 $_size__tile_overlayer_lowered;
	s5 =	simm.s32 $_tile_overlayer_lowered  }
0x9b: {  	s6 =	simm.s32 $0x1BFF;
	s21 =	sshll.u32 s5, $0x1;
	s3 =	sadd.s32 s20, s19  }
0x9c: {  	s22 =	simm.s32 $0x0;
	s4 =	sshll.u32 s4, $0x1;
	s5 =	sadd.s32 s21, s3  }
0x9d: {  	[timem:s22], [sflag:s6] =	dma.local [hbm:s5], s4  }
0x9e: {  	_ =	swait.ge [sflag:s6], s4  }
0x9f: {  	s4 =	ssub.s32 $0x0, s4;
	[sflag:s6] =	ssyncset.done $0x0  }
0xa0: {  	[sflag:s6] =	ssyncadd.s32 s4;
	_ =	sdelay $0x1  }
0xa1: {  	s23 =	simm.s32 $0x1B8B  }
0xa2: {  	_ =	swait.ge [sflag:s23], $0x1  }
0xa3: {  	[sflag:s23] =	ssyncset.done $0x0  }
0xa4: {  	[sflag:s23] =	ssyncadd.s32 $0xFFFFFFFF  }
0xa5: {  	s4 =	sld [smem:$0x0]  }
0xa6: {  	s5 =	sand.u32 $0xFFFFFFFE, s1  }
0xa7: {  	p0 =	sne.s32 s1, s5  }
0xa8: {  	s5 =	sshll.u32 @p0 s5, $0xE  }
0xa9: {  	s5 =	sadd.s32 @p0 $0x11B8D, s5;
	s6 =	sshll.u32 @p0 s4, $0x11  }
0xaa: {  	s5 =	sor.u32 @p0 s6, s5  }
0xab: {  	[sflag:s5] =	ssyncadd.remote.s32 @p0 $0x1;
	_ =	sdelay $0x1  }
0xac: {  	s5 =	simm.s32 @p0 $0x1B8D  }
0xad: {  	_ =	swait.eq @p0 [sflag:s5], $0x1  }
0xae: {  	[sflag:s5] =	ssyncadd.s32 @p0 $0xFFFFFFFF  }
0xaf: {  	s6 =	sshll.u32 @!p0 s1, $0xE  }
0xb0: {  	s6 =	sor.u32 @!p0 $0x4000, s6;
	s5 =	simm.s32 @!p0 $0x1B8D  }
0xb1: {  	s4 =	sshll.u32 @!p0 s4, $0x11;
	s6 =	sadd.s32 @!p0 $0x11B8D, s6;
	_ =	swait.eq @!p0 [sflag:s5], $0x1  }
0xb2: {  	s4 =	sor.u32 @!p0 s4, s6;
	[sflag:s5] =	ssyncadd.s32 @!p0 $0xFFFFFFFF  }
0xb3: {  	s25 =	simm.s32 $0x1B8E;
	s24 =	sld [smem:$0x3FFE];
	[sflag:s4] =	ssyncadd.remote.s32 @!p0 $0x1  }
0xb4: {  	s26 =	simm.s32 $execute0_lowered;
	[smem:$0x3FD2] =	sst s25  }
0xb5: {  	s5 =	sshll.u32 s26, $0x1;
	_ =	strace $0x80000049;
	[dreg:$0x1] =	wrdreg $0xFFFFFFFF  }
0xb6: {  	s28 =	simm.s32 $_size_execute0_lowered;
	s3 =	sadd.s32 s3, s5;
	[dreg:$0x0] =	wrdreg $0x0  }
0xb7: {  	s5 =	sshll.u32 s28, $0x1;
	[dreg:$0x2] =	wrdreg s3  }
0xb8: {  	[dreg:$0x3] =	wrdreg s5  }
0xb9: {  	[dreg:$0x4] =	wrdreg $0xC0  }
0xba: {  	_ =	task [dreg:s22], $0x5FFFF  }
0xbb: {  	[dreg:$0x1] =	wrdreg $0xFFFFFFFF  }
0xbc: {  	[dreg:$0x0] =	wrdreg $0x60  }
0xbd: {  	[dreg:$0x2] =	wrdreg s24  }
0xbe: {  	[dreg:$0x3] =	wrdreg $0xA  }
0xbf: {  	_ =	task.clear_ibuf [dreg:s22], $0x4FFFF;
	_ =	strace $0x90000049  }
0xc0: {  	s29 =	simm.s32 $0xA;
	_ =	strace $0x8000004B  }
0xc1: {  	_ =	swait.ge [sflag:s29], $0x1  }
0xc2: {  	[sflag:s29] =	ssyncadd.s32 $0xFFFFFFFF  }
0xc3: {  	_ =	strace $0x9000004B  }
0xc4: {  	_ =	sfence  }
0xc5: {  	s30 =	sld [smem:$0x0];
	_ =	sdelay $0x2  }
0xc6: {  	s31 =	sshll.u32 s1, $0xD;
	s1 =	sshrl.u32 s1, $0x2  }
0xc7: {  	s4 =	sand.u32 $0x4000, s31;
	s1 =	sadd.s32 s1, s30  }
0xc8: {  	s0 =	sor.u32 s4, s0;
	s1 =	sshll.u32 s1, $0x11  }
0xc9: {  	s0 =	sor.u32 s1, s0  }
0xca: {  	s0 =	sadd.s32 $0x8F2B, s0  }
0xcb: {  	[sflag:s0] =	ssyncadd.remote.s32 $0x1  }
0xcc: {  	_ =	sfence.sel $0xFFFF  }
0xcd: {  	[dreg:$0x0] =	wrdreg $0xFFFFFFFF;
	(pc) =	sbr.abs _section_cstart, $3  }
0xce: {  	[dreg:$0x1] =	wrdreg $0xFFFFFFFF  }
0xcf: {  	_ =	task.clear_ibuf [dreg:s22], $0x2FFFF;
	_ =	strace $0x9FFFFFFF  }
0xd0: {  	(tm) =	ssettm $0x7FFFFFFF  }
0xd1: {  	_ =	shalt  }
tec
execute0_lowered:
.L_overlay_start_1:
0x0: {  	(tag) =	ssettag $0x1  }
0x1: {  	s3 =	rddreg [dreg:$0x0]  }
0x2: {  	s0 =	rddreg [dreg:$0x1];
	s4 =	srdreg.scid;
	v1 =	vimm.s32 $0xFEDCBA98  }
0x3: {  	s2 =	simm.s32 $0x0;
	s1 =	stileid.u32;
	v0 =	vlaneseq.u32;
	v3 =	vimm.s32 $0x76543210;
	s4 =	sand.u32 $0x1, s4;
	v5 =	vunpack.c.l.s4.s8 v1  }
0x4: {  	vm0 =	vmmov $0xff;
	s7 =	simm.s32 $0x8000;
	s5 =	sshll.u32 s1, $0xD;
	v1 =	vor.u32 $0x10, v0;
	v6 =	vunpack.c.l.s4.s8 v3;
	s6 =	sshll.u32 s4, $0xC  }
0x5: {  	s8 =	simm.s32 $0x0;
	v2 =	vor.u32 $0x20, v0;
	v3 =	vor.u32 $0x30, v0;
	s4 =	ssub.s32 $0x2, s4;
	s5 =	sor.u32 s6, s5;
	v8 =	vunpack.c.0.s8.s32 v5  }
0x6: {  	[smem:$0x7FF] =	sst s2;
	v4 =	vor.u32 $0x40, v0;
	v9 =	vmul.u32 $0xFFFFFFFF, v0;
	s31 =	sshrl.u32 s4, $0x1;
	v10 =	vunpack.c.0.s8.s32 v6;
	s5 =	sadd.s32 s5, s3  }
0x7: {  	v7 =	vor.u32 $0x70, v0;
	_ =	strace $0x8000004A;
	v5 =	vor.u32 $0x50, v0;
	s6 =	ssub.s32 s4, s31;
	s3 =	sadd.s32 $0x41A00, s5;
	v11 =	vand.u32 $0xF, v8  }
0x8: {  	v6 =	vor.u32 $0x60, v0;
	s4 =	sadd.s32 $0x61A00, s5;
	s5 =	smax.u32 s6, $0x1;
	s6 =	simm.s32 $0x1;
	v8 =	vadd.s32 $0xF, v9;
	v9 =	vcombine.low v11, v10  }
.LBB2_1:
0x9: {  	[tilespmem:s2], [sflag:$0x1] =	stream.linear.gather [hbm4b:s3+s2], $0x8000, $0x38;
	[tilespmem:$0x10000] =	vst v63  }
0xa: {  	_ =	swait.ge [sflag:s6], $0x8000  }
0xb: {  	[sflag:s6] =	ssyncset.done $0x0  }
0xc: {  	s9 =	simm.s32 $0x80;
	[sflag:s6] =	ssyncadd.s32 $0xFFFF8000  }
0xd: {  	v10 =	vld [tilespmem:s9+$0x10]  }
0xe: {  	v11 =	vld [tilespmem:s9+$0x20]  }
0xf: {  	v12 =	vld [tilespmem:s9+$0x30]  }
0x10: {  	v13 =	vld [tilespmem:s9+$0x50]  }
0x11: {  	v14 =	vld [tilespmem:s9+$0x70]  }
0x12: {  	(xrf1) =	vsort.dscd.msk.f32 $0xffff, v10, v1  }
0x13: {  	(xrf1) =	vsort.dscd.msk.f32 $0xffff, v11, v2  }
0x14: {  	v10 =	vld [tilespmem:s9+$0x60];
	(xrf1) =	vsort.dscd.msk.f32 $0xffff, v12, v3  }
0x15: {  	(xrf1) =	vsort.dscd.msk.f32 $0xffff, v13, v5  }
0x16: {  	v11 =	vld [tilespmem:s9+$0x40];
	(xrf1) =	vsort.dscd.msk.f32 $0xffff, v14, v7  }
0x17: {  	v12 =	vld [tilespmem:s9+$0x0]  }
0x18: {  	v13 =	vld [tilespmem:s9+$0xFFFFFFF0]  }
0x19: {  	(xrf1) =	vsort.dscd.msk.f32 $0xffff, v10, v6;
	v10 =	vld [tilespmem:s9+$0xFFFFFFB0]  }
0x1a: {  	v14 =	vld [tilespmem:s9+$0xFFFFFFD0]  }
0x1b: {  	(xrf1) =	vsort.dscd.msk.f32 $0xffff, v11, v4;
	v11 =	vld [tilespmem:s9+$0xFFFFFFE0]  }
0x1c: {  	v15 =	vld [tilespmem:s9+$0xFFFFFF90];
	(xrf1) =	vsort.dscd.msk.f32 $0xffff, v12, v0  }
0x1d: {  	v12 =	vld [tilespmem:s9+$0xFFFFFFA0];
	(xrf1) =	vsort.dscd.msk.f32 $0xffff, v13, v7  }
0x1e: {  	(xrf1) =	vsort.dscd.msk.f32 $0xffff, v10, v3  }
0x1f: {  	(xrf1) =	vsort.dscd.msk.f32 $0xffff, v14, v5  }
0x20: {  	v10 =	vld [tilespmem:s9+$0xFFFFFFC0];
	(xrf1) =	vsort.dscd.msk.f32 $0xffff, v11, v6;
	v11, v13, _ =	vpop (xrf1)  }
0x21: {  	(xrf1) =	vsort.dscd.msk.f32 $0xffff, v15, v1;
	v15, v16, _ =	vpop (xrf1)  }
0x22: {  	v14 =	vld [tilespmem:s9+$0xFFFFFF80];
	(xrf1) =	vsort.dscd.msk.f32 $0xffff, v12, v2;
	v12, v17, _ =	vpop (xrf1)  }
0x23: {  	v18, v19, _ =	vpop (xrf1)  }
0x24: {  	v12 =	vperm.xlane v12, v8;
	v17 =	vperm.xlane v17, v8;
	v20, v21, _ =	vpop (xrf1)  }
0x25: {  	(xrf1) =	vsort.dscd.msk.f32 $0xffff, v10, v4;
	v10 =	vperm.xlane v20, v8  }
0x26: {  	v20 =	vperm.xlane v21, v8;
	v12 =	vsel vm0, v15, v12;
	v15 =	vsel vm0, v16, v17  }
0x27: {  	v13 =	vperm.xlane v13, v8;
	(xrf1) =	vsort.dscd.msk.f32 $0xffff, v14, v0;
	v18 =	vperm.xlane v18, v8;
	v14, v21, _ =	vpop (xrf1)  }
0x28: {  	v19 =	vperm.xlane v19, v8;
	v10 =	vsel vm0, v14, v10;
	v14 =	vsel vm0, v21, v20  }
0x29: {  	v11 =	vperm.xlane v11, v8;
	v16, v17, _ =	vpop (xrf1);
	(xrf1) =	vsort.dscd.msk.f32 $0xffff, v10, v14  }
0x2a: {  	v10 =	vsel vm0, v16, v18;
	v14 =	vsel vm0, v17, v19;
	(xrf1) =	vsort.dscd.msk.f32 $0xffff, v12, v15;
	v12, v15, _ =	vpop (xrf1)  }
0x2b: {  	(xrf1) =	vsort.dscd.msk.f32 $0xffff, v10, v14;
	v10 =	vsel vm0, v12, v11;
	v11 =	vsel vm0, v15, v13;
	_ =	sdelay $0x1  }
0x2c: {  	v12, v13, _ =	vpop (xrf1)  }
0x2d: {  	(xrf1) =	vsort.dscd.msk.f32 $0xffff, v10, v11;
	v14, v15, _ =	vpop (xrf1)  }
0x2e: {  	s28 =	simm.s32 $0x180;
	v10, v11, _ =	vpop (xrf1)  }
0x2f: {  	v16 =	vld [tilespmem:s28+$0x10];
	v12 =	vperm.xlane v12, v8;
	v13 =	vperm.xlane v13, v8;
	v17, v18, _ =	vpop (xrf1)  }
0x30: {  	v19 =	vld [tilespmem:s28+$0x20];
	v14 =	vperm.xlane v14, v8;
	v15 =	vperm.xlane v15, v8;
	v20, v21, _ =	vpop (xrf1)  }
0x31: {  	v12 =	vsel vm0, v17, v12;
	v13 =	vsel vm0, v18, v13;
	v17 =	vld [tilespmem:s28+$0x30];
	v18, v22, _ =	vpop (xrf1)  }
0x32: {  	(xrf1) =	vsort.dscd.msk.f32 $0xffff, v12, v13;
	v12 =	vld [tilespmem:s28+$0x50];
	v13 =	vsel vm0, v18, v14;
	v14 =	vsel vm0, v22, v15  }
0x33: {  	v15 =	vld [tilespmem:s28+$0x70];
	(xrf1) =	vsort.dscd.msk.f32 $0xffff, v13, v14  }
0x34: {  	v13 =	vld [tilespmem:s28+$0x60];
	(xrf1) =	vsort.dscd.msk.f32 $0xffff, v16, v1  }
0x35: {  	v14, v16, _ =	vpop (xrf1);
	(xrf1) =	vsort.dscd.msk.f32 $0xffff, v19, v2  }
0x36: {  	v18, v19, _ =	vpop (xrf1);
	(xrf1) =	vsort.dscd.msk.f32 $0xffff, v17, v3  }
0x37: {  	v17 =	vld [tilespmem:s28+$0x40];
	(xrf1) =	vsort.dscd.msk.f32 $0xffff, v12, v5;
	v12, v22, _ =	vpop (xrf1)  }
0x38: {  	(xrf1) =	vsort.dscd.msk.f32 $0xffff, v15, v7;
	v12 =	vperm.xlane v12, v8;
	v15 =	vperm.xlane v22, v8;
	v22, v23, _ =	vpop (xrf1)  }
0x39: {  	v24 =	vld [tilespmem:s28+$0x0];
	(xrf1) =	vsort.dscd.msk.f32 $0xffff, v13, v6;
	v13 =	vperm.xlane v22, v8;
	v22, v25, _ =	vpop (xrf1)  }
0x3a: {  	v26 =	vld [tilespmem:s28+$0xFFFFFFF0];
	v23 =	vperm.xlane v23, v8;
	v12 =	vsel vm0, v22, v12;
	v15 =	vsel vm0, v25, v15  }
0x3b: {  	v22 =	vld [tilespmem:s28+$0xFFFFFFB0];
	v25, v27, _ =	vpop (xrf1);
	(xrf1) =	vsort.dscd.msk.f32 $0xffff, v12, v15  }
0x3c: {  	v12 =	vld [tilespmem:s28+$0xFFFFFFD0];
	v13 =	vsel vm0, v25, v13;
	v15 =	vsel vm0, v27, v23;
	(xrf1) =	vsort.dscd.msk.f32 $0xffff, v17, v4  }
0x3d: {  	v17 =	vld [tilespmem:s28+$0xFFFFFFE0];
	(xrf1) =	vsort.dscd.msk.f32 $0xffff, v13, v15  }
0x3e: {  	v13 =	vld [tilespmem:s28+$0xFFFFFF90];
	(xrf1) =	vsort.dscd.msk.f32 $0xffff, v24, v0  }
0x3f: {  	v15 =	vld [tilespmem:s28+$0xFFFFFFA0];
	(xrf1) =	vsort.dscd.msk.f32 $0xffff, v26, v7  }
0x40: {  	v23 =	vld [tilespmem:s28+$0xFFFFFFC0];
	v24, v25, _ =	vpop (xrf1);
	(xrf1) =	vsort.dscd.msk.f32 $0xffff, v22, v3  }
0x41: {  	v22 =	vld [tilespmem:s28+$0xFFFFFF80];
	(xrf1) =	vsort.dscd.msk.f32 $0xffff, v12, v5;
	v12, v26, _ =	vpop (xrf1)  }
0x42: {  	v10 =	vperm.xlane v10, v8;
	v11 =	vperm.xlane v11, v8;
	(xrf1) =	vsort.dscd.msk.f32 $0xffff, v17, v6;
	v17, v27, _ =	vpop (xrf1)  }
0x43: {  	(xrf1) =	vsort.dscd.msk.f32 $0xffff, v13, v1;
	v13, v28, _ =	vpop (xrf1)  }
0x44: {  	v10 =	vsel vm0, v14, v10;
	v11 =	vsel vm0, v16, v11;
	(xrf1) =	vsort.dscd.msk.f32 $0xffff, v15, v2;
	v14, v15, _ =	vpop (xrf1)  }
0x45: {  	v16 =	vperm.xlane v17, v8;
	v17 =	vperm.xlane v27, v8;
	(xrf1) =	vsort.dscd.msk.f32 $0xffff, v23, v4;
	v23, v27, _ =	vpop (xrf1)  }
0x46: {  	v15 =	vperm.xlane v15, v8;
	(xrf1) =	vsort.dscd.msk.f32 $0xffff, v22, v0;
	v22, v29, _ =	vpop (xrf1)  }
0x47: {  	v22 =	vperm.xlane v22, v8;
	v29 =	vperm.xlane v29, v8  }
0x48: {  	v14 =	vperm.xlane v14, v8  }
0x49: {  	(xrf1) =	vsort.dscd.msk.f32 $0xffff, v10, v11;
	v15 =	vsel vm0, v28, v15  }
0x4a: {  	v10, v11, _ =	vpop (xrf1);
	v13 =	vsel vm0, v13, v14;
	v14 =	vperm.xlane v23, v8;
	v23 =	vperm.xlane v27, v8  }
0x4b: {  	v10 =	vsel vm0, v10, v22;
	v11 =	vsel vm0, v11, v29;
	v22, v27, _ =	vpop (xrf1)  }
0x4c: {  	(xrf1) =	vsort.dscd.msk.f32 $0xffff, v10, v11;
	v28, v29, _ =	vpop (xrf1);
	v11 =	vperm.xlane v27, v8  }
0x4d: {  	v10 =	vperm.xlane v22, v8;
	(xrf1) =	vsort.dscd.msk.f32 $0xffff, v13, v15;
	v13, v15, _ =	vpop (xrf1)  }
0x4e: {  	v14 =	vsel vm0, v28, v14;
	v22 =	vsel vm0, v29, v23;
	v23, v27, _ =	vpop (xrf1);
	v11 =	vsel vm0, v15, v11  }
0x4f: {  	(xrf1) =	vsort.dscd.msk.f32 $0xffff, v14, v22;
	v14 =	vsel vm0, v27, v17  }
0x50: {  	v10 =	vsel vm0, v13, v10;
	v13 =	vsel vm0, v23, v16;
	v15, v16, _ =	vpop (xrf1)  }
0x51: {  	(xrf1) =	vsort.dscd.msk.f32 $0xffff, v10, v11;
	v10 =	vperm.xlane v20, v8;
	v16 =	vperm.xlane v16, v8;
	v11, v17, _ =	vpop (xrf1)  }
0x52: {  	s29 =	simm.s32 $0x280;
	(xrf1) =	vsort.dscd.msk.f32 $0xffff, v13, v14;
	v13 =	vperm.xlane v21, v8;
	v14, v20, _ =	vpop (xrf1)  }
0x53: {  	v15 =	vperm.xlane v15, v8;
	v10 =	vsel vm0, v18, v10;
	v18 =	vld [tilespmem:s29+$0x10];
	v21, v22, _ =	vpop (xrf1)  }
0x54: {  	v11 =	vperm.xlane v11, v8;
	v17 =	vperm.xlane v17, v8;
	v13 =	vsel vm0, v19, v13;
	v19 =	vld [tilespmem:s29+$0x20];
	v23, v27, _ =	vpop (xrf1)  }
0x55: {  	(xrf1) =	vsort.dscd.msk.f32 $0xffff, v10, v13;
	v10 =	vsel vm0, v21, v15;
	v13 =	vsel vm0, v22, v16;
	v15 =	vld [tilespmem:s29+$0x30];
	v16, v21, _ =	vpop (xrf1)  }
0x56: {  	(xrf1) =	vsort.dscd.msk.f32 $0xffff, v10, v13;
	v10 =	vld [tilespmem:s29+$0x50];
	v11 =	vsel vm0, v16, v11;
	v13 =	vsel vm0, v21, v17  }
0x57: {  	(xrf1) =	vsort.dscd.msk.f32 $0xffff, v11, v13  }
0x58: {  	v17, v21, _ =	vpop (xrf1);
	(xrf1) =	vsort.dscd.msk.f32 $0xffff, v18, v1  }
0x59: {  	v18, v22, _ =	vpop (xrf1);
	(xrf1) =	vsort.dscd.msk.f32 $0xffff, v19, v2  }
0x5a: {  	v16 =	vld [tilespmem:s29+$0x70];
	v19, v28, _ =	vpop (xrf1);
	(xrf1) =	vsort.dscd.msk.f32 $0xffff, v15, v3  }
0x5b: {  	v11 =	vld [tilespmem:s29+$0x60];
	(xrf1) =	vsort.dscd.msk.f32 $0xffff, v10, v5;
	v10, v13, _ =	vpop (xrf1)  }
0x5c: {  	v10 =	vperm.xlane v10, v8  }
0x5d: {  	v13 =	vperm.xlane v13, v8  }
0x5e: {  	v15 =	vld [tilespmem:s29+$0x40]  }
0x5f: {  	(xrf1) =	vsort.dscd.msk.f32 $0xffff, v16, v7;
	v16, v29, _ =	vpop (xrf1)  }
0x60: {  	v30 =	vld [tilespmem:s29+$0x0];
	(xrf1) =	vsort.dscd.msk.f32 $0xffff, v11, v6;
	v11 =	vperm.xlane v16, v8;
	v16, v31, _ =	vpop (xrf1)  }
0x61: {  	v32 =	vld [tilespmem:s29+$0xFFFFFFF0];
	v29 =	vperm.xlane v29, v8;
	v16 =	vsel vm0, v16, v10;
	v31 =	vsel vm0, v31, v13;
	v13, v10, _ =	vpop (xrf1)  }
0x62: {  	v33 =	vld [tilespmem:s29+$0xFFFFFFB0];
	(xrf1) =	vsort.dscd.msk.f32 $0xffff, v16, v31;
	v34, v35, _ =	vpop (xrf1)  }
0x63: {  	v16 =	vld [tilespmem:s29+$0xFFFFFFD0];
	(xrf1) =	vsort.dscd.msk.f32 $0xffff, v15, v4;
	v11 =	vsel vm0, v34, v11;
	v15 =	vsel vm0, v35, v29  }
0x64: {  	(xrf1) =	vsort.dscd.msk.f32 $0xffff, v11, v15  }
0x65: {  	v29 =	vld [tilespmem:s29+$0xFFFFFFE0];
	(xrf1) =	vsort.dscd.msk.f32 $0xffff, v30, v0  }
0x66: {  	v31, v63, _ =	vpop (xrf1);
	v15 =	vld [tilespmem:s29+$0xFFFFFF90];
	(xrf1) =	vsort.dscd.msk.f32 $0xffff, v32, v7  }
0x67: {  	v40 =	vperm.xlane v12, v8;
	v36, v12, _ =	vpop (xrf1);
	v30 =	vld [tilespmem:s29+$0xFFFFFFA0];
	(xrf1) =	vsort.dscd.msk.f32 $0xffff, v33, v3  }
0x68: {  	v41 =	vld [tilespmem:s29+$0xFFFFFFC0];
	(xrf1) =	vsort.dscd.msk.f32 $0xffff, v16, v5;
	v16 =	vperm.xlane v20, v8;
	v20 =	vperm.xlane v23, v8  }
0x69: {  	v37 =	vld [tilespmem:s29+$0xFFFFFF80];
	v24 =	vperm.xlane v24, v8;
	v42 =	vperm.xlane v14, v8;
	v14, v11, _ =	vpop (xrf1)  }
0x6a: {  	v25 =	vperm.xlane v25, v8;
	v26 =	vperm.xlane v26, v8;
	(xrf1) =	vsort.dscd.msk.f32 $0xffff, v29, v6;
	v23, v29, _ =	vpop (xrf1)  }
0x6b: {  	v27 =	vperm.xlane v27, v8;
	v17 =	vsel vm0, v17, v42;
	(xrf1) =	vsort.dscd.msk.f32 $0xffff, v15, v1;
	v15, v43, _ =	vpop (xrf1)  }
0x6c: {  	v16 =	vsel vm0, v21, v16;
	v18 =	vsel vm0, v18, v20;
	(xrf1) =	vsort.dscd.msk.f32 $0xffff, v30, v2;
	v20, v21, _ =	vpop (xrf1)  }
0x6d: {  	v23 =	vperm.xlane v23, v8;
	(xrf1) =	vsort.dscd.msk.f32 $0xffff, v41, v4;
	v30, v44, _ =	vpop (xrf1);
	v21 =	vperm.xlane v21, v8  }
0x6e: {  	v29 =	vperm.xlane v29, v8;
	v20 =	vperm.xlane v20, v8;
	(xrf1) =	vsort.dscd.msk.f32 $0xffff, v37, v0;
	v45, v38, _ =	vpop (xrf1)  }
0x6f: {  	v37 =	vperm.xlane v45, v8;
	v38 =	vperm.xlane v38, v8;
	v21 =	vsel vm0, v43, v21  }
0x70: {  	(xrf1) =	vsort.dscd.msk.f32 $0xffff, v17, v16;
	v16, v17, _ =	vpop (xrf1);
	v15 =	vsel vm0, v15, v20;
	v20 =	vperm.xlane v30, v8  }
0x71: {  	v30 =	vperm.xlane v44, v8;
	v47, v46, _ =	vpop (xrf1);
	v16 =	vsel vm0, v16, v37;
	v17 =	vsel vm0, v17, v38  }
0x72: {  	v48, v49, _ =	vpop (xrf1);
	(xrf1) =	vsort.dscd.msk.f32 $0xffff, v16, v17;
	v16 =	vperm.xlane v47, v8;
	v17 =	vperm.xlane v46, v8  }
0x73: {  	v20 =	vsel vm0, v48, v20;
	v30 =	vsel vm0, v49, v30;
	(xrf1) =	vsort.dscd.msk.f32 $0xffff, v15, v21;
	v15, v21, _ =	vpop (xrf1)  }
0x74: {  	v50, v51, _ =	vpop (xrf1);
	(xrf1) =	vsort.dscd.msk.f32 $0xffff, v20, v30;
	v15 =	vsel vm0, v15, v16;
	v16 =	vsel vm0, v21, v17  }
0x75: {  	v17 =	vsel vm0, v50, v23;
	v20 =	vsel vm0, v51, v29;
	v21, v23, _ =	vpop (xrf1);
	(xrf1) =	vsort.dscd.msk.f32 $0xffff, v15, v16  }
0x76: {  	v15 =	vsel vm0, v22, v27;
	v16 =	vsel vm0, v19, v24;
	v24 =	vsel vm0, v63, v26  }
0x77: {  	v19, v22, _ =	vpop (xrf1);
	(xrf1) =	vsort.dscd.msk.f32 $0xffff, v17, v20;
	v17 =	vsel vm0, v28, v25;
	v23 =	vperm.xlane v23, v8  }
0x78: {  	v25, v26, _ =	vpop (xrf1)  }
0x79: {  	v20 =	vsel vm0, v31, v40;
	v21 =	vperm.xlane v21, v8;
	(xrf1) =	vsort.dscd.msk.f32 $0xffff, v18, v15;
	v18, v27, _ =	vpop (xrf1)  }
0x7a: {  	s30 =	simm.s32 $0x380;
	v19 =	vperm.xlane v19, v8;
	v22 =	vperm.xlane v22, v8;
	(xrf1) =	vsort.dscd.msk.f32 $0xffff, v16, v17;
	v17, v28, _ =	vpop (xrf1)  }
0x7b: {  	v15 =	vld [tilespmem:s30+$0x10];
	v18 =	vsel vm0, v18, v21;
	v21 =	vsel vm0, v27, v23;
	(xrf1) =	vsort.dscd.msk.f32 $0xffff, v20, v24;
	v23, v24, _ =	vpop (xrf1)  }
0x7c: {  	v16 =	vld [tilespmem:s30+$0x20];
	(xrf1) =	vsort.dscd.msk.f32 $0xffff, v18, v21;
	v21 =	vsel vm0, v24, v22  }
0x7d: {  	v20 =	vld [tilespmem:s30+$0x30];
	v19 =	vsel vm0, v23, v19  }
0x7e: {  	v18 =	vld [tilespmem:s30+$0x50]  }
0x7f: {  	v22 =	vld [tilespmem:s30+$0x70];
	(xrf1) =	vsort.dscd.msk.f32 $0xffff, v19, v21  }
0x80: {  	v23 =	vld [tilespmem:s30+$0x60];
	v19, v21, _ =	vpop (xrf1);
	(xrf1) =	vsort.dscd.msk.f32 $0xffff, v15, v1  }
0x81: {  	v15, v24, _ =	vpop (xrf1);
	(xrf1) =	vsort.dscd.msk.f32 $0xffff, v16, v2  }
0x82: {  	v16, v27, _ =	vpop (xrf1);
	(xrf1) =	vsort.dscd.msk.f32 $0xffff, v20, v3  }
0x83: {  	v20 =	vld [tilespmem:s30+$0x40];
	(xrf1) =	vsort.dscd.msk.f32 $0xffff, v18, v5;
	v18, v29, _ =	vpop (xrf1)  }
0x84: {  	(xrf1) =	vsort.dscd.msk.f32 $0xffff, v22, v7;
	v18 =	vperm.xlane v18, v8;
	v22 =	vperm.xlane v29, v8;
	v29, v30, _ =	vpop (xrf1)  }
0x85: {  	v31 =	vld [tilespmem:s30+$0x0];
	(xrf1) =	vsort.dscd.msk.f32 $0xffff, v23, v6;
	v23 =	vperm.xlane v29, v8;
	v29, v52, _ =	vpop (xrf1)  }
0x86: {  	v53 =	vld [tilespmem:s30+$0xFFFFFFF0];
	v30 =	vperm.xlane v30, v8;
	v18 =	vsel vm0, v29, v18;
	v22 =	vsel vm0, v52, v22;
	v29, v54, _ =	vpop (xrf1)  }
0x87: {  	v55 =	vld [tilespmem:s30+$0xFFFFFFB0];
	v26 =	vperm.xlane v26, v8;
	v57, v56, _ =	vpop (xrf1);
	(xrf1) =	vsort.dscd.msk.f32 $0xffff, v18, v22  }
0x88: {  	v18 =	vld [tilespmem:s30+$0xFFFFFFD0];
	(xrf1) =	vsort.dscd.msk.f32 $0xffff, v20, v4;
	v20 =	vsel vm0, v57, v23;
	v22 =	vsel vm0, v56, v30  }
0x89: {  	v23 =	vld [tilespmem:s30+$0xFFFFFFE0];
	(xrf1) =	vsort.dscd.msk.f32 $0xffff, v20, v22  }
0x8a: {  	v17 =	vperm.xlane v17, v8;
	v28 =	vperm.xlane v28, v8;
	v22 =	vld [tilespmem:s30+$0xFFFFFF90];
	v30, v58, _ =	vpop (xrf1);
	(xrf1) =	vsort.dscd.msk.f32 $0xffff, v31, v0  }
0x8b: {  	v31 =	vld [tilespmem:s30+$0xFFFFFFA0];
	v60, v59, _ =	vpop (xrf1);
	(xrf1) =	vsort.dscd.msk.f32 $0xffff, v53, v7  }
0x8c: {  	v25 =	vperm.xlane v25, v8;
	v20 =	vperm.xlane v36, v8;
	v63, v62, _ =	vpop (xrf1);
	(xrf1) =	vsort.dscd.msk.f32 $0xffff, v55, v3  }
0x8d: {  	v61 =	vld [tilespmem:s30+$0xFFFFFFC0];
	v12 =	vperm.xlane v12, v8;
	v21 =	vsel vm0, v21, v26;
	(xrf1) =	vsort.dscd.msk.f32 $0xffff, v18, v5;
	v18, v26, _ =	vpop (xrf1)  }
0x8e: {  	v19 =	vsel vm0, v19, v25;
	v25 =	vld [tilespmem:s30+$0xFFFFFF80];
	v15 =	vsel vm0, v15, v17;
	(xrf1) =	vsort.dscd.msk.f32 $0xffff, v23, v6;
	v17, v23, _ =	vpop (xrf1)  }
0x8f: {  	v14 =	vperm.xlane v14, v8;
	v24 =	vsel vm0, v24, v28;
	(xrf1) =	vsort.dscd.msk.f32 $0xffff, v22, v1;
	v22, v28, _ =	vpop (xrf1)  }
0x90: {  	v16 =	vsel vm0, v16, v20;
	(xrf1) =	vsort.dscd.msk.f32 $0xffff, v31, v2;
	v20, v31, _ =	vpop (xrf1)  }
0x91: {  	v12 =	vsel vm0, v27, v12;
	v14 =	vsel vm0, v30, v14;
	v27, v30, _ =	vpop (xrf1)  }
0x92: {  	(xrf1) =	vsort.dscd.msk.f32 $0xffff, v61, v4;
	v30 =	vperm.xlane v30, v8  }
0x93: {  	(xrf1) =	vsort.dscd.msk.f32 $0xffff, v25, v0;
	v25, v39, _ =	vpop (xrf1)  }
0x94: {  	v27 =	vperm.xlane v27, v8;
	(xrf1) =	vsort.dscd.msk.f32 $0xffff, v19, v21;
	v19, v21, _ =	vpop (xrf1)  }
0x95: {  	v21 =	vperm.xlane v21, v8  }
0x96: {  	v19 =	vperm.xlane v19, v8;
	v20 =	vsel vm0, v20, v27;
	v27 =	vsel vm0, v31, v30;
	v30, v31, _ =	vpop (xrf1)  }
0x97: {  	v25 =	vperm.xlane v25, v8;
	v21 =	vsel vm0, v31, v21  }
0x98: {  	v19 =	vsel vm0, v30, v19;
	_ =	sdelay $0x1  }
0x99: {  	v28 =	vperm.xlane v28, v8;
	v30, v31, _ =	vpop (xrf1)  }
0x9a: {  	v33 =	vperm.xlane v39, v8;
	(xrf1) =	vsort.dscd.msk.f32 $0xffff, v19, v21;
	v30 =	vperm.xlane v30, v8;
	v19, v21, _ =	vpop (xrf1)  }
0x9b: {  	v31 =	vperm.xlane v31, v8;
	(xrf1) =	vsort.dscd.msk.f32 $0xffff, v20, v27;
	v19 =	vsel vm0, v19, v25;
	v20, v25, _ =	vpop (xrf1)  }
0x9c: {  	v22 =	vperm.xlane v22, v8;
	v21 =	vsel vm0, v21, v33;
	v27, v40, _ =	vpop (xrf1)  }
0x9d: {  	(xrf1) =	vsort.dscd.msk.f32 $0xffff, v19, v21;
	v19 =	vsel vm0, v20, v30;
	v20 =	vsel vm0, v25, v31  }
0x9e: {  	v21 =	vsel vm0, v27, v22;
	v22 =	vsel vm0, v40, v28;
	(xrf1) =	vsort.dscd.msk.f32 $0xffff, v19, v20;
	v25, v27, _ =	vpop (xrf1)  }
0x9f: {  	v11 =	vperm.xlane v11, v8;
	(xrf1) =	vsort.dscd.msk.f32 $0xffff, v21, v22;
	v28, v30, _ =	vpop (xrf1);
	v22 =	vperm.xlane v27, v8  }
0xa0: {  	v20 =	vperm.xlane v59, v8;
	v21 =	vperm.xlane v25, v8;
	v25, v27, _ =	vpop (xrf1)  }
0xa1: {  	v13 =	vperm.xlane v13, v9;
	(xrf1) =	vsort.dscd.msk.f32 $0xffff, v15, v24;
	v24 =	vperm.xlane v30, v8;
	v30, v31, _ =	vpop (xrf1)  }
0xa2: {  	s31 =	simm.s32 $0x480;
	v11 =	vsel vm0, v58, v11;
	v19 =	vperm.xlane v60, v8;
	v15 =	vperm.xlane v28, v8  }
0xa3: {  	v28 =	vld [tilespmem:s31+$0x10];
	(xrf1) =	vsort.dscd.msk.f32 $0xffff, v16, v12;
	v16 =	vsel vm0, v30, v21;
	v21 =	vsel vm0, v31, v22;
	v22, v30, _ =	vpop (xrf1)  }
0xa4: {  	v12 =	vld [tilespmem:s31+$0x20];
	(xrf1) =	vsort.dscd.msk.f32 $0xffff, v14, v11;
	v11 =	vsel vm0, v63, v19;
	v14 =	vsel vm0, v62, v20;
	v20, v31, _ =	vpop (xrf1)  }
0xa5: {  	v19 =	vld [tilespmem:s31+$0x30];
	(xrf1) =	vsort.dscd.msk.f32 $0xffff, v16, v21;
	v15 =	vsel vm0, v20, v15;
	v20 =	vsel vm0, v31, v24  }
0xa6: {  	v16 =	vld [tilespmem:s31+$0x50];
	(xrf1) =	vsort.dscd.msk.f32 $0xffff, v11, v14  }
0xa7: {  	v11 =	vperm.xlane v29, v9;
	v14 =	vld [tilespmem:s31+$0x70];
	(xrf1) =	vsort.dscd.msk.f32 $0xffff, v15, v20  }
0xa8: {  	v24 =	vsel vm0, v10, v13;
	v10, v13, _ =	vpop (xrf1);
	v15 =	vld [tilespmem:s31+$0x60];
	(xrf1) =	vsort.dscd.msk.f32 $0xffff, v28, v1  }
0xa9: {  	v28 =	vsel vm0, v54, v11;
	v11 =	vperm.xlane v18, v8;
	v18, v20, _ =	vpop (xrf1);
	(xrf1) =	vsort.dscd.msk.f32 $0xffff, v12, v2  }
0xaa: {  	v21 =	vperm.xlane v17, v8;
	v12 =	vperm.xlane v26, v8;
	v17, v26, _ =	vpop (xrf1);
	(xrf1) =	vsort.dscd.msk.f32 $0xffff, v19, v3  }
0xab: {  	v19 =	vperm.xlane v23, v8;
	v23 =	vperm.xlane v25, v8;
	(xrf1) =	vsort.dscd.msk.f32 $0xffff, v16, v5;
	v16, v29, _ =	vpop (xrf1)  }
0xac: {  	v25 =	vld [tilespmem:s31+$0x40];
	(xrf1) =	vsort.dscd.msk.f32 $0xffff, v14, v7;
	v14 =	vperm.xlane v16, v8;
	v16 =	vperm.xlane v29, v8;
	v29, v31, _ =	vpop (xrf1)  }
0xad: {  	v27 =	vperm.xlane v27, v8;
	(xrf1) =	vsort.dscd.msk.f32 $0xffff, v15, v6;
	v15 =	vperm.xlane v29, v8;
	v29, v42, _ =	vpop (xrf1)  }
0xae: {  	v41 =	vld [tilespmem:s31+$0x0];
	v31 =	vperm.xlane v31, v8;
	v14 =	vsel vm0, v29, v14;
	v29, v44, _ =	vpop (xrf1)  }
0xaf: {  	v43 =	vld [tilespmem:s31+$0xFFFFFFF0];
	v16 =	vsel vm0, v42, v16;
	v46, v47, _ =	vpop (xrf1)  }
0xb0: {  	v45 =	vld [tilespmem:s31+$0xFFFFFFB0];
	v22 =	vperm.xlane v22, v8;
	(xrf1) =	vsort.dscd.msk.f32 $0xffff, v14, v16;
	v15 =	vsel vm0, v46, v15  }
0xb1: {  	v30 =	vperm.xlane v30, v8;
	v14 =	vld [tilespmem:s31+$0xFFFFFFD0];
	(xrf1) =	vsort.dscd.msk.f32 $0xffff, v25, v4;
	v16 =	vsel vm0, v47, v31  }
0xb2: {  	v23 =	vsel vm0, v10, v23;
	v25 =	vsel vm0, v13, v27;
	v13 =	vld [tilespmem:s31+$0xFFFFFFE0];
	v10, v27, _ =	vpop (xrf1);
	(xrf1) =	vsort.dscd.msk.f32 $0xffff, v15, v16  }
0xb3: {  	v22 =	vsel vm0, v18, v22;
	v30 =	vsel vm0, v20, v30;
	v20 =	vld [tilespmem:s31+$0xFFFFFF90];
	(xrf1) =	vsort.dscd.msk.f32 $0xffff, v41, v0;
	v15, v31, _ =	vpop (xrf1)  }
0xb4: {  	v16 =	vsel vm0, v17, v11;
	v11 =	vperm.xlane v29, v9;
	v29 =	vld [tilespmem:s31+$0xFFFFFFA0];
	v49, v48, _ =	vpop (xrf1);
	(xrf1) =	vsort.dscd.msk.f32 $0xffff, v43, v7  }
0xb5: {  	v17 =	vsel vm0, v26, v12;
	v26 =	vld [tilespmem:s31+$0xFFFFFFC0];
	v18 =	vsel vm0, v10, v21;
	v12, v21, _ =	vpop (xrf1);
	(xrf1) =	vsort.dscd.msk.f32 $0xffff, v45, v3  }
0xb6: {  	v50 =	vld [tilespmem:s31+$0xFFFFFF80];
	v19 =	vsel vm0, v27, v19;
	v27, v10, _ =	vpop (xrf1);
	(xrf1) =	vsort.dscd.msk.f32 $0xffff, v14, v5  }
0xb7: {  	v33 =	vsel vm0, v44, v11;
	v52, v51, _ =	vpop (xrf1);
	(xrf1) =	vsort.dscd.msk.f32 $0xffff, v13, v6  }
0xb8: {  	v11 =	vperm.xlane v15, v8;
	v15 =	vperm.xlane v21, v8;
	v21, v53, _ =	vpop (xrf1);
	(xrf1) =	vsort.dscd.msk.f32 $0xffff, v20, v1  }
0xb9: {  	v54, v55, _ =	vpop (xrf1);
	(xrf1) =	vsort.dscd.msk.f32 $0xffff, v29, v2  }
0xba: {  	v31 =	vperm.xlane v31, v8;
	v13 =	vperm.xlane v27, v9;
	v27, v29, _ =	vpop (xrf1);
	(xrf1) =	vsort.dscd.msk.f32 $0xffff, v26, v4  }
0xbb: {  	(xrf1) =	vsort.dscd.msk.f32 $0xffff, v50, v0;
	v58, v57, _ =	vpop (xrf1)  }
0xbc: {  	(xrf1) =	vsort.dscd.msk.f32 $0xffff, v23, v25;
	v23, v25, _ =	vpop (xrf1)  }
0xbd: {  	v26 =	vperm.xlane v21, v8;
	v25 =	vperm.xlane v25, v8  }
0xbe: {  	v21 =	vsel vm0, v48, v31;
	v29 =	vperm.xlane v29, v8;
	v23 =	vperm.xlane v23, v8;
	v31, v59, _ =	vpop (xrf1)  }
0xbf: {  	v27 =	vperm.xlane v27, v8;
	v25 =	vsel vm0, v59, v25  }
0xc0: {  	v29 =	vsel vm0, v55, v29;
	v23 =	vsel vm0, v31, v23  }
0xc1: {  	v27 =	vsel vm0, v54, v27  }
0xc2: {  	v34 =	vperm.xlane v58, v8;
	v60 =	vperm.xlane v57, v8;
	v31, v61, _ =	vpop (xrf1)  }
0xc3: {  	(xrf1) =	vsort.dscd.msk.f32 $0xffff, v23, v25;
	v31 =	vperm.xlane v31, v8;
	v32 =	vperm.xlane v61, v8;
	v23, v25, _ =	vpop (xrf1)  }
0xc4: {  	(xrf1) =	vsort.dscd.msk.f32 $0xffff, v27, v29;
	v23 =	vsel vm0, v23, v34;
	v25 =	vsel vm0, v25, v60;
	v27, v29, _ =	vpop (xrf1)  }
0xc5: {  	s11 =	simm.s32 $0x8080;
	v63, v62, _ =	vpop (xrf1);
	(xrf1) =	vsort.dscd.msk.f32 $0xffff, v23, v25;
	v25 =	vsel vm0, v29, v32  }
0xc6: {  	[tilespmem:s11+$0x0] =	vst v24;
	v56 =	vperm.xlane v53, v8;
	v23 =	vsel vm0, v27, v31;
	v24 =	vsel vm0, v63, v26  }
0xc7: {  	v14 =	vperm.xlane v12, v8;
	v20 =	vsel vm0, v49, v11;
	v12 =	vperm.xlane v52, v8  }
0xc8: {  	s10 =	simm.s32 $0x8180;
	v11 =	vperm.xlane v51, v8;
	v26 =	vsel vm0, v62, v56;
	v27, v29, _ =	vpop (xrf1);
	(xrf1) =	vsort.dscd.msk.f32 $0xffff, v23, v25  }
0xc9: {  	s9 =	simm.s32 $0x8280;
	[tilespmem:s10+$0x0] =	vst v28;
	v28 =	vperm.xlane v27, v8;
	v29 =	vperm.xlane v29, v8;
	(xrf1) =	vsort.dscd.msk.f32 $0xffff, v24, v26;
	v23, v25, _ =	vpop (xrf1)  }
0xca: {  	s12 =	simm.s32 $0x8;
	s13 =	simm.s32 $0x580;
	[tilespmem:s9+$0x0] =	vst v33;
	(xrf1) =	vsort.dscd.msk.f32 $0xffff, v22, v30;
	v26 =	vperm.xlane v23, v8;
	v27 =	vperm.xlane v25, v8;
	v25, v24, _ =	vpop (xrf1)  }
.LBB2_2:
0xcb: {  	v22 =	vld [tilespmem:s13+$0x10];
	v32 =	vperm.xlane v25, v8;
	v24 =	vperm.xlane v24, v8;
	v25, v30, _ =	vpop (xrf1);
	(xrf1) =	vsort.dscd.msk.f32 $0xffff, v16, v17  }
0xcc: {  	v16 =	vld [tilespmem:s13+$0x20];
	v17 =	vsel vm0, v25, v28;
	v25 =	vsel vm0, v30, v29;
	v28, v29, _ =	vpop (xrf1);
	(xrf1) =	vsort.dscd.msk.f32 $0xffff, v18, v19  }
0xcd: {  	v18 =	vld [tilespmem:s13+$0x30];
	v33 =	vperm.xlane v28, v8;
	v28 =	vperm.xlane v29, v8;
	v31, v30, _ =	vpop (xrf1);
	(xrf1) =	vsort.dscd.msk.f32 $0xffff, v17, v25  }
0xce: {  	v25 =	vld [tilespmem:s13+$0x50];
	v31 =	vsel vm0, v31, v26;
	v26 =	vsel vm0, v30, v27;
	v27, v29, _ =	vpop (xrf1);
	(xrf1) =	vsort.dscd.msk.f32 $0xffff, v20, v21  }
0xcf: {  	s12 =	sadd.s32 $0x2, s12;
	v20 =	vld [tilespmem:s13+$0x70];
	v27 =	vsel vm0, v27, v32;
	v24 =	vsel vm0, v29, v24;
	v21, v23, _ =	vpop (xrf1);
	(xrf1) =	vsort.dscd.msk.f32 $0xffff, v31, v26  }
0xd0: {  	p0 =	slt.u32 s12, $0xFE;
	v26 =	vld [tilespmem:s13+$0x60];
	(xrf1) =	vsort.dscd.msk.f32 $0xffff, v22, v1;
	v22 =	vsel vm0, v21, v33;
	v23 =	vsel vm0, v23, v28;
	v17, v19, _ =	vpop (xrf1)  }
0xd1: {  	v21 =	vld [tilespmem:s13+$0xFFFFFFF0];
	(xrf1) =	vsort.dscd.msk.f32 $0xffff, v16, v2;
	v16 =	vsel vm0, v17, v14;
	v17 =	vsel vm0, v19, v15  }
0xd2: {  	v10 =	vsel vm0, v10, v13;
	v14 =	vld [tilespmem:s13+$0xFFFFFFB0];
	(xrf1) =	vsort.dscd.msk.f32 $0xffff, v18, v3  }
0xd3: {  	v13 =	vld [tilespmem:s13+$0x40];
	(xrf1) =	vsort.dscd.msk.f32 $0xffff, v25, v5;
	v15, v18, _ =	vpop (xrf1);
	[tilespmem:s11+$0xFFFFFF80] =	vst v10;
	s11 =	smov.u32 s10;
	s10 =	smov.u32 s9  }
0xd4: {  	v25 =	vld [tilespmem:s13+$0xFFFFFFD0];
	(xrf1) =	vsort.dscd.msk.f32 $0xffff, v20, v7;
	v10 =	vperm.xlane v15, v8;
	v15 =	vperm.xlane v18, v8;
	v18, v19, _ =	vpop (xrf1)  }
0xd5: {  	v20 =	vld [tilespmem:s13+$0x0];
	(xrf1) =	vsort.dscd.msk.f32 $0xffff, v26, v6;
	v35 =	vperm.xlane v18, v8;
	v26, v28, _ =	vpop (xrf1)  }
0xd6: {  	v33 =	vperm.xlane v19, v8;
	v29 =	vld [tilespmem:s13+$0xFFFFFFE0];
	v10 =	vsel vm0, v26, v10;
	v15 =	vsel vm0, v28, v15;
	v26, v28, _ =	vpop (xrf1)  }
0xd7: {  	v31, v32, _ =	vpop (xrf1);
	(xrf1) =	vsort.dscd.msk.f32 $0xffff, v10, v15;
	v10 =	vperm.xlane v26, v9  }
0xd8: {  	v30 =	vld [tilespmem:s13+$0xFFFFFF90];
	v15 =	vsel vm0, v32, v33  }
0xd9: {  	v26 =	vld [tilespmem:s13+$0xFFFFFFA0];
	(xrf1) =	vsort.dscd.msk.f32 $0xffff, v13, v4;
	v34 =	vsel vm0, v31, v35;
	v18, v19, _ =	vpop (xrf1);
	v10 =	vsel vm0, v28, v10  }
0xda: {  	s9 =	sadd.s32 $0x100, s9;
	v31 =	vld [tilespmem:s13+$0xFFFFFFC0];
	(xrf1) =	vsort.dscd.msk.f32 $0xffff, v34, v15;
	v18 =	vsel vm0, v18, v12;
	v12, v13, _ =	vpop (xrf1)  }
0xdb: {  	v19 =	vsel vm0, v19, v11;
	v28 =	vld [tilespmem:s13+$0xFFFFFF80];
	(xrf1) =	vsort.dscd.msk.f32 $0xffff, v20, v0;
	[tilespmem:s9+$0x0] =	vst v10;
	v11 =	vperm.xlane v12, v8;
	v12, v32, _ =	vpop (xrf1)  }
0xdc: {  	v10, v15, _ =	vpop (xrf1)  }
0xdd: {  	v13 =	vperm.xlane v13, v8;
	(xrf1) =	vsort.dscd.msk.f32 $0xffff, v21, v7  }
0xde: {  	(xrf1) =	vsort.dscd.msk.f32 $0xffff, v14, v3;
	v14 =	vperm.xlane v10, v8;
	v15 =	vperm.xlane v15, v8;
	v33, v10, _ =	vpop (xrf1)  }
0xdf: {  	v20 =	vsel vm0, v12, v11;
	v21 =	vsel vm0, v32, v13;
	(xrf1) =	vsort.dscd.msk.f32 $0xffff, v25, v5;
	v25, v34, _ =	vpop (xrf1)  }
0xe0: {  	(xrf1) =	vsort.dscd.msk.f32 $0xffff, v29, v6;
	v29, v32, _ =	vpop (xrf1);
	v12 =	vperm.xlane v25, v8;
	v11 =	vperm.xlane v34, v8  }
0xe1: {  	v13 =	vperm.xlane v33, v9;
	(xrf1) =	vsort.dscd.msk.f32 $0xffff, v30, v1;
	v25, v30, _ =	vpop (xrf1)  }
0xe2: {  	(xrf1) =	vsort.dscd.msk.f32 $0xffff, v26, v2;
	v26, v33, _ =	vpop (xrf1)  }
0xe3: {  	v29 =	vperm.xlane v29, v8;
	v32 =	vperm.xlane v32, v8;
	(xrf1) =	vsort.dscd.msk.f32 $0xffff, v31, v4;
	v31, v34, _ =	vpop (xrf1)  }
0xe4: {  	v26 =	vperm.xlane v26, v8;
	v38 =	vperm.xlane v33, v8;
	(xrf1) =	vsort.dscd.msk.f32 $0xffff, v28, v0;
	v28, v35, _ =	vpop (xrf1)  }
0xe5: {  	v28 =	vperm.xlane v28, v8;
	v39 =	vperm.xlane v35, v8;
	v36, v37, _ =	vpop (xrf1);
	(xrf1) =	vsort.dscd.msk.f32 $0xffff, v27, v24  }
0xe6: {  	v24 =	vsel vm0, v25, v26;
	v25 =	vperm.xlane v31, v8;
	v26 =	vperm.xlane v34, v8  }
0xe7: {  	v38 =	vsel vm0, v30, v38;
	v28 =	vsel vm0, v36, v28;
	v30 =	vsel vm0, v37, v39;
	v31, v33, _ =	vpop (xrf1)  }
0xe8: {  	v34, v35, _ =	vpop (xrf1);
	(xrf1) =	vsort.dscd.msk.f32 $0xffff, v28, v30;
	v36 =	vperm.xlane v31, v8;
	v30 =	vperm.xlane v33, v8  }
.Ltmp0:
0xe9: {  	v37 =	vsel vm0, v34, v25;
	v26 =	vsel vm0, v35, v26;
	(xrf1) =	vsort.dscd.msk.f32 $0xffff, v24, v38;
	v24, v27, _ =	vpop (xrf1);
	(pc) =	sbr.rel @p0 .LBB2_2-.Ltmp0, $4  }
0xea: {  	v31, v33, _ =	vpop (xrf1);
	(xrf1) =	vsort.dscd.msk.f32 $0xffff, v37, v26;
	v35 =	vsel vm0, v24, v36;
	v34 =	vsel vm0, v27, v30  }
0xeb: {  	v26 =	vsel vm0, v31, v29;
	v27 =	vsel vm0, v33, v32;
	v28, v29, _ =	vpop (xrf1);
	(xrf1) =	vsort.dscd.msk.f32 $0xffff, v35, v34  }
0xec: {  	v28 =	vperm.xlane v28, v8;
	v29 =	vperm.xlane v29, v8;
	v30, v25, _ =	vpop (xrf1);
	(xrf1) =	vsort.dscd.msk.f32 $0xffff, v26, v27  }
0xed: {  	s13 =	sadd.s32 $0x100, s13;
	v26 =	vperm.xlane v30, v8;
	v27 =	vperm.xlane v25, v8;
	v25, v24, _ =	vpop (xrf1);
	(xrf1) =	vsort.dscd.msk.f32 $0xffff, v22, v23  }
0xee: {  	_ =	sdelay $0x1  }
0xef: {  	v22, v23, _ =	vpop (xrf1)  }
0xf0: {  	v30, v31, _ =	vpop (xrf1)  }
0xf1: {  	v32, v33, _ =	vpop (xrf1)  }
0xf2: {  	v34, v35, _ =	vpop (xrf1)  }
0xf3: {  	(xrf1) =	vsort.dscd.msk.f32 $0xffff, v16, v17;
	v16, v17, _ =	vpop (xrf1)  }
0xf4: {  	v22 =	vsel vm0, v22, v28;
	v23 =	vsel vm0, v23, v29;
	(xrf1) =	vsort.dscd.msk.f32 $0xffff, v18, v19;
	v18, v19, _ =	vpop (xrf1)  }
0xf5: {  	v40 =	vsel vm0, v32, v26;
	v41 =	vsel vm0, v33, v27;
	(xrf1) =	vsort.dscd.msk.f32 $0xffff, v22, v23;
	v42, v43, _ =	vpop (xrf1)  }
0xf6: {  	(xrf1) =	vsort.dscd.msk.f32 $0xffff, v20, v21;
	v44 =	vperm.xlane v42, v8;
	v45 =	vperm.xlane v43, v8;
	v46, v47, _ =	vpop (xrf1)  }
0xf7: {  	(xrf1) =	vsort.dscd.msk.f32 $0xffff, v40, v41;
	v48 =	vperm.xlane v46, v8;
	v49, v50, _ =	vpop (xrf1)  }
0xf8: {  	v27 =	vperm.xlane v47, v8;
	v20 =	vsel vm0, v49, v44;
	v21 =	vsel vm0, v50, v45;
	v23, v26, _ =	vpop (xrf1)  }
0xf9: {  	v51, v52, _ =	vpop (xrf1);
	(xrf1) =	vsort.dscd.msk.f32 $0xffff, v20, v21  }
0xfa: {  	v53 =	vsel vm0, v51, v48;
	v54 =	vsel vm0, v52, v27  }
0xfb: {  	(xrf1) =	vsort.dscd.msk.f32 $0xffff, v53, v54;
	_ =	sdelay $0x5  }
0xfc: {  	v20, v21, _ =	vpop (xrf1)  }
0xfd: {  	v55, v56, _ =	vpop (xrf1)  }
0xfe: {  	v57, v58, _ =	vpop (xrf1)  }
0xff: {  	v59, v60, _ =	vpop (xrf1)  }
0x100: {  	v36, v37, _ =	vpop (xrf1)  }
0x101: {  	v25 =	vperm.xlane v25, v8;
	v38, v39, _ =	vpop (xrf1)  }
0x102: {  	v24 =	vperm.xlane v24, v8;
	v30 =	vperm.xlane v30, v8;
	v40, v41, _ =	vpop (xrf1)  }
0x103: {  	v40 =	vperm.xlane v40, v8;
	v41 =	vperm.xlane v41, v8  }
0x104: {  	v31 =	vperm.xlane v31, v8;
	v25 =	vsel vm0, v34, v25;
	v24 =	vsel vm0, v35, v24;
	v61, v62, _ =	vpop (xrf1)  }
0x105: {  	(xrf1) =	vsort.dscd.msk.f32 $0xffff, v25, v24;
	v63 =	vsel vm0, v61, v40;
	v34 =	vsel vm0, v62, v41  }
0x106: {  	v16 =	vsel vm0, v16, v30;
	v17 =	vsel vm0, v17, v31;
	(xrf1) =	vsort.dscd.msk.f32 $0xffff, v63, v34  }
0x107: {  	(xrf1) =	vsort.dscd.msk.f32 $0xffff, v16, v17;
	_ =	sdelay $0x6  }
0x108: {  	v40 =	vperm.xlane v56, v8  }
0x109: {  	v12 =	vsel vm0, v20, v12;
	v35 =	vperm.xlane v55, v8  }
0x10a: {  	v11 =	vsel vm0, v21, v11;
	v17 =	vsel vm0, v58, v40  }
0x10b: {  	v14 =	vsel vm0, v18, v14;
	v15 =	vsel vm0, v19, v15;
	v16 =	vsel vm0, v57, v35  }
0x10c: {  	v42 =	vperm.xlane v60, v8;
	v41 =	vperm.xlane v59, v8;
	(xrf1) =	vsort.dscd.msk.f32 $0xffff, v14, v15  }
0x10d: {  	v43 =	vperm.xlane v38, v8;
	v44 =	vperm.xlane v39, v8;
	(xrf1) =	vsort.dscd.msk.f32 $0xffff, v12, v11;
	v11, v12, _ =	vpop (xrf1)  }
0x10e: {  	(xrf1) =	vsort.dscd.msk.f32 $0xffff, v16, v17;
	v11 =	vsel vm0, v11, v41;
	v12 =	vsel vm0, v12, v42;
	v16, v17, _ =	vpop (xrf1)  }
0x10f: {  	(xrf1) =	vsort.dscd.msk.f32 $0xffff, v11, v12;
	v45, v46, _ =	vpop (xrf1)  }
0x110: {  	v11 =	vsel vm0, v45, v43;
	v47 =	vsel vm0, v46, v44  }
0x111: {  	(xrf1) =	vsort.dscd.msk.f32 $0xffff, v11, v47;
	_ =	sdelay $0x8  }
0x112: {  	v11, v12, _ =	vpop (xrf1)  }
0x113: {  	v48, v49, _ =	vpop (xrf1)  }
0x114: {  	v50, v51, _ =	vpop (xrf1)  }
0x115: {  	v11 =	vperm.xlane v11, v8;
	v12 =	vperm.xlane v12, v8;
	v52, v53, _ =	vpop (xrf1)  }
0x116: {  	v20 =	vperm.xlane v52, v8;
	v21 =	vperm.xlane v53, v8  }
0x117: {  	v11 =	vsel vm0, v48, v11;
	v12 =	vsel vm0, v49, v12;
	v54, v55, _ =	vpop (xrf1)  }
0x118: {  	(xrf1) =	vsort.dscd.msk.f32 $0xffff, v11, v12;
	v11 =	vsel vm0, v54, v20;
	v56 =	vsel vm0, v55, v21  }
0x119: {  	(xrf1) =	vsort.dscd.msk.f32 $0xffff, v11, v56;
	_ =	sdelay $0x9  }
0x11a: {  	v11 =	vperm.xlane v23, v9  }
0x11b: {  	v10 =	vsel vm0, v10, v13;
	v57 =	vperm.xlane v36, v9  }
0x11c: {  	s30 =	sadd.s32 $0x100, s9;
	[tilespmem:s11+$0xFFFFFF80] =	vst v10;
	v10 =	vsel vm0, v26, v11;
	v11 =	vperm.xlane v16, v9  }
0x11d: {  	v58 =	vperm.xlane v50, v9;
	[tilespmem:s30+$0x0] =	vst v10;
	v10 =	vsel vm0, v37, v57;
	v60, v59, _ =	vpop (xrf1)  }
0x11e: {  	s31 =	sadd.s32 $0x100, s30;
	[tilespmem:s10+$0xFFFFFF80] =	vst v10;
	v10 =	vsel vm0, v17, v11;
	v11 =	vperm.xlane v60, v9;
	v62, v61, _ =	vpop (xrf1)  }
0x11f: {  	[tilespmem:s31+$0x0] =	vst v10;
	v10 =	vsel vm0, v51, v58;
	v63 =	vperm.xlane v62, v9  }
0x120: {  	s8 =	sadd.s32 $0x1, s8;
	[tilespmem:s9+$0xFFFFFF80] =	vst v10;
	v10 =	vsel vm0, v59, v11  }
0x121: {  	p0 =	sne.s32 s8, s5;
	[tilespmem:s30+$0xFFFFFF80] =	vst v10;
	v10 =	vsel vm0, v61, v63  }
.Ltmp1:
0x122: {  	[tilespmem:s31+$0xFFFFFF80] =	vst v10;
	(pc) =	sbr.rel @p0 .LBB2_1-.Ltmp1, $4  }
0x123: {  	[hbm4b:s4+s2] =	stream.linear.scatter [tilespmem:s7], [sflag:$0x1], $0x8000, $0x38;
	[tilespmem:$0x10000] =	vst v63  }
0x124: {  	_ =	swait.ge [sflag:s6], $0x8000  }
0x125: {  	[sflag:s6] =	ssyncset.done $0x0  }
0x126: {  	[sflag:s6] =	ssyncadd.s32 $0xFFFF8000  }
0x127: {  	_ =	sfence.sel $0x180000  }
0x128: {  	[bflag:$0x0] =	sbarrier.arrive $0xFFFF  }
0x129: {  	p0 =	sne.s32 s1, $0x0;
	_ =	strace $0x9000004A  }
0x12a: {  	s0 =	sadd.s32 @!p0 $0x100000, s0;
	[bflag:$0x2] =	sbarrier.arrive $0xFFFF  }
0x12b: {  	[sflag:s0] =	ssyncadd.tile.s32 @!p0 $0x1;
	_ =	shalt  }
.Lfunc_end2:
_tile_overlayer_lowered:
.L_overlay_start_2:
0x12c: {  	(tag) =	ssettag $0x2  }
0x12d: {  	s0 =	rddreg [dreg:$0x0];
	s2 =	stileid.u32  }
0x12e: {  	s1 =	rddreg [dreg:$0x1];
	p0 =	sne.s32 s2, $0x0  }
0x12f: {  	s3 =	rddreg [dreg:$0x2];
	[bflag:$0x3] =	sbarrier.arrive $0xFFFF;
	s2 =	simm.s32 @!p0 $0x1C01  }
0x130: {  	[timem:s3], [sflag:s2] =	dma.local @!p0 [hbm:s0], s1  }
0x131: {  	s0 =	simm.s32 @!p0 $0x1  }
0x132: {  	_ =	swait.ge @!p0 [sflag:s0], s1  }
0x133: {  	s1 =	ssub.s32 @!p0 $0x0, s1;
	[sflag:s0] =	ssyncset.done @!p0 $0x0  }
0x134: {  	[sflag:s0] =	ssyncadd.s32 @!p0 s1  }
0x135: {  	[bflag:$0x3] =	sbarrier.arrive $0xFFFF  }
0x136: {  	_ =	shalt  }

// kernel: kernel.16.cloned.1.call-start
scs
__scs_entry_jumppad:
0x0: {  	(pc) =	sbr.rel $0x88, $3  }
0x1: {  	(tag) =	ssettag $0x0;
	lr =	simm.s32 $0x1  }
0x2: {  	[smem:$0x3F9F] =	sst lr;
	_ =	strace $0xD0000000  }
0x3: {  	_ = 	snop  }
0x4: {  	_ = 	snop  }
0x5: {  	_ = 	snop  }
0x6: {  	_ = 	snop  }
0x7: {  	_ = 	snop  }
__scs_overlays_trampoline_lowered:
0x8: {  	[smem:$0x3FAE] =	sst s0  }
0x9: {  	[smem:$0x3FAF] =	sst s1  }
0xa: {  	[smem:$0x3FB0] =	sst s2  }
0xb: {  	[smem:$0x3FB1] =	sst s3  }
0xc: {  	[smem:$0x3FB2] =	sst s4  }
0xd: {  	[smem:$0x3FB3] =	sst s5  }
0xe: {  	[smem:$0x3FB4] =	sst s6  }
0xf: {  	[smem:$0x3FB5] =	sst s7  }
0x10: {  	[smem:$0x3FB6] =	sst s8  }
0x11: {  	[smem:$0x3FB7] =	sst s9;
	s0 =	simm.s32 @!p0 $0x0  }
0x12: {  	s1 =	sld [smem:$0x3F9D];
	s0 =	simm.s32 @p0 $0x1  }
0x13: {  	[smem:$0x3FB8] =	sst s0;
	s0 =	simm.s32 @!p1 $0x0  }
0x14: {  	s2 =	sld [smem:$0x3F9C];
	s0 =	simm.s32 @p1 $0x1  }
0x15: {  	[smem:$0x3FB9] =	sst s0;
	s0 =	simm.s32 @!p2 $0x0  }
0x16: {  	s3 =	sld [smem:$0x3FDB];
	s0 =	simm.s32 @p2 $0x1  }
0x17: {  	s4 =	simm.s32 $0x1BF5;
	[smem:$0x3FBB] =	sst s0  }
0x18: {  	s0 =	sld [smem:$0x3F9E];
	_ =	swait.ge [sflag:s4], $0x0  }
0x19: {  	s7 =	sld [smem:$0x3F9F]  }
0x1a: {  	s8 =	sadd.s32 $0xFFFFE003, lr  }
0x1b: {  	s9 =	sadd.s32 $0xFFFFFEF7, lr;
	s5 =	simm.s32 $0xFFFFFFFF;
	p2 =	slt.u32 s8, $0xFFFFF086  }
0x1c: {  	p1 =	slt.u32 s9, $0xF7A;
	s5 =	simm.s32 @!p2 $0x0  }
0x1d: {  	s5 =	simm.s32 @p1 $0x1;
	p0 =	seq.s32 s7, s2  }
0x1e: {  	s7 =	smul.u32 @!p0 $0xF7A, s2;
	p2 =	seq.s32 @!p0 s5, $0x0  }
0x1f: {  	s9 =	smul.u32 $0xF7A, s1;
	s8 =	simm.s32 @!p0 $0x1BF5;
	p2 =	por !p2, p0  }
0x20: {  	[sflag:s8] =	ssyncset.s32 @!p0 $0xFFFFF086;
	s6 =	sadd.s32 @!p0 s3, s7;
	s7 =	simm.s32 @!p0 $0x108  }
0x21: {  	s3 =	sadd.s32 s3, s9;
	s6 =	sadd.s32 @!p0 $0x88, s6;
	s7 =	simm.s32 @p2 $0x1082  }
0x22: {  	[simem:s7], [sflag:s8] =	dma.local @!p0 [hbm:s6], $0xF7A  }
0x23: {  	s9 =	sor.u32 $0xD0000000, s2;
	s6 =	simm.s32 $0x108;
	_ =	swait.ge @!p0 [sflag:s8], $0x0  }
0x24: {  	s3 =	sadd.s32 $0x88, s3;
	s6 =	simm.s32 @!p1 $0x1082;
	[sflag:s4] =	ssyncset.s32 $0xFFFFF086  }
0x25: {  	[simem:s6], [sflag:s4] =	dma.local [hbm:s3], $0xF7A  }
0x26: {  	[smem:$0x3F9F] =	sst s1;
	(tag) =	ssettag s2;
	_ =	strace s9  }
0x27: {  	s1 =	sld [smem:$0x3FAF]  }
0x28: {  	s2 =	sld [smem:$0x3FB0]  }
0x29: {  	s4 =	sld [smem:$0x3FB2]  }
0x2a: {  	p0 =	seq.s32 s5, $0x0;
	s5 =	sld [smem:$0x3FB3]  }
0x2b: {  	s6 =	sld [smem:$0x3FB4]  }
0x2c: {  	s7 =	sld [smem:$0x3FB5]  }
0x2d: {  	s3 =	simm.s32 $0x108;
	s8 =	sld [smem:$0x3FB6]  }
0x2e: {  	s3 =	simm.s32 @!p0 $0x1082;
	s9 =	sld [smem:$0x3FB7]  }
0x2f: {  	lr =	sadd.s32 s0, s3;
	s0 =	sld [smem:$0x3FAE]  }
0x30: {  	s3 =	sld [smem:$0x3FB1]  }
0x31: {  	[smem:$0x3FBA] =	sst s10  }
0x32: {  	s10 =	sld [smem:$0x3FB8];
	_ =	sdelay $0x3  }
0x33: {  	p0 =	seq.s32 s10, $0x1;
	s10 =	sld [smem:$0x3FBA];
	_ =	sdelay $0x3  }
0x34: {  	[smem:$0x3FBA] =	sst s10  }
0x35: {  	s10 =	sld [smem:$0x3FB9];
	_ =	sdelay $0x3  }
0x36: {  	p1 =	seq.s32 s10, $0x1;
	s10 =	sld [smem:$0x3FBA];
	_ =	sdelay $0x3  }
0x37: {  	[smem:$0x3FBA] =	sst s10  }
0x38: {  	s10 =	sld [smem:$0x3FBB]  }
0x39: {  	_ = 	snop;
	(pc) =	sbr.ind lr, $3  }
0x3a: {  	_ = 	snop  }
0x3b: {  	_ = 	snop  }
0x3c: {  	p2 =	seq.s32 s10, $0x1;
	s10 =	sld [smem:$0x3FBA]  }
0x3d: {  	_ =	shalt  }
0x3e: {  	_ =	shalt  }
0x3f: {  	_ =	shalt  }
0x40: {  	_ =	shalt  }
0x41: {  	_ =	shalt  }
0x42: {  	_ =	shalt  }
0x43: {  	_ =	shalt  }
0x44: {  	_ =	shalt  }
0x45: {  	_ =	shalt  }
0x46: {  	_ =	shalt  }
0x47: {  	_ =	shalt  }
0x48: {  	_ =	shalt  }
0x49: {  	_ =	shalt  }
0x4a: {  	_ =	shalt  }
0x4b: {  	_ =	shalt  }
0x4c: {  	_ =	shalt  }
0x4d: {  	_ =	shalt  }
0x4e: {  	_ =	shalt  }
0x4f: {  	_ =	shalt  }
0x50: {  	_ =	shalt  }
0x51: {  	_ =	shalt  }
0x52: {  	_ =	shalt  }
0x53: {  	_ =	shalt  }
0x54: {  	_ =	shalt  }
0x55: {  	_ =	shalt  }
0x56: {  	_ =	shalt  }
0x57: {  	_ =	shalt  }
0x58: {  	_ =	shalt  }
0x59: {  	_ =	shalt  }
0x5a: {  	_ =	shalt  }
0x5b: {  	_ =	shalt  }
0x5c: {  	_ =	shalt  }
0x5d: {  	_ =	shalt  }
0x5e: {  	_ =	shalt  }
0x5f: {  	_ =	shalt  }
0x60: {  	_ =	shalt  }
0x61: {  	_ =	shalt  }
0x62: {  	_ =	shalt  }
0x63: {  	_ =	shalt  }
0x64: {  	_ =	shalt  }
0x65: {  	_ =	shalt  }
0x66: {  	_ =	shalt  }
0x67: {  	_ =	shalt  }
0x68: {  	_ =	shalt  }
0x69: {  	_ =	shalt  }
0x6a: {  	_ =	shalt  }
0x6b: {  	_ =	shalt  }
0x6c: {  	_ =	shalt  }
0x6d: {  	_ =	shalt  }
0x6e: {  	_ =	shalt  }
0x6f: {  	_ =	shalt  }
0x70: {  	_ =	shalt  }
0x71: {  	_ =	shalt  }
0x72: {  	_ =	shalt  }
0x73: {  	_ =	shalt  }
0x74: {  	_ =	shalt  }
0x75: {  	_ =	shalt  }
0x76: {  	_ =	shalt  }
0x77: {  	_ =	shalt  }
0x78: {  	_ =	shalt  }
0x79: {  	_ =	shalt  }
0x7a: {  	_ =	shalt  }
0x7b: {  	_ =	shalt  }
0x7c: {  	_ =	shalt  }
0x7d: {  	_ =	shalt  }
0x7e: {  	_ =	shalt  }
0x7f: {  	_ =	shalt  }
0x80: {  	_ =	shalt  }
0x81: {  	_ =	shalt  }
0x82: {  	_ =	shalt  }
0x83: {  	_ =	shalt  }
0x84: {  	_ =	shalt  }
0x85: {  	_ =	shalt  }
0x86: {  	_ =	shalt  }
0x87: {  	_ =	shalt  }
.Lfunc_end0:
.L_simem_size_0:
called_computation.2_lowered:
.L_overlay_start_0:
0x88: {  	s2 =	sld [smem:$0x3FD9]  }
0x89: {  	s3 =	sld [smem:$0x3FFE];
	_ =	sdelay $0x1  }
0x8a: {  	s1 =	srdreg.scid  }
0x8b: {  	s0 =	sand.u32 $0x1, s1  }
0x8c: {  	s17 =	sshll.u32 s0, $0xA;
	s2 =	sadd.s32 s3, s2  }
0x8d: {  	s2 =	sadd.s32 s2, s17  }
0x8e: {  	[smem:$0x3FC6] =	sst s2  }
0x8f: {  	_ = 	snop  }
0x90: {  	(tm) =	ssettm $0x1  }
0x91: {  	s18 =	sld [smem:$0x3FFB];
	_ =	sdelay $0x3  }
0x92: {  	_ =	strace s18  }
0x93: {  	s2 =	sld [smem:$0x3FFC];
	_ =	sdelay $0x3  }
0x94: {  	_ =	strace s2  }
0x95: {  	s2 =	sld [smem:$0x3FFD];
	_ =	sdelay $0x3  }
0x96: {  	_ =	strace s2  }
0x97: {  	_ =	strace $0x8FFFFFFF  }
0x98: {  	s19 =	sld [smem:$0x3FDB];
	_ =	sdelay $0x1  }
0x99: {  	s20 =	simm.s32 $_scs_section_size  }
0x9a: {  	s4 =	simm.s32 $_size__tile_overlayer_lowered;
	s5 =	simm.s32 $_tile_overlayer_lowered  }
0x9b: {  	s6 =	simm.s32 $0x1BFF;
	s21 =	sshll.u32 s5, $0x1;
	s3 =	sadd.s32 s20, s19  }
0x9c: {  	s22 =	simm.s32 $0x0;
	s4 =	sshll.u32 s4, $0x1;
	s5 =	sadd.s32 s21, s3  }
0x9d: {  	[timem:s22], [sflag:s6] =	dma.local [hbm:s5], s4  }
0x9e: {  	_ =	swait.ge [sflag:s6], s4  }
0x9f: {  	s4 =	ssub.s32 $0x0, s4;
	[sflag:s6] =	ssyncset.done $0x0  }
0xa0: {  	[sflag:s6] =	ssyncadd.s32 s4;
	_ =	sdelay $0x1  }
0xa1: {  	s23 =	simm.s32 $0x1B8B  }
0xa2: {  	_ =	swait.ge [sflag:s23], $0x1  }
0xa3: {  	[sflag:s23] =	ssyncset.done $0x0  }
0xa4: {  	[sflag:s23] =	ssyncadd.s32 $0xFFFFFFFF  }
0xa5: {  	s4 =	sld [smem:$0x0]  }
0xa6: {  	s5 =	sand.u32 $0xFFFFFFFE, s1  }
0xa7: {  	p0 =	sne.s32 s1, s5  }
0xa8: {  	s5 =	sshll.u32 @p0 s5, $0xE  }
0xa9: {  	s5 =	sadd.s32 @p0 $0x11B8D, s5;
	s6 =	sshll.u32 @p0 s4, $0x11  }
0xaa: {  	s5 =	sor.u32 @p0 s6, s5  }
0xab: {  	[sflag:s5] =	ssyncadd.remote.s32 @p0 $0x1;
	_ =	sdelay $0x1  }
0xac: {  	s5 =	simm.s32 @p0 $0x1B8D  }
0xad: {  	_ =	swait.eq @p0 [sflag:s5], $0x1  }
0xae: {  	[sflag:s5] =	ssyncadd.s32 @p0 $0xFFFFFFFF  }
0xaf: {  	s6 =	sshll.u32 @!p0 s1, $0xE  }
0xb0: {  	s6 =	sor.u32 @!p0 $0x4000, s6;
	s5 =	simm.s32 @!p0 $0x1B8D  }
0xb1: {  	s4 =	sshll.u32 @!p0 s4, $0x11;
	s6 =	sadd.s32 @!p0 $0x11B8D, s6;
	_ =	swait.eq @!p0 [sflag:s5], $0x1  }
0xb2: {  	s4 =	sor.u32 @!p0 s4, s6;
	[sflag:s5] =	ssyncadd.s32 @!p0 $0xFFFFFFFF  }
0xb3: {  	s25 =	simm.s32 $0x1B8E;
	s24 =	sld [smem:$0x3FFE];
	[sflag:s4] =	ssyncadd.remote.s32 @!p0 $0x1  }
0xb4: {  	s26 =	simm.s32 $execute0_lowered;
	[smem:$0x3FD2] =	sst s25  }
0xb5: {  	s5 =	sshll.u32 s26, $0x1;
	_ =	strace $0x8000004C;
	[dreg:$0x1] =	wrdreg $0xFFFFFFFF  }
0xb6: {  	s28 =	simm.s32 $_size_execute0_lowered;
	s3 =	sadd.s32 s3, s5;
	[dreg:$0x0] =	wrdreg $0x0  }
0xb7: {  	s5 =	sshll.u32 s28, $0x1;
	[dreg:$0x2] =	wrdreg s3  }
0xb8: {  	[dreg:$0x3] =	wrdreg s5  }
0xb9: {  	[dreg:$0x4] =	wrdreg $0xC0  }
0xba: {  	_ =	task [dreg:s22], $0x5FFFF  }
0xbb: {  	[dreg:$0x1] =	wrdreg $0xFFFFFFFF  }
0xbc: {  	[dreg:$0x0] =	wrdreg $0x60  }
0xbd: {  	[dreg:$0x2] =	wrdreg s24  }
0xbe: {  	[dreg:$0x3] =	wrdreg $0xB  }
0xbf: {  	_ =	task.clear_ibuf [dreg:s22], $0x4FFFF;
	_ =	strace $0x9000004C  }
0xc0: {  	s29 =	simm.s32 $0xB;
	_ =	strace $0x8000004E  }
0xc1: {  	_ =	swait.ge [sflag:s29], $0x1  }
0xc2: {  	[sflag:s29] =	ssyncadd.s32 $0xFFFFFFFF  }
0xc3: {  	_ =	strace $0x9000004E  }
0xc4: {  	_ =	sfence  }
0xc5: {  	s30 =	sld [smem:$0x0];
	_ =	sdelay $0x2  }
0xc6: {  	s31 =	sshll.u32 s1, $0xD;
	s1 =	sshrl.u32 s1, $0x2  }
0xc7: {  	s4 =	sand.u32 $0x4000, s31;
	s1 =	sadd.s32 s1, s30  }
0xc8: {  	s0 =	sor.u32 s4, s0;
	s1 =	sshll.u32 s1, $0x11  }
0xc9: {  	s0 =	sor.u32 s1, s0  }
0xca: {  	s0 =	sadd.s32 $0x8F2B, s0  }
0xcb: {  	[sflag:s0] =	ssyncadd.remote.s32 $0x1  }
0xcc: {  	_ =	sfence.sel $0xFFFF  }
0xcd: {  	[dreg:$0x0] =	wrdreg $0xFFFFFFFF;
	(pc) =	sbr.abs _section_cstart, $3  }
0xce: {  	[dreg:$0x1] =	wrdreg $0xFFFFFFFF  }
0xcf: {  	_ =	task.clear_ibuf [dreg:s22], $0x2FFFF;
	_ =	strace $0x9FFFFFFF  }
0xd0: {  	(tm) =	ssettm $0x7FFFFFFF  }
0xd1: {  	_ =	shalt  }
tec
execute0_lowered:
.L_overlay_start_1:
0x0: {  	(tag) =	ssettag $0x1  }
0x1: {  	s3 =	rddreg [dreg:$0x0]  }
0x2: {  	s0 =	rddreg [dreg:$0x1];
	s4 =	srdreg.scid;
	v1 =	vimm.s32 $0xFEDCBA98  }
0x3: {  	s2 =	simm.s32 $0x0;
	s1 =	stileid.u32;
	v0 =	vlaneseq.u32;
	v3 =	vimm.s32 $0x76543210;
	s4 =	sand.u32 $0x1, s4;
	v5 =	vunpack.c.l.s4.s8 v1  }
0x4: {  	vm0 =	vmmov $0xff;
	s7 =	simm.s32 $0x8000;
	s5 =	sshll.u32 s1, $0xD;
	v1 =	vor.u32 $0x10, v0;
	v6 =	vunpack.c.l.s4.s8 v3;
	s6 =	sshll.u32 s4, $0xC  }
0x5: {  	s8 =	simm.s32 $0x0;
	v2 =	vor.u32 $0x20, v0;
	v3 =	vor.u32 $0x30, v0;
	s4 =	ssub.s32 $0x2, s4;
	s5 =	sor.u32 s6, s5;
	v8 =	vunpack.c.0.s8.s32 v5  }
0x6: {  	[smem:$0x7FF] =	sst s2;
	v4 =	vor.u32 $0x40, v0;
	v9 =	vmul.u32 $0xFFFFFFFF, v0;
	s31 =	sshrl.u32 s4, $0x1;
	v10 =	vunpack.c.0.s8.s32 v6;
	s5 =	sadd.s32 s5, s3  }
0x7: {  	v7 =	vor.u32 $0x70, v0;
	_ =	strace $0x8000004D;
	v5 =	vor.u32 $0x50, v0;
	s6 =	ssub.s32 s4, s31;
	s3 =	sadd.s32 $0x81A00, s5;
	v11 =	vand.u32 $0xF, v8  }
0x8: {  	v6 =	vor.u32 $0x60, v0;
	s4 =	sadd.s32 $0xA1A00, s5;
	s5 =	smax.u32 s6, $0x1;
	s6 =	simm.s32 $0x1;
	v8 =	vadd.s32 $0xF, v9;
	v9 =	vcombine.low v11, v10  }
.LBB2_1:
0x9: {  	[tilespmem:s2], [sflag:$0x1] =	stream.linear.gather [hbm4b:s3+s2], $0x8000, $0x38;
	[tilespmem:$0x10000] =	vst v63  }
0xa: {  	_ =	swait.ge [sflag:s6], $0x8000  }
0xb: {  	[sflag:s6] =	ssyncset.done $0x0  }
0xc: {  	s9 =	simm.s32 $0x80;
	[sflag:s6] =	ssyncadd.s32 $0xFFFF8000  }
0xd: {  	v10 =	vld [tilespmem:s9+$0x10]  }
0xe: {  	v11 =	vld [tilespmem:s9+$0x20]  }
0xf: {  	v12 =	vld [tilespmem:s9+$0x30]  }
0x10: {  	v13 =	vld [tilespmem:s9+$0x50]  }
0x11: {  	v14 =	vld [tilespmem:s9+$0x70]  }
0x12: {  	(xrf1) =	vsort.dscd.msk.f32 $0xffff, v10, v1  }
0x13: {  	(xrf1) =	vsort.dscd.msk.f32 $0xffff, v11, v2  }
0x14: {  	v10 =	vld [tilespmem:s9+$0x60];
	(xrf1) =	vsort.dscd.msk.f32 $0xffff, v12, v3  }
0x15: {  	(xrf1) =	vsort.dscd.msk.f32 $0xffff, v13, v5  }
0x16: {  	v11 =	vld [tilespmem:s9+$0x40];
	(xrf1) =	vsort.dscd.msk.f32 $0xffff, v14, v7  }
0x17: {  	v12 =	vld [tilespmem:s9+$0x0]  }
0x18: {  	v13 =	vld [tilespmem:s9+$0xFFFFFFF0]  }
0x19: {  	(xrf1) =	vsort.dscd.msk.f32 $0xffff, v10, v6;
	v10 =	vld [tilespmem:s9+$0xFFFFFFB0]  }
0x1a: {  	v14 =	vld [tilespmem:s9+$0xFFFFFFD0]  }
0x1b: {  	(xrf1) =	vsort.dscd.msk.f32 $0xffff, v11, v4;
	v11 =	vld [tilespmem:s9+$0xFFFFFFE0]  }
0x1c: {  	v15 =	vld [tilespmem:s9+$0xFFFFFF90];
	(xrf1) =	vsort.dscd.msk.f32 $0xffff, v12, v0  }
0x1d: {  	v12 =	vld [tilespmem:s9+$0xFFFFFFA0];
	(xrf1) =	vsort.dscd.msk.f32 $0xffff, v13, v7  }
0x1e: {  	(xrf1) =	vsort.dscd.msk.f32 $0xffff, v10, v3  }
0x1f: {  	(xrf1) =	vsort.dscd.msk.f32 $0xffff, v14, v5  }
0x20: {  	v10 =	vld [tilespmem:s9+$0xFFFFFFC0];
	(xrf1) =	vsort.dscd.msk.f32 $0xffff, v11, v6;
	v11, v13, _ =	vpop (xrf1)  }
0x21: {  	(xrf1) =	vsort.dscd.msk.f32 $0xffff, v15, v1;
	v15, v16, _ =	vpop (xrf1)  }
0x22: {  	v14 =	vld [tilespmem:s9+$0xFFFFFF80];
	(xrf1) =	vsort.dscd.msk.f32 $0xffff, v12, v2;
	v12, v17, _ =	vpop (xrf1)  }
0x23: {  	v18, v19, _ =	vpop (xrf1)  }
0x24: {  	v12 =	vperm.xlane v12, v8;
	v17 =	vperm.xlane v17, v8;
	v20, v21, _ =	vpop (xrf1)  }
0x25: {  	(xrf1) =	vsort.dscd.msk.f32 $0xffff, v10, v4;
	v10 =	vperm.xlane v20, v8  }
0x26: {  	v20 =	vperm.xlane v21, v8;
	v12 =	vsel vm0, v15, v12;
	v15 =	vsel vm0, v16, v17  }
0x27: {  	v13 =	vperm.xlane v13, v8;
	(xrf1) =	vsort.dscd.msk.f32 $0xffff, v14, v0;
	v18 =	vperm.xlane v18, v8;
	v14, v21, _ =	vpop (xrf1)  }
0x28: {  	v19 =	vperm.xlane v19, v8;
	v10 =	vsel vm0, v14, v10;
	v14 =	vsel vm0, v21, v20  }
0x29: {  	v11 =	vperm.xlane v11, v8;
	v16, v17, _ =	vpop (xrf1);
	(xrf1) =	vsort.dscd.msk.f32 $0xffff, v10, v14  }
0x2a: {  	v10 =	vsel vm0, v16, v18;
	v14 =	vsel vm0, v17, v19;
	(xrf1) =	vsort.dscd.msk.f32 $0xffff, v12, v15;
	v12, v15, _ =	vpop (xrf1)  }
0x2b: {  	(xrf1) =	vsort.dscd.msk.f32 $0xffff, v10, v14;
	v10 =	vsel vm0, v12, v11;
	v11 =	vsel vm0, v15, v13;
	_ =	sdelay $0x1  }
0x2c: {  	v12, v13, _ =	vpop (xrf1)  }
0x2d: {  	(xrf1) =	vsort.dscd.msk.f32 $0xffff, v10, v11;
	v14, v15, _ =	vpop (xrf1)  }
0x2e: {  	s28 =	simm.s32 $0x180;
	v10, v11, _ =	vpop (xrf1)  }
0x2f: {  	v16 =	vld [tilespmem:s28+$0x10];
	v12 =	vperm.xlane v12, v8;
	v13 =	vperm.xlane v13, v8;
	v17, v18, _ =	vpop (xrf1)  }
0x30: {  	v19 =	vld [tilespmem:s28+$0x20];
	v14 =	vperm.xlane v14, v8;
	v15 =	vperm.xlane v15, v8;
	v20, v21, _ =	vpop (xrf1)  }
0x31: {  	v12 =	vsel vm0, v17, v12;
	v13 =	vsel vm0, v18, v13;
	v17 =	vld [tilespmem:s28+$0x30];
	v18, v22, _ =	vpop (xrf1)  }
0x32: {  	(xrf1) =	vsort.dscd.msk.f32 $0xffff, v12, v13;
	v12 =	vld [tilespmem:s28+$0x50];
	v13 =	vsel vm0, v18, v14;
	v14 =	vsel vm0, v22, v15  }
0x33: {  	v15 =	vld [tilespmem:s28+$0x70];
	(xrf1) =	vsort.dscd.msk.f32 $0xffff, v13, v14  }
0x34: {  	v13 =	vld [tilespmem:s28+$0x60];
	(xrf1) =	vsort.dscd.msk.f32 $0xffff, v16, v1  }
0x35: {  	v14, v16, _ =	vpop (xrf1);
	(xrf1) =	vsort.dscd.msk.f32 $0xffff, v19, v2  }
0x36: {  	v18, v19, _ =	vpop (xrf1);
	(xrf1) =	vsort.dscd.msk.f32 $0xffff, v17, v3  }
0x37: {  	v17 =	vld [tilespmem:s28+$0x40];
	(xrf1) =	vsort.dscd.msk.f32 $0xffff, v12, v5;
	v12, v22, _ =	vpop (xrf1)  }
0x38: {  	(xrf1) =	vsort.dscd.msk.f32 $0xffff, v15, v7;
	v12 =	vperm.xlane v12, v8;
	v15 =	vperm.xlane v22, v8;
	v22, v23, _ =	vpop (xrf1)  }
0x39: {  	v24 =	vld [tilespmem:s28+$0x0];
	(xrf1) =	vsort.dscd.msk.f32 $0xffff, v13, v6;
	v13 =	vperm.xlane v22, v8;
	v22, v25, _ =	vpop (xrf1)  }
0x3a: {  	v26 =	vld [tilespmem:s28+$0xFFFFFFF0];
	v23 =	vperm.xlane v23, v8;
	v12 =	vsel vm0, v22, v12;
	v15 =	vsel vm0, v25, v15  }
0x3b: {  	v22 =	vld [tilespmem:s28+$0xFFFFFFB0];
	v25, v27, _ =	vpop (xrf1);
	(xrf1) =	vsort.dscd.msk.f32 $0xffff, v12, v15  }
0x3c: {  	v12 =	vld [tilespmem:s28+$0xFFFFFFD0];
	v13 =	vsel vm0, v25, v13;
	v15 =	vsel vm0, v27, v23;
	(xrf1) =	vsort.dscd.msk.f32 $0xffff, v17, v4  }
0x3d: {  	v17 =	vld [tilespmem:s28+$0xFFFFFFE0];
	(xrf1) =	vsort.dscd.msk.f32 $0xffff, v13, v15  }
0x3e: {  	v13 =	vld [tilespmem:s28+$0xFFFFFF90];
	(xrf1) =	vsort.dscd.msk.f32 $0xffff, v24, v0  }
0x3f: {  	v15 =	vld [tilespmem:s28+$0xFFFFFFA0];
	(xrf1) =	vsort.dscd.msk.f32 $0xffff, v26, v7  }
0x40: {  	v23 =	vld [tilespmem:s28+$0xFFFFFFC0];
	v24, v25, _ =	vpop (xrf1);
	(xrf1) =	vsort.dscd.msk.f32 $0xffff, v22, v3  }
0x41: {  	v22 =	vld [tilespmem:s28+$0xFFFFFF80];
	(xrf1) =	vsort.dscd.msk.f32 $0xffff, v12, v5;
	v12, v26, _ =	vpop (xrf1)  }
0x42: {  	v10 =	vperm.xlane v10, v8;
	v11 =	vperm.xlane v11, v8;
	(xrf1) =	vsort.dscd.msk.f32 $0xffff, v17, v6;
	v17, v27, _ =	vpop (xrf1)  }
0x43: {  	(xrf1) =	vsort.dscd.msk.f32 $0xffff, v13, v1;
	v13, v28, _ =	vpop (xrf1)  }
0x44: {  	v10 =	vsel vm0, v14, v10;
	v11 =	vsel vm0, v16, v11;
	(xrf1) =	vsort.dscd.msk.f32 $0xffff, v15, v2;
	v14, v15, _ =	vpop (xrf1)  }
0x45: {  	v16 =	vperm.xlane v17, v8;
	v17 =	vperm.xlane v27, v8;
	(xrf1) =	vsort.dscd.msk.f32 $0xffff, v23, v4;
	v23, v27, _ =	vpop (xrf1)  }
0x46: {  	v15 =	vperm.xlane v15, v8;
	(xrf1) =	vsort.dscd.msk.f32 $0xffff, v22, v0;
	v22, v29, _ =	vpop (xrf1)  }
0x47: {  	v22 =	vperm.xlane v22, v8;
	v29 =	vperm.xlane v29, v8  }
0x48: {  	v14 =	vperm.xlane v14, v8  }
0x49: {  	(xrf1) =	vsort.dscd.msk.f32 $0xffff, v10, v11;
	v15 =	vsel vm0, v28, v15  }
0x4a: {  	v10, v11, _ =	vpop (xrf1);
	v13 =	vsel vm0, v13, v14;
	v14 =	vperm.xlane v23, v8;
	v23 =	vperm.xlane v27, v8  }
0x4b: {  	v10 =	vsel vm0, v10, v22;
	v11 =	vsel vm0, v11, v29;
	v22, v27, _ =	vpop (xrf1)  }
0x4c: {  	(xrf1) =	vsort.dscd.msk.f32 $0xffff, v10, v11;
	v28, v29, _ =	vpop (xrf1);
	v11 =	vperm.xlane v27, v8  }
0x4d: {  	v10 =	vperm.xlane v22, v8;
	(xrf1) =	vsort.dscd.msk.f32 $0xffff, v13, v15;
	v13, v15, _ =	vpop (xrf1)  }
0x4e: {  	v14 =	vsel vm0, v28, v14;
	v22 =	vsel vm0, v29, v23;
	v23, v27, _ =	vpop (xrf1);
	v11 =	vsel vm0, v15, v11  }
0x4f: {  	(xrf1) =	vsort.dscd.msk.f32 $0xffff, v14, v22;
	v14 =	vsel vm0, v27, v17  }
0x50: {  	v10 =	vsel vm0, v13, v10;
	v13 =	vsel vm0, v23, v16;
	v15, v16, _ =	vpop (xrf1)  }
0x51: {  	(xrf1) =	vsort.dscd.msk.f32 $0xffff, v10, v11;
	v10 =	vperm.xlane v20, v8;
	v16 =	vperm.xlane v16, v8;
	v11, v17, _ =	vpop (xrf1)  }
0x52: {  	s29 =	simm.s32 $0x280;
	(xrf1) =	vsort.dscd.msk.f32 $0xffff, v13, v14;
	v13 =	vperm.xlane v21, v8;
	v14, v20, _ =	vpop (xrf1)  }
0x53: {  	v15 =	vperm.xlane v15, v8;
	v10 =	vsel vm0, v18, v10;
	v18 =	vld [tilespmem:s29+$0x10];
	v21, v22, _ =	vpop (xrf1)  }
0x54: {  	v11 =	vperm.xlane v11, v8;
	v17 =	vperm.xlane v17, v8;
	v13 =	vsel vm0, v19, v13;
	v19 =	vld [tilespmem:s29+$0x20];
	v23, v27, _ =	vpop (xrf1)  }
0x55: {  	(xrf1) =	vsort.dscd.msk.f32 $0xffff, v10, v13;
	v10 =	vsel vm0, v21, v15;
	v13 =	vsel vm0, v22, v16;
	v15 =	vld [tilespmem:s29+$0x30];
	v16, v21, _ =	vpop (xrf1)  }
0x56: {  	(xrf1) =	vsort.dscd.msk.f32 $0xffff, v10, v13;
	v10 =	vld [tilespmem:s29+$0x50];
	v11 =	vsel vm0, v16, v11;
	v13 =	vsel vm0, v21, v17  }
0x57: {  	(xrf1) =	vsort.dscd.msk.f32 $0xffff, v11, v13  }
0x58: {  	v17, v21, _ =	vpop (xrf1);
	(xrf1) =	vsort.dscd.msk.f32 $0xffff, v18, v1  }
0x59: {  	v18, v22, _ =	vpop (xrf1);
	(xrf1) =	vsort.dscd.msk.f32 $0xffff, v19, v2  }
0x5a: {  	v16 =	vld [tilespmem:s29+$0x70];
	v19, v28, _ =	vpop (xrf1);
	(xrf1) =	vsort.dscd.msk.f32 $0xffff, v15, v3  }
0x5b: {  	v11 =	vld [tilespmem:s29+$0x60];
	(xrf1) =	vsort.dscd.msk.f32 $0xffff, v10, v5;
	v10, v13, _ =	vpop (xrf1)  }
0x5c: {  	v10 =	vperm.xlane v10, v8  }
0x5d: {  	v13 =	vperm.xlane v13, v8  }
0x5e: {  	v15 =	vld [tilespmem:s29+$0x40]  }
0x5f: {  	(xrf1) =	vsort.dscd.msk.f32 $0xffff, v16, v7;
	v16, v29, _ =	vpop (xrf1)  }
0x60: {  	v30 =	vld [tilespmem:s29+$0x0];
	(xrf1) =	vsort.dscd.msk.f32 $0xffff, v11, v6;
	v11 =	vperm.xlane v16, v8;
	v16, v31, _ =	vpop (xrf1)  }
0x61: {  	v32 =	vld [tilespmem:s29+$0xFFFFFFF0];
	v29 =	vperm.xlane v29, v8;
	v16 =	vsel vm0, v16, v10;
	v31 =	vsel vm0, v31, v13;
	v13, v10, _ =	vpop (xrf1)  }
0x62: {  	v33 =	vld [tilespmem:s29+$0xFFFFFFB0];
	(xrf1) =	vsort.dscd.msk.f32 $0xffff, v16, v31;
	v34, v35, _ =	vpop (xrf1)  }
0x63: {  	v16 =	vld [tilespmem:s29+$0xFFFFFFD0];
	(xrf1) =	vsort.dscd.msk.f32 $0xffff, v15, v4;
	v11 =	vsel vm0, v34, v11;
	v15 =	vsel vm0, v35, v29  }
0x64: {  	(xrf1) =	vsort.dscd.msk.f32 $0xffff, v11, v15  }
0x65: {  	v29 =	vld [tilespmem:s29+$0xFFFFFFE0];
	(xrf1) =	vsort.dscd.msk.f32 $0xffff, v30, v0  }
0x66: {  	v31, v63, _ =	vpop (xrf1);
	v15 =	vld [tilespmem:s29+$0xFFFFFF90];
	(xrf1) =	vsort.dscd.msk.f32 $0xffff, v32, v7  }
0x67: {  	v40 =	vperm.xlane v12, v8;
	v36, v12, _ =	vpop (xrf1);
	v30 =	vld [tilespmem:s29+$0xFFFFFFA0];
	(xrf1) =	vsort.dscd.msk.f32 $0xffff, v33, v3  }
0x68: {  	v41 =	vld [tilespmem:s29+$0xFFFFFFC0];
	(xrf1) =	vsort.dscd.msk.f32 $0xffff, v16, v5;
	v16 =	vperm.xlane v20, v8;
	v20 =	vperm.xlane v23, v8  }
0x69: {  	v37 =	vld [tilespmem:s29+$0xFFFFFF80];
	v24 =	vperm.xlane v24, v8;
	v42 =	vperm.xlane v14, v8;
	v14, v11, _ =	vpop (xrf1)  }
0x6a: {  	v25 =	vperm.xlane v25, v8;
	v26 =	vperm.xlane v26, v8;
	(xrf1) =	vsort.dscd.msk.f32 $0xffff, v29, v6;
	v23, v29, _ =	vpop (xrf1)  }
0x6b: {  	v27 =	vperm.xlane v27, v8;
	v17 =	vsel vm0, v17, v42;
	(xrf1) =	vsort.dscd.msk.f32 $0xffff, v15, v1;
	v15, v43, _ =	vpop (xrf1)  }
0x6c: {  	v16 =	vsel vm0, v21, v16;
	v18 =	vsel vm0, v18, v20;
	(xrf1) =	vsort.dscd.msk.f32 $0xffff, v30, v2;
	v20, v21, _ =	vpop (xrf1)  }
0x6d: {  	v23 =	vperm.xlane v23, v8;
	(xrf1) =	vsort.dscd.msk.f32 $0xffff, v41, v4;
	v30, v44, _ =	vpop (xrf1);
	v21 =	vperm.xlane v21, v8  }
0x6e: {  	v29 =	vperm.xlane v29, v8;
	v20 =	vperm.xlane v20, v8;
	(xrf1) =	vsort.dscd.msk.f32 $0xffff, v37, v0;
	v45, v38, _ =	vpop (xrf1)  }
0x6f: {  	v37 =	vperm.xlane v45, v8;
	v38 =	vperm.xlane v38, v8;
	v21 =	vsel vm0, v43, v21  }
0x70: {  	(xrf1) =	vsort.dscd.msk.f32 $0xffff, v17, v16;
	v16, v17, _ =	vpop (xrf1);
	v15 =	vsel vm0, v15, v20;
	v20 =	vperm.xlane v30, v8  }
0x71: {  	v30 =	vperm.xlane v44, v8;
	v47, v46, _ =	vpop (xrf1);
	v16 =	vsel vm0, v16, v37;
	v17 =	vsel vm0, v17, v38  }
0x72: {  	v48, v49, _ =	vpop (xrf1);
	(xrf1) =	vsort.dscd.msk.f32 $0xffff, v16, v17;
	v16 =	vperm.xlane v47, v8;
	v17 =	vperm.xlane v46, v8  }
0x73: {  	v20 =	vsel vm0, v48, v20;
	v30 =	vsel vm0, v49, v30;
	(xrf1) =	vsort.dscd.msk.f32 $0xffff, v15, v21;
	v15, v21, _ =	vpop (xrf1)  }
0x74: {  	v50, v51, _ =	vpop (xrf1);
	(xrf1) =	vsort.dscd.msk.f32 $0xffff, v20, v30;
	v15 =	vsel vm0, v15, v16;
	v16 =	vsel vm0, v21, v17  }
0x75: {  	v17 =	vsel vm0, v50, v23;
	v20 =	vsel vm0, v51, v29;
	v21, v23, _ =	vpop (xrf1);
	(xrf1) =	vsort.dscd.msk.f32 $0xffff, v15, v16  }
0x76: {  	v15 =	vsel vm0, v22, v27;
	v16 =	vsel vm0, v19, v24;
	v24 =	vsel vm0, v63, v26  }
0x77: {  	v19, v22, _ =	vpop (xrf1);
	(xrf1) =	vsort.dscd.msk.f32 $0xffff, v17, v20;
	v17 =	vsel vm0, v28, v25;
	v23 =	vperm.xlane v23, v8  }
0x78: {  	v25, v26, _ =	vpop (xrf1)  }
0x79: {  	v20 =	vsel vm0, v31, v40;
	v21 =	vperm.xlane v21, v8;
	(xrf1) =	vsort.dscd.msk.f32 $0xffff, v18, v15;
	v18, v27, _ =	vpop (xrf1)  }
0x7a: {  	s30 =	simm.s32 $0x380;
	v19 =	vperm.xlane v19, v8;
	v22 =	vperm.xlane v22, v8;
	(xrf1) =	vsort.dscd.msk.f32 $0xffff, v16, v17;
	v17, v28, _ =	vpop (xrf1)  }
0x7b: {  	v15 =	vld [tilespmem:s30+$0x10];
	v18 =	vsel vm0, v18, v21;
	v21 =	vsel vm0, v27, v23;
	(xrf1) =	vsort.dscd.msk.f32 $0xffff, v20, v24;
	v23, v24, _ =	vpop (xrf1)  }
0x7c: {  	v16 =	vld [tilespmem:s30+$0x20];
	(xrf1) =	vsort.dscd.msk.f32 $0xffff, v18, v21;
	v21 =	vsel vm0, v24, v22  }
0x7d: {  	v20 =	vld [tilespmem:s30+$0x30];
	v19 =	vsel vm0, v23, v19  }
0x7e: {  	v18 =	vld [tilespmem:s30+$0x50]  }
0x7f: {  	v22 =	vld [tilespmem:s30+$0x70];
	(xrf1) =	vsort.dscd.msk.f32 $0xffff, v19, v21  }
0x80: {  	v23 =	vld [tilespmem:s30+$0x60];
	v19, v21, _ =	vpop (xrf1);
	(xrf1) =	vsort.dscd.msk.f32 $0xffff, v15, v1  }
0x81: {  	v15, v24, _ =	vpop (xrf1);
	(xrf1) =	vsort.dscd.msk.f32 $0xffff, v16, v2  }
0x82: {  	v16, v27, _ =	vpop (xrf1);
	(xrf1) =	vsort.dscd.msk.f32 $0xffff, v20, v3  }
0x83: {  	v20 =	vld [tilespmem:s30+$0x40];
	(xrf1) =	vsort.dscd.msk.f32 $0xffff, v18, v5;
	v18, v29, _ =	vpop (xrf1)  }
0x84: {  	(xrf1) =	vsort.dscd.msk.f32 $0xffff, v22, v7;
	v18 =	vperm.xlane v18, v8;
	v22 =	vperm.xlane v29, v8;
	v29, v30, _ =	vpop (xrf1)  }
0x85: {  	v31 =	vld [tilespmem:s30+$0x0];
	(xrf1) =	vsort.dscd.msk.f32 $0xffff, v23, v6;
	v23 =	vperm.xlane v29, v8;
	v29, v52, _ =	vpop (xrf1)  }
0x86: {  	v53 =	vld [tilespmem:s30+$0xFFFFFFF0];
	v30 =	vperm.xlane v30, v8;
	v18 =	vsel vm0, v29, v18;
	v22 =	vsel vm0, v52, v22;
	v29, v54, _ =	vpop (xrf1)  }
0x87: {  	v55 =	vld [tilespmem:s30+$0xFFFFFFB0];
	v26 =	vperm.xlane v26, v8;
	v57, v56, _ =	vpop (xrf1);
	(xrf1) =	vsort.dscd.msk.f32 $0xffff, v18, v22  }
0x88: {  	v18 =	vld [tilespmem:s30+$0xFFFFFFD0];
	(xrf1) =	vsort.dscd.msk.f32 $0xffff, v20, v4;
	v20 =	vsel vm0, v57, v23;
	v22 =	vsel vm0, v56, v30  }
0x89: {  	v23 =	vld [tilespmem:s30+$0xFFFFFFE0];
	(xrf1) =	vsort.dscd.msk.f32 $0xffff, v20, v22  }
0x8a: {  	v17 =	vperm.xlane v17, v8;
	v28 =	vperm.xlane v28, v8;
	v22 =	vld [tilespmem:s30+$0xFFFFFF90];
	v30, v58, _ =	vpop (xrf1);
	(xrf1) =	vsort.dscd.msk.f32 $0xffff, v31, v0  }
0x8b: {  	v31 =	vld [tilespmem:s30+$0xFFFFFFA0];
	v60, v59, _ =	vpop (xrf1);
	(xrf1) =	vsort.dscd.msk.f32 $0xffff, v53, v7  }
0x8c: {  	v25 =	vperm.xlane v25, v8;
	v20 =	vperm.xlane v36, v8;
	v63, v62, _ =	vpop (xrf1);
	(xrf1) =	vsort.dscd.msk.f32 $0xffff, v55, v3  }
0x8d: {  	v61 =	vld [tilespmem:s30+$0xFFFFFFC0];
	v12 =	vperm.xlane v12, v8;
	v21 =	vsel vm0, v21, v26;
	(xrf1) =	vsort.dscd.msk.f32 $0xffff, v18, v5;
	v18, v26, _ =	vpop (xrf1)  }
0x8e: {  	v19 =	vsel vm0, v19, v25;
	v25 =	vld [tilespmem:s30+$0xFFFFFF80];
	v15 =	vsel vm0, v15, v17;
	(xrf1) =	vsort.dscd.msk.f32 $0xffff, v23, v6;
	v17, v23, _ =	vpop (xrf1)  }
0x8f: {  	v14 =	vperm.xlane v14, v8;
	v24 =	vsel vm0, v24, v28;
	(xrf1) =	vsort.dscd.msk.f32 $0xffff, v22, v1;
	v22, v28, _ =	vpop (xrf1)  }
0x90: {  	v16 =	vsel vm0, v16, v20;
	(xrf1) =	vsort.dscd.msk.f32 $0xffff, v31, v2;
	v20, v31, _ =	vpop (xrf1)  }
0x91: {  	v12 =	vsel vm0, v27, v12;
	v14 =	vsel vm0, v30, v14;
	v27, v30, _ =	vpop (xrf1)  }
0x92: {  	(xrf1) =	vsort.dscd.msk.f32 $0xffff, v61, v4;
	v30 =	vperm.xlane v30, v8  }
0x93: {  	(xrf1) =	vsort.dscd.msk.f32 $0xffff, v25, v0;
	v25, v39, _ =	vpop (xrf1)  }
0x94: {  	v27 =	vperm.xlane v27, v8;
	(xrf1) =	vsort.dscd.msk.f32 $0xffff, v19, v21;
	v19, v21, _ =	vpop (xrf1)  }
0x95: {  	v21 =	vperm.xlane v21, v8  }
0x96: {  	v19 =	vperm.xlane v19, v8;
	v20 =	vsel vm0, v20, v27;
	v27 =	vsel vm0, v31, v30;
	v30, v31, _ =	vpop (xrf1)  }
0x97: {  	v25 =	vperm.xlane v25, v8;
	v21 =	vsel vm0, v31, v21  }
0x98: {  	v19 =	vsel vm0, v30, v19;
	_ =	sdelay $0x1  }
0x99: {  	v28 =	vperm.xlane v28, v8;
	v30, v31, _ =	vpop (xrf1)  }
0x9a: {  	v33 =	vperm.xlane v39, v8;
	(xrf1) =	vsort.dscd.msk.f32 $0xffff, v19, v21;
	v30 =	vperm.xlane v30, v8;
	v19, v21, _ =	vpop (xrf1)  }
0x9b: {  	v31 =	vperm.xlane v31, v8;
	(xrf1) =	vsort.dscd.msk.f32 $0xffff, v20, v27;
	v19 =	vsel vm0, v19, v25;
	v20, v25, _ =	vpop (xrf1)  }
0x9c: {  	v22 =	vperm.xlane v22, v8;
	v21 =	vsel vm0, v21, v33;
	v27, v40, _ =	vpop (xrf1)  }
0x9d: {  	(xrf1) =	vsort.dscd.msk.f32 $0xffff, v19, v21;
	v19 =	vsel vm0, v20, v30;
	v20 =	vsel vm0, v25, v31  }
0x9e: {  	v21 =	vsel vm0, v27, v22;
	v22 =	vsel vm0, v40, v28;
	(xrf1) =	vsort.dscd.msk.f32 $0xffff, v19, v20;
	v25, v27, _ =	vpop (xrf1)  }
0x9f: {  	v11 =	vperm.xlane v11, v8;
	(xrf1) =	vsort.dscd.msk.f32 $0xffff, v21, v22;
	v28, v30, _ =	vpop (xrf1);
	v22 =	vperm.xlane v27, v8  }
0xa0: {  	v20 =	vperm.xlane v59, v8;
	v21 =	vperm.xlane v25, v8;
	v25, v27, _ =	vpop (xrf1)  }
0xa1: {  	v13 =	vperm.xlane v13, v9;
	(xrf1) =	vsort.dscd.msk.f32 $0xffff, v15, v24;
	v24 =	vperm.xlane v30, v8;
	v30, v31, _ =	vpop (xrf1)  }
0xa2: {  	s31 =	simm.s32 $0x480;
	v11 =	vsel vm0, v58, v11;
	v19 =	vperm.xlane v60, v8;
	v15 =	vperm.xlane v28, v8  }
0xa3: {  	v28 =	vld [tilespmem:s31+$0x10];
	(xrf1) =	vsort.dscd.msk.f32 $0xffff, v16, v12;
	v16 =	vsel vm0, v30, v21;
	v21 =	vsel vm0, v31, v22;
	v22, v30, _ =	vpop (xrf1)  }
0xa4: {  	v12 =	vld [tilespmem:s31+$0x20];
	(xrf1) =	vsort.dscd.msk.f32 $0xffff, v14, v11;
	v11 =	vsel vm0, v63, v19;
	v14 =	vsel vm0, v62, v20;
	v20, v31, _ =	vpop (xrf1)  }
0xa5: {  	v19 =	vld [tilespmem:s31+$0x30];
	(xrf1) =	vsort.dscd.msk.f32 $0xffff, v16, v21;
	v15 =	vsel vm0, v20, v15;
	v20 =	vsel vm0, v31, v24  }
0xa6: {  	v16 =	vld [tilespmem:s31+$0x50];
	(xrf1) =	vsort.dscd.msk.f32 $0xffff, v11, v14  }
0xa7: {  	v11 =	vperm.xlane v29, v9;
	v14 =	vld [tilespmem:s31+$0x70];
	(xrf1) =	vsort.dscd.msk.f32 $0xffff, v15, v20  }
0xa8: {  	v24 =	vsel vm0, v10, v13;
	v10, v13, _ =	vpop (xrf1);
	v15 =	vld [tilespmem:s31+$0x60];
	(xrf1) =	vsort.dscd.msk.f32 $0xffff, v28, v1  }
0xa9: {  	v28 =	vsel vm0, v54, v11;
	v11 =	vperm.xlane v18, v8;
	v18, v20, _ =	vpop (xrf1);
	(xrf1) =	vsort.dscd.msk.f32 $0xffff, v12, v2  }
0xaa: {  	v21 =	vperm.xlane v17, v8;
	v12 =	vperm.xlane v26, v8;
	v17, v26, _ =	vpop (xrf1);
	(xrf1) =	vsort.dscd.msk.f32 $0xffff, v19, v3  }
0xab: {  	v19 =	vperm.xlane v23, v8;
	v23 =	vperm.xlane v25, v8;
	(xrf1) =	vsort.dscd.msk.f32 $0xffff, v16, v5;
	v16, v29, _ =	vpop (xrf1)  }
0xac: {  	v25 =	vld [tilespmem:s31+$0x40];
	(xrf1) =	vsort.dscd.msk.f32 $0xffff, v14, v7;
	v14 =	vperm.xlane v16, v8;
	v16 =	vperm.xlane v29, v8;
	v29, v31, _ =	vpop (xrf1)  }
0xad: {  	v27 =	vperm.xlane v27, v8;
	(xrf1) =	vsort.dscd.msk.f32 $0xffff, v15, v6;
	v15 =	vperm.xlane v29, v8;
	v29, v42, _ =	vpop (xrf1)  }
0xae: {  	v41 =	vld [tilespmem:s31+$0x0];
	v31 =	vperm.xlane v31, v8;
	v14 =	vsel vm0, v29, v14;
	v29, v44, _ =	vpop (xrf1)  }
0xaf: {  	v43 =	vld [tilespmem:s31+$0xFFFFFFF0];
	v16 =	vsel vm0, v42, v16;
	v46, v47, _ =	vpop (xrf1)  }
0xb0: {  	v45 =	vld [tilespmem:s31+$0xFFFFFFB0];
	v22 =	vperm.xlane v22, v8;
	(xrf1) =	vsort.dscd.msk.f32 $0xffff, v14, v16;
	v15 =	vsel vm0, v46, v15  }
0xb1: {  	v30 =	vperm.xlane v30, v8;
	v14 =	vld [tilespmem:s31+$0xFFFFFFD0];
	(xrf1) =	vsort.dscd.msk.f32 $0xffff, v25, v4;
	v16 =	vsel vm0, v47, v31  }
0xb2: {  	v23 =	vsel vm0, v10, v23;
	v25 =	vsel vm0, v13, v27;
	v13 =	vld [tilespmem:s31+$0xFFFFFFE0];
	v10, v27, _ =	vpop (xrf1);
	(xrf1) =	vsort.dscd.msk.f32 $0xffff, v15, v16  }
0xb3: {  	v22 =	vsel vm0, v18, v22;
	v30 =	vsel vm0, v20, v30;
	v20 =	vld [tilespmem:s31+$0xFFFFFF90];
	(xrf1) =	vsort.dscd.msk.f32 $0xffff, v41, v0;
	v15, v31, _ =	vpop (xrf1)  }
0xb4: {  	v16 =	vsel vm0, v17, v11;
	v11 =	vperm.xlane v29, v9;
	v29 =	vld [tilespmem:s31+$0xFFFFFFA0];
	v49, v48, _ =	vpop (xrf1);
	(xrf1) =	vsort.dscd.msk.f32 $0xffff, v43, v7  }
0xb5: {  	v17 =	vsel vm0, v26, v12;
	v26 =	vld [tilespmem:s31+$0xFFFFFFC0];
	v18 =	vsel vm0, v10, v21;
	v12, v21, _ =	vpop (xrf1);
	(xrf1) =	vsort.dscd.msk.f32 $0xffff, v45, v3  }
0xb6: {  	v50 =	vld [tilespmem:s31+$0xFFFFFF80];
	v19 =	vsel vm0, v27, v19;
	v27, v10, _ =	vpop (xrf1);
	(xrf1) =	vsort.dscd.msk.f32 $0xffff, v14, v5  }
0xb7: {  	v33 =	vsel vm0, v44, v11;
	v52, v51, _ =	vpop (xrf1);
	(xrf1) =	vsort.dscd.msk.f32 $0xffff, v13, v6  }
0xb8: {  	v11 =	vperm.xlane v15, v8;
	v15 =	vperm.xlane v21, v8;
	v21, v53, _ =	vpop (xrf1);
	(xrf1) =	vsort.dscd.msk.f32 $0xffff, v20, v1  }
0xb9: {  	v54, v55, _ =	vpop (xrf1);
	(xrf1) =	vsort.dscd.msk.f32 $0xffff, v29, v2  }
0xba: {  	v31 =	vperm.xlane v31, v8;
	v13 =	vperm.xlane v27, v9;
	v27, v29, _ =	vpop (xrf1);
	(xrf1) =	vsort.dscd.msk.f32 $0xffff, v26, v4  }
0xbb: {  	(xrf1) =	vsort.dscd.msk.f32 $0xffff, v50, v0;
	v58, v57, _ =	vpop (xrf1)  }
0xbc: {  	(xrf1) =	vsort.dscd.msk.f32 $0xffff, v23, v25;
	v23, v25, _ =	vpop (xrf1)  }
0xbd: {  	v26 =	vperm.xlane v21, v8;
	v25 =	vperm.xlane v25, v8  }
0xbe: {  	v21 =	vsel vm0, v48, v31;
	v29 =	vperm.xlane v29, v8;
	v23 =	vperm.xlane v23, v8;
	v31, v59, _ =	vpop (xrf1)  }
0xbf: {  	v27 =	vperm.xlane v27, v8;
	v25 =	vsel vm0, v59, v25  }
0xc0: {  	v29 =	vsel vm0, v55, v29;
	v23 =	vsel vm0, v31, v23  }
0xc1: {  	v27 =	vsel vm0, v54, v27  }
0xc2: {  	v34 =	vperm.xlane v58, v8;
	v60 =	vperm.xlane v57, v8;
	v31, v61, _ =	vpop (xrf1)  }
0xc3: {  	(xrf1) =	vsort.dscd.msk.f32 $0xffff, v23, v25;
	v31 =	vperm.xlane v31, v8;
	v32 =	vperm.xlane v61, v8;
	v23, v25, _ =	vpop (xrf1)  }
0xc4: {  	(xrf1) =	vsort.dscd.msk.f32 $0xffff, v27, v29;
	v23 =	vsel vm0, v23, v34;
	v25 =	vsel vm0, v25, v60;
	v27, v29, _ =	vpop (xrf1)  }
0xc5: {  	s11 =	simm.s32 $0x8080;
	v63, v62, _ =	vpop (xrf1);
	(xrf1) =	vsort.dscd.msk.f32 $0xffff, v23, v25;
	v25 =	vsel vm0, v29, v32  }
0xc6: {  	[tilespmem:s11+$0x0] =	vst v24;
	v56 =	vperm.xlane v53, v8;
	v23 =	vsel vm0, v27, v31;
	v24 =	vsel vm0, v63, v26  }
0xc7: {  	v14 =	vperm.xlane v12, v8;
	v20 =	vsel vm0, v49, v11;
	v12 =	vperm.xlane v52, v8  }
0xc8: {  	s10 =	simm.s32 $0x8180;
	v11 =	vperm.xlane v51, v8;
	v26 =	vsel vm0, v62, v56;
	v27, v29, _ =	vpop (xrf1);
	(xrf1) =	vsort.dscd.msk.f32 $0xffff, v23, v25  }
0xc9: {  	s9 =	simm.s32 $0x8280;
	[tilespmem:s10+$0x0] =	vst v28;
	v28 =	vperm.xlane v27, v8;
	v29 =	vperm.xlane v29, v8;
	(xrf1) =	vsort.dscd.msk.f32 $0xffff, v24, v26;
	v23, v25, _ =	vpop (xrf1)  }
0xca: {  	s12 =	simm.s32 $0x8;
	s13 =	simm.s32 $0x580;
	[tilespmem:s9+$0x0] =	vst v33;
	(xrf1) =	vsort.dscd.msk.f32 $0xffff, v22, v30;
	v26 =	vperm.xlane v23, v8;
	v27 =	vperm.xlane v25, v8;
	v25, v24, _ =	vpop (xrf1)  }
.LBB2_2:
0xcb: {  	v22 =	vld [tilespmem:s13+$0x10];
	v32 =	vperm.xlane v25, v8;
	v24 =	vperm.xlane v24, v8;
	v25, v30, _ =	vpop (xrf1);
	(xrf1) =	vsort.dscd.msk.f32 $0xffff, v16, v17  }
0xcc: {  	v16 =	vld [tilespmem:s13+$0x20];
	v17 =	vsel vm0, v25, v28;
	v25 =	vsel vm0, v30, v29;
	v28, v29, _ =	vpop (xrf1);
	(xrf1) =	vsort.dscd.msk.f32 $0xffff, v18, v19  }
0xcd: {  	v18 =	vld [tilespmem:s13+$0x30];
	v33 =	vperm.xlane v28, v8;
	v28 =	vperm.xlane v29, v8;
	v31, v30, _ =	vpop (xrf1);
	(xrf1) =	vsort.dscd.msk.f32 $0xffff, v17, v25  }
0xce: {  	v25 =	vld [tilespmem:s13+$0x50];
	v31 =	vsel vm0, v31, v26;
	v26 =	vsel vm0, v30, v27;
	v27, v29, _ =	vpop (xrf1);
	(xrf1) =	vsort.dscd.msk.f32 $0xffff, v20, v21  }
0xcf: {  	s12 =	sadd.s32 $0x2, s12;
	v20 =	vld [tilespmem:s13+$0x70];
	v27 =	vsel vm0, v27, v32;
	v24 =	vsel vm0, v29, v24;
	v21, v23, _ =	vpop (xrf1);
	(xrf1) =	vsort.dscd.msk.f32 $0xffff, v31, v26  }
0xd0: {  	p0 =	slt.u32 s12, $0xFE;
	v26 =	vld [tilespmem:s13+$0x60];
	(xrf1) =	vsort.dscd.msk.f32 $0xffff, v22, v1;
	v22 =	vsel vm0, v21, v33;
	v23 =	vsel vm0, v23, v28;
	v17, v19, _ =	vpop (xrf1)  }
0xd1: {  	v21 =	vld [tilespmem:s13+$0xFFFFFFF0];
	(xrf1) =	vsort.dscd.msk.f32 $0xffff, v16, v2;
	v16 =	vsel vm0, v17, v14;
	v17 =	vsel vm0, v19, v15  }
0xd2: {  	v10 =	vsel vm0, v10, v13;
	v14 =	vld [tilespmem:s13+$0xFFFFFFB0];
	(xrf1) =	vsort.dscd.msk.f32 $0xffff, v18, v3  }
0xd3: {  	v13 =	vld [tilespmem:s13+$0x40];
	(xrf1) =	vsort.dscd.msk.f32 $0xffff, v25, v5;
	v15, v18, _ =	vpop (xrf1);
	[tilespmem:s11+$0xFFFFFF80] =	vst v10;
	s11 =	smov.u32 s10;
	s10 =	smov.u32 s9  }
0xd4: {  	v25 =	vld [tilespmem:s13+$0xFFFFFFD0];
	(xrf1) =	vsort.dscd.msk.f32 $0xffff, v20, v7;
	v10 =	vperm.xlane v15, v8;
	v15 =	vperm.xlane v18, v8;
	v18, v19, _ =	vpop (xrf1)  }
0xd5: {  	v20 =	vld [tilespmem:s13+$0x0];
	(xrf1) =	vsort.dscd.msk.f32 $0xffff, v26, v6;
	v35 =	vperm.xlane v18, v8;
	v26, v28, _ =	vpop (xrf1)  }
0xd6: {  	v33 =	vperm.xlane v19, v8;
	v29 =	vld [tilespmem:s13+$0xFFFFFFE0];
	v10 =	vsel vm0, v26, v10;
	v15 =	vsel vm0, v28, v15;
	v26, v28, _ =	vpop (xrf1)  }
0xd7: {  	v31, v32, _ =	vpop (xrf1);
	(xrf1) =	vsort.dscd.msk.f32 $0xffff, v10, v15;
	v10 =	vperm.xlane v26, v9  }
0xd8: {  	v30 =	vld [tilespmem:s13+$0xFFFFFF90];
	v15 =	vsel vm0, v32, v33  }
0xd9: {  	v26 =	vld [tilespmem:s13+$0xFFFFFFA0];
	(xrf1) =	vsort.dscd.msk.f32 $0xffff, v13, v4;
	v34 =	vsel vm0, v31, v35;
	v18, v19, _ =	vpop (xrf1);
	v10 =	vsel vm0, v28, v10  }
0xda: {  	s9 =	sadd.s32 $0x100, s9;
	v31 =	vld [tilespmem:s13+$0xFFFFFFC0];
	(xrf1) =	vsort.dscd.msk.f32 $0xffff, v34, v15;
	v18 =	vsel vm0, v18, v12;
	v12, v13, _ =	vpop (xrf1)  }
0xdb: {  	v19 =	vsel vm0, v19, v11;
	v28 =	vld [tilespmem:s13+$0xFFFFFF80];
	(xrf1) =	vsort.dscd.msk.f32 $0xffff, v20, v0;
	[tilespmem:s9+$0x0] =	vst v10;
	v11 =	vperm.xlane v12, v8;
	v12, v32, _ =	vpop (xrf1)  }
0xdc: {  	v10, v15, _ =	vpop (xrf1)  }
0xdd: {  	v13 =	vperm.xlane v13, v8;
	(xrf1) =	vsort.dscd.msk.f32 $0xffff, v21, v7  }
0xde: {  	(xrf1) =	vsort.dscd.msk.f32 $0xffff, v14, v3;
	v14 =	vperm.xlane v10, v8;
	v15 =	vperm.xlane v15, v8;
	v33, v10, _ =	vpop (xrf1)  }
0xdf: {  	v20 =	vsel vm0, v12, v11;
	v21 =	vsel vm0, v32, v13;
	(xrf1) =	vsort.dscd.msk.f32 $0xffff, v25, v5;
	v25, v34, _ =	vpop (xrf1)  }
0xe0: {  	(xrf1) =	vsort.dscd.msk.f32 $0xffff, v29, v6;
	v29, v32, _ =	vpop (xrf1);
	v12 =	vperm.xlane v25, v8;
	v11 =	vperm.xlane v34, v8  }
0xe1: {  	v13 =	vperm.xlane v33, v9;
	(xrf1) =	vsort.dscd.msk.f32 $0xffff, v30, v1;
	v25, v30, _ =	vpop (xrf1)  }
0xe2: {  	(xrf1) =	vsort.dscd.msk.f32 $0xffff, v26, v2;
	v26, v33, _ =	vpop (xrf1)  }
0xe3: {  	v29 =	vperm.xlane v29, v8;
	v32 =	vperm.xlane v32, v8;
	(xrf1) =	vsort.dscd.msk.f32 $0xffff, v31, v4;
	v31, v34, _ =	vpop (xrf1)  }
0xe4: {  	v26 =	vperm.xlane v26, v8;
	v38 =	vperm.xlane v33, v8;
	(xrf1) =	vsort.dscd.msk.f32 $0xffff, v28, v0;
	v28, v35, _ =	vpop (xrf1)  }
0xe5: {  	v28 =	vperm.xlane v28, v8;
	v39 =	vperm.xlane v35, v8;
	v36, v37, _ =	vpop (xrf1);
	(xrf1) =	vsort.dscd.msk.f32 $0xffff, v27, v24  }
0xe6: {  	v24 =	vsel vm0, v25, v26;
	v25 =	vperm.xlane v31, v8;
	v26 =	vperm.xlane v34, v8  }
0xe7: {  	v38 =	vsel vm0, v30, v38;
	v28 =	vsel vm0, v36, v28;
	v30 =	vsel vm0, v37, v39;
	v31, v33, _ =	vpop (xrf1)  }
0xe8: {  	v34, v35, _ =	vpop (xrf1);
	(xrf1) =	vsort.dscd.msk.f32 $0xffff, v28, v30;
	v36 =	vperm.xlane v31, v8;
	v30 =	vperm.xlane v33, v8  }
.Ltmp0:
0xe9: {  	v37 =	vsel vm0, v34, v25;
	v26 =	vsel vm0, v35, v26;
	(xrf1) =	vsort.dscd.msk.f32 $0xffff, v24, v38;
	v24, v27, _ =	vpop (xrf1);
	(pc) =	sbr.rel @p0 .LBB2_2-.Ltmp0, $4  }
0xea: {  	v31, v33, _ =	vpop (xrf1);
	(xrf1) =	vsort.dscd.msk.f32 $0xffff, v37, v26;
	v35 =	vsel vm0, v24, v36;
	v34 =	vsel vm0, v27, v30  }
0xeb: {  	v26 =	vsel vm0, v31, v29;
	v27 =	vsel vm0, v33, v32;
	v28, v29, _ =	vpop (xrf1);
	(xrf1) =	vsort.dscd.msk.f32 $0xffff, v35, v34  }
0xec: {  	v28 =	vperm.xlane v28, v8;
	v29 =	vperm.xlane v29, v8;
	v30, v25, _ =	vpop (xrf1);
	(xrf1) =	vsort.dscd.msk.f32 $0xffff, v26, v27  }
0xed: {  	s13 =	sadd.s32 $0x100, s13;
	v26 =	vperm.xlane v30, v8;
	v27 =	vperm.xlane v25, v8;
	v25, v24, _ =	vpop (xrf1);
	(xrf1) =	vsort.dscd.msk.f32 $0xffff, v22, v23  }
0xee: {  	_ =	sdelay $0x1  }
0xef: {  	v22, v23, _ =	vpop (xrf1)  }
0xf0: {  	v30, v31, _ =	vpop (xrf1)  }
0xf1: {  	v32, v33, _ =	vpop (xrf1)  }
0xf2: {  	v34, v35, _ =	vpop (xrf1)  }
0xf3: {  	(xrf1) =	vsort.dscd.msk.f32 $0xffff, v16, v17;
	v16, v17, _ =	vpop (xrf1)  }
0xf4: {  	v22 =	vsel vm0, v22, v28;
	v23 =	vsel vm0, v23, v29;
	(xrf1) =	vsort.dscd.msk.f32 $0xffff, v18, v19;
	v18, v19, _ =	vpop (xrf1)  }
0xf5: {  	v40 =	vsel vm0, v32, v26;
	v41 =	vsel vm0, v33, v27;
	(xrf1) =	vsort.dscd.msk.f32 $0xffff, v22, v23;
	v42, v43, _ =	vpop (xrf1)  }
0xf6: {  	(xrf1) =	vsort.dscd.msk.f32 $0xffff, v20, v21;
	v44 =	vperm.xlane v42, v8;
	v45 =	vperm.xlane v43, v8;
	v46, v47, _ =	vpop (xrf1)  }
0xf7: {  	(xrf1) =	vsort.dscd.msk.f32 $0xffff, v40, v41;
	v48 =	vperm.xlane v46, v8;
	v49, v50, _ =	vpop (xrf1)  }
0xf8: {  	v27 =	vperm.xlane v47, v8;
	v20 =	vsel vm0, v49, v44;
	v21 =	vsel vm0, v50, v45;
	v23, v26, _ =	vpop (xrf1)  }
0xf9: {  	v51, v52, _ =	vpop (xrf1);
	(xrf1) =	vsort.dscd.msk.f32 $0xffff, v20, v21  }
0xfa: {  	v53 =	vsel vm0, v51, v48;
	v54 =	vsel vm0, v52, v27  }
0xfb: {  	(xrf1) =	vsort.dscd.msk.f32 $0xffff, v53, v54;
	_ =	sdelay $0x5  }
0xfc: {  	v20, v21, _ =	vpop (xrf1)  }
0xfd: {  	v55, v56, _ =	vpop (xrf1)  }
0xfe: {  	v57, v58, _ =	vpop (xrf1)  }
0xff: {  	v59, v60, _ =	vpop (xrf1)  }
0x100: {  	v36, v37, _ =	vpop (xrf1)  }
0x101: {  	v25 =	vperm.xlane v25, v8;
	v38, v39, _ =	vpop (xrf1)  }
0x102: {  	v24 =	vperm.xlane v24, v8;
	v30 =	vperm.xlane v30, v8;
	v40, v41, _ =	vpop (xrf1)  }
0x103: {  	v40 =	vperm.xlane v40, v8;
	v41 =	vperm.xlane v41, v8  }
0x104: {  	v31 =	vperm.xlane v31, v8;
	v25 =	vsel vm0, v34, v25;
	v24 =	vsel vm0, v35, v24;
	v61, v62, _ =	vpop (xrf1)  }
0x105: {  	(xrf1) =	vsort.dscd.msk.f32 $0xffff, v25, v24;
	v63 =	vsel vm0, v61, v40;
	v34 =	vsel vm0, v62, v41  }
0x106: {  	v16 =	vsel vm0, v16, v30;
	v17 =	vsel vm0, v17, v31;
	(xrf1) =	vsort.dscd.msk.f32 $0xffff, v63, v34  }
0x107: {  	(xrf1) =	vsort.dscd.msk.f32 $0xffff, v16, v17;
	_ =	sdelay $0x6  }
0x108: {  	v40 =	vperm.xlane v56, v8  }
0x109: {  	v12 =	vsel vm0, v20, v12;
	v35 =	vperm.xlane v55, v8  }
0x10a: {  	v11 =	vsel vm0, v21, v11;
	v17 =	vsel vm0, v58, v40  }
0x10b: {  	v14 =	vsel vm0, v18, v14;
	v15 =	vsel vm0, v19, v15;
	v16 =	vsel vm0, v57, v35  }
0x10c: {  	v42 =	vperm.xlane v60, v8;
	v41 =	vperm.xlane v59, v8;
	(xrf1) =	vsort.dscd.msk.f32 $0xffff, v14, v15  }
0x10d: {  	v43 =	vperm.xlane v38, v8;
	v44 =	vperm.xlane v39, v8;
	(xrf1) =	vsort.dscd.msk.f32 $0xffff, v12, v11;
	v11, v12, _ =	vpop (xrf1)  }
0x10e: {  	(xrf1) =	vsort.dscd.msk.f32 $0xffff, v16, v17;
	v11 =	vsel vm0, v11, v41;
	v12 =	vsel vm0, v12, v42;
	v16, v17, _ =	vpop (xrf1)  }
0x10f: {  	(xrf1) =	vsort.dscd.msk.f32 $0xffff, v11, v12;
	v45, v46, _ =	vpop (xrf1)  }
0x110: {  	v11 =	vsel vm0, v45, v43;
	v47 =	vsel vm0, v46, v44  }
0x111: {  	(xrf1) =	vsort.dscd.msk.f32 $0xffff, v11, v47;
	_ =	sdelay $0x8  }
0x112: {  	v11, v12, _ =	vpop (xrf1)  }
0x113: {  	v48, v49, _ =	vpop (xrf1)  }
0x114: {  	v50, v51, _ =	vpop (xrf1)  }
0x115: {  	v11 =	vperm.xlane v11, v8;
	v12 =	vperm.xlane v12, v8;
	v52, v53, _ =	vpop (xrf1)  }
0x116: {  	v20 =	vperm.xlane v52, v8;
	v21 =	vperm.xlane v53, v8  }
0x117: {  	v11 =	vsel vm0, v48, v11;
	v12 =	vsel vm0, v49, v12;
	v54, v55, _ =	vpop (xrf1)  }
0x118: {  	(xrf1) =	vsort.dscd.msk.f32 $0xffff, v11, v12;
	v11 =	vsel vm0, v54, v20;
	v56 =	vsel vm0, v55, v21  }
0x119: {  	(xrf1) =	vsort.dscd.msk.f32 $0xffff, v11, v56;
	_ =	sdelay $0x9  }
0x11a: {  	v11 =	vperm.xlane v23, v9  }
0x11b: {  	v10 =	vsel vm0, v10, v13;
	v57 =	vperm.xlane v36, v9  }
0x11c: {  	s30 =	sadd.s32 $0x100, s9;
	[tilespmem:s11+$0xFFFFFF80] =	vst v10;
	v10 =	vsel vm0, v26, v11;
	v11 =	vperm.xlane v16, v9  }
0x11d: {  	v58 =	vperm.xlane v50, v9;
	[tilespmem:s30+$0x0] =	vst v10;
	v10 =	vsel vm0, v37, v57;
	v60, v59, _ =	vpop (xrf1)  }
0x11e: {  	s31 =	sadd.s32 $0x100, s30;
	[tilespmem:s10+$0xFFFFFF80] =	vst v10;
	v10 =	vsel vm0, v17, v11;
	v11 =	vperm.xlane v60, v9;
	v62, v61, _ =	vpop (xrf1)  }
0x11f: {  	[tilespmem:s31+$0x0] =	vst v10;
	v10 =	vsel vm0, v51, v58;
	v63 =	vperm.xlane v62, v9  }
0x120: {  	s8 =	sadd.s32 $0x1, s8;
	[tilespmem:s9+$0xFFFFFF80] =	vst v10;
	v10 =	vsel vm0, v59, v11  }
0x121: {  	p0 =	sne.s32 s8, s5;
	[tilespmem:s30+$0xFFFFFF80] =	vst v10;
	v10 =	vsel vm0, v61, v63  }
.Ltmp1:
0x122: {  	[tilespmem:s31+$0xFFFFFF80] =	vst v10;
	(pc) =	sbr.rel @p0 .LBB2_1-.Ltmp1, $4  }
0x123: {  	[hbm4b:s4+s2] =	stream.linear.scatter [tilespmem:s7], [sflag:$0x1], $0x8000, $0x38;
	[tilespmem:$0x10000] =	vst v63  }
0x124: {  	_ =	swait.ge [sflag:s6], $0x8000  }
0x125: {  	[sflag:s6] =	ssyncset.done $0x0  }
0x126: {  	[sflag:s6] =	ssyncadd.s32 $0xFFFF8000  }
0x127: {  	_ =	sfence.sel $0x180000  }
0x128: {  	[bflag:$0x0] =	sbarrier.arrive $0xFFFF  }
0x129: {  	p0 =	sne.s32 s1, $0x0;
	_ =	strace $0x9000004D  }
0x12a: {  	s0 =	sadd.s32 @!p0 $0x100000, s0;
	[bflag:$0x2] =	sbarrier.arrive $0xFFFF  }
0x12b: {  	[sflag:s0] =	ssyncadd.tile.s32 @!p0 $0x1;
	_ =	shalt  }
.Lfunc_end2:
_tile_overlayer_lowered:
.L_overlay_start_2:
0x12c: {  	(tag) =	ssettag $0x2  }
0x12d: {  	s0 =	rddreg [dreg:$0x0];
	s2 =	stileid.u32  }
0x12e: {  	s1 =	rddreg [dreg:$0x1];
	p0 =	sne.s32 s2, $0x0  }
0x12f: {  	s3 =	rddreg [dreg:$0x2];
	[bflag:$0x3] =	sbarrier.arrive $0xFFFF;
	s2 =	simm.s32 @!p0 $0x1C01  }
0x130: {  	[timem:s3], [sflag:s2] =	dma.local @!p0 [hbm:s0], s1  }
0x131: {  	s0 =	simm.s32 @!p0 $0x1  }
0x132: {  	_ =	swait.ge @!p0 [sflag:s0], s1  }
0x133: {  	s1 =	ssub.s32 @!p0 $0x0, s1;
	[sflag:s0] =	ssyncset.done @!p0 $0x0  }
0x134: {  	[sflag:s0] =	ssyncadd.s32 @!p0 s1  }
0x135: {  	[bflag:$0x3] =	sbarrier.arrive $0xFFFF  }
0x136: {  	_ =	shalt  }

// kernel: kernel.19.cloned.1.call-start
scs
__scs_entry_jumppad:
0x0: {  	(pc) =	sbr.rel $0x88, $3  }
0x1: {  	(tag) =	ssettag $0x0;
	lr =	simm.s32 $0x1  }
0x2: {  	[smem:$0x3F9F] =	sst lr;
	_ =	strace $0xD0000000  }
0x3: {  	_ = 	snop  }
0x4: {  	_ = 	snop  }
0x5: {  	_ = 	snop  }
0x6: {  	_ = 	snop  }
0x7: {  	_ = 	snop  }
__scs_overlays_trampoline_lowered:
0x8: {  	[smem:$0x3FAE] =	sst s0  }
0x9: {  	[smem:$0x3FAF] =	sst s1  }
0xa: {  	[smem:$0x3FB0] =	sst s2  }
0xb: {  	[smem:$0x3FB1] =	sst s3  }
0xc: {  	[smem:$0x3FB2] =	sst s4  }
0xd: {  	[smem:$0x3FB3] =	sst s5  }
0xe: {  	[smem:$0x3FB4] =	sst s6  }
0xf: {  	[smem:$0x3FB5] =	sst s7  }
0x10: {  	[smem:$0x3FB6] =	sst s8  }
0x11: {  	[smem:$0x3FB7] =	sst s9;
	s0 =	simm.s32 @!p0 $0x0  }
0x12: {  	s1 =	sld [smem:$0x3F9D];
	s0 =	simm.s32 @p0 $0x1  }
0x13: {  	[smem:$0x3FB8] =	sst s0;
	s0 =	simm.s32 @!p1 $0x0  }
0x14: {  	s2 =	sld [smem:$0x3F9C];
	s0 =	simm.s32 @p1 $0x1  }
0x15: {  	[smem:$0x3FB9] =	sst s0;
	s0 =	simm.s32 @!p2 $0x0  }
0x16: {  	s3 =	sld [smem:$0x3FDB];
	s0 =	simm.s32 @p2 $0x1  }
0x17: {  	s4 =	simm.s32 $0x1BF5;
	[smem:$0x3FBB] =	sst s0  }
0x18: {  	s0 =	sld [smem:$0x3F9E];
	_ =	swait.ge [sflag:s4], $0x0  }
0x19: {  	s7 =	sld [smem:$0x3F9F]  }
0x1a: {  	s8 =	sadd.s32 $0xFFFFE003, lr  }
0x1b: {  	s9 =	sadd.s32 $0xFFFFFEF7, lr;
	s5 =	simm.s32 $0xFFFFFFFF;
	p2 =	slt.u32 s8, $0xFFFFF086  }
0x1c: {  	p1 =	slt.u32 s9, $0xF7A;
	s5 =	simm.s32 @!p2 $0x0  }
0x1d: {  	s5 =	simm.s32 @p1 $0x1;
	p0 =	seq.s32 s7, s2  }
0x1e: {  	s7 =	smul.u32 @!p0 $0xF7A, s2;
	p2 =	seq.s32 @!p0 s5, $0x0  }
0x1f: {  	s9 =	smul.u32 $0xF7A, s1;
	s8 =	simm.s32 @!p0 $0x1BF5;
	p2 =	por !p2, p0  }
0x20: {  	[sflag:s8] =	ssyncset.s32 @!p0 $0xFFFFF086;
	s6 =	sadd.s32 @!p0 s3, s7;
	s7 =	simm.s32 @!p0 $0x108  }
0x21: {  	s3 =	sadd.s32 s3, s9;
	s6 =	sadd.s32 @!p0 $0x88, s6;
	s7 =	simm.s32 @p2 $0x1082  }
0x22: {  	[simem:s7], [sflag:s8] =	dma.local @!p0 [hbm:s6], $0xF7A  }
0x23: {  	s9 =	sor.u32 $0xD0000000, s2;
	s6 =	simm.s32 $0x108;
	_ =	swait.ge @!p0 [sflag:s8], $0x0  }
0x24: {  	s3 =	sadd.s32 $0x88, s3;
	s6 =	simm.s32 @!p1 $0x1082;
	[sflag:s4] =	ssyncset.s32 $0xFFFFF086  }
0x25: {  	[simem:s6], [sflag:s4] =	dma.local [hbm:s3], $0xF7A  }
0x26: {  	[smem:$0x3F9F] =	sst s1;
	(tag) =	ssettag s2;
	_ =	strace s9  }
0x27: {  	s1 =	sld [smem:$0x3FAF]  }
0x28: {  	s2 =	sld [smem:$0x3FB0]  }
0x29: {  	s4 =	sld [smem:$0x3FB2]  }
0x2a: {  	p0 =	seq.s32 s5, $0x0;
	s5 =	sld [smem:$0x3FB3]  }
0x2b: {  	s6 =	sld [smem:$0x3FB4]  }
0x2c: {  	s7 =	sld [smem:$0x3FB5]  }
0x2d: {  	s3 =	simm.s32 $0x108;
	s8 =	sld [smem:$0x3FB6]  }
0x2e: {  	s3 =	simm.s32 @!p0 $0x1082;
	s9 =	sld [smem:$0x3FB7]  }
0x2f: {  	lr =	sadd.s32 s0, s3;
	s0 =	sld [smem:$0x3FAE]  }
0x30: {  	s3 =	sld [smem:$0x3FB1]  }
0x31: {  	[smem:$0x3FBA] =	sst s10  }
0x32: {  	s10 =	sld [smem:$0x3FB8];
	_ =	sdelay $0x3  }
0x33: {  	p0 =	seq.s32 s10, $0x1;
	s10 =	sld [smem:$0x3FBA];
	_ =	sdelay $0x3  }
0x34: {  	[smem:$0x3FBA] =	sst s10  }
0x35: {  	s10 =	sld [smem:$0x3FB9];
	_ =	sdelay $0x3  }
0x36: {  	p1 =	seq.s32 s10, $0x1;
	s10 =	sld [smem:$0x3FBA];
	_ =	sdelay $0x3  }
0x37: {  	[smem:$0x3FBA] =	sst s10  }
0x38: {  	s10 =	sld [smem:$0x3FBB]  }
0x39: {  	_ = 	snop;
	(pc) =	sbr.ind lr, $3  }
0x3a: {  	_ = 	snop  }
0x3b: {  	_ = 	snop  }
0x3c: {  	p2 =	seq.s32 s10, $0x1;
	s10 =	sld [smem:$0x3FBA]  }
0x3d: {  	_ =	shalt  }
0x3e: {  	_ =	shalt  }
0x3f: {  	_ =	shalt  }
0x40: {  	_ =	shalt  }
0x41: {  	_ =	shalt  }
0x42: {  	_ =	shalt  }
0x43: {  	_ =	shalt  }
0x44: {  	_ =	shalt  }
0x45: {  	_ =	shalt  }
0x46: {  	_ =	shalt  }
0x47: {  	_ =	shalt  }
0x48: {  	_ =	shalt  }
0x49: {  	_ =	shalt  }
0x4a: {  	_ =	shalt  }
0x4b: {  	_ =	shalt  }
0x4c: {  	_ =	shalt  }
0x4d: {  	_ =	shalt  }
0x4e: {  	_ =	shalt  }
0x4f: {  	_ =	shalt  }
0x50: {  	_ =	shalt  }
0x51: {  	_ =	shalt  }
0x52: {  	_ =	shalt  }
0x53: {  	_ =	shalt  }
0x54: {  	_ =	shalt  }
0x55: {  	_ =	shalt  }
0x56: {  	_ =	shalt  }
0x57: {  	_ =	shalt  }
0x58: {  	_ =	shalt  }
0x59: {  	_ =	shalt  }
0x5a: {  	_ =	shalt  }
0x5b: {  	_ =	shalt  }
0x5c: {  	_ =	shalt  }
0x5d: {  	_ =	shalt  }
0x5e: {  	_ =	shalt  }
0x5f: {  	_ =	shalt  }
0x60: {  	_ =	shalt  }
0x61: {  	_ =	shalt  }
0x62: {  	_ =	shalt  }
0x63: {  	_ =	shalt  }
0x64: {  	_ =	shalt  }
0x65: {  	_ =	shalt  }
0x66: {  	_ =	shalt  }
0x67: {  	_ =	shalt  }
0x68: {  	_ =	shalt  }
0x69: {  	_ =	shalt  }
0x6a: {  	_ =	shalt  }
0x6b: {  	_ =	shalt  }
0x6c: {  	_ =	shalt  }
0x6d: {  	_ =	shalt  }
0x6e: {  	_ =	shalt  }
0x6f: {  	_ =	shalt  }
0x70: {  	_ =	shalt  }
0x71: {  	_ =	shalt  }
0x72: {  	_ =	shalt  }
0x73: {  	_ =	shalt  }
0x74: {  	_ =	shalt  }
0x75: {  	_ =	shalt  }
0x76: {  	_ =	shalt  }
0x77: {  	_ =	shalt  }
0x78: {  	_ =	shalt  }
0x79: {  	_ =	shalt  }
0x7a: {  	_ =	shalt  }
0x7b: {  	_ =	shalt  }
0x7c: {  	_ =	shalt  }
0x7d: {  	_ =	shalt  }
0x7e: {  	_ =	shalt  }
0x7f: {  	_ =	shalt  }
0x80: {  	_ =	shalt  }
0x81: {  	_ =	shalt  }
0x82: {  	_ =	shalt  }
0x83: {  	_ =	shalt  }
0x84: {  	_ =	shalt  }
0x85: {  	_ =	shalt  }
0x86: {  	_ =	shalt  }
0x87: {  	_ =	shalt  }
.Lfunc_end0:
.L_simem_size_0:
called_computation.3_lowered:
.L_overlay_start_0:
0x88: {  	s2 =	sld [smem:$0x3FD9]  }
0x89: {  	s3 =	sld [smem:$0x3FFE];
	_ =	sdelay $0x1  }
0x8a: {  	s1 =	srdreg.scid  }
0x8b: {  	s0 =	sand.u32 $0x1, s1  }
0x8c: {  	s17 =	sshll.u32 s0, $0xA;
	s2 =	sadd.s32 s3, s2  }
0x8d: {  	s2 =	sadd.s32 s2, s17  }
0x8e: {  	[smem:$0x3FC6] =	sst s2  }
0x8f: {  	_ = 	snop  }
0x90: {  	(tm) =	ssettm $0x1  }
0x91: {  	s18 =	sld [smem:$0x3FFB];
	_ =	sdelay $0x3  }
0x92: {  	_ =	strace s18  }
0x93: {  	s2 =	sld [smem:$0x3FFC];
	_ =	sdelay $0x3  }
0x94: {  	_ =	strace s2  }
0x95: {  	s2 =	sld [smem:$0x3FFD];
	_ =	sdelay $0x3  }
0x96: {  	_ =	strace s2  }
0x97: {  	_ =	strace $0x8FFFFFFF  }
0x98: {  	s19 =	sld [smem:$0x3FDB];
	_ =	sdelay $0x1  }
0x99: {  	s20 =	simm.s32 $_scs_section_size  }
0x9a: {  	s4 =	simm.s32 $_size__tile_overlayer_lowered;
	s5 =	simm.s32 $_tile_overlayer_lowered  }
0x9b: {  	s6 =	simm.s32 $0x1BFF;
	s21 =	sshll.u32 s5, $0x1;
	s3 =	sadd.s32 s20, s19  }
0x9c: {  	s22 =	simm.s32 $0x0;
	s4 =	sshll.u32 s4, $0x1;
	s5 =	sadd.s32 s21, s3  }
0x9d: {  	[timem:s22], [sflag:s6] =	dma.local [hbm:s5], s4  }
0x9e: {  	_ =	swait.ge [sflag:s6], s4  }
0x9f: {  	s4 =	ssub.s32 $0x0, s4;
	[sflag:s6] =	ssyncset.done $0x0  }
0xa0: {  	[sflag:s6] =	ssyncadd.s32 s4;
	_ =	sdelay $0x1  }
0xa1: {  	s23 =	simm.s32 $0x1B8B  }
0xa2: {  	_ =	swait.ge [sflag:s23], $0x1  }
0xa3: {  	[sflag:s23] =	ssyncset.done $0x0  }
0xa4: {  	[sflag:s23] =	ssyncadd.s32 $0xFFFFFFFF  }
0xa5: {  	s4 =	sld [smem:$0x0]  }
0xa6: {  	s5 =	sand.u32 $0xFFFFFFFE, s1  }
0xa7: {  	p0 =	sne.s32 s1, s5  }
0xa8: {  	s5 =	sshll.u32 @p0 s5, $0xE  }
0xa9: {  	s5 =	sadd.s32 @p0 $0x11B8D, s5;
	s6 =	sshll.u32 @p0 s4, $0x11  }
0xaa: {  	s5 =	sor.u32 @p0 s6, s5  }
0xab: {  	[sflag:s5] =	ssyncadd.remote.s32 @p0 $0x1;
	_ =	sdelay $0x1  }
0xac: {  	s5 =	simm.s32 @p0 $0x1B8D  }
0xad: {  	_ =	swait.eq @p0 [sflag:s5], $0x1  }
0xae: {  	[sflag:s5] =	ssyncadd.s32 @p0 $0xFFFFFFFF  }
0xaf: {  	s6 =	sshll.u32 @!p0 s1, $0xE  }
0xb0: {  	s6 =	sor.u32 @!p0 $0x4000, s6;
	s5 =	simm.s32 @!p0 $0x1B8D  }
0xb1: {  	s4 =	sshll.u32 @!p0 s4, $0x11;
	s6 =	sadd.s32 @!p0 $0x11B8D, s6;
	_ =	swait.eq @!p0 [sflag:s5], $0x1  }
0xb2: {  	s4 =	sor.u32 @!p0 s4, s6;
	[sflag:s5] =	ssyncadd.s32 @!p0 $0xFFFFFFFF  }
0xb3: {  	s25 =	simm.s32 $0x1B8E;
	s24 =	sld [smem:$0x3FFE];
	[sflag:s4] =	ssyncadd.remote.s32 @!p0 $0x1  }
0xb4: {  	s26 =	simm.s32 $execute0_lowered;
	[smem:$0x3FD2] =	sst s25  }
0xb5: {  	s5 =	sshll.u32 s26, $0x1;
	_ =	strace $0x8000004F;
	[dreg:$0x1] =	wrdreg $0xFFFFFFFF  }
0xb6: {  	s28 =	simm.s32 $_size_execute0_lowered;
	s3 =	sadd.s32 s3, s5;
	[dreg:$0x0] =	wrdreg $0x0  }
0xb7: {  	s5 =	sshll.u32 s28, $0x1;
	[dreg:$0x2] =	wrdreg s3  }
0xb8: {  	[dreg:$0x3] =	wrdreg s5  }
0xb9: {  	[dreg:$0x4] =	wrdreg $0xC0  }
0xba: {  	_ =	task [dreg:s22], $0x5FFFF  }
0xbb: {  	[dreg:$0x1] =	wrdreg $0xFFFFFFFF  }
0xbc: {  	[dreg:$0x0] =	wrdreg $0x60  }
0xbd: {  	[dreg:$0x2] =	wrdreg s24  }
0xbe: {  	[dreg:$0x3] =	wrdreg $0xC  }
0xbf: {  	_ =	task.clear_ibuf [dreg:s22], $0x4FFFF;
	_ =	strace $0x9000004F  }
0xc0: {  	s29 =	simm.s32 $0xC;
	_ =	strace $0x80000051  }
0xc1: {  	_ =	swait.ge [sflag:s29], $0x1  }
0xc2: {  	[sflag:s29] =	ssyncadd.s32 $0xFFFFFFFF  }
0xc3: {  	_ =	strace $0x90000051  }
0xc4: {  	_ =	sfence  }
0xc5: {  	s30 =	sld [smem:$0x0];
	_ =	sdelay $0x2  }
0xc6: {  	s31 =	sshll.u32 s1, $0xD;
	s1 =	sshrl.u32 s1, $0x2  }
0xc7: {  	s4 =	sand.u32 $0x4000, s31;
	s1 =	sadd.s32 s1, s30  }
0xc8: {  	s0 =	sor.u32 s4, s0;
	s1 =	sshll.u32 s1, $0x11  }
0xc9: {  	s0 =	sor.u32 s1, s0  }
0xca: {  	s0 =	sadd.s32 $0x8F2B, s0  }
0xcb: {  	[sflag:s0] =	ssyncadd.remote.s32 $0x1  }
0xcc: {  	_ =	sfence.sel $0xFFFF  }
0xcd: {  	[dreg:$0x0] =	wrdreg $0xFFFFFFFF;
	(pc) =	sbr.abs _section_cstart, $3  }
0xce: {  	[dreg:$0x1] =	wrdreg $0xFFFFFFFF  }
0xcf: {  	_ =	task.clear_ibuf [dreg:s22], $0x2FFFF;
	_ =	strace $0x9FFFFFFF  }
0xd0: {  	(tm) =	ssettm $0x7FFFFFFF  }
0xd1: {  	_ =	shalt  }
tec
execute0_lowered:
.L_overlay_start_1:
0x0: {  	(tag) =	ssettag $0x1  }
0x1: {  	s3 =	rddreg [dreg:$0x0]  }
0x2: {  	s0 =	rddreg [dreg:$0x1];
	s4 =	srdreg.scid;
	v1 =	vimm.s32 $0xFEDCBA98  }
0x3: {  	s2 =	simm.s32 $0x0;
	s1 =	stileid.u32;
	v0 =	vlaneseq.u32;
	v3 =	vimm.s32 $0x76543210;
	s4 =	sand.u32 $0x1, s4;
	v5 =	vunpack.c.l.s4.s8 v1  }
0x4: {  	vm0 =	vmmov $0xff;
	s7 =	simm.s32 $0x8000;
	s5 =	sshll.u32 s1, $0xD;
	v1 =	vor.u32 $0x10, v0;
	v6 =	vunpack.c.l.s4.s8 v3;
	s6 =	sshll.u32 s4, $0xC  }
0x5: {  	s8 =	simm.s32 $0x0;
	v2 =	vor.u32 $0x20, v0;
	v3 =	vor.u32 $0x30, v0;
	s4 =	ssub.s32 $0x2, s4;
	s5 =	sor.u32 s6, s5;
	v8 =	vunpack.c.0.s8.s32 v5  }
0x6: {  	[smem:$0x7FF] =	sst s2;
	v4 =	vor.u32 $0x40, v0;
	v9 =	vmul.u32 $0xFFFFFFFF, v0;
	s31 =	sshrl.u32 s4, $0x1;
	v10 =	vunpack.c.0.s8.s32 v6;
	s5 =	sadd.s32 s5, s3  }
0x7: {  	v7 =	vor.u32 $0x70, v0;
	_ =	strace $0x80000050;
	v5 =	vor.u32 $0x50, v0;
	s6 =	ssub.s32 s4, s31;
	s3 =	sadd.s32 $0xC1A00, s5;
	v11 =	vand.u32 $0xF, v8  }
0x8: {  	v6 =	vor.u32 $0x60, v0;
	s4 =	sadd.s32 $0xE1A00, s5;
	s5 =	smax.u32 s6, $0x1;
	s6 =	simm.s32 $0x1;
	v8 =	vadd.s32 $0xF, v9;
	v9 =	vcombine.low v11, v10  }
.LBB2_1:
0x9: {  	[tilespmem:s2], [sflag:$0x1] =	stream.linear.gather [hbm4b:s3+s2], $0x8000, $0x38;
	[tilespmem:$0x10000] =	vst v63  }
0xa: {  	_ =	swait.ge [sflag:s6], $0x8000  }
0xb: {  	[sflag:s6] =	ssyncset.done $0x0  }
0xc: {  	s9 =	simm.s32 $0x80;
	[sflag:s6] =	ssyncadd.s32 $0xFFFF8000  }
0xd: {  	v10 =	vld [tilespmem:s9+$0x10]  }
0xe: {  	v11 =	vld [tilespmem:s9+$0x20]  }
0xf: {  	v12 =	vld [tilespmem:s9+$0x30]  }
0x10: {  	v13 =	vld [tilespmem:s9+$0x50]  }
0x11: {  	v14 =	vld [tilespmem:s9+$0x70]  }
0x12: {  	(xrf1) =	vsort.dscd.msk.f32 $0xffff, v10, v1  }
0x13: {  	(xrf1) =	vsort.dscd.msk.f32 $0xffff, v11, v2  }
0x14: {  	v10 =	vld [tilespmem:s9+$0x60];
	(xrf1) =	vsort.dscd.msk.f32 $0xffff, v12, v3  }
0x15: {  	(xrf1) =	vsort.dscd.msk.f32 $0xffff, v13, v5  }
0x16: {  	v11 =	vld [tilespmem:s9+$0x40];
	(xrf1) =	vsort.dscd.msk.f32 $0xffff, v14, v7  }
0x17: {  	v12 =	vld [tilespmem:s9+$0x0]  }
0x18: {  	v13 =	vld [tilespmem:s9+$0xFFFFFFF0]  }
0x19: {  	(xrf1) =	vsort.dscd.msk.f32 $0xffff, v10, v6;
	v10 =	vld [tilespmem:s9+$0xFFFFFFB0]  }
0x1a: {  	v14 =	vld [tilespmem:s9+$0xFFFFFFD0]  }
0x1b: {  	(xrf1) =	vsort.dscd.msk.f32 $0xffff, v11, v4;
	v11 =	vld [tilespmem:s9+$0xFFFFFFE0]  }
0x1c: {  	v15 =	vld [tilespmem:s9+$0xFFFFFF90];
	(xrf1) =	vsort.dscd.msk.f32 $0xffff, v12, v0  }
0x1d: {  	v12 =	vld [tilespmem:s9+$0xFFFFFFA0];
	(xrf1) =	vsort.dscd.msk.f32 $0xffff, v13, v7  }
0x1e: {  	(xrf1) =	vsort.dscd.msk.f32 $0xffff, v10, v3  }
0x1f: {  	(xrf1) =	vsort.dscd.msk.f32 $0xffff, v14, v5  }
0x20: {  	v10 =	vld [tilespmem:s9+$0xFFFFFFC0];
	(xrf1) =	vsort.dscd.msk.f32 $0xffff, v11, v6;
	v11, v13, _ =	vpop (xrf1)  }
0x21: {  	(xrf1) =	vsort.dscd.msk.f32 $0xffff, v15, v1;
	v15, v16, _ =	vpop (xrf1)  }
0x22: {  	v14 =	vld [tilespmem:s9+$0xFFFFFF80];
	(xrf1) =	vsort.dscd.msk.f32 $0xffff, v12, v2;
	v12, v17, _ =	vpop (xrf1)  }
0x23: {  	v18, v19, _ =	vpop (xrf1)  }
0x24: {  	v12 =	vperm.xlane v12, v8;
	v17 =	vperm.xlane v17, v8;
	v20, v21, _ =	vpop (xrf1)  }
0x25: {  	(xrf1) =	vsort.dscd.msk.f32 $0xffff, v10, v4;
	v10 =	vperm.xlane v20, v8  }
0x26: {  	v20 =	vperm.xlane v21, v8;
	v12 =	vsel vm0, v15, v12;
	v15 =	vsel vm0, v16, v17  }
0x27: {  	v13 =	vperm.xlane v13, v8;
	(xrf1) =	vsort.dscd.msk.f32 $0xffff, v14, v0;
	v18 =	vperm.xlane v18, v8;
	v14, v21, _ =	vpop (xrf1)  }
0x28: {  	v19 =	vperm.xlane v19, v8;
	v10 =	vsel vm0, v14, v10;
	v14 =	vsel vm0, v21, v20  }
0x29: {  	v11 =	vperm.xlane v11, v8;
	v16, v17, _ =	vpop (xrf1);
	(xrf1) =	vsort.dscd.msk.f32 $0xffff, v10, v14  }
0x2a: {  	v10 =	vsel vm0, v16, v18;
	v14 =	vsel vm0, v17, v19;
	(xrf1) =	vsort.dscd.msk.f32 $0xffff, v12, v15;
	v12, v15, _ =	vpop (xrf1)  }
0x2b: {  	(xrf1) =	vsort.dscd.msk.f32 $0xffff, v10, v14;
	v10 =	vsel vm0, v12, v11;
	v11 =	vsel vm0, v15, v13;
	_ =	sdelay $0x1  }
0x2c: {  	v12, v13, _ =	vpop (xrf1)  }
0x2d: {  	(xrf1) =	vsort.dscd.msk.f32 $0xffff, v10, v11;
	v14, v15, _ =	vpop (xrf1)  }
0x2e: {  	s28 =	simm.s32 $0x180;
	v10, v11, _ =	vpop (xrf1)  }
0x2f: {  	v16 =	vld [tilespmem:s28+$0x10];
	v12 =	vperm.xlane v12, v8;
	v13 =	vperm.xlane v13, v8;
	v17, v18, _ =	vpop (xrf1)  }
0x30: {  	v19 =	vld [tilespmem:s28+$0x20];
	v14 =	vperm.xlane v14, v8;
	v15 =	vperm.xlane v15, v8;
	v20, v21, _ =	vpop (xrf1)  }
0x31: {  	v12 =	vsel vm0, v17, v12;
	v13 =	vsel vm0, v18, v13;
	v17 =	vld [tilespmem:s28+$0x30];
	v18, v22, _ =	vpop (xrf1)  }
0x32: {  	(xrf1) =	vsort.dscd.msk.f32 $0xffff, v12, v13;
	v12 =	vld [tilespmem:s28+$0x50];
	v13 =	vsel vm0, v18, v14;
	v14 =	vsel vm0, v22, v15  }
0x33: {  	v15 =	vld [tilespmem:s28+$0x70];
	(xrf1) =	vsort.dscd.msk.f32 $0xffff, v13, v14  }
0x34: {  	v13 =	vld [tilespmem:s28+$0x60];
	(xrf1) =	vsort.dscd.msk.f32 $0xffff, v16, v1  }
0x35: {  	v14, v16, _ =	vpop (xrf1);
	(xrf1) =	vsort.dscd.msk.f32 $0xffff, v19, v2  }
0x36: {  	v18, v19, _ =	vpop (xrf1);
	(xrf1) =	vsort.dscd.msk.f32 $0xffff, v17, v3  }
0x37: {  	v17 =	vld [tilespmem:s28+$0x40];
	(xrf1) =	vsort.dscd.msk.f32 $0xffff, v12, v5;
	v12, v22, _ =	vpop (xrf1)  }
0x38: {  	(xrf1) =	vsort.dscd.msk.f32 $0xffff, v15, v7;
	v12 =	vperm.xlane v12, v8;
	v15 =	vperm.xlane v22, v8;
	v22, v23, _ =	vpop (xrf1)  }
0x39: {  	v24 =	vld [tilespmem:s28+$0x0];
	(xrf1) =	vsort.dscd.msk.f32 $0xffff, v13, v6;
	v13 =	vperm.xlane v22, v8;
	v22, v25, _ =	vpop (xrf1)  }
0x3a: {  	v26 =	vld [tilespmem:s28+$0xFFFFFFF0];
	v23 =	vperm.xlane v23, v8;
	v12 =	vsel vm0, v22, v12;
	v15 =	vsel vm0, v25, v15  }
0x3b: {  	v22 =	vld [tilespmem:s28+$0xFFFFFFB0];
	v25, v27, _ =	vpop (xrf1);
	(xrf1) =	vsort.dscd.msk.f32 $0xffff, v12, v15  }
0x3c: {  	v12 =	vld [tilespmem:s28+$0xFFFFFFD0];
	v13 =	vsel vm0, v25, v13;
	v15 =	vsel vm0, v27, v23;
	(xrf1) =	vsort.dscd.msk.f32 $0xffff, v17, v4  }
0x3d: {  	v17 =	vld [tilespmem:s28+$0xFFFFFFE0];
	(xrf1) =	vsort.dscd.msk.f32 $0xffff, v13, v15  }
0x3e: {  	v13 =	vld [tilespmem:s28+$0xFFFFFF90];
	(xrf1) =	vsort.dscd.msk.f32 $0xffff, v24, v0  }
0x3f: {  	v15 =	vld [tilespmem:s28+$0xFFFFFFA0];
	(xrf1) =	vsort.dscd.msk.f32 $0xffff, v26, v7  }
0x40: {  	v23 =	vld [tilespmem:s28+$0xFFFFFFC0];
	v24, v25, _ =	vpop (xrf1);
	(xrf1) =	vsort.dscd.msk.f32 $0xffff, v22, v3  }
0x41: {  	v22 =	vld [tilespmem:s28+$0xFFFFFF80];
	(xrf1) =	vsort.dscd.msk.f32 $0xffff, v12, v5;
	v12, v26, _ =	vpop (xrf1)  }
0x42: {  	v10 =	vperm.xlane v10, v8;
	v11 =	vperm.xlane v11, v8;
	(xrf1) =	vsort.dscd.msk.f32 $0xffff, v17, v6;
	v17, v27, _ =	vpop (xrf1)  }
0x43: {  	(xrf1) =	vsort.dscd.msk.f32 $0xffff, v13, v1;
	v13, v28, _ =	vpop (xrf1)  }
0x44: {  	v10 =	vsel vm0, v14, v10;
	v11 =	vsel vm0, v16, v11;
	(xrf1) =	vsort.dscd.msk.f32 $0xffff, v15, v2;
	v14, v15, _ =	vpop (xrf1)  }
0x45: {  	v16 =	vperm.xlane v17, v8;
	v17 =	vperm.xlane v27, v8;
	(xrf1) =	vsort.dscd.msk.f32 $0xffff, v23, v4;
	v23, v27, _ =	vpop (xrf1)  }
0x46: {  	v15 =	vperm.xlane v15, v8;
	(xrf1) =	vsort.dscd.msk.f32 $0xffff, v22, v0;
	v22, v29, _ =	vpop (xrf1)  }
0x47: {  	v22 =	vperm.xlane v22, v8;
	v29 =	vperm.xlane v29, v8  }
0x48: {  	v14 =	vperm.xlane v14, v8  }
0x49: {  	(xrf1) =	vsort.dscd.msk.f32 $0xffff, v10, v11;
	v15 =	vsel vm0, v28, v15  }
0x4a: {  	v10, v11, _ =	vpop (xrf1);
	v13 =	vsel vm0, v13, v14;
	v14 =	vperm.xlane v23, v8;
	v23 =	vperm.xlane v27, v8  }
0x4b: {  	v10 =	vsel vm0, v10, v22;
	v11 =	vsel vm0, v11, v29;
	v22, v27, _ =	vpop (xrf1)  }
0x4c: {  	(xrf1) =	vsort.dscd.msk.f32 $0xffff, v10, v11;
	v28, v29, _ =	vpop (xrf1);
	v11 =	vperm.xlane v27, v8  }
0x4d: {  	v10 =	vperm.xlane v22, v8;
	(xrf1) =	vsort.dscd.msk.f32 $0xffff, v13, v15;
	v13, v15, _ =	vpop (xrf1)  }
0x4e: {  	v14 =	vsel vm0, v28, v14;
	v22 =	vsel vm0, v29, v23;
	v23, v27, _ =	vpop (xrf1);
	v11 =	vsel vm0, v15, v11  }
0x4f: {  	(xrf1) =	vsort.dscd.msk.f32 $0xffff, v14, v22;
	v14 =	vsel vm0, v27, v17  }
0x50: {  	v10 =	vsel vm0, v13, v10;
	v13 =	vsel vm0, v23, v16;
	v15, v16, _ =	vpop (xrf1)  }
0x51: {  	(xrf1) =	vsort.dscd.msk.f32 $0xffff, v10, v11;
	v10 =	vperm.xlane v20, v8;
	v16 =	vperm.xlane v16, v8;
	v11, v17, _ =	vpop (xrf1)  }
0x52: {  	s29 =	simm.s32 $0x280;
	(xrf1) =	vsort.dscd.msk.f32 $0xffff, v13, v14;
	v13 =	vperm.xlane v21, v8;
	v14, v20, _ =	vpop (xrf1)  }
0x53: {  	v15 =	vperm.xlane v15, v8;
	v10 =	vsel vm0, v18, v10;
	v18 =	vld [tilespmem:s29+$0x10];
	v21, v22, _ =	vpop (xrf1)  }
0x54: {  	v11 =	vperm.xlane v11, v8;
	v17 =	vperm.xlane v17, v8;
	v13 =	vsel vm0, v19, v13;
	v19 =	vld [tilespmem:s29+$0x20];
	v23, v27, _ =	vpop (xrf1)  }
0x55: {  	(xrf1) =	vsort.dscd.msk.f32 $0xffff, v10, v13;
	v10 =	vsel vm0, v21, v15;
	v13 =	vsel vm0, v22, v16;
	v15 =	vld [tilespmem:s29+$0x30];
	v16, v21, _ =	vpop (xrf1)  }
0x56: {  	(xrf1) =	vsort.dscd.msk.f32 $0xffff, v10, v13;
	v10 =	vld [tilespmem:s29+$0x50];
	v11 =	vsel vm0, v16, v11;
	v13 =	vsel vm0, v21, v17  }
0x57: {  	(xrf1) =	vsort.dscd.msk.f32 $0xffff, v11, v13  }
0x58: {  	v17, v21, _ =	vpop (xrf1);
	(xrf1) =	vsort.dscd.msk.f32 $0xffff, v18, v1  }
0x59: {  	v18, v22, _ =	vpop (xrf1);
	(xrf1) =	vsort.dscd.msk.f32 $0xffff, v19, v2  }
0x5a: {  	v16 =	vld [tilespmem:s29+$0x70];
	v19, v28, _ =	vpop (xrf1);
	(xrf1) =	vsort.dscd.msk.f32 $0xffff, v15, v3  }
0x5b: {  	v11 =	vld [tilespmem:s29+$0x60];
	(xrf1) =	vsort.dscd.msk.f32 $0xffff, v10, v5;
	v10, v13, _ =	vpop (xrf1)  }
0x5c: {  	v10 =	vperm.xlane v10, v8  }
0x5d: {  	v13 =	vperm.xlane v13, v8  }
0x5e: {  	v15 =	vld [tilespmem:s29+$0x40]  }
0x5f: {  	(xrf1) =	vsort.dscd.msk.f32 $0xffff, v16, v7;
	v16, v29, _ =	vpop (xrf1)  }
0x60: {  	v30 =	vld [tilespmem:s29+$0x0];
	(xrf1) =	vsort.dscd.msk.f32 $0xffff, v11, v6;
	v11 =	vperm.xlane v16, v8;
	v16, v31, _ =	vpop (xrf1)  }
0x61: {  	v32 =	vld [tilespmem:s29+$0xFFFFFFF0];
	v29 =	vperm.xlane v29, v8;
	v16 =	vsel vm0, v16, v10;
	v31 =	vsel vm0, v31, v13;
	v13, v10, _ =	vpop (xrf1)  }
0x62: {  	v33 =	vld [tilespmem:s29+$0xFFFFFFB0];
	(xrf1) =	vsort.dscd.msk.f32 $0xffff, v16, v31;
	v34, v35, _ =	vpop (xrf1)  }
0x63: {  	v16 =	vld [tilespmem:s29+$0xFFFFFFD0];
	(xrf1) =	vsort.dscd.msk.f32 $0xffff, v15, v4;
	v11 =	vsel vm0, v34, v11;
	v15 =	vsel vm0, v35, v29  }
0x64: {  	(xrf1) =	vsort.dscd.msk.f32 $0xffff, v11, v15  }
0x65: {  	v29 =	vld [tilespmem:s29+$0xFFFFFFE0];
	(xrf1) =	vsort.dscd.msk.f32 $0xffff, v30, v0  }
0x66: {  	v31, v63, _ =	vpop (xrf1);
	v15 =	vld [tilespmem:s29+$0xFFFFFF90];
	(xrf1) =	vsort.dscd.msk.f32 $0xffff, v32, v7  }
0x67: {  	v40 =	vperm.xlane v12, v8;
	v36, v12, _ =	vpop (xrf1);
	v30 =	vld [tilespmem:s29+$0xFFFFFFA0];
	(xrf1) =	vsort.dscd.msk.f32 $0xffff, v33, v3  }
0x68: {  	v41 =	vld [tilespmem:s29+$0xFFFFFFC0];
	(xrf1) =	vsort.dscd.msk.f32 $0xffff, v16, v5;
	v16 =	vperm.xlane v20, v8;
	v20 =	vperm.xlane v23, v8  }
0x69: {  	v37 =	vld [tilespmem:s29+$0xFFFFFF80];
	v24 =	vperm.xlane v24, v8;
	v42 =	vperm.xlane v14, v8;
	v14, v11, _ =	vpop (xrf1)  }
0x6a: {  	v25 =	vperm.xlane v25, v8;
	v26 =	vperm.xlane v26, v8;
	(xrf1) =	vsort.dscd.msk.f32 $0xffff, v29, v6;
	v23, v29, _ =	vpop (xrf1)  }
0x6b: {  	v27 =	vperm.xlane v27, v8;
	v17 =	vsel vm0, v17, v42;
	(xrf1) =	vsort.dscd.msk.f32 $0xffff, v15, v1;
	v15, v43, _ =	vpop (xrf1)  }
0x6c: {  	v16 =	vsel vm0, v21, v16;
	v18 =	vsel vm0, v18, v20;
	(xrf1) =	vsort.dscd.msk.f32 $0xffff, v30, v2;
	v20, v21, _ =	vpop (xrf1)  }
0x6d: {  	v23 =	vperm.xlane v23, v8;
	(xrf1) =	vsort.dscd.msk.f32 $0xffff, v41, v4;
	v30, v44, _ =	vpop (xrf1);
	v21 =	vperm.xlane v21, v8  }
0x6e: {  	v29 =	vperm.xlane v29, v8;
	v20 =	vperm.xlane v20, v8;
	(xrf1) =	vsort.dscd.msk.f32 $0xffff, v37, v0;
	v45, v38, _ =	vpop (xrf1)  }
0x6f: {  	v37 =	vperm.xlane v45, v8;
	v38 =	vperm.xlane v38, v8;
	v21 =	vsel vm0, v43, v21  }
0x70: {  	(xrf1) =	vsort.dscd.msk.f32 $0xffff, v17, v16;
	v16, v17, _ =	vpop (xrf1);
	v15 =	vsel vm0, v15, v20;
	v20 =	vperm.xlane v30, v8  }
0x71: {  	v30 =	vperm.xlane v44, v8;
	v47, v46, _ =	vpop (xrf1);
	v16 =	vsel vm0, v16, v37;
	v17 =	vsel vm0, v17, v38  }
0x72: {  	v48, v49, _ =	vpop (xrf1);
	(xrf1) =	vsort.dscd.msk.f32 $0xffff, v16, v17;
	v16 =	vperm.xlane v47, v8;
	v17 =	vperm.xlane v46, v8  }
0x73: {  	v20 =	vsel vm0, v48, v20;
	v30 =	vsel vm0, v49, v30;
	(xrf1) =	vsort.dscd.msk.f32 $0xffff, v15, v21;
	v15, v21, _ =	vpop (xrf1)  }
0x74: {  	v50, v51, _ =	vpop (xrf1);
	(xrf1) =	vsort.dscd.msk.f32 $0xffff, v20, v30;
	v15 =	vsel vm0, v15, v16;
	v16 =	vsel vm0, v21, v17  }
0x75: {  	v17 =	vsel vm0, v50, v23;
	v20 =	vsel vm0, v51, v29;
	v21, v23, _ =	vpop (xrf1);
	(xrf1) =	vsort.dscd.msk.f32 $0xffff, v15, v16  }
0x76: {  	v15 =	vsel vm0, v22, v27;
	v16 =	vsel vm0, v19, v24;
	v24 =	vsel vm0, v63, v26  }
0x77: {  	v19, v22, _ =	vpop (xrf1);
	(xrf1) =	vsort.dscd.msk.f32 $0xffff, v17, v20;
	v17 =	vsel vm0, v28, v25;
	v23 =	vperm.xlane v23, v8  }
0x78: {  	v25, v26, _ =	vpop (xrf1)  }
0x79: {  	v20 =	vsel vm0, v31, v40;
	v21 =	vperm.xlane v21, v8;
	(xrf1) =	vsort.dscd.msk.f32 $0xffff, v18, v15;
	v18, v27, _ =	vpop (xrf1)  }
0x7a: {  	s30 =	simm.s32 $0x380;
	v19 =	vperm.xlane v19, v8;
	v22 =	vperm.xlane v22, v8;
	(xrf1) =	vsort.dscd.msk.f32 $0xffff, v16, v17;
	v17, v28, _ =	vpop (xrf1)  }
0x7b: {  	v15 =	vld [tilespmem:s30+$0x10];
	v18 =	vsel vm0, v18, v21;
	v21 =	vsel vm0, v27, v23;
	(xrf1) =	vsort.dscd.msk.f32 $0xffff, v20, v24;
	v23, v24, _ =	vpop (xrf1)  }
0x7c: {  	v16 =	vld [tilespmem:s30+$0x20];
	(xrf1) =	vsort.dscd.msk.f32 $0xffff, v18, v21;
	v21 =	vsel vm0, v24, v22  }
0x7d: {  	v20 =	vld [tilespmem:s30+$0x30];
	v19 =	vsel vm0, v23, v19  }
0x7e: {  	v18 =	vld [tilespmem:s30+$0x50]  }
0x7f: {  	v22 =	vld [tilespmem:s30+$0x70];
	(xrf1) =	vsort.dscd.msk.f32 $0xffff, v19, v21  }
0x80: {  	v23 =	vld [tilespmem:s30+$0x60];
	v19, v21, _ =	vpop (xrf1);
	(xrf1) =	vsort.dscd.msk.f32 $0xffff, v15, v1  }
0x81: {  	v15, v24, _ =	vpop (xrf1);
	(xrf1) =	vsort.dscd.msk.f32 $0xffff, v16, v2  }
0x82: {  	v16, v27, _ =	vpop (xrf1);
	(xrf1) =	vsort.dscd.msk.f32 $0xffff, v20, v3  }
0x83: {  	v20 =	vld [tilespmem:s30+$0x40];
	(xrf1) =	vsort.dscd.msk.f32 $0xffff, v18, v5;
	v18, v29, _ =	vpop (xrf1)  }
0x84: {  	(xrf1) =	vsort.dscd.msk.f32 $0xffff, v22, v7;
	v18 =	vperm.xlane v18, v8;
	v22 =	vperm.xlane v29, v8;
	v29, v30, _ =	vpop (xrf1)  }
0x85: {  	v31 =	vld [tilespmem:s30+$0x0];
	(xrf1) =	vsort.dscd.msk.f32 $0xffff, v23, v6;
	v23 =	vperm.xlane v29, v8;
	v29, v52, _ =	vpop (xrf1)  }
0x86: {  	v53 =	vld [tilespmem:s30+$0xFFFFFFF0];
	v30 =	vperm.xlane v30, v8;
	v18 =	vsel vm0, v29, v18;
	v22 =	vsel vm0, v52, v22;
	v29, v54, _ =	vpop (xrf1)  }
0x87: {  	v55 =	vld [tilespmem:s30+$0xFFFFFFB0];
	v26 =	vperm.xlane v26, v8;
	v57, v56, _ =	vpop (xrf1);
	(xrf1) =	vsort.dscd.msk.f32 $0xffff, v18, v22  }
0x88: {  	v18 =	vld [tilespmem:s30+$0xFFFFFFD0];
	(xrf1) =	vsort.dscd.msk.f32 $0xffff, v20, v4;
	v20 =	vsel vm0, v57, v23;
	v22 =	vsel vm0, v56, v30  }
0x89: {  	v23 =	vld [tilespmem:s30+$0xFFFFFFE0];
	(xrf1) =	vsort.dscd.msk.f32 $0xffff, v20, v22  }
0x8a: {  	v17 =	vperm.xlane v17, v8;
	v28 =	vperm.xlane v28, v8;
	v22 =	vld [tilespmem:s30+$0xFFFFFF90];
	v30, v58, _ =	vpop (xrf1);
	(xrf1) =	vsort.dscd.msk.f32 $0xffff, v31, v0  }
0x8b: {  	v31 =	vld [tilespmem:s30+$0xFFFFFFA0];
	v60, v59, _ =	vpop (xrf1);
	(xrf1) =	vsort.dscd.msk.f32 $0xffff, v53, v7  }
0x8c: {  	v25 =	vperm.xlane v25, v8;
	v20 =	vperm.xlane v36, v8;
	v63, v62, _ =	vpop (xrf1);
	(xrf1) =	vsort.dscd.msk.f32 $0xffff, v55, v3  }
0x8d: {  	v61 =	vld [tilespmem:s30+$0xFFFFFFC0];
	v12 =	vperm.xlane v12, v8;
	v21 =	vsel vm0, v21, v26;
	(xrf1) =	vsort.dscd.msk.f32 $0xffff, v18, v5;
	v18, v26, _ =	vpop (xrf1)  }
0x8e: {  	v19 =	vsel vm0, v19, v25;
	v25 =	vld [tilespmem:s30+$0xFFFFFF80];
	v15 =	vsel vm0, v15, v17;
	(xrf1) =	vsort.dscd.msk.f32 $0xffff, v23, v6;
	v17, v23, _ =	vpop (xrf1)  }
0x8f: {  	v14 =	vperm.xlane v14, v8;
	v24 =	vsel vm0, v24, v28;
	(xrf1) =	vsort.dscd.msk.f32 $0xffff, v22, v1;
	v22, v28, _ =	vpop (xrf1)  }
0x90: {  	v16 =	vsel vm0, v16, v20;
	(xrf1) =	vsort.dscd.msk.f32 $0xffff, v31, v2;
	v20, v31, _ =	vpop (xrf1)  }
0x91: {  	v12 =	vsel vm0, v27, v12;
	v14 =	vsel vm0, v30, v14;
	v27, v30, _ =	vpop (xrf1)  }
0x92: {  	(xrf1) =	vsort.dscd.msk.f32 $0xffff, v61, v4;
	v30 =	vperm.xlane v30, v8  }
0x93: {  	(xrf1) =	vsort.dscd.msk.f32 $0xffff, v25, v0;
	v25, v39, _ =	vpop (xrf1)  }
0x94: {  	v27 =	vperm.xlane v27, v8;
	(xrf1) =	vsort.dscd.msk.f32 $0xffff, v19, v21;
	v19, v21, _ =	vpop (xrf1)  }
0x95: {  	v21 =	vperm.xlane v21, v8  }
0x96: {  	v19 =	vperm.xlane v19, v8;
	v20 =	vsel vm0, v20, v27;
	v27 =	vsel vm0, v31, v30;
	v30, v31, _ =	vpop (xrf1)  }
0x97: {  	v25 =	vperm.xlane v25, v8;
	v21 =	vsel vm0, v31, v21  }
0x98: {  	v19 =	vsel vm0, v30, v19;
	_ =	sdelay $0x1  }
0x99: {  	v28 =	vperm.xlane v28, v8;
	v30, v31, _ =	vpop (xrf1)  }
0x9a: {  	v33 =	vperm.xlane v39, v8;
	(xrf1) =	vsort.dscd.msk.f32 $0xffff, v19, v21;
	v30 =	vperm.xlane v30, v8;
	v19, v21, _ =	vpop (xrf1)  }
0x9b: {  	v31 =	vperm.xlane v31, v8;
	(xrf1) =	vsort.dscd.msk.f32 $0xffff, v20, v27;
	v19 =	vsel vm0, v19, v25;
	v20, v25, _ =	vpop (xrf1)  }
0x9c: {  	v22 =	vperm.xlane v22, v8;
	v21 =	vsel vm0, v21, v33;
	v27, v40, _ =	vpop (xrf1)  }
0x9d: {  	(xrf1) =	vsort.dscd.msk.f32 $0xffff, v19, v21;
	v19 =	vsel vm0, v20, v30;
	v20 =	vsel vm0, v25, v31  }
0x9e: {  	v21 =	vsel vm0, v27, v22;
	v22 =	vsel vm0, v40, v28;
	(xrf1) =	vsort.dscd.msk.f32 $0xffff, v19, v20;
	v25, v27, _ =	vpop (xrf1)  }
0x9f: {  	v11 =	vperm.xlane v11, v8;
	(xrf1) =	vsort.dscd.msk.f32 $0xffff, v21, v22;
	v28, v30, _ =	vpop (xrf1);
	v22 =	vperm.xlane v27, v8  }
0xa0: {  	v20 =	vperm.xlane v59, v8;
	v21 =	vperm.xlane v25, v8;
	v25, v27, _ =	vpop (xrf1)  }
0xa1: {  	v13 =	vperm.xlane v13, v9;
	(xrf1) =	vsort.dscd.msk.f32 $0xffff, v15, v24;
	v24 =	vperm.xlane v30, v8;
	v30, v31, _ =	vpop (xrf1)  }
0xa2: {  	s31 =	simm.s32 $0x480;
	v11 =	vsel vm0, v58, v11;
	v19 =	vperm.xlane v60, v8;
	v15 =	vperm.xlane v28, v8  }
0xa3: {  	v28 =	vld [tilespmem:s31+$0x10];
	(xrf1) =	vsort.dscd.msk.f32 $0xffff, v16, v12;
	v16 =	vsel vm0, v30, v21;
	v21 =	vsel vm0, v31, v22;
	v22, v30, _ =	vpop (xrf1)  }
0xa4: {  	v12 =	vld [tilespmem:s31+$0x20];
	(xrf1) =	vsort.dscd.msk.f32 $0xffff, v14, v11;
	v11 =	vsel vm0, v63, v19;
	v14 =	vsel vm0, v62, v20;
	v20, v31, _ =	vpop (xrf1)  }
0xa5: {  	v19 =	vld [tilespmem:s31+$0x30];
	(xrf1) =	vsort.dscd.msk.f32 $0xffff, v16, v21;
	v15 =	vsel vm0, v20, v15;
	v20 =	vsel vm0, v31, v24  }
0xa6: {  	v16 =	vld [tilespmem:s31+$0x50];
	(xrf1) =	vsort.dscd.msk.f32 $0xffff, v11, v14  }
0xa7: {  	v11 =	vperm.xlane v29, v9;
	v14 =	vld [tilespmem:s31+$0x70];
	(xrf1) =	vsort.dscd.msk.f32 $0xffff, v15, v20  }
0xa8: {  	v24 =	vsel vm0, v10, v13;
	v10, v13, _ =	vpop (xrf1);
	v15 =	vld [tilespmem:s31+$0x60];
	(xrf1) =	vsort.dscd.msk.f32 $0xffff, v28, v1  }
0xa9: {  	v28 =	vsel vm0, v54, v11;
	v11 =	vperm.xlane v18, v8;
	v18, v20, _ =	vpop (xrf1);
	(xrf1) =	vsort.dscd.msk.f32 $0xffff, v12, v2  }
0xaa: {  	v21 =	vperm.xlane v17, v8;
	v12 =	vperm.xlane v26, v8;
	v17, v26, _ =	vpop (xrf1);
	(xrf1) =	vsort.dscd.msk.f32 $0xffff, v19, v3  }
0xab: {  	v19 =	vperm.xlane v23, v8;
	v23 =	vperm.xlane v25, v8;
	(xrf1) =	vsort.dscd.msk.f32 $0xffff, v16, v5;
	v16, v29, _ =	vpop (xrf1)  }
0xac: {  	v25 =	vld [tilespmem:s31+$0x40];
	(xrf1) =	vsort.dscd.msk.f32 $0xffff, v14, v7;
	v14 =	vperm.xlane v16, v8;
	v16 =	vperm.xlane v29, v8;
	v29, v31, _ =	vpop (xrf1)  }
0xad: {  	v27 =	vperm.xlane v27, v8;
	(xrf1) =	vsort.dscd.msk.f32 $0xffff, v15, v6;
	v15 =	vperm.xlane v29, v8;
	v29, v42, _ =	vpop (xrf1)  }
0xae: {  	v41 =	vld [tilespmem:s31+$0x0];
	v31 =	vperm.xlane v31, v8;
	v14 =	vsel vm0, v29, v14;
	v29, v44, _ =	vpop (xrf1)  }
0xaf: {  	v43 =	vld [tilespmem:s31+$0xFFFFFFF0];
	v16 =	vsel vm0, v42, v16;
	v46, v47, _ =	vpop (xrf1)  }
0xb0: {  	v45 =	vld [tilespmem:s31+$0xFFFFFFB0];
	v22 =	vperm.xlane v22, v8;
	(xrf1) =	vsort.dscd.msk.f32 $0xffff, v14, v16;
	v15 =	vsel vm0, v46, v15  }
0xb1: {  	v30 =	vperm.xlane v30, v8;
	v14 =	vld [tilespmem:s31+$0xFFFFFFD0];
	(xrf1) =	vsort.dscd.msk.f32 $0xffff, v25, v4;
	v16 =	vsel vm0, v47, v31  }
0xb2: {  	v23 =	vsel vm0, v10, v23;
	v25 =	vsel vm0, v13, v27;
	v13 =	vld [tilespmem:s31+$0xFFFFFFE0];
	v10, v27, _ =	vpop (xrf1);
	(xrf1) =	vsort.dscd.msk.f32 $0xffff, v15, v16  }
0xb3: {  	v22 =	vsel vm0, v18, v22;
	v30 =	vsel vm0, v20, v30;
	v20 =	vld [tilespmem:s31+$0xFFFFFF90];
	(xrf1) =	vsort.dscd.msk.f32 $0xffff, v41, v0;
	v15, v31, _ =	vpop (xrf1)  }
0xb4: {  	v16 =	vsel vm0, v17, v11;
	v11 =	vperm.xlane v29, v9;
	v29 =	vld [tilespmem:s31+$0xFFFFFFA0];
	v49, v48, _ =	vpop (xrf1);
	(xrf1) =	vsort.dscd.msk.f32 $0xffff, v43, v7  }
0xb5: {  	v17 =	vsel vm0, v26, v12;
	v26 =	vld [tilespmem:s31+$0xFFFFFFC0];
	v18 =	vsel vm0, v10, v21;
	v12, v21, _ =	vpop (xrf1);
	(xrf1) =	vsort.dscd.msk.f32 $0xffff, v45, v3  }
0xb6: {  	v50 =	vld [tilespmem:s31+$0xFFFFFF80];
	v19 =	vsel vm0, v27, v19;
	v27, v10, _ =	vpop (xrf1);
	(xrf1) =	vsort.dscd.msk.f32 $0xffff, v14, v5  }
0xb7: {  	v33 =	vsel vm0, v44, v11;
	v52, v51, _ =	vpop (xrf1);
	(xrf1) =	vsort.dscd.msk.f32 $0xffff, v13, v6  }
0xb8: {  	v11 =	vperm.xlane v15, v8;
	v15 =	vperm.xlane v21, v8;
	v21, v53, _ =	vpop (xrf1);
	(xrf1) =	vsort.dscd.msk.f32 $0xffff, v20, v1  }
0xb9: {  	v54, v55, _ =	vpop (xrf1);
	(xrf1) =	vsort.dscd.msk.f32 $0xffff, v29, v2  }
0xba: {  	v31 =	vperm.xlane v31, v8;
	v13 =	vperm.xlane v27, v9;
	v27, v29, _ =	vpop (xrf1);
	(xrf1) =	vsort.dscd.msk.f32 $0xffff, v26, v4  }
0xbb: {  	(xrf1) =	vsort.dscd.msk.f32 $0xffff, v50, v0;
	v58, v57, _ =	vpop (xrf1)  }
0xbc: {  	(xrf1) =	vsort.dscd.msk.f32 $0xffff, v23, v25;
	v23, v25, _ =	vpop (xrf1)  }
0xbd: {  	v26 =	vperm.xlane v21, v8;
	v25 =	vperm.xlane v25, v8  }
0xbe: {  	v21 =	vsel vm0, v48, v31;
	v29 =	vperm.xlane v29, v8;
	v23 =	vperm.xlane v23, v8;
	v31, v59, _ =	vpop (xrf1)  }
0xbf: {  	v27 =	vperm.xlane v27, v8;
	v25 =	vsel vm0, v59, v25  }
0xc0: {  	v29 =	vsel vm0, v55, v29;
	v23 =	vsel vm0, v31, v23  }
0xc1: {  	v27 =	vsel vm0, v54, v27  }
0xc2: {  	v34 =	vperm.xlane v58, v8;
	v60 =	vperm.xlane v57, v8;
	v31, v61, _ =	vpop (xrf1)  }
0xc3: {  	(xrf1) =	vsort.dscd.msk.f32 $0xffff, v23, v25;
	v31 =	vperm.xlane v31, v8;
	v32 =	vperm.xlane v61, v8;
	v23, v25, _ =	vpop (xrf1)  }
0xc4: {  	(xrf1) =	vsort.dscd.msk.f32 $0xffff, v27, v29;
	v23 =	vsel vm0, v23, v34;
	v25 =	vsel vm0, v25, v60;
	v27, v29, _ =	vpop (xrf1)  }
0xc5: {  	s11 =	simm.s32 $0x8080;
	v63, v62, _ =	vpop (xrf1);
	(xrf1) =	vsort.dscd.msk.f32 $0xffff, v23, v25;
	v25 =	vsel vm0, v29, v32  }
0xc6: {  	[tilespmem:s11+$0x0] =	vst v24;
	v56 =	vperm.xlane v53, v8;
	v23 =	vsel vm0, v27, v31;
	v24 =	vsel vm0, v63, v26  }
0xc7: {  	v14 =	vperm.xlane v12, v8;
	v20 =	vsel vm0, v49, v11;
	v12 =	vperm.xlane v52, v8  }
0xc8: {  	s10 =	simm.s32 $0x8180;
	v11 =	vperm.xlane v51, v8;
	v26 =	vsel vm0, v62, v56;
	v27, v29, _ =	vpop (xrf1);
	(xrf1) =	vsort.dscd.msk.f32 $0xffff, v23, v25  }
0xc9: {  	s9 =	simm.s32 $0x8280;
	[tilespmem:s10+$0x0] =	vst v28;
	v28 =	vperm.xlane v27, v8;
	v29 =	vperm.xlane v29, v8;
	(xrf1) =	vsort.dscd.msk.f32 $0xffff, v24, v26;
	v23, v25, _ =	vpop (xrf1)  }
0xca: {  	s12 =	simm.s32 $0x8;
	s13 =	simm.s32 $0x580;
	[tilespmem:s9+$0x0] =	vst v33;
	(xrf1) =	vsort.dscd.msk.f32 $0xffff, v22, v30;
	v26 =	vperm.xlane v23, v8;
	v27 =	vperm.xlane v25, v8;
	v25, v24, _ =	vpop (xrf1)  }
.LBB2_2:
0xcb: {  	v22 =	vld [tilespmem:s13+$0x10];
	v32 =	vperm.xlane v25, v8;
	v24 =	vperm.xlane v24, v8;
	v25, v30, _ =	vpop (xrf1);
	(xrf1) =	vsort.dscd.msk.f32 $0xffff, v16, v17  }
0xcc: {  	v16 =	vld [tilespmem:s13+$0x20];
	v17 =	vsel vm0, v25, v28;
	v25 =	vsel vm0, v30, v29;
	v28, v29, _ =	vpop (xrf1);
	(xrf1) =	vsort.dscd.msk.f32 $0xffff, v18, v19  }
0xcd: {  	v18 =	vld [tilespmem:s13+$0x30];
	v33 =	vperm.xlane v28, v8;
	v28 =	vperm.xlane v29, v8;
	v31, v30, _ =	vpop (xrf1);
	(xrf1) =	vsort.dscd.msk.f32 $0xffff, v17, v25  }
0xce: {  	v25 =	vld [tilespmem:s13+$0x50];
	v31 =	vsel vm0, v31, v26;
	v26 =	vsel vm0, v30, v27;
	v27, v29, _ =	vpop (xrf1);
	(xrf1) =	vsort.dscd.msk.f32 $0xffff, v20, v21  }
0xcf: {  	s12 =	sadd.s32 $0x2, s12;
	v20 =	vld [tilespmem:s13+$0x70];
	v27 =	vsel vm0, v27, v32;
	v24 =	vsel vm0, v29, v24;
	v21, v23, _ =	vpop (xrf1);
	(xrf1) =	vsort.dscd.msk.f32 $0xffff, v31, v26  }
0xd0: {  	p0 =	slt.u32 s12, $0xFE;
	v26 =	vld [tilespmem:s13+$0x60];
	(xrf1) =	vsort.dscd.msk.f32 $0xffff, v22, v1;
	v22 =	vsel vm0, v21, v33;
	v23 =	vsel vm0, v23, v28;
	v17, v19, _ =	vpop (xrf1)  }
0xd1: {  	v21 =	vld [tilespmem:s13+$0xFFFFFFF0];
	(xrf1) =	vsort.dscd.msk.f32 $0xffff, v16, v2;
	v16 =	vsel vm0, v17, v14;
	v17 =	vsel vm0, v19, v15  }
0xd2: {  	v10 =	vsel vm0, v10, v13;
	v14 =	vld [tilespmem:s13+$0xFFFFFFB0];
	(xrf1) =	vsort.dscd.msk.f32 $0xffff, v18, v3  }
0xd3: {  	v13 =	vld [tilespmem:s13+$0x40];
	(xrf1) =	vsort.dscd.msk.f32 $0xffff, v25, v5;
	v15, v18, _ =	vpop (xrf1);
	[tilespmem:s11+$0xFFFFFF80] =	vst v10;
	s11 =	smov.u32 s10;
	s10 =	smov.u32 s9  }
0xd4: {  	v25 =	vld [tilespmem:s13+$0xFFFFFFD0];
	(xrf1) =	vsort.dscd.msk.f32 $0xffff, v20, v7;
	v10 =	vperm.xlane v15, v8;
	v15 =	vperm.xlane v18, v8;
	v18, v19, _ =	vpop (xrf1)  }
0xd5: {  	v20 =	vld [tilespmem:s13+$0x0];
	(xrf1) =	vsort.dscd.msk.f32 $0xffff, v26, v6;
	v35 =	vperm.xlane v18, v8;
	v26, v28, _ =	vpop (xrf1)  }
0xd6: {  	v33 =	vperm.xlane v19, v8;
	v29 =	vld [tilespmem:s13+$0xFFFFFFE0];
	v10 =	vsel vm0, v26, v10;
	v15 =	vsel vm0, v28, v15;
	v26, v28, _ =	vpop (xrf1)  }
0xd7: {  	v31, v32, _ =	vpop (xrf1);
	(xrf1) =	vsort.dscd.msk.f32 $0xffff, v10, v15;
	v10 =	vperm.xlane v26, v9  }
0xd8: {  	v30 =	vld [tilespmem:s13+$0xFFFFFF90];
	v15 =	vsel vm0, v32, v33  }
0xd9: {  	v26 =	vld [tilespmem:s13+$0xFFFFFFA0];
	(xrf1) =	vsort.dscd.msk.f32 $0xffff, v13, v4;
	v34 =	vsel vm0, v31, v35;
	v18, v19, _ =	vpop (xrf1);
	v10 =	vsel vm0, v28, v10  }
0xda: {  	s9 =	sadd.s32 $0x100, s9;
	v31 =	vld [tilespmem:s13+$0xFFFFFFC0];
	(xrf1) =	vsort.dscd.msk.f32 $0xffff, v34, v15;
	v18 =	vsel vm0, v18, v12;
	v12, v13, _ =	vpop (xrf1)  }
0xdb: {  	v19 =	vsel vm0, v19, v11;
	v28 =	vld [tilespmem:s13+$0xFFFFFF80];
	(xrf1) =	vsort.dscd.msk.f32 $0xffff, v20, v0;
	[tilespmem:s9+$0x0] =	vst v10;
	v11 =	vperm.xlane v12, v8;
	v12, v32, _ =	vpop (xrf1)  }
0xdc: {  	v10, v15, _ =	vpop (xrf1)  }
0xdd: {  	v13 =	vperm.xlane v13, v8;
	(xrf1) =	vsort.dscd.msk.f32 $0xffff, v21, v7  }
0xde: {  	(xrf1) =	vsort.dscd.msk.f32 $0xffff, v14, v3;
	v14 =	vperm.xlane v10, v8;
	v15 =	vperm.xlane v15, v8;
	v33, v10, _ =	vpop (xrf1)  }
0xdf: {  	v20 =	vsel vm0, v12, v11;
	v21 =	vsel vm0, v32, v13;
	(xrf1) =	vsort.dscd.msk.f32 $0xffff, v25, v5;
	v25, v34, _ =	vpop (xrf1)  }
0xe0: {  	(xrf1) =	vsort.dscd.msk.f32 $0xffff, v29, v6;
	v29, v32, _ =	vpop (xrf1);
	v12 =	vperm.xlane v25, v8;
	v11 =	vperm.xlane v34, v8  }
0xe1: {  	v13 =	vperm.xlane v33, v9;
	(xrf1) =	vsort.dscd.msk.f32 $0xffff, v30, v1;
	v25, v30, _ =	vpop (xrf1)  }
0xe2: {  	(xrf1) =	vsort.dscd.msk.f32 $0xffff, v26, v2;
	v26, v33, _ =	vpop (xrf1)  }
0xe3: {  	v29 =	vperm.xlane v29, v8;
	v32 =	vperm.xlane v32, v8;
	(xrf1) =	vsort.dscd.msk.f32 $0xffff, v31, v4;
	v31, v34, _ =	vpop (xrf1)  }
0xe4: {  	v26 =	vperm.xlane v26, v8;
	v38 =	vperm.xlane v33, v8;
	(xrf1) =	vsort.dscd.msk.f32 $0xffff, v28, v0;
	v28, v35, _ =	vpop (xrf1)  }
0xe5: {  	v28 =	vperm.xlane v28, v8;
	v39 =	vperm.xlane v35, v8;
	v36, v37, _ =	vpop (xrf1);
	(xrf1) =	vsort.dscd.msk.f32 $0xffff, v27, v24  }
0xe6: {  	v24 =	vsel vm0, v25, v26;
	v25 =	vperm.xlane v31, v8;
	v26 =	vperm.xlane v34, v8  }
0xe7: {  	v38 =	vsel vm0, v30, v38;
	v28 =	vsel vm0, v36, v28;
	v30 =	vsel vm0, v37, v39;
	v31, v33, _ =	vpop (xrf1)  }
0xe8: {  	v34, v35, _ =	vpop (xrf1);
	(xrf1) =	vsort.dscd.msk.f32 $0xffff, v28, v30;
	v36 =	vperm.xlane v31, v8;
	v30 =	vperm.xlane v33, v8  }
.Ltmp0:
0xe9: {  	v37 =	vsel vm0, v34, v25;
	v26 =	vsel vm0, v35, v26;
	(xrf1) =	vsort.dscd.msk.f32 $0xffff, v24, v38;
	v24, v27, _ =	vpop (xrf1);
	(pc) =	sbr.rel @p0 .LBB2_2-.Ltmp0, $4  }
0xea: {  	v31, v33, _ =	vpop (xrf1);
	(xrf1) =	vsort.dscd.msk.f32 $0xffff, v37, v26;
	v35 =	vsel vm0, v24, v36;
	v34 =	vsel vm0, v27, v30  }
0xeb: {  	v26 =	vsel vm0, v31, v29;
	v27 =	vsel vm0, v33, v32;
	v28, v29, _ =	vpop (xrf1);
	(xrf1) =	vsort.dscd.msk.f32 $0xffff, v35, v34  }
0xec: {  	v28 =	vperm.xlane v28, v8;
	v29 =	vperm.xlane v29, v8;
	v30, v25, _ =	vpop (xrf1);
	(xrf1) =	vsort.dscd.msk.f32 $0xffff, v26, v27  }
0xed: {  	s13 =	sadd.s32 $0x100, s13;
	v26 =	vperm.xlane v30, v8;
	v27 =	vperm.xlane v25, v8;
	v25, v24, _ =	vpop (xrf1);
	(xrf1) =	vsort.dscd.msk.f32 $0xffff, v22, v23  }
0xee: {  	_ =	sdelay $0x1  }
0xef: {  	v22, v23, _ =	vpop (xrf1)  }
0xf0: {  	v30, v31, _ =	vpop (xrf1)  }
0xf1: {  	v32, v33, _ =	vpop (xrf1)  }
0xf2: {  	v34, v35, _ =	vpop (xrf1)  }
0xf3: {  	(xrf1) =	vsort.dscd.msk.f32 $0xffff, v16, v17;
	v16, v17, _ =	vpop (xrf1)  }
0xf4: {  	v22 =	vsel vm0, v22, v28;
	v23 =	vsel vm0, v23, v29;
	(xrf1) =	vsort.dscd.msk.f32 $0xffff, v18, v19;
	v18, v19, _ =	vpop (xrf1)  }
0xf5: {  	v40 =	vsel vm0, v32, v26;
	v41 =	vsel vm0, v33, v27;
	(xrf1) =	vsort.dscd.msk.f32 $0xffff, v22, v23;
	v42, v43, _ =	vpop (xrf1)  }
0xf6: {  	(xrf1) =	vsort.dscd.msk.f32 $0xffff, v20, v21;
	v44 =	vperm.xlane v42, v8;
	v45 =	vperm.xlane v43, v8;
	v46, v47, _ =	vpop (xrf1)  }
0xf7: {  	(xrf1) =	vsort.dscd.msk.f32 $0xffff, v40, v41;
	v48 =	vperm.xlane v46, v8;
	v49, v50, _ =	vpop (xrf1)  }
0xf8: {  	v27 =	vperm.xlane v47, v8;
	v20 =	vsel vm0, v49, v44;
	v21 =	vsel vm0, v50, v45;
	v23, v26, _ =	vpop (xrf1)  }
0xf9: {  	v51, v52, _ =	vpop (xrf1);
	(xrf1) =	vsort.dscd.msk.f32 $0xffff, v20, v21  }
0xfa: {  	v53 =	vsel vm0, v51, v48;
	v54 =	vsel vm0, v52, v27  }
0xfb: {  	(xrf1) =	vsort.dscd.msk.f32 $0xffff, v53, v54;
	_ =	sdelay $0x5  }
0xfc: {  	v20, v21, _ =	vpop (xrf1)  }
0xfd: {  	v55, v56, _ =	vpop (xrf1)  }
0xfe: {  	v57, v58, _ =	vpop (xrf1)  }
0xff: {  	v59, v60, _ =	vpop (xrf1)  }
0x100: {  	v36, v37, _ =	vpop (xrf1)  }
0x101: {  	v25 =	vperm.xlane v25, v8;
	v38, v39, _ =	vpop (xrf1)  }
0x102: {  	v24 =	vperm.xlane v24, v8;
	v30 =	vperm.xlane v30, v8;
	v40, v41, _ =	vpop (xrf1)  }
0x103: {  	v40 =	vperm.xlane v40, v8;
	v41 =	vperm.xlane v41, v8  }
0x104: {  	v31 =	vperm.xlane v31, v8;
	v25 =	vsel vm0, v34, v25;
	v24 =	vsel vm0, v35, v24;
	v61, v62, _ =	vpop (xrf1)  }
0x105: {  	(xrf1) =	vsort.dscd.msk.f32 $0xffff, v25, v24;
	v63 =	vsel vm0, v61, v40;
	v34 =	vsel vm0, v62, v41  }
0x106: {  	v16 =	vsel vm0, v16, v30;
	v17 =	vsel vm0, v17, v31;
	(xrf1) =	vsort.dscd.msk.f32 $0xffff, v63, v34  }
0x107: {  	(xrf1) =	vsort.dscd.msk.f32 $0xffff, v16, v17;
	_ =	sdelay $0x6  }
0x108: {  	v40 =	vperm.xlane v56, v8  }
0x109: {  	v12 =	vsel vm0, v20, v12;
	v35 =	vperm.xlane v55, v8  }
0x10a: {  	v11 =	vsel vm0, v21, v11;
	v17 =	vsel vm0, v58, v40  }
0x10b: {  	v14 =	vsel vm0, v18, v14;
	v15 =	vsel vm0, v19, v15;
	v16 =	vsel vm0, v57, v35  }
0x10c: {  	v42 =	vperm.xlane v60, v8;
	v41 =	vperm.xlane v59, v8;
	(xrf1) =	vsort.dscd.msk.f32 $0xffff, v14, v15  }
0x10d: {  	v43 =	vperm.xlane v38, v8;
	v44 =	vperm.xlane v39, v8;
	(xrf1) =	vsort.dscd.msk.f32 $0xffff, v12, v11;
	v11, v12, _ =	vpop (xrf1)  }
0x10e: {  	(xrf1) =	vsort.dscd.msk.f32 $0xffff, v16, v17;
	v11 =	vsel vm0, v11, v41;
	v12 =	vsel vm0, v12, v42;
	v16, v17, _ =	vpop (xrf1)  }
0x10f: {  	(xrf1) =	vsort.dscd.msk.f32 $0xffff, v11, v12;
	v45, v46, _ =	vpop (xrf1)  }
0x110: {  	v11 =	vsel vm0, v45, v43;
	v47 =	vsel vm0, v46, v44  }
0x111: {  	(xrf1) =	vsort.dscd.msk.f32 $0xffff, v11, v47;
	_ =	sdelay $0x8  }
0x112: {  	v11, v12, _ =	vpop (xrf1)  }
0x113: {  	v48, v49, _ =	vpop (xrf1)  }
0x114: {  	v50, v51, _ =	vpop (xrf1)  }
0x115: {  	v11 =	vperm.xlane v11, v8;
	v12 =	vperm.xlane v12, v8;
	v52, v53, _ =	vpop (xrf1)  }
0x116: {  	v20 =	vperm.xlane v52, v8;
	v21 =	vperm.xlane v53, v8  }
0x117: {  	v11 =	vsel vm0, v48, v11;
	v12 =	vsel vm0, v49, v12;
	v54, v55, _ =	vpop (xrf1)  }
0x118: {  	(xrf1) =	vsort.dscd.msk.f32 $0xffff, v11, v12;
	v11 =	vsel vm0, v54, v20;
	v56 =	vsel vm0, v55, v21  }
0x119: {  	(xrf1) =	vsort.dscd.msk.f32 $0xffff, v11, v56;
	_ =	sdelay $0x9  }
0x11a: {  	v11 =	vperm.xlane v23, v9  }
0x11b: {  	v10 =	vsel vm0, v10, v13;
	v57 =	vperm.xlane v36, v9  }
0x11c: {  	s30 =	sadd.s32 $0x100, s9;
	[tilespmem:s11+$0xFFFFFF80] =	vst v10;
	v10 =	vsel vm0, v26, v11;
	v11 =	vperm.xlane v16, v9  }
0x11d: {  	v58 =	vperm.xlane v50, v9;
	[tilespmem:s30+$0x0] =	vst v10;
	v10 =	vsel vm0, v37, v57;
	v60, v59, _ =	vpop (xrf1)  }
0x11e: {  	s31 =	sadd.s32 $0x100, s30;
	[tilespmem:s10+$0xFFFFFF80] =	vst v10;
	v10 =	vsel vm0, v17, v11;
	v11 =	vperm.xlane v60, v9;
	v62, v61, _ =	vpop (xrf1)  }
0x11f: {  	[tilespmem:s31+$0x0] =	vst v10;
	v10 =	vsel vm0, v51, v58;
	v63 =	vperm.xlane v62, v9  }
0x120: {  	s8 =	sadd.s32 $0x1, s8;
	[tilespmem:s9+$0xFFFFFF80] =	vst v10;
	v10 =	vsel vm0, v59, v11  }
0x121: {  	p0 =	sne.s32 s8, s5;
	[tilespmem:s30+$0xFFFFFF80] =	vst v10;
	v10 =	vsel vm0, v61, v63  }
.Ltmp1:
0x122: {  	[tilespmem:s31+$0xFFFFFF80] =	vst v10;
	(pc) =	sbr.rel @p0 .LBB2_1-.Ltmp1, $4  }
0x123: {  	[hbm4b:s4+s2] =	stream.linear.scatter [tilespmem:s7], [sflag:$0x1], $0x8000, $0x38;
	[tilespmem:$0x10000] =	vst v63  }
0x124: {  	_ =	swait.ge [sflag:s6], $0x8000  }
0x125: {  	[sflag:s6] =	ssyncset.done $0x0  }
0x126: {  	[sflag:s6] =	ssyncadd.s32 $0xFFFF8000  }
0x127: {  	_ =	sfence.sel $0x180000  }
0x128: {  	[bflag:$0x0] =	sbarrier.arrive $0xFFFF  }
0x129: {  	p0 =	sne.s32 s1, $0x0;
	_ =	strace $0x90000050  }
0x12a: {  	s0 =	sadd.s32 @!p0 $0x100000, s0;
	[bflag:$0x2] =	sbarrier.arrive $0xFFFF  }
0x12b: {  	[sflag:s0] =	ssyncadd.tile.s32 @!p0 $0x1;
	_ =	shalt  }
.Lfunc_end2:
_tile_overlayer_lowered:
.L_overlay_start_2:
0x12c: {  	(tag) =	ssettag $0x2  }
0x12d: {  	s0 =	rddreg [dreg:$0x0];
	s2 =	stileid.u32  }
0x12e: {  	s1 =	rddreg [dreg:$0x1];
	p0 =	sne.s32 s2, $0x0  }
0x12f: {  	s3 =	rddreg [dreg:$0x2];
	[bflag:$0x3] =	sbarrier.arrive $0xFFFF;
	s2 =	simm.s32 @!p0 $0x1C01  }
0x130: {  	[timem:s3], [sflag:s2] =	dma.local @!p0 [hbm:s0], s1  }
0x131: {  	s0 =	simm.s32 @!p0 $0x1  }
0x132: {  	_ =	swait.ge @!p0 [sflag:s0], s1  }
0x133: {  	s1 =	ssub.s32 @!p0 $0x0, s1;
	[sflag:s0] =	ssyncset.done @!p0 $0x0  }
0x134: {  	[sflag:s0] =	ssyncadd.s32 @!p0 s1  }
0x135: {  	[bflag:$0x3] =	sbarrier.arrive $0xFFFF  }
0x136: {  	_ =	shalt  }

</sc_bundles>
